<compile_context>
chip_gen: v7x
topology: tpu7x:2x2x1
jax: 0.10.2.dev20260603
libtpu: 0.0.44.dev20260713+nightly
codegen_flags: <defaults>
</compile_context>

<pallas_src>
import functools

import jax
import jax.numpy as jnp
from jax import lax
from jax.experimental import pallas as pl
from jax.experimental.pallas import tpu as pltpu
from jax.experimental.pallas import tpu_sc as plsc

_B = 4
_NB = 65536
_NS = 32768
_NOPS = 32768
_D = 128
_EXT = _NS + 1

_NTILES = 32
_HSPAN = _B * _NOPS // _NTILES
_HGRP = _HSPAN // 16

_CHUNK = 8192
_NGRP = _CHUNK // 16
_MCHUNK = 8192
_UNROLL = 8

_GCHUNK = 128
_NSLOT = 4
_PF = 2
_ROWS_PER_TILE = _B * _NB // _NTILES
_NCHUNK = _ROWS_PER_TILE // _GCHUNK

_mesh = plsc.VectorSubcoreMesh(core_axis_name="c", subcore_axis_name="s")
_params = pltpu.CompilerParams(needs_layout_passes=False)


def _take16(x, i):
    return x.at[i].get(mode="promise_in_bounds")


@functools.partial(
    pl.kernel,
    out_type=(
        jax.ShapeDtypeStruct((_B * _NOPS,), jnp.int32),
        jax.ShapeDtypeStruct((_B * _NOPS,), jnp.int32),
        jax.ShapeDtypeStruct((_B * _NOPS,), jnp.int32),
    ),
    mesh=_mesh,
    scratch_types=[
        pltpu.VMEM((_HSPAN,), jnp.int32),
        pltpu.VMEM((_HSPAN,), jnp.int32),
        pltpu.VMEM((_HSPAN,), jnp.int32),
        pltpu.VMEM((_HSPAN,), jnp.int32),
        pltpu.VMEM((_HSPAN,), jnp.int32),
    ],
    compiler_params=_params,
)
def _hazard_kernel(ford_hbm, tord_hbm, fr_hbm, tr_hbm, qp_hbm,
                   f_v, t_v, fr_v, tr_v, qp_v):
    wid = lax.axis_index("s") * 2 + lax.axis_index("c")
    lane = lax.iota(jnp.int32, 16)
    b = wid // (_NOPS // _HSPAN)
    s0loc = (wid % (_NOPS // _HSPAN)) * _HSPAN
    joff = b * _NOPS + _NOPS - s0loc - _HSPAN
    pltpu.sync_copy(ford_hbm.at[pl.ds(joff, _HSPAN)], f_v)
    pltpu.sync_copy(tord_hbm.at[pl.ds(joff, _HSPAN)], t_v)

    def group_body(gi, _):
        jg = _HGRP - 1 - gi
        f16 = jnp.flip(f_v[pl.ds(jg * 16, 16)])
        t16 = jnp.flip(t_v[pl.ds(jg * 16, 16)])
        q = lane
        found = lane < 0
        for d in range(1, 16):
            tm = _take16(t16, jnp.maximum(lane - d, 0))
            match = (tm == f16) & (lane >= d) & (~found)
            q = jnp.where(match, lane - d, q)
            found = found | match
        for _r in range(4):
            q = _take16(q, q)
        killed = lane < 0
        for d in range(1, 16):
            tl = _take16(t16, jnp.minimum(lane + d, 15))
            killed = killed | ((tl == t16) & (lane < 16 - d))
        fr_v[pl.ds(gi * 16, 16)] = f16
        tr_v[pl.ds(gi * 16, 16)] = t16
        qp_v[pl.ds(gi * 16, 16)] = q + (killed.astype(jnp.int32) << 8)
        return 0

    lax.fori_loop(0, _HGRP, group_body, 0)
    soff = wid * _HSPAN
    pltpu.sync_copy(fr_v, fr_hbm.at[pl.ds(soff, _HSPAN)])
    pltpu.sync_copy(tr_v, tr_hbm.at[pl.ds(soff, _HSPAN)])
    pltpu.sync_copy(qp_v, qp_hbm.at[pl.ds(soff, _HSPAN)])


@functools.partial(
    pl.kernel,
    out_type=jax.ShapeDtypeStruct((_B * _NB,), jnp.int32),
    mesh=_mesh,
    scratch_types=[
        pltpu.VMEM((_NB,), jnp.int32),
        pltpu.VMEM((_CHUNK,), jnp.int32),
        pltpu.VMEM((_CHUNK,), jnp.int32),
        pltpu.VMEM((_CHUNK,), jnp.int32),
        pltpu.VMEM((_MCHUNK,), jnp.int32),
    ],
    compiler_params=_params,
)
def _chain_kernel(midx_hbm, fr_hbm, tr_hbm, qp_hbm, g_hbm,
                  src_v, f_v, t_v, qp_v, m_v):
    wid = lax.axis_index("s") * 2 + lax.axis_index("c")
    lane = lax.iota(jnp.int32, 16)

    @pl.when(wid < _B)
    def _():
        b = wid
        sent = b * _EXT + _NS

        def init_body(i, _):
            for u in range(_UNROLL):
                src_v[pl.ds((i * _UNROLL + u) * 16, 16)] = (
                    jnp.full((16,), 0, jnp.int32) + sent
                )
            return 0

        lax.fori_loop(0, _NB // 16 // _UNROLL, init_body, 0)

        for mc in range(_NS // _MCHUNK):
            pltpu.sync_copy(midx_hbm.at[pl.ds(b * _NS + mc * _MCHUNK, _MCHUNK)], m_v)
            pbase = b * _EXT + mc * _MCHUNK

            def mask_body(i, _):
                for u in range(_UNROLL):
                    k = i * _UNROLL + u
                    m16 = m_v[pl.ds(k * 16, 16)]
                    plsc.store_scatter(src_v, [m16], pbase + k * 16 + lane)
                return 0

            lax.fori_loop(0, _MCHUNK // 16 // _UNROLL, mask_body, 0)

        for ci in range(_NOPS // _CHUNK):
            off = b * _NOPS + ci * _CHUNK
            pltpu.sync_copy(fr_hbm.at[pl.ds(off, _CHUNK)], f_v)
            pltpu.sync_copy(tr_hbm.at[pl.ds(off, _CHUNK)], t_v)
            pltpu.sync_copy(qp_hbm.at[pl.ds(off, _CHUNK)], qp_v)

            def group_body(gi, _):
                for u in range(_UNROLL):
                    k = gi * _UNROLL + u
                    f16 = f_v[pl.ds(k * 16, 16)]
                    t16 = t_v[pl.ds(k * 16, 16)]
                    qp16 = qp_v[pl.ds(k * 16, 16)]
                    srcvals = plsc.load_gather(src_v, [f16])
                    vals = _take16(srcvals, qp16 & 15)
                    plsc.store_scatter(src_v, [t16], vals, mask=qp16 < 256)
                return 0

            lax.fori_loop(0, _NGRP // _UNROLL, group_body, 0)

        pltpu.sync_copy(src_v, g_hbm.at[pl.ds(b * _NB, _NB)])


@functools.partial(
    pl.kernel,
    out_type=jax.ShapeDtypeStruct((_B * _NB, _D), jnp.float32),
    mesh=_mesh,
    scratch_types=[
        pltpu.VMEM((_NCHUNK, _GCHUNK), jnp.int32),
        pltpu.VMEM((_NSLOT, _GCHUNK, _D), jnp.float32),
    ]
    + [pltpu.SemaphoreType.DMA] * (2 * _NSLOT),
    compiler_params=_params,
)
def _gather_kernel(imgext_hbm, g2d_hbm, out_hbm, idx_v, rows_v, *sems):
    gsems = sems[:_NSLOT]
    osems = sems[_NSLOT:]
    wid = lax.axis_index("s") * 2 + lax.axis_index("c")
    base = wid * _ROWS_PER_TILE

    pltpu.sync_copy(g2d_hbm.at[pl.ds(wid * _NCHUNK, _NCHUNK)], idx_v)

    def start_gather(c, s):
        pltpu.async_copy(imgext_hbm.at[idx_v.at[c]], rows_v.at[s], gsems[s])

    for p in range(_PF):
        start_gather(p, p)

    def chunk_body(i, _):
        for p in range(_NSLOT):
            c = i * _NSLOT + p
            s = p
            sn = (p + _PF) % _NSLOT
            pltpu.make_async_copy(
                imgext_hbm.at[idx_v.at[c]], rows_v.at[s], gsems[s]
            ).wait()
            pltpu.async_copy(
                rows_v.at[s], out_hbm.at[pl.ds(base + c * _GCHUNK, _GCHUNK)],
                osems[s],
            )
            cn = c + _PF

            @pl.when(cn < _NCHUNK)
            def _():
                @pl.when(c >= _NSLOT - _PF)
                def _():
                    pltpu.make_async_copy(
                        rows_v.at[sn],
                        out_hbm.at[pl.ds(base, _GCHUNK)],
                        osems[sn],
                    ).wait()

                start_gather(cn, sn)

        return 0

    lax.fori_loop(0, _NCHUNK // _NSLOT, chunk_body, 0)
    for p in range(_PF):
        s = (_NCHUNK - 1 - p) % _NSLOT
        pltpu.make_async_copy(
            rows_v.at[s], out_hbm.at[pl.ds(base, _GCHUNK)], osems[s]
        ).wait()


def kernel(images, mask_idx, order):
    imgext = jnp.concatenate(
        [images, jnp.zeros((_B, 1, _D), images.dtype)], axis=1
    ).reshape(_B * _EXT, _D)
    midx = mask_idx.astype(jnp.int32).reshape(-1)
    ford = order[:, 0, :].astype(jnp.int32).reshape(-1)
    tord = order[:, 1, :].astype(jnp.int32).reshape(-1)
    fr, tr, qp = _hazard_kernel(ford, tord)
    g = _chain_kernel(midx, fr, tr, qp)
    out = _gather_kernel(imgext, g.reshape(_B * _NB // _GCHUNK, _GCHUNK))
    return out.reshape(_B, _NB, _D)

# --- scband reference (transcript-rebuilt; emitter-appended) ---
"""Pipeline reference for scband-mesh-unpool-89489938579754 (READ-ONLY COPY).

The authoritative reference and input builder live on the scoring server;
editing this copy changes nothing except your own understanding.
"""

import jax, jax.numpy as jnp
import numpy as np
from jax import lax

B = 4
N_SMALL = 32768
N_BIG = 65536
D = 128
N_OPS = 32768


def setup_inputs(seed: int = 0) -> dict:
    key = jax.random.key(seed)
    k1, k2, k3 = jax.random.split(key, 3)
    images = jax.random.normal(k1, (B, N_SMALL, D), dtype=jnp.float32)
    # mask in the torch module is a boolean mask with exactly N_SMALL True entries;
    # we represent it by the sorted unique indices of the True positions.
    perm_keys = jax.random.split(k2, B)
    mask_idx = jnp.stack([
        jnp.sort(jax.random.permutation(pk, N_BIG)[:N_SMALL]) for pk in perm_keys
    ])
    order = jax.random.randint(k3, (B, 2, N_OPS), 0, N_BIG)
    return {"images": images, "mask_idx": mask_idx, "order": order}


def _unpool_one(image, midx, ordr):
    # v_f = zeros(N_BIG, D); v_f[mask] = image
    v = jnp.zeros((N_BIG, D), dtype=image.dtype)
    v = v.at[midx].set(image)
    # sequential copy chain, iterating order columns in reverse:
    #   v_f[order[1, j]] = v_f[order[0, j]]  for j = N_OPS-1 .. 0
    js = jnp.arange(N_OPS - 1, -1, -1)

    def step(vf, j):
        t = ordr[1, j]
        f = ordr[0, j]
        vf = vf.at[t].set(vf[f])
        return vf, None

    v, _ = lax.scan(step, v, js)
    return v


def reference(images, mask_idx, order):
    # returns stacked unpooled images [B, N_BIG, D]
    # (the torch module also returns the mesh objects unchanged; the tensor
    #  output is the stacked out_image, reproduced here)
    out = jax.vmap(_unpool_one)(images, mask_idx, order)
    return out

if __name__ == "__main__":
    import jax
    _d = setup_inputs()
    print(jax.jit(kernel)(*tuple(_d.values())))

</pallas_src>

<mosaic_0001>
#map = affine_map<(d0, d1) -> (0)>
module attributes {stable_mosaic.version = 14 : i64} {
  func.func @_chain_kernel(%arg0: i32, %arg1: i32, %arg2: memref<131072xi32, #tpu.memory_space<hbm>>, %arg3: memref<131072xi32, #tpu.memory_space<hbm>>, %arg4: memref<131072xi32, #tpu.memory_space<hbm>>, %arg5: memref<131072xi32, #tpu.memory_space<hbm>>, %arg6: memref<262144xi32, #tpu.memory_space<hbm>>, %arg7: memref<65536xi32, #tpu.memory_space<vmem>>, %arg8: memref<8192xi32, #tpu.memory_space<vmem>>, %arg9: memref<8192xi32, #tpu.memory_space<vmem>>, %arg10: memref<8192xi32, #tpu.memory_space<vmem>>, %arg11: memref<8192xi32, #tpu.memory_space<vmem>>) attributes {dimension_semantics = [#tpu.dimension_semantics<core_parallel>, #tpu.dimension_semantics<subcore_parallel>], iteration_bounds = array<i64: 2, 16>, scalar_prefetch = 0 : i64, scratch_operands = 5 : i64, tpu.core_type = #tpu.core_type<sc_vector_subcore>, window_params = [{transform_indices = #map}, {transform_indices = #map}, {transform_indices = #map}, {transform_indices = #map}, {transform_indices = #map}]} {
    %mul3A = arith.constant 2 : i32
    %mul3A_0 = arith.muli %arg1, %mul3A : i32
    %add3A = arith.addi %mul3A_0, %arg0 : i32
    %iota3A = tpu.iota {dimensions = array<i32: 0>} : vector<16xi32>
    %lt3A = arith.constant 4 : i32
    %lt3A_1 = arith.cmpi slt, %add3A, %lt3A : i32
    %convert_element_type3A = arith.extui %lt3A_1 : i1 to i32
    %cond3A = arith.constant 0 : i32
    %cond3A_2 = arith.cmpi ne, %convert_element_type3A, %cond3A : i32
    scf.if %cond3A_2 {
      %mul3A_3 = arith.constant 32769 : i32
      %mul3A_4 = arith.muli %add3A, %mul3A_3 : i32
      %add3A_5 = arith.constant 32768 : i32
      %add3A_6 = arith.addi %mul3A_4, %add3A_5 : i32
      %scan3A = arith.constant 0 : i32
      %scan3A_7 = arith.constant 0 : i32
      %scan3A_8 = arith.constant 512 : i32
      %scan3A_9 = arith.addi %scan3A_7, %scan3A_8 : i32
      %scan3A_10 = arith.constant 1 : i32
      %scan3A_11 = scf.for %scan3A_119 = %scan3A_7 to %scan3A_9 step %scan3A_10 iter_args(%scan3A_120 = %scan3A) -> (i32)  : i32 {
        %broadcast_in_dim3A = arith.constant 0 : i32
        %broadcast_in_dim3A_121 = vector.broadcast %broadcast_in_dim3A : i32 to vector<16xi32>
        %add3A_122 = vector.broadcast %add3A_6 : i32 to vector<16xi32>
        %add3A_123 = arith.addi %broadcast_in_dim3A_121, %add3A_122 : vector<16xi32>
        %mul3A_124 = arith.constant 8 : i32
        %mul3A_125 = arith.muli %scan3A_119, %mul3A_124 : i32
        %add3A_126 = arith.constant 0 : i32
        %add3A_127 = arith.addi %mul3A_125, %add3A_126 : i32
        %mul3A_128 = arith.constant 16 : i32
        %mul3A_129 = arith.muli %add3A_127, %mul3A_128 : i32
        %swap3A = arith.index_cast %mul3A_129 : i32 to index
        %swap3A_130 = tpu.vector_load %arg7[%swap3A] {strides = array<i32>} : memref<65536xi32, #tpu.memory_space<vmem>>, vector<16xi32>,
        tpu.vector_store %arg7[%swap3A], %add3A_123 {strides = array<i32>} : memref<65536xi32, #tpu.memory_space<vmem>>, vector<16xi32>,
        %broadcast_in_dim3A_131 = arith.constant 0 : i32
        %broadcast_in_dim3A_132 = vector.broadcast %broadcast_in_dim3A_131 : i32 to vector<16xi32>
        %add3A_133 = vector.broadcast %add3A_6 : i32 to vector<16xi32>
        %add3A_134 = arith.addi %broadcast_in_dim3A_132, %add3A_133 : vector<16xi32>
        %mul3A_135 = arith.constant 8 : i32
        %mul3A_136 = arith.muli %scan3A_119, %mul3A_135 : i32
        %add3A_137 = arith.constant 1 : i32
        %add3A_138 = arith.addi %mul3A_136, %add3A_137 : i32
        %mul3A_139 = arith.constant 16 : i32
        %mul3A_140 = arith.muli %add3A_138, %mul3A_139 : i32
        %swap3A_141 = arith.index_cast %mul3A_140 : i32 to index
        %swap3A_142 = tpu.vector_load %arg7[%swap3A_141] {strides = array<i32>} : memref<65536xi32, #tpu.memory_space<vmem>>, vector<16xi32>,
        tpu.vector_store %arg7[%swap3A_141], %add3A_134 {strides = array<i32>} : memref<65536xi32, #tpu.memory_space<vmem>>, vector<16xi32>,
        %broadcast_in_dim3A_143 = arith.constant 0 : i32
        %broadcast_in_dim3A_144 = vector.broadcast %broadcast_in_dim3A_143 : i32 to vector<16xi32>
        %add3A_145 = vector.broadcast %add3A_6 : i32 to vector<16xi32>
        %add3A_146 = arith.addi %broadcast_in_dim3A_144, %add3A_145 : vector<16xi32>
        %mul3A_147 = arith.constant 8 : i32
        %mul3A_148 = arith.muli %scan3A_119, %mul3A_147 : i32
        %add3A_149 = arith.constant 2 : i32
        %add3A_150 = arith.addi %mul3A_148, %add3A_149 : i32
        %mul3A_151 = arith.constant 16 : i32
        %mul3A_152 = arith.muli %add3A_150, %mul3A_151 : i32
        %swap3A_153 = arith.index_cast %mul3A_152 : i32 to index
        %swap3A_154 = tpu.vector_load %arg7[%swap3A_153] {strides = array<i32>} : memref<65536xi32, #tpu.memory_space<vmem>>, vector<16xi32>,
        tpu.vector_store %arg7[%swap3A_153], %add3A_146 {strides = array<i32>} : memref<65536xi32, #tpu.memory_space<vmem>>, vector<16xi32>,
        %broadcast_in_dim3A_155 = arith.constant 0 : i32
        %broadcast_in_dim3A_156 = vector.broadcast %broadcast_in_dim3A_155 : i32 to vector<16xi32>
        %add3A_157 = vector.broadcast %add3A_6 : i32 to vector<16xi32>
        %add3A_158 = arith.addi %broadcast_in_dim3A_156, %add3A_157 : vector<16xi32>
        %mul3A_159 = arith.constant 8 : i32
        %mul3A_160 = arith.muli %scan3A_119, %mul3A_159 : i32
        %add3A_161 = arith.constant 3 : i32
        %add3A_162 = arith.addi %mul3A_160, %add3A_161 : i32
        %mul3A_163 = arith.constant 16 : i32
        %mul3A_164 = arith.muli %add3A_162, %mul3A_163 : i32
        %swap3A_165 = arith.index_cast %mul3A_164 : i32 to index
        %swap3A_166 = tpu.vector_load %arg7[%swap3A_165] {strides = array<i32>} : memref<65536xi32, #tpu.memory_space<vmem>>, vector<16xi32>,
        tpu.vector_store %arg7[%swap3A_165], %add3A_158 {strides = array<i32>} : memref<65536xi32, #tpu.memory_space<vmem>>, vector<16xi32>,
        %broadcast_in_dim3A_167 = arith.constant 0 : i32
        %broadcast_in_dim3A_168 = vector.broadcast %broadcast_in_dim3A_167 : i32 to vector<16xi32>
        %add3A_169 = vector.broadcast %add3A_6 : i32 to vector<16xi32>
        %add3A_170 = arith.addi %broadcast_in_dim3A_168, %add3A_169 : vector<16xi32>
        %mul3A_171 = arith.constant 8 : i32
        %mul3A_172 = arith.muli %scan3A_119, %mul3A_171 : i32
        %add3A_173 = arith.constant 4 : i32
        %add3A_174 = arith.addi %mul3A_172, %add3A_173 : i32
        %mul3A_175 = arith.constant 16 : i32
        %mul3A_176 = arith.muli %add3A_174, %mul3A_175 : i32
        %swap3A_177 = arith.index_cast %mul3A_176 : i32 to index
        %swap3A_178 = tpu.vector_load %arg7[%swap3A_177] {strides = array<i32>} : memref<65536xi32, #tpu.memory_space<vmem>>, vector<16xi32>,
        tpu.vector_store %arg7[%swap3A_177], %add3A_170 {strides = array<i32>} : memref<65536xi32, #tpu.memory_space<vmem>>, vector<16xi32>,
        %broadcast_in_dim3A_179 = arith.constant 0 : i32
        %broadcast_in_dim3A_180 = vector.broadcast %broadcast_in_dim3A_179 : i32 to vector<16xi32>
        %add3A_181 = vector.broadcast %add3A_6 : i32 to vector<16xi32>
        %add3A_182 = arith.addi %broadcast_in_dim3A_180, %add3A_181 : vector<16xi32>
        %mul3A_183 = arith.constant 8 : i32
        %mul3A_184 = arith.muli %scan3A_119, %mul3A_183 : i32
        %add3A_185 = arith.constant 5 : i32
        %add3A_186 = arith.addi %mul3A_184, %add3A_185 : i32
        %mul3A_187 = arith.constant 16 : i32
        %mul3A_188 = arith.muli %add3A_186, %mul3A_187 : i32
        %swap3A_189 = arith.index_cast %mul3A_188 : i32 to index
        %swap3A_190 = tpu.vector_load %arg7[%swap3A_189] {strides = array<i32>} : memref<65536xi32, #tpu.memory_space<vmem>>, vector<16xi32>,
        tpu.vector_store %arg7[%swap3A_189], %add3A_182 {strides = array<i32>} : memref<65536xi32, #tpu.memory_space<vmem>>, vector<16xi32>,
        %broadcast_in_dim3A_191 = arith.constant 0 : i32
        %broadcast_in_dim3A_192 = vector.broadcast %broadcast_in_dim3A_191 : i32 to vector<16xi32>
        %add3A_193 = vector.broadcast %add3A_6 : i32 to vector<16xi32>
        %add3A_194 = arith.addi %broadcast_in_dim3A_192, %add3A_193 : vector<16xi32>
        %mul3A_195 = arith.constant 8 : i32
        %mul3A_196 = arith.muli %scan3A_119, %mul3A_195 : i32
        %add3A_197 = arith.constant 6 : i32
        %add3A_198 = arith.addi %mul3A_196, %add3A_197 : i32
        %mul3A_199 = arith.constant 16 : i32
        %mul3A_200 = arith.muli %add3A_198, %mul3A_199 : i32
        %swap3A_201 = arith.index_cast %mul3A_200 : i32 to index
        %swap3A_202 = tpu.vector_load %arg7[%swap3A_201] {strides = array<i32>} : memref<65536xi32, #tpu.memory_space<vmem>>, vector<16xi32>,
        tpu.vector_store %arg7[%swap3A_201], %add3A_194 {strides = array<i32>} : memref<65536xi32, #tpu.memory_space<vmem>>, vector<16xi32>,
        %broadcast_in_dim3A_203 = arith.constant 0 : i32
        %broadcast_in_dim3A_204 = vector.broadcast %broadcast_in_dim3A_203 : i32 to vector<16xi32>
        %add3A_205 = vector.broadcast %add3A_6 : i32 to vector<16xi32>
        %add3A_206 = arith.addi %broadcast_in_dim3A_204, %add3A_205 : vector<16xi32>
        %mul3A_207 = arith.constant 8 : i32
        %mul3A_208 = arith.muli %scan3A_119, %mul3A_207 : i32
        %add3A_209 = arith.constant 7 : i32
        %add3A_210 = arith.addi %mul3A_208, %add3A_209 : i32
        %mul3A_211 = arith.constant 16 : i32
        %mul3A_212 = arith.muli %add3A_210, %mul3A_211 : i32
        %swap3A_213 = arith.index_cast %mul3A_212 : i32 to index
        %swap3A_214 = tpu.vector_load %arg7[%swap3A_213] {strides = array<i32>} : memref<65536xi32, #tpu.memory_space<vmem>>, vector<16xi32>,
        tpu.vector_store %arg7[%swap3A_213], %add3A_206 {strides = array<i32>} : memref<65536xi32, #tpu.memory_space<vmem>>, vector<16xi32>,
        %scan3A_215 = arith.constant 0 : i32
        scf.yield %scan3A_215 : i32
      }
      %scan3A_12 = arith.constant 512 : i32
      %mul3A_13 = arith.constant 32768 : i32
      %mul3A_14 = arith.muli %add3A, %mul3A_13 : i32
      %add3A_15 = arith.constant 0 : i32
      %add3A_16 = arith.addi %mul3A_14, %add3A_15 : i32
      "tpu.region"() ({
        %run_scoped3A = tpu.sem_alloc : memref<!tpu.dma_semaphore, #tpu.memory_space<semaphore_mem>>
        %dma_start3A = tpu.memref_slice %arg2[%add3A_16] : memref<131072xi32, #tpu.memory_space<hbm>> -> memref<8192xi32, #tpu.memory_space<hbm>>
        %dma_start3A_119 = tpu.memref_slice %arg2[%add3A_16] : memref<131072xi32, #tpu.memory_space<hbm>> -> memref<8192xi32, #tpu.memory_space<hbm>>
        tpu.enqueue_dma source(%dma_start3A_119 : memref<8192xi32, #tpu.memory_space<hbm>>) target(%arg11 : memref<8192xi32, #tpu.memory_space<vmem>>) target_semaphore(%run_scoped3A : memref<!tpu.dma_semaphore, #tpu.memory_space<semaphore_mem>>)
        %dma_wait3A = tpu.memref_slice %arg2[%add3A_16] : memref<131072xi32, #tpu.memory_space<hbm>> -> memref<8192xi32, #tpu.memory_space<hbm>>
        %dma_wait3A_120 = tpu.memref_slice %arg2[%add3A_16] : memref<131072xi32, #tpu.memory_space<hbm>> -> memref<8192xi32, #tpu.memory_space<hbm>>
        tpu.wait_dma2 semaphore(%run_scoped3A : memref<!tpu.dma_semaphore, #tpu.memory_space<semaphore_mem>>) src(%dma_wait3A_120 : memref<8192xi32, #tpu.memory_space<hbm>>) dst(%arg11 : memref<8192xi32, #tpu.memory_space<vmem>>)
        tpu.yield
      }) : () -> ()
      %mul3A_17 = arith.constant 32769 : i32
      %mul3A_18 = arith.muli %add3A, %mul3A_17 : i32
      %add3A_19 = arith.constant 0 : i32
      %add3A_20 = arith.addi %mul3A_18, %add3A_19 : i32
      %scan3A_21 = arith.constant 0 : i32
      %scan3A_22 = arith.constant 0 : i32
      %scan3A_23 = arith.constant 64 : i32
      %scan3A_24 = arith.addi %scan3A_22, %scan3A_23 : i32
      %scan3A_25 = arith.constant 1 : i32
      %scan3A_26 = scf.for %scan3A_119 = %scan3A_22 to %scan3A_24 step %scan3A_25 iter_args(%scan3A_120 = %scan3A_21) -> (i32)  : i32 {
        %mul3A_121 = arith.constant 8 : i32
        %mul3A_122 = arith.muli %scan3A_119, %mul3A_121 : i32
        %add3A_123 = arith.constant 0 : i32
        %add3A_124 = arith.addi %mul3A_122, %add3A_123 : i32
        %mul3A_125 = arith.constant 16 : i32
        %mul3A_126 = arith.muli %add3A_124, %mul3A_125 : i32
        %get3A = arith.index_cast %mul3A_126 : i32 to index
        %get3A_127 = tpu.vector_load %arg11[%get3A] {strides = array<i32>} : memref<8192xi32, #tpu.memory_space<vmem>>, vector<16xi32>,
        %mul3A_128 = arith.constant 16 : i32
        %mul3A_129 = arith.muli %add3A_124, %mul3A_128 : i32
        %add3A_130 = arith.addi %add3A_20, %mul3A_129 : i32
        %add3A_131 = vector.broadcast %add3A_130 : i32 to vector<16xi32>
        %add3A_132 = arith.addi %add3A_131, %iota3A : vector<16xi32>
        tpu.vector_store_idx %arg7[%get3A_127], %add3A_132 : memref<65536xi32, #tpu.memory_space<vmem>>[vector<16xi32>], vector<16xi32>,
        %mul3A_133 = arith.constant 8 : i32
        %mul3A_134 = arith.muli %scan3A_119, %mul3A_133 : i32
        %add3A_135 = arith.constant 1 : i32
        %add3A_136 = arith.addi %mul3A_134, %add3A_135 : i32
        %mul3A_137 = arith.constant 16 : i32
        %mul3A_138 = arith.muli %add3A_136, %mul3A_137 : i32
        %get3A_139 = arith.index_cast %mul3A_138 : i32 to index
        %get3A_140 = tpu.vector_load %arg11[%get3A_139] {strides = array<i32>} : memref<8192xi32, #tpu.memory_space<vmem>>, vector<16xi32>,
        %mul3A_141 = arith.constant 16 : i32
        %mul3A_142 = arith.muli %add3A_136, %mul3A_141 : i32
        %add3A_143 = arith.addi %add3A_20, %mul3A_142 : i32
        %add3A_144 = vector.broadcast %add3A_143 : i32 to vector<16xi32>
        %add3A_145 = arith.addi %add3A_144, %iota3A : vector<16xi32>
        tpu.vector_store_idx %arg7[%get3A_140], %add3A_145 : memref<65536xi32, #tpu.memory_space<vmem>>[vector<16xi32>], vector<16xi32>,
        %mul3A_146 = arith.constant 8 : i32
        %mul3A_147 = arith.muli %scan3A_119, %mul3A_146 : i32
        %add3A_148 = arith.constant 2 : i32
        %add3A_149 = arith.addi %mul3A_147, %add3A_148 : i32
        %mul3A_150 = arith.constant 16 : i32
        %mul3A_151 = arith.muli %add3A_149, %mul3A_150 : i32
        %get3A_152 = arith.index_cast %mul3A_151 : i32 to index
        %get3A_153 = tpu.vector_load %arg11[%get3A_152] {strides = array<i32>} : memref<8192xi32, #tpu.memory_space<vmem>>, vector<16xi32>,
        %mul3A_154 = arith.constant 16 : i32
        %mul3A_155 = arith.muli %add3A_149, %mul3A_154 : i32
        %add3A_156 = arith.addi %add3A_20, %mul3A_155 : i32
        %add3A_157 = vector.broadcast %add3A_156 : i32 to vector<16xi32>
        %add3A_158 = arith.addi %add3A_157, %iota3A : vector<16xi32>
        tpu.vector_store_idx %arg7[%get3A_153], %add3A_158 : memref<65536xi32, #tpu.memory_space<vmem>>[vector<16xi32>], vector<16xi32>,
        %mul3A_159 = arith.constant 8 : i32
        %mul3A_160 = arith.muli %scan3A_119, %mul3A_159 : i32
        %add3A_161 = arith.constant 3 : i32
        %add3A_162 = arith.addi %mul3A_160, %add3A_161 : i32
        %mul3A_163 = arith.constant 16 : i32
        %mul3A_164 = arith.muli %add3A_162, %mul3A_163 : i32
        %get3A_165 = arith.index_cast %mul3A_164 : i32 to index
        %get3A_166 = tpu.vector_load %arg11[%get3A_165] {strides = array<i32>} : memref<8192xi32, #tpu.memory_space<vmem>>, vector<16xi32>,
        %mul3A_167 = arith.constant 16 : i32
        %mul3A_168 = arith.muli %add3A_162, %mul3A_167 : i32
        %add3A_169 = arith.addi %add3A_20, %mul3A_168 : i32
        %add3A_170 = vector.broadcast %add3A_169 : i32 to vector<16xi32>
        %add3A_171 = arith.addi %add3A_170, %iota3A : vector<16xi32>
        tpu.vector_store_idx %arg7[%get3A_166], %add3A_171 : memref<65536xi32, #tpu.memory_space<vmem>>[vector<16xi32>], vector<16xi32>,
        %mul3A_172 = arith.constant 8 : i32
        %mul3A_173 = arith.muli %scan3A_119, %mul3A_172 : i32
        %add3A_174 = arith.constant 4 : i32
        %add3A_175 = arith.addi %mul3A_173, %add3A_174 : i32
        %mul3A_176 = arith.constant 16 : i32
        %mul3A_177 = arith.muli %add3A_175, %mul3A_176 : i32
        %get3A_178 = arith.index_cast %mul3A_177 : i32 to index
        %get3A_179 = tpu.vector_load %arg11[%get3A_178] {strides = array<i32>} : memref<8192xi32, #tpu.memory_space<vmem>>, vector<16xi32>,
        %mul3A_180 = arith.constant 16 : i32
        %mul3A_181 = arith.muli %add3A_175, %mul3A_180 : i32
        %add3A_182 = arith.addi %add3A_20, %mul3A_181 : i32
        %add3A_183 = vector.broadcast %add3A_182 : i32 to vector<16xi32>
        %add3A_184 = arith.addi %add3A_183, %iota3A : vector<16xi32>
        tpu.vector_store_idx %arg7[%get3A_179], %add3A_184 : memref<65536xi32, #tpu.memory_space<vmem>>[vector<16xi32>], vector<16xi32>,
        %mul3A_185 = arith.constant 8 : i32
        %mul3A_186 = arith.muli %scan3A_119, %mul3A_185 : i32
        %add3A_187 = arith.constant 5 : i32
        %add3A_188 = arith.addi %mul3A_186, %add3A_187 : i32
        %mul3A_189 = arith.constant 16 : i32
        %mul3A_190 = arith.muli %add3A_188, %mul3A_189 : i32
        %get3A_191 = arith.index_cast %mul3A_190 : i32 to index
        %get3A_192 = tpu.vector_load %arg11[%get3A_191] {strides = array<i32>} : memref<8192xi32, #tpu.memory_space<vmem>>, vector<16xi32>,
        %mul3A_193 = arith.constant 16 : i32
        %mul3A_194 = arith.muli %add3A_188, %mul3A_193 : i32
        %add3A_195 = arith.addi %add3A_20, %mul3A_194 : i32
        %add3A_196 = vector.broadcast %add3A_195 : i32 to vector<16xi32>
        %add3A_197 = arith.addi %add3A_196, %iota3A : vector<16xi32>
        tpu.vector_store_idx %arg7[%get3A_192], %add3A_197 : memref<65536xi32, #tpu.memory_space<vmem>>[vector<16xi32>], vector<16xi32>,
        %mul3A_198 = arith.constant 8 : i32
        %mul3A_199 = arith.muli %scan3A_119, %mul3A_198 : i32
        %add3A_200 = arith.constant 6 : i32
        %add3A_201 = arith.addi %mul3A_199, %add3A_200 : i32
        %mul3A_202 = arith.constant 16 : i32
        %mul3A_203 = arith.muli %add3A_201, %mul3A_202 : i32
        %get3A_204 = arith.index_cast %mul3A_203 : i32 to index
        %get3A_205 = tpu.vector_load %arg11[%get3A_204] {strides = array<i32>} : memref<8192xi32, #tpu.memory_space<vmem>>, vector<16xi32>,
        %mul3A_206 = arith.constant 16 : i32
        %mul3A_207 = arith.muli %add3A_201, %mul3A_206 : i32
        %add3A_208 = arith.addi %add3A_20, %mul3A_207 : i32
        %add3A_209 = vector.broadcast %add3A_208 : i32 to vector<16xi32>
        %add3A_210 = arith.addi %add3A_209, %iota3A : vector<16xi32>
        tpu.vector_store_idx %arg7[%get3A_205], %add3A_210 : memref<65536xi32, #tpu.memory_space<vmem>>[vector<16xi32>], vector<16xi32>,
        %mul3A_211 = arith.constant 8 : i32
        %mul3A_212 = arith.muli %scan3A_119, %mul3A_211 : i32
        %add3A_213 = arith.constant 7 : i32
        %add3A_214 = arith.addi %mul3A_212, %add3A_213 : i32
        %mul3A_215 = arith.constant 16 : i32
        %mul3A_216 = arith.muli %add3A_214, %mul3A_215 : i32
        %get3A_217 = arith.index_cast %mul3A_216 : i32 to index
        %get3A_218 = tpu.vector_load %arg11[%get3A_217] {strides = array<i32>} : memref<8192xi32, #tpu.memory_space<vmem>>, vector<16xi32>,
        %mul3A_219 = arith.constant 16 : i32
        %mul3A_220 = arith.muli %add3A_214, %mul3A_219 : i32
        %add3A_221 = arith.addi %add3A_20, %mul3A_220 : i32
        %add3A_222 = vector.broadcast %add3A_221 : i32 to vector<16xi32>
        %add3A_223 = arith.addi %add3A_222, %iota3A : vector<16xi32>
        tpu.vector_store_idx %arg7[%get3A_218], %add3A_223 : memref<65536xi32, #tpu.memory_space<vmem>>[vector<16xi32>], vector<16xi32>,
        %scan3A_224 = arith.constant 0 : i32
        scf.yield %scan3A_224 : i32
      }
      %scan3A_27 = arith.constant 64 : i32
      %mul3A_28 = arith.constant 32768 : i32
      %mul3A_29 = arith.muli %add3A, %mul3A_28 : i32
      %add3A_30 = arith.constant 8192 : i32
      %add3A_31 = arith.addi %mul3A_29, %add3A_30 : i32
      "tpu.region"() ({
        %run_scoped3A = tpu.sem_alloc : memref<!tpu.dma_semaphore, #tpu.memory_space<semaphore_mem>>
        %dma_start3A = tpu.memref_slice %arg2[%add3A_31] : memref<131072xi32, #tpu.memory_space<hbm>> -> memref<8192xi32, #tpu.memory_space<hbm>>
        %dma_start3A_119 = tpu.memref_slice %arg2[%add3A_31] : memref<131072xi32, #tpu.memory_space<hbm>> -> memref<8192xi32, #tpu.memory_space<hbm>>
        tpu.enqueue_dma source(%dma_start3A_119 : memref<8192xi32, #tpu.memory_space<hbm>>) target(%arg11 : memref<8192xi32, #tpu.memory_space<vmem>>) target_semaphore(%run_scoped3A : memref<!tpu.dma_semaphore, #tpu.memory_space<semaphore_mem>>)
        %dma_wait3A = tpu.memref_slice %arg2[%add3A_31] : memref<131072xi32, #tpu.memory_space<hbm>> -> memref<8192xi32, #tpu.memory_space<hbm>>
        %dma_wait3A_120 = tpu.memref_slice %arg2[%add3A_31] : memref<131072xi32, #tpu.memory_space<hbm>> -> memref<8192xi32, #tpu.memory_space<hbm>>
        tpu.wait_dma2 semaphore(%run_scoped3A : memref<!tpu.dma_semaphore, #tpu.memory_space<semaphore_mem>>) src(%dma_wait3A_120 : memref<8192xi32, #tpu.memory_space<hbm>>) dst(%arg11 : memref<8192xi32, #tpu.memory_space<vmem>>)
        tpu.yield
      }) : () -> ()
      %mul3A_32 = arith.constant 32769 : i32
      %mul3A_33 = arith.muli %add3A, %mul3A_32 : i32
      %add3A_34 = arith.constant 8192 : i32
      %add3A_35 = arith.addi %mul3A_33, %add3A_34 : i32
      %scan3A_36 = arith.constant 0 : i32
      %scan3A_37 = arith.constant 0 : i32
      %scan3A_38 = arith.constant 64 : i32
      %scan3A_39 = arith.addi %scan3A_37, %scan3A_38 : i32
      %scan3A_40 = arith.constant 1 : i32
      %scan3A_41 = scf.for %scan3A_119 = %scan3A_37 to %scan3A_39 step %scan3A_40 iter_args(%scan3A_120 = %scan3A_36) -> (i32)  : i32 {
        %mul3A_121 = arith.constant 8 : i32
        %mul3A_122 = arith.muli %scan3A_119, %mul3A_121 : i32
        %add3A_123 = arith.constant 0 : i32
        %add3A_124 = arith.addi %mul3A_122, %add3A_123 : i32
        %mul3A_125 = arith.constant 16 : i32
        %mul3A_126 = arith.muli %add3A_124, %mul3A_125 : i32
        %get3A = arith.index_cast %mul3A_126 : i32 to index
        %get3A_127 = tpu.vector_load %arg11[%get3A] {strides = array<i32>} : memref<8192xi32, #tpu.memory_space<vmem>>, vector<16xi32>,
        %mul3A_128 = arith.constant 16 : i32
        %mul3A_129 = arith.muli %add3A_124, %mul3A_128 : i32
        %add3A_130 = arith.addi %add3A_35, %mul3A_129 : i32
        %add3A_131 = vector.broadcast %add3A_130 : i32 to vector<16xi32>
        %add3A_132 = arith.addi %add3A_131, %iota3A : vector<16xi32>
        tpu.vector_store_idx %arg7[%get3A_127], %add3A_132 : memref<65536xi32, #tpu.memory_space<vmem>>[vector<16xi32>], vector<16xi32>,
        %mul3A_133 = arith.constant 8 : i32
        %mul3A_134 = arith.muli %scan3A_119, %mul3A_133 : i32
        %add3A_135 = arith.constant 1 : i32
        %add3A_136 = arith.addi %mul3A_134, %add3A_135 : i32
        %mul3A_137 = arith.constant 16 : i32
        %mul3A_138 = arith.muli %add3A_136, %mul3A_137 : i32
        %get3A_139 = arith.index_cast %mul3A_138 : i32 to index
        %get3A_140 = tpu.vector_load %arg11[%get3A_139] {strides = array<i32>} : memref<8192xi32, #tpu.memory_space<vmem>>, vector<16xi32>,
        %mul3A_141 = arith.constant 16 : i32
        %mul3A_142 = arith.muli %add3A_136, %mul3A_141 : i32
        %add3A_143 = arith.addi %add3A_35, %mul3A_142 : i32
        %add3A_144 = vector.broadcast %add3A_143 : i32 to vector<16xi32>
        %add3A_145 = arith.addi %add3A_144, %iota3A : vector<16xi32>
        tpu.vector_store_idx %arg7[%get3A_140], %add3A_145 : memref<65536xi32, #tpu.memory_space<vmem>>[vector<16xi32>], vector<16xi32>,
        %mul3A_146 = arith.constant 8 : i32
        %mul3A_147 = arith.muli %scan3A_119, %mul3A_146 : i32
        %add3A_148 = arith.constant 2 : i32
        %add3A_149 = arith.addi %mul3A_147, %add3A_148 : i32
        %mul3A_150 = arith.constant 16 : i32
        %mul3A_151 = arith.muli %add3A_149, %mul3A_150 : i32
        %get3A_152 = arith.index_cast %mul3A_151 : i32 to index
        %get3A_153 = tpu.vector_load %arg11[%get3A_152] {strides = array<i32>} : memref<8192xi32, #tpu.memory_space<vmem>>, vector<16xi32>,
        %mul3A_154 = arith.constant 16 : i32
        %mul3A_155 = arith.muli %add3A_149, %mul3A_154 : i32
        %add3A_156 = arith.addi %add3A_35, %mul3A_155 : i32
        %add3A_157 = vector.broadcast %add3A_156 : i32 to vector<16xi32>
        %add3A_158 = arith.addi %add3A_157, %iota3A : vector<16xi32>
        tpu.vector_store_idx %arg7[%get3A_153], %add3A_158 : memref<65536xi32, #tpu.memory_space<vmem>>[vector<16xi32>], vector<16xi32>,
        %mul3A_159 = arith.constant 8 : i32
        %mul3A_160 = arith.muli %scan3A_119, %mul3A_159 : i32
        %add3A_161 = arith.constant 3 : i32
        %add3A_162 = arith.addi %mul3A_160, %add3A_161 : i32
        %mul3A_163 = arith.constant 16 : i32
        %mul3A_164 = arith.muli %add3A_162, %mul3A_163 : i32
        %get3A_165 = arith.index_cast %mul3A_164 : i32 to index
        %get3A_166 = tpu.vector_load %arg11[%get3A_165] {strides = array<i32>} : memref<8192xi32, #tpu.memory_space<vmem>>, vector<16xi32>,
        %mul3A_167 = arith.constant 16 : i32
        %mul3A_168 = arith.muli %add3A_162, %mul3A_167 : i32
        %add3A_169 = arith.addi %add3A_35, %mul3A_168 : i32
        %add3A_170 = vector.broadcast %add3A_169 : i32 to vector<16xi32>
        %add3A_171 = arith.addi %add3A_170, %iota3A : vector<16xi32>
        tpu.vector_store_idx %arg7[%get3A_166], %add3A_171 : memref<65536xi32, #tpu.memory_space<vmem>>[vector<16xi32>], vector<16xi32>,
        %mul3A_172 = arith.constant 8 : i32
        %mul3A_173 = arith.muli %scan3A_119, %mul3A_172 : i32
        %add3A_174 = arith.constant 4 : i32
        %add3A_175 = arith.addi %mul3A_173, %add3A_174 : i32
        %mul3A_176 = arith.constant 16 : i32
        %mul3A_177 = arith.muli %add3A_175, %mul3A_176 : i32
        %get3A_178 = arith.index_cast %mul3A_177 : i32 to index
        %get3A_179 = tpu.vector_load %arg11[%get3A_178] {strides = array<i32>} : memref<8192xi32, #tpu.memory_space<vmem>>, vector<16xi32>,
        %mul3A_180 = arith.constant 16 : i32
        %mul3A_181 = arith.muli %add3A_175, %mul3A_180 : i32
        %add3A_182 = arith.addi %add3A_35, %mul3A_181 : i32
        %add3A_183 = vector.broadcast %add3A_182 : i32 to vector<16xi32>
        %add3A_184 = arith.addi %add3A_183, %iota3A : vector<16xi32>
        tpu.vector_store_idx %arg7[%get3A_179], %add3A_184 : memref<65536xi32, #tpu.memory_space<vmem>>[vector<16xi32>], vector<16xi32>,
        %mul3A_185 = arith.constant 8 : i32
        %mul3A_186 = arith.muli %scan3A_119, %mul3A_185 : i32
        %add3A_187 = arith.constant 5 : i32
        %add3A_188 = arith.addi %mul3A_186, %add3A_187 : i32
        %mul3A_189 = arith.constant 16 : i32
        %mul3A_190 = arith.muli %add3A_188, %mul3A_189 : i32
        %get3A_191 = arith.index_cast %mul3A_190 : i32 to index
        %get3A_192 = tpu.vector_load %arg11[%get3A_191] {strides = array<i32>} : memref<8192xi32, #tpu.memory_space<vmem>>, vector<16xi32>,
        %mul3A_193 = arith.constant 16 : i32
        %mul3A_194 = arith.muli %add3A_188, %mul3A_193 : i32
        %add3A_195 = arith.addi %add3A_35, %mul3A_194 : i32
        %add3A_196 = vector.broadcast %add3A_195 : i32 to vector<16xi32>
        %add3A_197 = arith.addi %add3A_196, %iota3A : vector<16xi32>
        tpu.vector_store_idx %arg7[%get3A_192], %add3A_197 : memref<65536xi32, #tpu.memory_space<vmem>>[vector<16xi32>], vector<16xi32>,
        %mul3A_198 = arith.constant 8 : i32
        %mul3A_199 = arith.muli %scan3A_119, %mul3A_198 : i32
        %add3A_200 = arith.constant 6 : i32
        %add3A_201 = arith.addi %mul3A_199, %add3A_200 : i32
        %mul3A_202 = arith.constant 16 : i32
        %mul3A_203 = arith.muli %add3A_201, %mul3A_202 : i32
        %get3A_204 = arith.index_cast %mul3A_203 : i32 to index
        %get3A_205 = tpu.vector_load %arg11[%get3A_204] {strides = array<i32>} : memref<8192xi32, #tpu.memory_space<vmem>>, vector<16xi32>,
        %mul3A_206 = arith.constant 16 : i32
        %mul3A_207 = arith.muli %add3A_201, %mul3A_206 : i32
        %add3A_208 = arith.addi %add3A_35, %mul3A_207 : i32
        %add3A_209 = vector.broadcast %add3A_208 : i32 to vector<16xi32>
        %add3A_210 = arith.addi %add3A_209, %iota3A : vector<16xi32>
        tpu.vector_store_idx %arg7[%get3A_205], %add3A_210 : memref<65536xi32, #tpu.memory_space<vmem>>[vector<16xi32>], vector<16xi32>,
        %mul3A_211 = arith.constant 8 : i32
        %mul3A_212 = arith.muli %scan3A_119, %mul3A_211 : i32
        %add3A_213 = arith.constant 7 : i32
        %add3A_214 = arith.addi %mul3A_212, %add3A_213 : i32
        %mul3A_215 = arith.constant 16 : i32
        %mul3A_216 = arith.muli %add3A_214, %mul3A_215 : i32
        %get3A_217 = arith.index_cast %mul3A_216 : i32 to index
        %get3A_218 = tpu.vector_load %arg11[%get3A_217] {strides = array<i32>} : memref<8192xi32, #tpu.memory_space<vmem>>, vector<16xi32>,
        %mul3A_219 = arith.constant 16 : i32
        %mul3A_220 = arith.muli %add3A_214, %mul3A_219 : i32
        %add3A_221 = arith.addi %add3A_35, %mul3A_220 : i32
        %add3A_222 = vector.broadcast %add3A_221 : i32 to vector<16xi32>
        %add3A_223 = arith.addi %add3A_222, %iota3A : vector<16xi32>
        tpu.vector_store_idx %arg7[%get3A_218], %add3A_223 : memref<65536xi32, #tpu.memory_space<vmem>>[vector<16xi32>], vector<16xi32>,
        %scan3A_224 = arith.constant 0 : i32
        scf.yield %scan3A_224 : i32
      }
      %scan3A_42 = arith.constant 64 : i32
      %mul3A_43 = arith.constant 32768 : i32
      %mul3A_44 = arith.muli %add3A, %mul3A_43 : i32
      %add3A_45 = arith.constant 16384 : i32
      %add3A_46 = arith.addi %mul3A_44, %add3A_45 : i32
      "tpu.region"() ({
        %run_scoped3A = tpu.sem_alloc : memref<!tpu.dma_semaphore, #tpu.memory_space<semaphore_mem>>
        %dma_start3A = tpu.memref_slice %arg2[%add3A_46] : memref<131072xi32, #tpu.memory_space<hbm>> -> memref<8192xi32, #tpu.memory_space<hbm>>
        %dma_start3A_119 = tpu.memref_slice %arg2[%add3A_46] : memref<131072xi32, #tpu.memory_space<hbm>> -> memref<8192xi32, #tpu.memory_space<hbm>>
        tpu.enqueue_dma source(%dma_start3A_119 : memref<8192xi32, #tpu.memory_space<hbm>>) target(%arg11 : memref<8192xi32, #tpu.memory_space<vmem>>) target_semaphore(%run_scoped3A : memref<!tpu.dma_semaphore, #tpu.memory_space<semaphore_mem>>)
        %dma_wait3A = tpu.memref_slice %arg2[%add3A_46] : memref<131072xi32, #tpu.memory_space<hbm>> -> memref<8192xi32, #tpu.memory_space<hbm>>
        %dma_wait3A_120 = tpu.memref_slice %arg2[%add3A_46] : memref<131072xi32, #tpu.memory_space<hbm>> -> memref<8192xi32, #tpu.memory_space<hbm>>
        tpu.wait_dma2 semaphore(%run_scoped3A : memref<!tpu.dma_semaphore, #tpu.memory_space<semaphore_mem>>) src(%dma_wait3A_120 : memref<8192xi32, #tpu.memory_space<hbm>>) dst(%arg11 : memref<8192xi32, #tpu.memory_space<vmem>>)
        tpu.yield
      }) : () -> ()
      %mul3A_47 = arith.constant 32769 : i32
      %mul3A_48 = arith.muli %add3A, %mul3A_47 : i32
      %add3A_49 = arith.constant 16384 : i32
      %add3A_50 = arith.addi %mul3A_48, %add3A_49 : i32
      %scan3A_51 = arith.constant 0 : i32
      %scan3A_52 = arith.constant 0 : i32
      %scan3A_53 = arith.constant 64 : i32
      %scan3A_54 = arith.addi %scan3A_52, %scan3A_53 : i32
      %scan3A_55 = arith.constant 1 : i32
      %scan3A_56 = scf.for %scan3A_119 = %scan3A_52 to %scan3A_54 step %scan3A_55 iter_args(%scan3A_120 = %scan3A_51) -> (i32)  : i32 {
        %mul3A_121 = arith.constant 8 : i32
        %mul3A_122 = arith.muli %scan3A_119, %mul3A_121 : i32
        %add3A_123 = arith.constant 0 : i32
        %add3A_124 = arith.addi %mul3A_122, %add3A_123 : i32
        %mul3A_125 = arith.constant 16 : i32
        %mul3A_126 = arith.muli %add3A_124, %mul3A_125 : i32
        %get3A = arith.index_cast %mul3A_126 : i32 to index
        %get3A_127 = tpu.vector_load %arg11[%get3A] {strides = array<i32>} : memref<8192xi32, #tpu.memory_space<vmem>>, vector<16xi32>,
        %mul3A_128 = arith.constant 16 : i32
        %mul3A_129 = arith.muli %add3A_124, %mul3A_128 : i32
        %add3A_130 = arith.addi %add3A_50, %mul3A_129 : i32
        %add3A_131 = vector.broadcast %add3A_130 : i32 to vector<16xi32>
        %add3A_132 = arith.addi %add3A_131, %iota3A : vector<16xi32>
        tpu.vector_store_idx %arg7[%get3A_127], %add3A_132 : memref<65536xi32, #tpu.memory_space<vmem>>[vector<16xi32>], vector<16xi32>,
        %mul3A_133 = arith.constant 8 : i32
        %mul3A_134 = arith.muli %scan3A_119, %mul3A_133 : i32
        %add3A_135 = arith.constant 1 : i32
        %add3A_136 = arith.addi %mul3A_134, %add3A_135 : i32
        %mul3A_137 = arith.constant 16 : i32
        %mul3A_138 = arith.muli %add3A_136, %mul3A_137 : i32
        %get3A_139 = arith.index_cast %mul3A_138 : i32 to index
        %get3A_140 = tpu.vector_load %arg11[%get3A_139] {strides = array<i32>} : memref<8192xi32, #tpu.memory_space<vmem>>, vector<16xi32>,
        %mul3A_141 = arith.constant 16 : i32
        %mul3A_142 = arith.muli %add3A_136, %mul3A_141 : i32
        %add3A_143 = arith.addi %add3A_50, %mul3A_142 : i32
        %add3A_144 = vector.broadcast %add3A_143 : i32 to vector<16xi32>
        %add3A_145 = arith.addi %add3A_144, %iota3A : vector<16xi32>
        tpu.vector_store_idx %arg7[%get3A_140], %add3A_145 : memref<65536xi32, #tpu.memory_space<vmem>>[vector<16xi32>], vector<16xi32>,
        %mul3A_146 = arith.constant 8 : i32
        %mul3A_147 = arith.muli %scan3A_119, %mul3A_146 : i32
        %add3A_148 = arith.constant 2 : i32
        %add3A_149 = arith.addi %mul3A_147, %add3A_148 : i32
        %mul3A_150 = arith.constant 16 : i32
        %mul3A_151 = arith.muli %add3A_149, %mul3A_150 : i32
        %get3A_152 = arith.index_cast %mul3A_151 : i32 to index
        %get3A_153 = tpu.vector_load %arg11[%get3A_152] {strides = array<i32>} : memref<8192xi32, #tpu.memory_space<vmem>>, vector<16xi32>,
        %mul3A_154 = arith.constant 16 : i32
        %mul3A_155 = arith.muli %add3A_149, %mul3A_154 : i32
        %add3A_156 = arith.addi %add3A_50, %mul3A_155 : i32
        %add3A_157 = vector.broadcast %add3A_156 : i32 to vector<16xi32>
        %add3A_158 = arith.addi %add3A_157, %iota3A : vector<16xi32>
        tpu.vector_store_idx %arg7[%get3A_153], %add3A_158 : memref<65536xi32, #tpu.memory_space<vmem>>[vector<16xi32>], vector<16xi32>,
        %mul3A_159 = arith.constant 8 : i32
        %mul3A_160 = arith.muli %scan3A_119, %mul3A_159 : i32
        %add3A_161 = arith.constant 3 : i32
        %add3A_162 = arith.addi %mul3A_160, %add3A_161 : i32
        %mul3A_163 = arith.constant 16 : i32
        %mul3A_164 = arith.muli %add3A_162, %mul3A_163 : i32
        %get3A_165 = arith.index_cast %mul3A_164 : i32 to index
        %get3A_166 = tpu.vector_load %arg11[%get3A_165] {strides = array<i32>} : memref<8192xi32, #tpu.memory_space<vmem>>, vector<16xi32>,
        %mul3A_167 = arith.constant 16 : i32
        %mul3A_168 = arith.muli %add3A_162, %mul3A_167 : i32
        %add3A_169 = arith.addi %add3A_50, %mul3A_168 : i32
        %add3A_170 = vector.broadcast %add3A_169 : i32 to vector<16xi32>
        %add3A_171 = arith.addi %add3A_170, %iota3A : vector<16xi32>
        tpu.vector_store_idx %arg7[%get3A_166], %add3A_171 : memref<65536xi32, #tpu.memory_space<vmem>>[vector<16xi32>], vector<16xi32>,
        %mul3A_172 = arith.constant 8 : i32
        %mul3A_173 = arith.muli %scan3A_119, %mul3A_172 : i32
        %add3A_174 = arith.constant 4 : i32
        %add3A_175 = arith.addi %mul3A_173, %add3A_174 : i32
        %mul3A_176 = arith.constant 16 : i32
        %mul3A_177 = arith.muli %add3A_175, %mul3A_176 : i32
        %get3A_178 = arith.index_cast %mul3A_177 : i32 to index
        %get3A_179 = tpu.vector_load %arg11[%get3A_178] {strides = array<i32>} : memref<8192xi32, #tpu.memory_space<vmem>>, vector<16xi32>,
        %mul3A_180 = arith.constant 16 : i32
        %mul3A_181 = arith.muli %add3A_175, %mul3A_180 : i32
        %add3A_182 = arith.addi %add3A_50, %mul3A_181 : i32
        %add3A_183 = vector.broadcast %add3A_182 : i32 to vector<16xi32>
        %add3A_184 = arith.addi %add3A_183, %iota3A : vector<16xi32>
        tpu.vector_store_idx %arg7[%get3A_179], %add3A_184 : memref<65536xi32, #tpu.memory_space<vmem>>[vector<16xi32>], vector<16xi32>,
        %mul3A_185 = arith.constant 8 : i32
        %mul3A_186 = arith.muli %scan3A_119, %mul3A_185 : i32
        %add3A_187 = arith.constant 5 : i32
        %add3A_188 = arith.addi %mul3A_186, %add3A_187 : i32
        %mul3A_189 = arith.constant 16 : i32
        %mul3A_190 = arith.muli %add3A_188, %mul3A_189 : i32
        %get3A_191 = arith.index_cast %mul3A_190 : i32 to index
        %get3A_192 = tpu.vector_load %arg11[%get3A_191] {strides = array<i32>} : memref<8192xi32, #tpu.memory_space<vmem>>, vector<16xi32>,
        %mul3A_193 = arith.constant 16 : i32
        %mul3A_194 = arith.muli %add3A_188, %mul3A_193 : i32
        %add3A_195 = arith.addi %add3A_50, %mul3A_194 : i32
        %add3A_196 = vector.broadcast %add3A_195 : i32 to vector<16xi32>
        %add3A_197 = arith.addi %add3A_196, %iota3A : vector<16xi32>
        tpu.vector_store_idx %arg7[%get3A_192], %add3A_197 : memref<65536xi32, #tpu.memory_space<vmem>>[vector<16xi32>], vector<16xi32>,
        %mul3A_198 = arith.constant 8 : i32
        %mul3A_199 = arith.muli %scan3A_119, %mul3A_198 : i32
        %add3A_200 = arith.constant 6 : i32
        %add3A_201 = arith.addi %mul3A_199, %add3A_200 : i32
        %mul3A_202 = arith.constant 16 : i32
        %mul3A_203 = arith.muli %add3A_201, %mul3A_202 : i32
        %get3A_204 = arith.index_cast %mul3A_203 : i32 to index
        %get3A_205 = tpu.vector_load %arg11[%get3A_204] {strides = array<i32>} : memref<8192xi32, #tpu.memory_space<vmem>>, vector<16xi32>,
        %mul3A_206 = arith.constant 16 : i32
        %mul3A_207 = arith.muli %add3A_201, %mul3A_206 : i32
        %add3A_208 = arith.addi %add3A_50, %mul3A_207 : i32
        %add3A_209 = vector.broadcast %add3A_208 : i32 to vector<16xi32>
        %add3A_210 = arith.addi %add3A_209, %iota3A : vector<16xi32>
        tpu.vector_store_idx %arg7[%get3A_205], %add3A_210 : memref<65536xi32, #tpu.memory_space<vmem>>[vector<16xi32>], vector<16xi32>,
        %mul3A_211 = arith.constant 8 : i32
        %mul3A_212 = arith.muli %scan3A_119, %mul3A_211 : i32
        %add3A_213 = arith.constant 7 : i32
        %add3A_214 = arith.addi %mul3A_212, %add3A_213 : i32
        %mul3A_215 = arith.constant 16 : i32
        %mul3A_216 = arith.muli %add3A_214, %mul3A_215 : i32
        %get3A_217 = arith.index_cast %mul3A_216 : i32 to index
        %get3A_218 = tpu.vector_load %arg11[%get3A_217] {strides = array<i32>} : memref<8192xi32, #tpu.memory_space<vmem>>, vector<16xi32>,
        %mul3A_219 = arith.constant 16 : i32
        %mul3A_220 = arith.muli %add3A_214, %mul3A_219 : i32
        %add3A_221 = arith.addi %add3A_50, %mul3A_220 : i32
        %add3A_222 = vector.broadcast %add3A_221 : i32 to vector<16xi32>
        %add3A_223 = arith.addi %add3A_222, %iota3A : vector<16xi32>
        tpu.vector_store_idx %arg7[%get3A_218], %add3A_223 : memref<65536xi32, #tpu.memory_space<vmem>>[vector<16xi32>], vector<16xi32>,
        %scan3A_224 = arith.constant 0 : i32
        scf.yield %scan3A_224 : i32
      }
      %scan3A_57 = arith.constant 64 : i32
      %mul3A_58 = arith.constant 32768 : i32
      %mul3A_59 = arith.muli %add3A, %mul3A_58 : i32
      %add3A_60 = arith.constant 24576 : i32
      %add3A_61 = arith.addi %mul3A_59, %add3A_60 : i32
      "tpu.region"() ({
        %run_scoped3A = tpu.sem_alloc : memref<!tpu.dma_semaphore, #tpu.memory_space<semaphore_mem>>
        %dma_start3A = tpu.memref_slice %arg2[%add3A_61] : memref<131072xi32, #tpu.memory_space<hbm>> -> memref<8192xi32, #tpu.memory_space<hbm>>
        %dma_start3A_119 = tpu.memref_slice %arg2[%add3A_61] : memref<131072xi32, #tpu.memory_space<hbm>> -> memref<8192xi32, #tpu.memory_space<hbm>>
        tpu.enqueue_dma source(%dma_start3A_119 : memref<8192xi32, #tpu.memory_space<hbm>>) target(%arg11 : memref<8192xi32, #tpu.memory_space<vmem>>) target_semaphore(%run_scoped3A : memref<!tpu.dma_semaphore, #tpu.memory_space<semaphore_mem>>)
        %dma_wait3A = tpu.memref_slice %arg2[%add3A_61] : memref<131072xi32, #tpu.memory_space<hbm>> -> memref<8192xi32, #tpu.memory_space<hbm>>
        %dma_wait3A_120 = tpu.memref_slice %arg2[%add3A_61] : memref<131072xi32, #tpu.memory_space<hbm>> -> memref<8192xi32, #tpu.memory_space<hbm>>
        tpu.wait_dma2 semaphore(%run_scoped3A : memref<!tpu.dma_semaphore, #tpu.memory_space<semaphore_mem>>) src(%dma_wait3A_120 : memref<8192xi32, #tpu.memory_space<hbm>>) dst(%arg11 : memref<8192xi32, #tpu.memory_space<vmem>>)
        tpu.yield
      }) : () -> ()
      %mul3A_62 = arith.constant 32769 : i32
      %mul3A_63 = arith.muli %add3A, %mul3A_62 : i32
      %add3A_64 = arith.constant 24576 : i32
      %add3A_65 = arith.addi %mul3A_63, %add3A_64 : i32
      %scan3A_66 = arith.constant 0 : i32
      %scan3A_67 = arith.constant 0 : i32
      %scan3A_68 = arith.constant 64 : i32
      %scan3A_69 = arith.addi %scan3A_67, %scan3A_68 : i32
      %scan3A_70 = arith.constant 1 : i32
      %scan3A_71 = scf.for %scan3A_119 = %scan3A_67 to %scan3A_69 step %scan3A_70 iter_args(%scan3A_120 = %scan3A_66) -> (i32)  : i32 {
        %mul3A_121 = arith.constant 8 : i32
        %mul3A_122 = arith.muli %scan3A_119, %mul3A_121 : i32
        %add3A_123 = arith.constant 0 : i32
        %add3A_124 = arith.addi %mul3A_122, %add3A_123 : i32
        %mul3A_125 = arith.constant 16 : i32
        %mul3A_126 = arith.muli %add3A_124, %mul3A_125 : i32
        %get3A = arith.index_cast %mul3A_126 : i32 to index
        %get3A_127 = tpu.vector_load %arg11[%get3A] {strides = array<i32>} : memref<8192xi32, #tpu.memory_space<vmem>>, vector<16xi32>,
        %mul3A_128 = arith.constant 16 : i32
        %mul3A_129 = arith.muli %add3A_124, %mul3A_128 : i32
        %add3A_130 = arith.addi %add3A_65, %mul3A_129 : i32
        %add3A_131 = vector.broadcast %add3A_130 : i32 to vector<16xi32>
        %add3A_132 = arith.addi %add3A_131, %iota3A : vector<16xi32>
        tpu.vector_store_idx %arg7[%get3A_127], %add3A_132 : memref<65536xi32, #tpu.memory_space<vmem>>[vector<16xi32>], vector<16xi32>,
        %mul3A_133 = arith.constant 8 : i32
        %mul3A_134 = arith.muli %scan3A_119, %mul3A_133 : i32
        %add3A_135 = arith.constant 1 : i32
        %add3A_136 = arith.addi %mul3A_134, %add3A_135 : i32
        %mul3A_137 = arith.constant 16 : i32
        %mul3A_138 = arith.muli %add3A_136, %mul3A_137 : i32
        %get3A_139 = arith.index_cast %mul3A_138 : i32 to index
        %get3A_140 = tpu.vector_load %arg11[%get3A_139] {strides = array<i32>} : memref<8192xi32, #tpu.memory_space<vmem>>, vector<16xi32>,
        %mul3A_141 = arith.constant 16 : i32
        %mul3A_142 = arith.muli %add3A_136, %mul3A_141 : i32
        %add3A_143 = arith.addi %add3A_65, %mul3A_142 : i32
        %add3A_144 = vector.broadcast %add3A_143 : i32 to vector<16xi32>
        %add3A_145 = arith.addi %add3A_144, %iota3A : vector<16xi32>
        tpu.vector_store_idx %arg7[%get3A_140], %add3A_145 : memref<65536xi32, #tpu.memory_space<vmem>>[vector<16xi32>], vector<16xi32>,
        %mul3A_146 = arith.constant 8 : i32
        %mul3A_147 = arith.muli %scan3A_119, %mul3A_146 : i32
        %add3A_148 = arith.constant 2 : i32
        %add3A_149 = arith.addi %mul3A_147, %add3A_148 : i32
        %mul3A_150 = arith.constant 16 : i32
        %mul3A_151 = arith.muli %add3A_149, %mul3A_150 : i32
        %get3A_152 = arith.index_cast %mul3A_151 : i32 to index
        %get3A_153 = tpu.vector_load %arg11[%get3A_152] {strides = array<i32>} : memref<8192xi32, #tpu.memory_space<vmem>>, vector<16xi32>,
        %mul3A_154 = arith.constant 16 : i32
        %mul3A_155 = arith.muli %add3A_149, %mul3A_154 : i32
        %add3A_156 = arith.addi %add3A_65, %mul3A_155 : i32
        %add3A_157 = vector.broadcast %add3A_156 : i32 to vector<16xi32>
        %add3A_158 = arith.addi %add3A_157, %iota3A : vector<16xi32>
        tpu.vector_store_idx %arg7[%get3A_153], %add3A_158 : memref<65536xi32, #tpu.memory_space<vmem>>[vector<16xi32>], vector<16xi32>,
        %mul3A_159 = arith.constant 8 : i32
        %mul3A_160 = arith.muli %scan3A_119, %mul3A_159 : i32
        %add3A_161 = arith.constant 3 : i32
        %add3A_162 = arith.addi %mul3A_160, %add3A_161 : i32
        %mul3A_163 = arith.constant 16 : i32
        %mul3A_164 = arith.muli %add3A_162, %mul3A_163 : i32
        %get3A_165 = arith.index_cast %mul3A_164 : i32 to index
        %get3A_166 = tpu.vector_load %arg11[%get3A_165] {strides = array<i32>} : memref<8192xi32, #tpu.memory_space<vmem>>, vector<16xi32>,
        %mul3A_167 = arith.constant 16 : i32
        %mul3A_168 = arith.muli %add3A_162, %mul3A_167 : i32
        %add3A_169 = arith.addi %add3A_65, %mul3A_168 : i32
        %add3A_170 = vector.broadcast %add3A_169 : i32 to vector<16xi32>
        %add3A_171 = arith.addi %add3A_170, %iota3A : vector<16xi32>
        tpu.vector_store_idx %arg7[%get3A_166], %add3A_171 : memref<65536xi32, #tpu.memory_space<vmem>>[vector<16xi32>], vector<16xi32>,
        %mul3A_172 = arith.constant 8 : i32
        %mul3A_173 = arith.muli %scan3A_119, %mul3A_172 : i32
        %add3A_174 = arith.constant 4 : i32
        %add3A_175 = arith.addi %mul3A_173, %add3A_174 : i32
        %mul3A_176 = arith.constant 16 : i32
        %mul3A_177 = arith.muli %add3A_175, %mul3A_176 : i32
        %get3A_178 = arith.index_cast %mul3A_177 : i32 to index
        %get3A_179 = tpu.vector_load %arg11[%get3A_178] {strides = array<i32>} : memref<8192xi32, #tpu.memory_space<vmem>>, vector<16xi32>,
        %mul3A_180 = arith.constant 16 : i32
        %mul3A_181 = arith.muli %add3A_175, %mul3A_180 : i32
        %add3A_182 = arith.addi %add3A_65, %mul3A_181 : i32
        %add3A_183 = vector.broadcast %add3A_182 : i32 to vector<16xi32>
        %add3A_184 = arith.addi %add3A_183, %iota3A : vector<16xi32>
        tpu.vector_store_idx %arg7[%get3A_179], %add3A_184 : memref<65536xi32, #tpu.memory_space<vmem>>[vector<16xi32>], vector<16xi32>,
        %mul3A_185 = arith.constant 8 : i32
        %mul3A_186 = arith.muli %scan3A_119, %mul3A_185 : i32
        %add3A_187 = arith.constant 5 : i32
        %add3A_188 = arith.addi %mul3A_186, %add3A_187 : i32
        %mul3A_189 = arith.constant 16 : i32
        %mul3A_190 = arith.muli %add3A_188, %mul3A_189 : i32
        %get3A_191 = arith.index_cast %mul3A_190 : i32 to index
        %get3A_192 = tpu.vector_load %arg11[%get3A_191] {strides = array<i32>} : memref<8192xi32, #tpu.memory_space<vmem>>, vector<16xi32>,
        %mul3A_193 = arith.constant 16 : i32
        %mul3A_194 = arith.muli %add3A_188, %mul3A_193 : i32
        %add3A_195 = arith.addi %add3A_65, %mul3A_194 : i32
        %add3A_196 = vector.broadcast %add3A_195 : i32 to vector<16xi32>
        %add3A_197 = arith.addi %add3A_196, %iota3A : vector<16xi32>
        tpu.vector_store_idx %arg7[%get3A_192], %add3A_197 : memref<65536xi32, #tpu.memory_space<vmem>>[vector<16xi32>], vector<16xi32>,
        %mul3A_198 = arith.constant 8 : i32
        %mul3A_199 = arith.muli %scan3A_119, %mul3A_198 : i32
        %add3A_200 = arith.constant 6 : i32
        %add3A_201 = arith.addi %mul3A_199, %add3A_200 : i32
        %mul3A_202 = arith.constant 16 : i32
        %mul3A_203 = arith.muli %add3A_201, %mul3A_202 : i32
        %get3A_204 = arith.index_cast %mul3A_203 : i32 to index
        %get3A_205 = tpu.vector_load %arg11[%get3A_204] {strides = array<i32>} : memref<8192xi32, #tpu.memory_space<vmem>>, vector<16xi32>,
        %mul3A_206 = arith.constant 16 : i32
        %mul3A_207 = arith.muli %add3A_201, %mul3A_206 : i32
        %add3A_208 = arith.addi %add3A_65, %mul3A_207 : i32
        %add3A_209 = vector.broadcast %add3A_208 : i32 to vector<16xi32>
        %add3A_210 = arith.addi %add3A_209, %iota3A : vector<16xi32>
        tpu.vector_store_idx %arg7[%get3A_205], %add3A_210 : memref<65536xi32, #tpu.memory_space<vmem>>[vector<16xi32>], vector<16xi32>,
        %mul3A_211 = arith.constant 8 : i32
        %mul3A_212 = arith.muli %scan3A_119, %mul3A_211 : i32
        %add3A_213 = arith.constant 7 : i32
        %add3A_214 = arith.addi %mul3A_212, %add3A_213 : i32
        %mul3A_215 = arith.constant 16 : i32
        %mul3A_216 = arith.muli %add3A_214, %mul3A_215 : i32
        %get3A_217 = arith.index_cast %mul3A_216 : i32 to index
        %get3A_218 = tpu.vector_load %arg11[%get3A_217] {strides = array<i32>} : memref<8192xi32, #tpu.memory_space<vmem>>, vector<16xi32>,
        %mul3A_219 = arith.constant 16 : i32
        %mul3A_220 = arith.muli %add3A_214, %mul3A_219 : i32
        %add3A_221 = arith.addi %add3A_65, %mul3A_220 : i32
        %add3A_222 = vector.broadcast %add3A_221 : i32 to vector<16xi32>
        %add3A_223 = arith.addi %add3A_222, %iota3A : vector<16xi32>
        tpu.vector_store_idx %arg7[%get3A_218], %add3A_223 : memref<65536xi32, #tpu.memory_space<vmem>>[vector<16xi32>], vector<16xi32>,
        %scan3A_224 = arith.constant 0 : i32
        scf.yield %scan3A_224 : i32
      }
      %scan3A_72 = arith.constant 64 : i32
      %mul3A_73 = arith.constant 32768 : i32
      %mul3A_74 = arith.muli %add3A, %mul3A_73 : i32
      %add3A_75 = arith.constant 0 : i32
      %add3A_76 = arith.addi %mul3A_74, %add3A_75 : i32
      "tpu.region"() ({
        %run_scoped3A = tpu.sem_alloc : memref<!tpu.dma_semaphore, #tpu.memory_space<semaphore_mem>>
        %dma_start3A = tpu.memref_slice %arg3[%add3A_76] : memref<131072xi32, #tpu.memory_space<hbm>> -> memref<8192xi32, #tpu.memory_space<hbm>>
        %dma_start3A_119 = tpu.memref_slice %arg3[%add3A_76] : memref<131072xi32, #tpu.memory_space<hbm>> -> memref<8192xi32, #tpu.memory_space<hbm>>
        tpu.enqueue_dma source(%dma_start3A_119 : memref<8192xi32, #tpu.memory_space<hbm>>) target(%arg8 : memref<8192xi32, #tpu.memory_space<vmem>>) target_semaphore(%run_scoped3A : memref<!tpu.dma_semaphore, #tpu.memory_space<semaphore_mem>>)
        %dma_wait3A = tpu.memref_slice %arg3[%add3A_76] : memref<131072xi32, #tpu.memory_space<hbm>> -> memref<8192xi32, #tpu.memory_space<hbm>>
        %dma_wait3A_120 = tpu.memref_slice %arg3[%add3A_76] : memref<131072xi32, #tpu.memory_space<hbm>> -> memref<8192xi32, #tpu.memory_space<hbm>>
        tpu.wait_dma2 semaphore(%run_scoped3A : memref<!tpu.dma_semaphore, #tpu.memory_space<semaphore_mem>>) src(%dma_wait3A_120 : memref<8192xi32, #tpu.memory_space<hbm>>) dst(%arg8 : memref<8192xi32, #tpu.memory_space<vmem>>)
        tpu.yield
      }) : () -> ()
      "tpu.region"() ({
        %run_scoped3A = tpu.sem_alloc : memref<!tpu.dma_semaphore, #tpu.memory_space<semaphore_mem>>
        %dma_start3A = tpu.memref_slice %arg4[%add3A_76] : memref<131072xi32, #tpu.memory_space<hbm>> -> memref<8192xi32, #tpu.memory_space<hbm>>
        %dma_start3A_119 = tpu.memref_slice %arg4[%add3A_76] : memref<131072xi32, #tpu.memory_space<hbm>> -> memref<8192xi32, #tpu.memory_space<hbm>>
        tpu.enqueue_dma source(%dma_start3A_119 : memref<8192xi32, #tpu.memory_space<hbm>>) target(%arg9 : memref<8192xi32, #tpu.memory_space<vmem>>) target_semaphore(%run_scoped3A : memref<!tpu.dma_semaphore, #tpu.memory_space<semaphore_mem>>)
        %dma_wait3A = tpu.memref_slice %arg4[%add3A_76] : memref<131072xi32, #tpu.memory_space<hbm>> -> memref<8192xi32, #tpu.memory_space<hbm>>
        %dma_wait3A_120 = tpu.memref_slice %arg4[%add3A_76] : memref<131072xi32, #tpu.memory_space<hbm>> -> memref<8192xi32, #tpu.memory_space<hbm>>
        tpu.wait_dma2 semaphore(%run_scoped3A : memref<!tpu.dma_semaphore, #tpu.memory_space<semaphore_mem>>) src(%dma_wait3A_120 : memref<8192xi32, #tpu.memory_space<hbm>>) dst(%arg9 : memref<8192xi32, #tpu.memory_space<vmem>>)
        tpu.yield
      }) : () -> ()
      "tpu.region"() ({
        %run_scoped3A = tpu.sem_alloc : memref<!tpu.dma_semaphore, #tpu.memory_space<semaphore_mem>>
        %dma_start3A = tpu.memref_slice %arg5[%add3A_76] : memref<131072xi32, #tpu.memory_space<hbm>> -> memref<8192xi32, #tpu.memory_space<hbm>>
        %dma_start3A_119 = tpu.memref_slice %arg5[%add3A_76] : memref<131072xi32, #tpu.memory_space<hbm>> -> memref<8192xi32, #tpu.memory_space<hbm>>
        tpu.enqueue_dma source(%dma_start3A_119 : memref<8192xi32, #tpu.memory_space<hbm>>) target(%arg10 : memref<8192xi32, #tpu.memory_space<vmem>>) target_semaphore(%run_scoped3A : memref<!tpu.dma_semaphore, #tpu.memory_space<semaphore_mem>>)
        %dma_wait3A = tpu.memref_slice %arg5[%add3A_76] : memref<131072xi32, #tpu.memory_space<hbm>> -> memref<8192xi32, #tpu.memory_space<hbm>>
        %dma_wait3A_120 = tpu.memref_slice %arg5[%add3A_76] : memref<131072xi32, #tpu.memory_space<hbm>> -> memref<8192xi32, #tpu.memory_space<hbm>>
        tpu.wait_dma2 semaphore(%run_scoped3A : memref<!tpu.dma_semaphore, #tpu.memory_space<semaphore_mem>>) src(%dma_wait3A_120 : memref<8192xi32, #tpu.memory_space<hbm>>) dst(%arg10 : memref<8192xi32, #tpu.memory_space<vmem>>)
        tpu.yield
      }) : () -> ()
      %scan3A_77 = arith.constant 0 : i32
      %scan3A_78 = arith.constant 0 : i32
      %scan3A_79 = arith.constant 64 : i32
      %scan3A_80 = arith.addi %scan3A_78, %scan3A_79 : i32
      %scan3A_81 = arith.constant 1 : i32
      %scan3A_82 = scf.for %scan3A_119 = %scan3A_78 to %scan3A_80 step %scan3A_81 iter_args(%scan3A_120 = %scan3A_77) -> (i32)  : i32 {
        %mul3A_121 = arith.constant 8 : i32
        %mul3A_122 = arith.muli %scan3A_119, %mul3A_121 : i32
        %add3A_123 = arith.constant 0 : i32
        %add3A_124 = arith.addi %mul3A_122, %add3A_123 : i32
        %mul3A_125 = arith.constant 16 : i32
        %mul3A_126 = arith.muli %add3A_124, %mul3A_125 : i32
        %get3A = arith.index_cast %mul3A_126 : i32 to index
        %get3A_127 = tpu.vector_load %arg8[%get3A] {strides = array<i32>} : memref<8192xi32, #tpu.memory_space<vmem>>, vector<16xi32>,
        %mul3A_128 = arith.constant 16 : i32
        %mul3A_129 = arith.muli %add3A_124, %mul3A_128 : i32
        %get3A_130 = arith.index_cast %mul3A_129 : i32 to index
        %get3A_131 = tpu.vector_load %arg9[%get3A_130] {strides = array<i32>} : memref<8192xi32, #tpu.memory_space<vmem>>, vector<16xi32>,
        %mul3A_132 = arith.constant 16 : i32
        %mul3A_133 = arith.muli %add3A_124, %mul3A_132 : i32
        %get3A_134 = arith.index_cast %mul3A_133 : i32 to index
        %get3A_135 = tpu.vector_load %arg10[%get3A_134] {strides = array<i32>} : memref<8192xi32, #tpu.memory_space<vmem>>, vector<16xi32>,
        %gather3A = tpu.vector_load_idx %arg7[%get3A_127] : memref<65536xi32, #tpu.memory_space<vmem>>[vector<16xi32>], vector<16xi32>,
        %and3A = arith.constant 15 : i32
        %and3A_136 = vector.broadcast %and3A : i32 to vector<16xi32>
        %and3A_137 = arith.andi %get3A_135, %and3A_136 : vector<16xi32>
        %lt3A_138 = arith.constant 0 : i32
        %lt3A_139 = vector.broadcast %lt3A_138 : i32 to vector<16xi32>
        %lt3A_140 = arith.cmpi slt, %and3A_137, %lt3A_139 : vector<16xi32>
        %add3A_141 = arith.constant 16 : i32
        %add3A_142 = vector.broadcast %add3A_141 : i32 to vector<16xi32>
        %add3A_143 = arith.addi %and3A_137, %add3A_142 : vector<16xi32>
        %select_n3A = arith.select %lt3A_140, %add3A_143, %and3A_137 : vector<16xi1>, vector<16xi32>
        %broadcast_in_dim3A = vector.shape_cast %select_n3A : vector<16xi32> to vector<16x1xi32>
        %gather3A_144 = vector.shape_cast %broadcast_in_dim3A : vector<16x1xi32> to vector<16xi32>
        %gather3A_145 = tpu.dynamic_gather %gather3A[%gather3A_144] in [0] : vector<16xi32>, vector<16xi32> -> vector<16xi32>
        %lt3A_146 = arith.constant 256 : i32
        %lt3A_147 = vector.broadcast %lt3A_146 : i32 to vector<16xi32>
        %lt3A_148 = arith.cmpi slt, %get3A_135, %lt3A_147 : vector<16xi32>
        tpu.vector_store_idx %arg7[%get3A_131], %gather3A_145 masked %lt3A_148 : memref<65536xi32, #tpu.memory_space<vmem>>[vector<16xi32>], vector<16xi32>, vector<16xi1>
        %mul3A_149 = arith.constant 8 : i32
        %mul3A_150 = arith.muli %scan3A_119, %mul3A_149 : i32
        %add3A_151 = arith.constant 1 : i32
        %add3A_152 = arith.addi %mul3A_150, %add3A_151 : i32
        %mul3A_153 = arith.constant 16 : i32
        %mul3A_154 = arith.muli %add3A_152, %mul3A_153 : i32
        %get3A_155 = arith.index_cast %mul3A_154 : i32 to index
        %get3A_156 = tpu.vector_load %arg8[%get3A_155] {strides = array<i32>} : memref<8192xi32, #tpu.memory_space<vmem>>, vector<16xi32>,
        %mul3A_157 = arith.constant 16 : i32
        %mul3A_158 = arith.muli %add3A_152, %mul3A_157 : i32
        %get3A_159 = arith.index_cast %mul3A_158 : i32 to index
        %get3A_160 = tpu.vector_load %arg9[%get3A_159] {strides = array<i32>} : memref<8192xi32, #tpu.memory_space<vmem>>, vector<16xi32>,
        %mul3A_161 = arith.constant 16 : i32
        %mul3A_162 = arith.muli %add3A_152, %mul3A_161 : i32
        %get3A_163 = arith.index_cast %mul3A_162 : i32 to index
        %get3A_164 = tpu.vector_load %arg10[%get3A_163] {strides = array<i32>} : memref<8192xi32, #tpu.memory_space<vmem>>, vector<16xi32>,
        %gather3A_165 = tpu.vector_load_idx %arg7[%get3A_156] : memref<65536xi32, #tpu.memory_space<vmem>>[vector<16xi32>], vector<16xi32>,
        %and3A_166 = arith.constant 15 : i32
        %and3A_167 = vector.broadcast %and3A_166 : i32 to vector<16xi32>
        %and3A_168 = arith.andi %get3A_164, %and3A_167 : vector<16xi32>
        %lt3A_169 = arith.constant 0 : i32
        %lt3A_170 = vector.broadcast %lt3A_169 : i32 to vector<16xi32>
        %lt3A_171 = arith.cmpi slt, %and3A_168, %lt3A_170 : vector<16xi32>
        %add3A_172 = arith.constant 16 : i32
        %add3A_173 = vector.broadcast %add3A_172 : i32 to vector<16xi32>
        %add3A_174 = arith.addi %and3A_168, %add3A_173 : vector<16xi32>
        %select_n3A_175 = arith.select %lt3A_171, %add3A_174, %and3A_168 : vector<16xi1>, vector<16xi32>
        %broadcast_in_dim3A_176 = vector.shape_cast %select_n3A_175 : vector<16xi32> to vector<16x1xi32>
        %gather3A_177 = vector.shape_cast %broadcast_in_dim3A_176 : vector<16x1xi32> to vector<16xi32>
        %gather3A_178 = tpu.dynamic_gather %gather3A_165[%gather3A_177] in [0] : vector<16xi32>, vector<16xi32> -> vector<16xi32>
        %lt3A_179 = arith.constant 256 : i32
        %lt3A_180 = vector.broadcast %lt3A_179 : i32 to vector<16xi32>
        %lt3A_181 = arith.cmpi slt, %get3A_164, %lt3A_180 : vector<16xi32>
        tpu.vector_store_idx %arg7[%get3A_160], %gather3A_178 masked %lt3A_181 : memref<65536xi32, #tpu.memory_space<vmem>>[vector<16xi32>], vector<16xi32>, vector<16xi1>
        %mul3A_182 = arith.constant 8 : i32
        %mul3A_183 = arith.muli %scan3A_119, %mul3A_182 : i32
        %add3A_184 = arith.constant 2 : i32
        %add3A_185 = arith.addi %mul3A_183, %add3A_184 : i32
        %mul3A_186 = arith.constant 16 : i32
        %mul3A_187 = arith.muli %add3A_185, %mul3A_186 : i32
        %get3A_188 = arith.index_cast %mul3A_187 : i32 to index
        %get3A_189 = tpu.vector_load %arg8[%get3A_188] {strides = array<i32>} : memref<8192xi32, #tpu.memory_space<vmem>>, vector<16xi32>,
        %mul3A_190 = arith.constant 16 : i32
        %mul3A_191 = arith.muli %add3A_185, %mul3A_190 : i32
        %get3A_192 = arith.index_cast %mul3A_191 : i32 to index
        %get3A_193 = tpu.vector_load %arg9[%get3A_192] {strides = array<i32>} : memref<8192xi32, #tpu.memory_space<vmem>>, vector<16xi32>,
        %mul3A_194 = arith.constant 16 : i32
        %mul3A_195 = arith.muli %add3A_185, %mul3A_194 : i32
        %get3A_196 = arith.index_cast %mul3A_195 : i32 to index
        %get3A_197 = tpu.vector_load %arg10[%get3A_196] {strides = array<i32>} : memref<8192xi32, #tpu.memory_space<vmem>>, vector<16xi32>,
        %gather3A_198 = tpu.vector_load_idx %arg7[%get3A_189] : memref<65536xi32, #tpu.memory_space<vmem>>[vector<16xi32>], vector<16xi32>,
        %and3A_199 = arith.constant 15 : i32
        %and3A_200 = vector.broadcast %and3A_199 : i32 to vector<16xi32>
        %and3A_201 = arith.andi %get3A_197, %and3A_200 : vector<16xi32>
        %lt3A_202 = arith.constant 0 : i32
        %lt3A_203 = vector.broadcast %lt3A_202 : i32 to vector<16xi32>
        %lt3A_204 = arith.cmpi slt, %and3A_201, %lt3A_203 : vector<16xi32>
        %add3A_205 = arith.constant 16 : i32
        %add3A_206 = vector.broadcast %add3A_205 : i32 to vector<16xi32>
        %add3A_207 = arith.addi %and3A_201, %add3A_206 : vector<16xi32>
        %select_n3A_208 = arith.select %lt3A_204, %add3A_207, %and3A_201 : vector<16xi1>, vector<16xi32>
        %broadcast_in_dim3A_209 = vector.shape_cast %select_n3A_208 : vector<16xi32> to vector<16x1xi32>
        %gather3A_210 = vector.shape_cast %broadcast_in_dim3A_209 : vector<16x1xi32> to vector<16xi32>
        %gather3A_211 = tpu.dynamic_gather %gather3A_198[%gather3A_210] in [0] : vector<16xi32>, vector<16xi32> -> vector<16xi32>
        %lt3A_212 = arith.constant 256 : i32
        %lt3A_213 = vector.broadcast %lt3A_212 : i32 to vector<16xi32>
        %lt3A_214 = arith.cmpi slt, %get3A_197, %lt3A_213 : vector<16xi32>
        tpu.vector_store_idx %arg7[%get3A_193], %gather3A_211 masked %lt3A_214 : memref<65536xi32, #tpu.memory_space<vmem>>[vector<16xi32>], vector<16xi32>, vector<16xi1>
        %mul3A_215 = arith.constant 8 : i32
        %mul3A_216 = arith.muli %scan3A_119, %mul3A_215 : i32
        %add3A_217 = arith.constant 3 : i32
        %add3A_218 = arith.addi %mul3A_216, %add3A_217 : i32
        %mul3A_219 = arith.constant 16 : i32
        %mul3A_220 = arith.muli %add3A_218, %mul3A_219 : i32
        %get3A_221 = arith.index_cast %mul3A_220 : i32 to index
        %get3A_222 = tpu.vector_load %arg8[%get3A_221] {strides = array<i32>} : memref<8192xi32, #tpu.memory_space<vmem>>, vector<16xi32>,
        %mul3A_223 = arith.constant 16 : i32
        %mul3A_224 = arith.muli %add3A_218, %mul3A_223 : i32
        %get3A_225 = arith.index_cast %mul3A_224 : i32 to index
        %get3A_226 = tpu.vector_load %arg9[%get3A_225] {strides = array<i32>} : memref<8192xi32, #tpu.memory_space<vmem>>, vector<16xi32>,
        %mul3A_227 = arith.constant 16 : i32
        %mul3A_228 = arith.muli %add3A_218, %mul3A_227 : i32
        %get3A_229 = arith.index_cast %mul3A_228 : i32 to index
        %get3A_230 = tpu.vector_load %arg10[%get3A_229] {strides = array<i32>} : memref<8192xi32, #tpu.memory_space<vmem>>, vector<16xi32>,
        %gather3A_231 = tpu.vector_load_idx %arg7[%get3A_222] : memref<65536xi32, #tpu.memory_space<vmem>>[vector<16xi32>], vector<16xi32>,
        %and3A_232 = arith.constant 15 : i32
        %and3A_233 = vector.broadcast %and3A_232 : i32 to vector<16xi32>
        %and3A_234 = arith.andi %get3A_230, %and3A_233 : vector<16xi32>
        %lt3A_235 = arith.constant 0 : i32
        %lt3A_236 = vector.broadcast %lt3A_235 : i32 to vector<16xi32>
        %lt3A_237 = arith.cmpi slt, %and3A_234, %lt3A_236 : vector<16xi32>
        %add3A_238 = arith.constant 16 : i32
        %add3A_239 = vector.broadcast %add3A_238 : i32 to vector<16xi32>
        %add3A_240 = arith.addi %and3A_234, %add3A_239 : vector<16xi32>
        %select_n3A_241 = arith.select %lt3A_237, %add3A_240, %and3A_234 : vector<16xi1>, vector<16xi32>
        %broadcast_in_dim3A_242 = vector.shape_cast %select_n3A_241 : vector<16xi32> to vector<16x1xi32>
        %gather3A_243 = vector.shape_cast %broadcast_in_dim3A_242 : vector<16x1xi32> to vector<16xi32>
        %gather3A_244 = tpu.dynamic_gather %gather3A_231[%gather3A_243] in [0] : vector<16xi32>, vector<16xi32> -> vector<16xi32>
        %lt3A_245 = arith.constant 256 : i32
        %lt3A_246 = vector.broadcast %lt3A_245 : i32 to vector<16xi32>
        %lt3A_247 = arith.cmpi slt, %get3A_230, %lt3A_246 : vector<16xi32>
        tpu.vector_store_idx %arg7[%get3A_226], %gather3A_244 masked %lt3A_247 : memref<65536xi32, #tpu.memory_space<vmem>>[vector<16xi32>], vector<16xi32>, vector<16xi1>
        %mul3A_248 = arith.constant 8 : i32
        %mul3A_249 = arith.muli %scan3A_119, %mul3A_248 : i32
        %add3A_250 = arith.constant 4 : i32
        %add3A_251 = arith.addi %mul3A_249, %add3A_250 : i32
        %mul3A_252 = arith.constant 16 : i32
        %mul3A_253 = arith.muli %add3A_251, %mul3A_252 : i32
        %get3A_254 = arith.index_cast %mul3A_253 : i32 to index
        %get3A_255 = tpu.vector_load %arg8[%get3A_254] {strides = array<i32>} : memref<8192xi32, #tpu.memory_space<vmem>>, vector<16xi32>,
        %mul3A_256 = arith.constant 16 : i32
        %mul3A_257 = arith.muli %add3A_251, %mul3A_256 : i32
        %get3A_258 = arith.index_cast %mul3A_257 : i32 to index
        %get3A_259 = tpu.vector_load %arg9[%get3A_258] {strides = array<i32>} : memref<8192xi32, #tpu.memory_space<vmem>>, vector<16xi32>,
        %mul3A_260 = arith.constant 16 : i32
        %mul3A_261 = arith.muli %add3A_251, %mul3A_260 : i32
        %get3A_262 = arith.index_cast %mul3A_261 : i32 to index
        %get3A_263 = tpu.vector_load %arg10[%get3A_262] {strides = array<i32>} : memref<8192xi32, #tpu.memory_space<vmem>>, vector<16xi32>,
        %gather3A_264 = tpu.vector_load_idx %arg7[%get3A_255] : memref<65536xi32, #tpu.memory_space<vmem>>[vector<16xi32>], vector<16xi32>,
        %and3A_265 = arith.constant 15 : i32
        %and3A_266 = vector.broadcast %and3A_265 : i32 to vector<16xi32>
        %and3A_267 = arith.andi %get3A_263, %and3A_266 : vector<16xi32>
        %lt3A_268 = arith.constant 0 : i32
        %lt3A_269 = vector.broadcast %lt3A_268 : i32 to vector<16xi32>
        %lt3A_270 = arith.cmpi slt, %and3A_267, %lt3A_269 : vector<16xi32>
        %add3A_271 = arith.constant 16 : i32
        %add3A_272 = vector.broadcast %add3A_271 : i32 to vector<16xi32>
        %add3A_273 = arith.addi %and3A_267, %add3A_272 : vector<16xi32>
        %select_n3A_274 = arith.select %lt3A_270, %add3A_273, %and3A_267 : vector<16xi1>, vector<16xi32>
        %broadcast_in_dim3A_275 = vector.shape_cast %select_n3A_274 : vector<16xi32> to vector<16x1xi32>
        %gather3A_276 = vector.shape_cast %broadcast_in_dim3A_275 : vector<16x1xi32> to vector<16xi32>
        %gather3A_277 = tpu.dynamic_gather %gather3A_264[%gather3A_276] in [0] : vector<16xi32>, vector<16xi32> -> vector<16xi32>
        %lt3A_278 = arith.constant 256 : i32
        %lt3A_279 = vector.broadcast %lt3A_278 : i32 to vector<16xi32>
        %lt3A_280 = arith.cmpi slt, %get3A_263, %lt3A_279 : vector<16xi32>
        tpu.vector_store_idx %arg7[%get3A_259], %gather3A_277 masked %lt3A_280 : memref<65536xi32, #tpu.memory_space<vmem>>[vector<16xi32>], vector<16xi32>, vector<16xi1>
        %mul3A_281 = arith.constant 8 : i32
        %mul3A_282 = arith.muli %scan3A_119, %mul3A_281 : i32
        %add3A_283 = arith.constant 5 : i32
        %add3A_284 = arith.addi %mul3A_282, %add3A_283 : i32
        %mul3A_285 = arith.constant 16 : i32
        %mul3A_286 = arith.muli %add3A_284, %mul3A_285 : i32
        %get3A_287 = arith.index_cast %mul3A_286 : i32 to index
        %get3A_288 = tpu.vector_load %arg8[%get3A_287] {strides = array<i32>} : memref<8192xi32, #tpu.memory_space<vmem>>, vector<16xi32>,
        %mul3A_289 = arith.constant 16 : i32
        %mul3A_290 = arith.muli %add3A_284, %mul3A_289 : i32
        %get3A_291 = arith.index_cast %mul3A_290 : i32 to index
        %get3A_292 = tpu.vector_load %arg9[%get3A_291] {strides = array<i32>} : memref<8192xi32, #tpu.memory_space<vmem>>, vector<16xi32>,
        %mul3A_293 = arith.constant 16 : i32
        %mul3A_294 = arith.muli %add3A_284, %mul3A_293 : i32
        %get3A_295 = arith.index_cast %mul3A_294 : i32 to index
        %get3A_296 = tpu.vector_load %arg10[%get3A_295] {strides = array<i32>} : memref<8192xi32, #tpu.memory_space<vmem>>, vector<16xi32>,
        %gather3A_297 = tpu.vector_load_idx %arg7[%get3A_288] : memref<65536xi32, #tpu.memory_space<vmem>>[vector<16xi32>], vector<16xi32>,
        %and3A_298 = arith.constant 15 : i32
        %and3A_299 = vector.broadcast %and3A_298 : i32 to vector<16xi32>
        %and3A_300 = arith.andi %get3A_296, %and3A_299 : vector<16xi32>
        %lt3A_301 = arith.constant 0 : i32
        %lt3A_302 = vector.broadcast %lt3A_301 : i32 to vector<16xi32>
        %lt3A_303 = arith.cmpi slt, %and3A_300, %lt3A_302 : vector<16xi32>
        %add3A_304 = arith.constant 16 : i32
        %add3A_305 = vector.broadcast %add3A_304 : i32 to vector<16xi32>
        %add3A_306 = arith.addi %and3A_300, %add3A_305 : vector<16xi32>
        %select_n3A_307 = arith.select %lt3A_303, %add3A_306, %and3A_300 : vector<16xi1>, vector<16xi32>
        %broadcast_in_dim3A_308 = vector.shape_cast %select_n3A_307 : vector<16xi32> to vector<16x1xi32>
        %gather3A_309 = vector.shape_cast %broadcast_in_dim3A_308 : vector<16x1xi32> to vector<16xi32>
        %gather3A_310 = tpu.dynamic_gather %gather3A_297[%gather3A_309] in [0] : vector<16xi32>, vector<16xi32> -> vector<16xi32>
        %lt3A_311 = arith.constant 256 : i32
        %lt3A_312 = vector.broadcast %lt3A_311 : i32 to vector<16xi32>
        %lt3A_313 = arith.cmpi slt, %get3A_296, %lt3A_312 : vector<16xi32>
        tpu.vector_store_idx %arg7[%get3A_292], %gather3A_310 masked %lt3A_313 : memref<65536xi32, #tpu.memory_space<vmem>>[vector<16xi32>], vector<16xi32>, vector<16xi1>
        %mul3A_314 = arith.constant 8 : i32
        %mul3A_315 = arith.muli %scan3A_119, %mul3A_314 : i32
        %add3A_316 = arith.constant 6 : i32
        %add3A_317 = arith.addi %mul3A_315, %add3A_316 : i32
        %mul3A_318 = arith.constant 16 : i32
        %mul3A_319 = arith.muli %add3A_317, %mul3A_318 : i32
        %get3A_320 = arith.index_cast %mul3A_319 : i32 to index
        %get3A_321 = tpu.vector_load %arg8[%get3A_320] {strides = array<i32>} : memref<8192xi32, #tpu.memory_space<vmem>>, vector<16xi32>,
        %mul3A_322 = arith.constant 16 : i32
        %mul3A_323 = arith.muli %add3A_317, %mul3A_322 : i32
        %get3A_324 = arith.index_cast %mul3A_323 : i32 to index
        %get3A_325 = tpu.vector_load %arg9[%get3A_324] {strides = array<i32>} : memref<8192xi32, #tpu.memory_space<vmem>>, vector<16xi32>,
        %mul3A_326 = arith.constant 16 : i32
        %mul3A_327 = arith.muli %add3A_317, %mul3A_326 : i32
        %get3A_328 = arith.index_cast %mul3A_327 : i32 to index
        %get3A_329 = tpu.vector_load %arg10[%get3A_328] {strides = array<i32>} : memref<8192xi32, #tpu.memory_space<vmem>>, vector<16xi32>,
        %gather3A_330 = tpu.vector_load_idx %arg7[%get3A_321] : memref<65536xi32, #tpu.memory_space<vmem>>[vector<16xi32>], vector<16xi32>,
        %and3A_331 = arith.constant 15 : i32
        %and3A_332 = vector.broadcast %and3A_331 : i32 to vector<16xi32>
        %and3A_333 = arith.andi %get3A_329, %and3A_332 : vector<16xi32>
        %lt3A_334 = arith.constant 0 : i32
        %lt3A_335 = vector.broadcast %lt3A_334 : i32 to vector<16xi32>
        %lt3A_336 = arith.cmpi slt, %and3A_333, %lt3A_335 : vector<16xi32>
        %add3A_337 = arith.constant 16 : i32
        %add3A_338 = vector.broadcast %add3A_337 : i32 to vector<16xi32>
        %add3A_339 = arith.addi %and3A_333, %add3A_338 : vector<16xi32>
        %select_n3A_340 = arith.select %lt3A_336, %add3A_339, %and3A_333 : vector<16xi1>, vector<16xi32>
        %broadcast_in_dim3A_341 = vector.shape_cast %select_n3A_340 : vector<16xi32> to vector<16x1xi32>
        %gather3A_342 = vector.shape_cast %broadcast_in_dim3A_341 : vector<16x1xi32> to vector<16xi32>
        %gather3A_343 = tpu.dynamic_gather %gather3A_330[%gather3A_342] in [0] : vector<16xi32>, vector<16xi32> -> vector<16xi32>
        %lt3A_344 = arith.constant 256 : i32
        %lt3A_345 = vector.broadcast %lt3A_344 : i32 to vector<16xi32>
        %lt3A_346 = arith.cmpi slt, %get3A_329, %lt3A_345 : vector<16xi32>
        tpu.vector_store_idx %arg7[%get3A_325], %gather3A_343 masked %lt3A_346 : memref<65536xi32, #tpu.memory_space<vmem>>[vector<16xi32>], vector<16xi32>, vector<16xi1>
        %mul3A_347 = arith.constant 8 : i32
        %mul3A_348 = arith.muli %scan3A_119, %mul3A_347 : i32
        %add3A_349 = arith.constant 7 : i32
        %add3A_350 = arith.addi %mul3A_348, %add3A_349 : i32
        %mul3A_351 = arith.constant 16 : i32
        %mul3A_352 = arith.muli %add3A_350, %mul3A_351 : i32
        %get3A_353 = arith.index_cast %mul3A_352 : i32 to index
        %get3A_354 = tpu.vector_load %arg8[%get3A_353] {strides = array<i32>} : memref<8192xi32, #tpu.memory_space<vmem>>, vector<16xi32>,
        %mul3A_355 = arith.constant 16 : i32
        %mul3A_356 = arith.muli %add3A_350, %mul3A_355 : i32
        %get3A_357 = arith.index_cast %mul3A_356 : i32 to index
        %get3A_358 = tpu.vector_load %arg9[%get3A_357] {strides = array<i32>} : memref<8192xi32, #tpu.memory_space<vmem>>, vector<16xi32>,
        %mul3A_359 = arith.constant 16 : i32
        %mul3A_360 = arith.muli %add3A_350, %mul3A_359 : i32
        %get3A_361 = arith.index_cast %mul3A_360 : i32 to index
        %get3A_362 = tpu.vector_load %arg10[%get3A_361] {strides = array<i32>} : memref<8192xi32, #tpu.memory_space<vmem>>, vector<16xi32>,
        %gather3A_363 = tpu.vector_load_idx %arg7[%get3A_354] : memref<65536xi32, #tpu.memory_space<vmem>>[vector<16xi32>], vector<16xi32>,
        %and3A_364 = arith.constant 15 : i32
        %and3A_365 = vector.broadcast %and3A_364 : i32 to vector<16xi32>
        %and3A_366 = arith.andi %get3A_362, %and3A_365 : vector<16xi32>
        %lt3A_367 = arith.constant 0 : i32
        %lt3A_368 = vector.broadcast %lt3A_367 : i32 to vector<16xi32>
        %lt3A_369 = arith.cmpi slt, %and3A_366, %lt3A_368 : vector<16xi32>
        %add3A_370 = arith.constant 16 : i32
        %add3A_371 = vector.broadcast %add3A_370 : i32 to vector<16xi32>
        %add3A_372 = arith.addi %and3A_366, %add3A_371 : vector<16xi32>
        %select_n3A_373 = arith.select %lt3A_369, %add3A_372, %and3A_366 : vector<16xi1>, vector<16xi32>
        %broadcast_in_dim3A_374 = vector.shape_cast %select_n3A_373 : vector<16xi32> to vector<16x1xi32>
        %gather3A_375 = vector.shape_cast %broadcast_in_dim3A_374 : vector<16x1xi32> to vector<16xi32>
        %gather3A_376 = tpu.dynamic_gather %gather3A_363[%gather3A_375] in [0] : vector<16xi32>, vector<16xi32> -> vector<16xi32>
        %lt3A_377 = arith.constant 256 : i32
        %lt3A_378 = vector.broadcast %lt3A_377 : i32 to vector<16xi32>
        %lt3A_379 = arith.cmpi slt, %get3A_362, %lt3A_378 : vector<16xi32>
        tpu.vector_store_idx %arg7[%get3A_358], %gather3A_376 masked %lt3A_379 : memref<65536xi32, #tpu.memory_space<vmem>>[vector<16xi32>], vector<16xi32>, vector<16xi1>
        %scan3A_380 = arith.constant 0 : i32
        scf.yield %scan3A_380 : i32
      }
      %scan3A_83 = arith.constant 64 : i32
      %mul3A_84 = arith.constant 32768 : i32
      %mul3A_85 = arith.muli %add3A, %mul3A_84 : i32
      %add3A_86 = arith.constant 8192 : i32
      %add3A_87 = arith.addi %mul3A_85, %add3A_86 : i32
      "tpu.region"() ({
        %run_scoped3A = tpu.sem_alloc : memref<!tpu.dma_semaphore, #tpu.memory_space<semaphore_mem>>
        %dma_start3A = tpu.memref_slice %arg3[%add3A_87] : memref<131072xi32, #tpu.memory_space<hbm>> -> memref<8192xi32, #tpu.memory_space<hbm>>
        %dma_start3A_119 = tpu.memref_slice %arg3[%add3A_87] : memref<131072xi32, #tpu.memory_space<hbm>> -> memref<8192xi32, #tpu.memory_space<hbm>>
        tpu.enqueue_dma source(%dma_start3A_119 : memref<8192xi32, #tpu.memory_space<hbm>>) target(%arg8 : memref<8192xi32, #tpu.memory_space<vmem>>) target_semaphore(%run_scoped3A : memref<!tpu.dma_semaphore, #tpu.memory_space<semaphore_mem>>)
        %dma_wait3A = tpu.memref_slice %arg3[%add3A_87] : memref<131072xi32, #tpu.memory_space<hbm>> -> memref<8192xi32, #tpu.memory_space<hbm>>
        %dma_wait3A_120 = tpu.memref_slice %arg3[%add3A_87] : memref<131072xi32, #tpu.memory_space<hbm>> -> memref<8192xi32, #tpu.memory_space<hbm>>
        tpu.wait_dma2 semaphore(%run_scoped3A : memref<!tpu.dma_semaphore, #tpu.memory_space<semaphore_mem>>) src(%dma_wait3A_120 : memref<8192xi32, #tpu.memory_space<hbm>>) dst(%arg8 : memref<8192xi32, #tpu.memory_space<vmem>>)
        tpu.yield
      }) : () -> ()
      "tpu.region"() ({
        %run_scoped3A = tpu.sem_alloc : memref<!tpu.dma_semaphore, #tpu.memory_space<semaphore_mem>>
        %dma_start3A = tpu.memref_slice %arg4[%add3A_87] : memref<131072xi32, #tpu.memory_space<hbm>> -> memref<8192xi32, #tpu.memory_space<hbm>>
        %dma_start3A_119 = tpu.memref_slice %arg4[%add3A_87] : memref<131072xi32, #tpu.memory_space<hbm>> -> memref<8192xi32, #tpu.memory_space<hbm>>
        tpu.enqueue_dma source(%dma_start3A_119 : memref<8192xi32, #tpu.memory_space<hbm>>) target(%arg9 : memref<8192xi32, #tpu.memory_space<vmem>>) target_semaphore(%run_scoped3A : memref<!tpu.dma_semaphore, #tpu.memory_space<semaphore_mem>>)
        %dma_wait3A = tpu.memref_slice %arg4[%add3A_87] : memref<131072xi32, #tpu.memory_space<hbm>> -> memref<8192xi32, #tpu.memory_space<hbm>>
        %dma_wait3A_120 = tpu.memref_slice %arg4[%add3A_87] : memref<131072xi32, #tpu.memory_space<hbm>> -> memref<8192xi32, #tpu.memory_space<hbm>>
        tpu.wait_dma2 semaphore(%run_scoped3A : memref<!tpu.dma_semaphore, #tpu.memory_space<semaphore_mem>>) src(%dma_wait3A_120 : memref<8192xi32, #tpu.memory_space<hbm>>) dst(%arg9 : memref<8192xi32, #tpu.memory_space<vmem>>)
        tpu.yield
      }) : () -> ()
      "tpu.region"() ({
        %run_scoped3A = tpu.sem_alloc : memref<!tpu.dma_semaphore, #tpu.memory_space<semaphore_mem>>
        %dma_start3A = tpu.memref_slice %arg5[%add3A_87] : memref<131072xi32, #tpu.memory_space<hbm>> -> memref<8192xi32, #tpu.memory_space<hbm>>
        %dma_start3A_119 = tpu.memref_slice %arg5[%add3A_87] : memref<131072xi32, #tpu.memory_space<hbm>> -> memref<8192xi32, #tpu.memory_space<hbm>>
        tpu.enqueue_dma source(%dma_start3A_119 : memref<8192xi32, #tpu.memory_space<hbm>>) target(%arg10 : memref<8192xi32, #tpu.memory_space<vmem>>) target_semaphore(%run_scoped3A : memref<!tpu.dma_semaphore, #tpu.memory_space<semaphore_mem>>)
        %dma_wait3A = tpu.memref_slice %arg5[%add3A_87] : memref<131072xi32, #tpu.memory_space<hbm>> -> memref<8192xi32, #tpu.memory_space<hbm>>
        %dma_wait3A_120 = tpu.memref_slice %arg5[%add3A_87] : memref<131072xi32, #tpu.memory_space<hbm>> -> memref<8192xi32, #tpu.memory_space<hbm>>
        tpu.wait_dma2 semaphore(%run_scoped3A : memref<!tpu.dma_semaphore, #tpu.memory_space<semaphore_mem>>) src(%dma_wait3A_120 : memref<8192xi32, #tpu.memory_space<hbm>>) dst(%arg10 : memref<8192xi32, #tpu.memory_space<vmem>>)
        tpu.yield
      }) : () -> ()
      %scan3A_88 = arith.constant 0 : i32
      %scan3A_89 = arith.constant 0 : i32
      %scan3A_90 = arith.constant 64 : i32
      %scan3A_91 = arith.addi %scan3A_89, %scan3A_90 : i32
      %scan3A_92 = arith.constant 1 : i32
      %scan3A_93 = scf.for %scan3A_119 = %scan3A_89 to %scan3A_91 step %scan3A_92 iter_args(%scan3A_120 = %scan3A_88) -> (i32)  : i32 {
        %mul3A_121 = arith.constant 8 : i32
        %mul3A_122 = arith.muli %scan3A_119, %mul3A_121 : i32
        %add3A_123 = arith.constant 0 : i32
        %add3A_124 = arith.addi %mul3A_122, %add3A_123 : i32
        %mul3A_125 = arith.constant 16 : i32
        %mul3A_126 = arith.muli %add3A_124, %mul3A_125 : i32
        %get3A = arith.index_cast %mul3A_126 : i32 to index
        %get3A_127 = tpu.vector_load %arg8[%get3A] {strides = array<i32>} : memref<8192xi32, #tpu.memory_space<vmem>>, vector<16xi32>,
        %mul3A_128 = arith.constant 16 : i32
        %mul3A_129 = arith.muli %add3A_124, %mul3A_128 : i32
        %get3A_130 = arith.index_cast %mul3A_129 : i32 to index
        %get3A_131 = tpu.vector_load %arg9[%get3A_130] {strides = array<i32>} : memref<8192xi32, #tpu.memory_space<vmem>>, vector<16xi32>,
        %mul3A_132 = arith.constant 16 : i32
        %mul3A_133 = arith.muli %add3A_124, %mul3A_132 : i32
        %get3A_134 = arith.index_cast %mul3A_133 : i32 to index
        %get3A_135 = tpu.vector_load %arg10[%get3A_134] {strides = array<i32>} : memref<8192xi32, #tpu.memory_space<vmem>>, vector<16xi32>,
        %gather3A = tpu.vector_load_idx %arg7[%get3A_127] : memref<65536xi32, #tpu.memory_space<vmem>>[vector<16xi32>], vector<16xi32>,
        %and3A = arith.constant 15 : i32
        %and3A_136 = vector.broadcast %and3A : i32 to vector<16xi32>
        %and3A_137 = arith.andi %get3A_135, %and3A_136 : vector<16xi32>
        %lt3A_138 = arith.constant 0 : i32
        %lt3A_139 = vector.broadcast %lt3A_138 : i32 to vector<16xi32>
        %lt3A_140 = arith.cmpi slt, %and3A_137, %lt3A_139 : vector<16xi32>
        %add3A_141 = arith.constant 16 : i32
        %add3A_142 = vector.broadcast %add3A_141 : i32 to vector<16xi32>
        %add3A_143 = arith.addi %and3A_137, %add3A_142 : vector<16xi32>
        %select_n3A = arith.select %lt3A_140, %add3A_143, %and3A_137 : vector<16xi1>, vector<16xi32>
        %broadcast_in_dim3A = vector.shape_cast %select_n3A : vector<16xi32> to vector<16x1xi32>
        %gather3A_144 = vector.shape_cast %broadcast_in_dim3A : vector<16x1xi32> to vector<16xi32>
        %gather3A_145 = tpu.dynamic_gather %gather3A[%gather3A_144] in [0] : vector<16xi32>, vector<16xi32> -> vector<16xi32>
        %lt3A_146 = arith.constant 256 : i32
        %lt3A_147 = vector.broadcast %lt3A_146 : i32 to vector<16xi32>
        %lt3A_148 = arith.cmpi slt, %get3A_135, %lt3A_147 : vector<16xi32>
        tpu.vector_store_idx %arg7[%get3A_131], %gather3A_145 masked %lt3A_148 : memref<65536xi32, #tpu.memory_space<vmem>>[vector<16xi32>], vector<16xi32>, vector<16xi1>
        %mul3A_149 = arith.constant 8 : i32
        %mul3A_150 = arith.muli %scan3A_119, %mul3A_149 : i32
        %add3A_151 = arith.constant 1 : i32
        %add3A_152 = arith.addi %mul3A_150, %add3A_151 : i32
        %mul3A_153 = arith.constant 16 : i32
        %mul3A_154 = arith.muli %add3A_152, %mul3A_153 : i32
        %get3A_155 = arith.index_cast %mul3A_154 : i32 to index
        %get3A_156 = tpu.vector_load %arg8[%get3A_155] {strides = array<i32>} : memref<8192xi32, #tpu.memory_space<vmem>>, vector<16xi32>,
        %mul3A_157 = arith.constant 16 : i32
        %mul3A_158 = arith.muli %add3A_152, %mul3A_157 : i32
        %get3A_159 = arith.index_cast %mul3A_158 : i32 to index
        %get3A_160 = tpu.vector_load %arg9[%get3A_159] {strides = array<i32>} : memref<8192xi32, #tpu.memory_space<vmem>>, vector<16xi32>,
        %mul3A_161 = arith.constant 16 : i32
        %mul3A_162 = arith.muli %add3A_152, %mul3A_161 : i32
        %get3A_163 = arith.index_cast %mul3A_162 : i32 to index
        %get3A_164 = tpu.vector_load %arg10[%get3A_163] {strides = array<i32>} : memref<8192xi32, #tpu.memory_space<vmem>>, vector<16xi32>,
        %gather3A_165 = tpu.vector_load_idx %arg7[%get3A_156] : memref<65536xi32, #tpu.memory_space<vmem>>[vector<16xi32>], vector<16xi32>,
        %and3A_166 = arith.constant 15 : i32
        %and3A_167 = vector.broadcast %and3A_166 : i32 to vector<16xi32>
        %and3A_168 = arith.andi %get3A_164, %and3A_167 : vector<16xi32>
        %lt3A_169 = arith.constant 0 : i32
        %lt3A_170 = vector.broadcast %lt3A_169 : i32 to vector<16xi32>
        %lt3A_171 = arith.cmpi slt, %and3A_168, %lt3A_170 : vector<16xi32>
        %add3A_172 = arith.constant 16 : i32
        %add3A_173 = vector.broadcast %add3A_172 : i32 to vector<16xi32>
        %add3A_174 = arith.addi %and3A_168, %add3A_173 : vector<16xi32>
        %select_n3A_175 = arith.select %lt3A_171, %add3A_174, %and3A_168 : vector<16xi1>, vector<16xi32>
        %broadcast_in_dim3A_176 = vector.shape_cast %select_n3A_175 : vector<16xi32> to vector<16x1xi32>
        %gather3A_177 = vector.shape_cast %broadcast_in_dim3A_176 : vector<16x1xi32> to vector<16xi32>
        %gather3A_178 = tpu.dynamic_gather %gather3A_165[%gather3A_177] in [0] : vector<16xi32>, vector<16xi32> -> vector<16xi32>
        %lt3A_179 = arith.constant 256 : i32
        %lt3A_180 = vector.broadcast %lt3A_179 : i32 to vector<16xi32>
        %lt3A_181 = arith.cmpi slt, %get3A_164, %lt3A_180 : vector<16xi32>
        tpu.vector_store_idx %arg7[%get3A_160], %gather3A_178 masked %lt3A_181 : memref<65536xi32, #tpu.memory_space<vmem>>[vector<16xi32>], vector<16xi32>, vector<16xi1>
        %mul3A_182 = arith.constant 8 : i32
        %mul3A_183 = arith.muli %scan3A_119, %mul3A_182 : i32
        %add3A_184 = arith.constant 2 : i32
        %add3A_185 = arith.addi %mul3A_183, %add3A_184 : i32
        %mul3A_186 = arith.constant 16 : i32
        %mul3A_187 = arith.muli %add3A_185, %mul3A_186 : i32
        %get3A_188 = arith.index_cast %mul3A_187 : i32 to index
        %get3A_189 = tpu.vector_load %arg8[%get3A_188] {strides = array<i32>} : memref<8192xi32, #tpu.memory_space<vmem>>, vector<16xi32>,
        %mul3A_190 = arith.constant 16 : i32
        %mul3A_191 = arith.muli %add3A_185, %mul3A_190 : i32
        %get3A_192 = arith.index_cast %mul3A_191 : i32 to index
        %get3A_193 = tpu.vector_load %arg9[%get3A_192] {strides = array<i32>} : memref<8192xi32, #tpu.memory_space<vmem>>, vector<16xi32>,
        %mul3A_194 = arith.constant 16 : i32
        %mul3A_195 = arith.muli %add3A_185, %mul3A_194 : i32
        %get3A_196 = arith.index_cast %mul3A_195 : i32 to index
        %get3A_197 = tpu.vector_load %arg10[%get3A_196] {strides = array<i32>} : memref<8192xi32, #tpu.memory_space<vmem>>, vector<16xi32>,
        %gather3A_198 = tpu.vector_load_idx %arg7[%get3A_189] : memref<65536xi32, #tpu.memory_space<vmem>>[vector<16xi32>], vector<16xi32>,
        %and3A_199 = arith.constant 15 : i32
        %and3A_200 = vector.broadcast %and3A_199 : i32 to vector<16xi32>
        %and3A_201 = arith.andi %get3A_197, %and3A_200 : vector<16xi32>
        %lt3A_202 = arith.constant 0 : i32
        %lt3A_203 = vector.broadcast %lt3A_202 : i32 to vector<16xi32>
        %lt3A_204 = arith.cmpi slt, %and3A_201, %lt3A_203 : vector<16xi32>
        %add3A_205 = arith.constant 16 : i32
        %add3A_206 = vector.broadcast %add3A_205 : i32 to vector<16xi32>
        %add3A_207 = arith.addi %and3A_201, %add3A_206 : vector<16xi32>
        %select_n3A_208 = arith.select %lt3A_204, %add3A_207, %and3A_201 : vector<16xi1>, vector<16xi32>
        %broadcast_in_dim3A_209 = vector.shape_cast %select_n3A_208 : vector<16xi32> to vector<16x1xi32>
        %gather3A_210 = vector.shape_cast %broadcast_in_dim3A_209 : vector<16x1xi32> to vector<16xi32>
        %gather3A_211 = tpu.dynamic_gather %gather3A_198[%gather3A_210] in [0] : vector<16xi32>, vector<16xi32> -> vector<16xi32>
        %lt3A_212 = arith.constant 256 : i32
        %lt3A_213 = vector.broadcast %lt3A_212 : i32 to vector<16xi32>
        %lt3A_214 = arith.cmpi slt, %get3A_197, %lt3A_213 : vector<16xi32>
        tpu.vector_store_idx %arg7[%get3A_193], %gather3A_211 masked %lt3A_214 : memref<65536xi32, #tpu.memory_space<vmem>>[vector<16xi32>], vector<16xi32>, vector<16xi1>
        %mul3A_215 = arith.constant 8 : i32
        %mul3A_216 = arith.muli %scan3A_119, %mul3A_215 : i32
        %add3A_217 = arith.constant 3 : i32
        %add3A_218 = arith.addi %mul3A_216, %add3A_217 : i32
        %mul3A_219 = arith.constant 16 : i32
        %mul3A_220 = arith.muli %add3A_218, %mul3A_219 : i32
        %get3A_221 = arith.index_cast %mul3A_220 : i32 to index
        %get3A_222 = tpu.vector_load %arg8[%get3A_221] {strides = array<i32>} : memref<8192xi32, #tpu.memory_space<vmem>>, vector<16xi32>,
        %mul3A_223 = arith.constant 16 : i32
        %mul3A_224 = arith.muli %add3A_218, %mul3A_223 : i32
        %get3A_225 = arith.index_cast %mul3A_224 : i32 to index
        %get3A_226 = tpu.vector_load %arg9[%get3A_225] {strides = array<i32>} : memref<8192xi32, #tpu.memory_space<vmem>>, vector<16xi32>,
        %mul3A_227 = arith.constant 16 : i32
        %mul3A_228 = arith.muli %add3A_218, %mul3A_227 : i32
        %get3A_229 = arith.index_cast %mul3A_228 : i32 to index
        %get3A_230 = tpu.vector_load %arg10[%get3A_229] {strides = array<i32>} : memref<8192xi32, #tpu.memory_space<vmem>>, vector<16xi32>,
        %gather3A_231 = tpu.vector_load_idx %arg7[%get3A_222] : memref<65536xi32, #tpu.memory_space<vmem>>[vector<16xi32>], vector<16xi32>,
        %and3A_232 = arith.constant 15 : i32
        %and3A_233 = vector.broadcast %and3A_232 : i32 to vector<16xi32>
        %and3A_234 = arith.andi %get3A_230, %and3A_233 : vector<16xi32>
        %lt3A_235 = arith.constant 0 : i32
        %lt3A_236 = vector.broadcast %lt3A_235 : i32 to vector<16xi32>
        %lt3A_237 = arith.cmpi slt, %and3A_234, %lt3A_236 : vector<16xi32>
        %add3A_238 = arith.constant 16 : i32
        %add3A_239 = vector.broadcast %add3A_238 : i32 to vector<16xi32>
        %add3A_240 = arith.addi %and3A_234, %add3A_239 : vector<16xi32>
        %select_n3A_241 = arith.select %lt3A_237, %add3A_240, %and3A_234 : vector<16xi1>, vector<16xi32>
        %broadcast_in_dim3A_242 = vector.shape_cast %select_n3A_241 : vector<16xi32> to vector<16x1xi32>
        %gather3A_243 = vector.shape_cast %broadcast_in_dim3A_242 : vector<16x1xi32> to vector<16xi32>
        %gather3A_244 = tpu.dynamic_gather %gather3A_231[%gather3A_243] in [0] : vector<16xi32>, vector<16xi32> -> vector<16xi32>
        %lt3A_245 = arith.constant 256 : i32
        %lt3A_246 = vector.broadcast %lt3A_245 : i32 to vector<16xi32>
        %lt3A_247 = arith.cmpi slt, %get3A_230, %lt3A_246 : vector<16xi32>
        tpu.vector_store_idx %arg7[%get3A_226], %gather3A_244 masked %lt3A_247 : memref<65536xi32, #tpu.memory_space<vmem>>[vector<16xi32>], vector<16xi32>, vector<16xi1>
        %mul3A_248 = arith.constant 8 : i32
        %mul3A_249 = arith.muli %scan3A_119, %mul3A_248 : i32
        %add3A_250 = arith.constant 4 : i32
        %add3A_251 = arith.addi %mul3A_249, %add3A_250 : i32
        %mul3A_252 = arith.constant 16 : i32
        %mul3A_253 = arith.muli %add3A_251, %mul3A_252 : i32
        %get3A_254 = arith.index_cast %mul3A_253 : i32 to index
        %get3A_255 = tpu.vector_load %arg8[%get3A_254] {strides = array<i32>} : memref<8192xi32, #tpu.memory_space<vmem>>, vector<16xi32>,
        %mul3A_256 = arith.constant 16 : i32
        %mul3A_257 = arith.muli %add3A_251, %mul3A_256 : i32
        %get3A_258 = arith.index_cast %mul3A_257 : i32 to index
        %get3A_259 = tpu.vector_load %arg9[%get3A_258] {strides = array<i32>} : memref<8192xi32, #tpu.memory_space<vmem>>, vector<16xi32>,
        %mul3A_260 = arith.constant 16 : i32
        %mul3A_261 = arith.muli %add3A_251, %mul3A_260 : i32
        %get3A_262 = arith.index_cast %mul3A_261 : i32 to index
        %get3A_263 = tpu.vector_load %arg10[%get3A_262] {strides = array<i32>} : memref<8192xi32, #tpu.memory_space<vmem>>, vector<16xi32>,
        %gather3A_264 = tpu.vector_load_idx %arg7[%get3A_255] : memref<65536xi32, #tpu.memory_space<vmem>>[vector<16xi32>], vector<16xi32>,
        %and3A_265 = arith.constant 15 : i32
        %and3A_266 = vector.broadcast %and3A_265 : i32 to vector<16xi32>
        %and3A_267 = arith.andi %get3A_263, %and3A_266 : vector<16xi32>
        %lt3A_268 = arith.constant 0 : i32
        %lt3A_269 = vector.broadcast %lt3A_268 : i32 to vector<16xi32>
        %lt3A_270 = arith.cmpi slt, %and3A_267, %lt3A_269 : vector<16xi32>
        %add3A_271 = arith.constant 16 : i32
        %add3A_272 = vector.broadcast %add3A_271 : i32 to vector<16xi32>
        %add3A_273 = arith.addi %and3A_267, %add3A_272 : vector<16xi32>
        %select_n3A_274 = arith.select %lt3A_270, %add3A_273, %and3A_267 : vector<16xi1>, vector<16xi32>
        %broadcast_in_dim3A_275 = vector.shape_cast %select_n3A_274 : vector<16xi32> to vector<16x1xi32>
        %gather3A_276 = vector.shape_cast %broadcast_in_dim3A_275 : vector<16x1xi32> to vector<16xi32>
        %gather3A_277 = tpu.dynamic_gather %gather3A_264[%gather3A_276] in [0] : vector<16xi32>, vector<16xi32> -> vector<16xi32>
        %lt3A_278 = arith.constant 256 : i32
        %lt3A_279 = vector.broadcast %lt3A_278 : i32 to vector<16xi32>
        %lt3A_280 = arith.cmpi slt, %get3A_263, %lt3A_279 : vector<16xi32>
        tpu.vector_store_idx %arg7[%get3A_259], %gather3A_277 masked %lt3A_280 : memref<65536xi32, #tpu.memory_space<vmem>>[vector<16xi32>], vector<16xi32>, vector<16xi1>
        %mul3A_281 = arith.constant 8 : i32
        %mul3A_282 = arith.muli %scan3A_119, %mul3A_281 : i32
        %add3A_283 = arith.constant 5 : i32
        %add3A_284 = arith.addi %mul3A_282, %add3A_283 : i32
        %mul3A_285 = arith.constant 16 : i32
        %mul3A_286 = arith.muli %add3A_284, %mul3A_285 : i32
        %get3A_287 = arith.index_cast %mul3A_286 : i32 to index
        %get3A_288 = tpu.vector_load %arg8[%get3A_287] {strides = array<i32>} : memref<8192xi32, #tpu.memory_space<vmem>>, vector<16xi32>,
        %mul3A_289 = arith.constant 16 : i32
        %mul3A_290 = arith.muli %add3A_284, %mul3A_289 : i32
        %get3A_291 = arith.index_cast %mul3A_290 : i32 to index
        %get3A_292 = tpu.vector_load %arg9[%get3A_291] {strides = array<i32>} : memref<8192xi32, #tpu.memory_space<vmem>>, vector<16xi32>,
        %mul3A_293 = arith.constant 16 : i32
        %mul3A_294 = arith.muli %add3A_284, %mul3A_293 : i32
        %get3A_295 = arith.index_cast %mul3A_294 : i32 to index
        %get3A_296 = tpu.vector_load %arg10[%get3A_295] {strides = array<i32>} : memref<8192xi32, #tpu.memory_space<vmem>>, vector<16xi32>,
        %gather3A_297 = tpu.vector_load_idx %arg7[%get3A_288] : memref<65536xi32, #tpu.memory_space<vmem>>[vector<16xi32>], vector<16xi32>,
        %and3A_298 = arith.constant 15 : i32
        %and3A_299 = vector.broadcast %and3A_298 : i32 to vector<16xi32>
        %and3A_300 = arith.andi %get3A_296, %and3A_299 : vector<16xi32>
        %lt3A_301 = arith.constant 0 : i32
        %lt3A_302 = vector.broadcast %lt3A_301 : i32 to vector<16xi32>
        %lt3A_303 = arith.cmpi slt, %and3A_300, %lt3A_302 : vector<16xi32>
        %add3A_304 = arith.constant 16 : i32
        %add3A_305 = vector.broadcast %add3A_304 : i32 to vector<16xi32>
        %add3A_306 = arith.addi %and3A_300, %add3A_305 : vector<16xi32>
        %select_n3A_307 = arith.select %lt3A_303, %add3A_306, %and3A_300 : vector<16xi1>, vector<16xi32>
        %broadcast_in_dim3A_308 = vector.shape_cast %select_n3A_307 : vector<16xi32> to vector<16x1xi32>
        %gather3A_309 = vector.shape_cast %broadcast_in_dim3A_308 : vector<16x1xi32> to vector<16xi32>
        %gather3A_310 = tpu.dynamic_gather %gather3A_297[%gather3A_309] in [0] : vector<16xi32>, vector<16xi32> -> vector<16xi32>
        %lt3A_311 = arith.constant 256 : i32
        %lt3A_312 = vector.broadcast %lt3A_311 : i32 to vector<16xi32>
        %lt3A_313 = arith.cmpi slt, %get3A_296, %lt3A_312 : vector<16xi32>
        tpu.vector_store_idx %arg7[%get3A_292], %gather3A_310 masked %lt3A_313 : memref<65536xi32, #tpu.memory_space<vmem>>[vector<16xi32>], vector<16xi32>, vector<16xi1>
        %mul3A_314 = arith.constant 8 : i32
        %mul3A_315 = arith.muli %scan3A_119, %mul3A_314 : i32
        %add3A_316 = arith.constant 6 : i32
        %add3A_317 = arith.addi %mul3A_315, %add3A_316 : i32
        %mul3A_318 = arith.constant 16 : i32
        %mul3A_319 = arith.muli %add3A_317, %mul3A_318 : i32
        %get3A_320 = arith.index_cast %mul3A_319 : i32 to index
        %get3A_321 = tpu.vector_load %arg8[%get3A_320] {strides = array<i32>} : memref<8192xi32, #tpu.memory_space<vmem>>, vector<16xi32>,
        %mul3A_322 = arith.constant 16 : i32
        %mul3A_323 = arith.muli %add3A_317, %mul3A_322 : i32
        %get3A_324 = arith.index_cast %mul3A_323 : i32 to index
        %get3A_325 = tpu.vector_load %arg9[%get3A_324] {strides = array<i32>} : memref<8192xi32, #tpu.memory_space<vmem>>, vector<16xi32>,
        %mul3A_326 = arith.constant 16 : i32
        %mul3A_327 = arith.muli %add3A_317, %mul3A_326 : i32
        %get3A_328 = arith.index_cast %mul3A_327 : i32 to index
        %get3A_329 = tpu.vector_load %arg10[%get3A_328] {strides = array<i32>} : memref<8192xi32, #tpu.memory_space<vmem>>, vector<16xi32>,
        %gather3A_330 = tpu.vector_load_idx %arg7[%get3A_321] : memref<65536xi32, #tpu.memory_space<vmem>>[vector<16xi32>], vector<16xi32>,
        %and3A_331 = arith.constant 15 : i32
        %and3A_332 = vector.broadcast %and3A_331 : i32 to vector<16xi32>
        %and3A_333 = arith.andi %get3A_329, %and3A_332 : vector<16xi32>
        %lt3A_334 = arith.constant 0 : i32
        %lt3A_335 = vector.broadcast %lt3A_334 : i32 to vector<16xi32>
        %lt3A_336 = arith.cmpi slt, %and3A_333, %lt3A_335 : vector<16xi32>
        %add3A_337 = arith.constant 16 : i32
        %add3A_338 = vector.broadcast %add3A_337 : i32 to vector<16xi32>
        %add3A_339 = arith.addi %and3A_333, %add3A_338 : vector<16xi32>
        %select_n3A_340 = arith.select %lt3A_336, %add3A_339, %and3A_333 : vector<16xi1>, vector<16xi32>
        %broadcast_in_dim3A_341 = vector.shape_cast %select_n3A_340 : vector<16xi32> to vector<16x1xi32>
        %gather3A_342 = vector.shape_cast %broadcast_in_dim3A_341 : vector<16x1xi32> to vector<16xi32>
        %gather3A_343 = tpu.dynamic_gather %gather3A_330[%gather3A_342] in [0] : vector<16xi32>, vector<16xi32> -> vector<16xi32>
        %lt3A_344 = arith.constant 256 : i32
        %lt3A_345 = vector.broadcast %lt3A_344 : i32 to vector<16xi32>
        %lt3A_346 = arith.cmpi slt, %get3A_329, %lt3A_345 : vector<16xi32>
        tpu.vector_store_idx %arg7[%get3A_325], %gather3A_343 masked %lt3A_346 : memref<65536xi32, #tpu.memory_space<vmem>>[vector<16xi32>], vector<16xi32>, vector<16xi1>
        %mul3A_347 = arith.constant 8 : i32
        %mul3A_348 = arith.muli %scan3A_119, %mul3A_347 : i32
        %add3A_349 = arith.constant 7 : i32
        %add3A_350 = arith.addi %mul3A_348, %add3A_349 : i32
        %mul3A_351 = arith.constant 16 : i32
        %mul3A_352 = arith.muli %add3A_350, %mul3A_351 : i32
        %get3A_353 = arith.index_cast %mul3A_352 : i32 to index
        %get3A_354 = tpu.vector_load %arg8[%get3A_353] {strides = array<i32>} : memref<8192xi32, #tpu.memory_space<vmem>>, vector<16xi32>,
        %mul3A_355 = arith.constant 16 : i32
        %mul3A_356 = arith.muli %add3A_350, %mul3A_355 : i32
        %get3A_357 = arith.index_cast %mul3A_356 : i32 to index
        %get3A_358 = tpu.vector_load %arg9[%get3A_357] {strides = array<i32>} : memref<8192xi32, #tpu.memory_space<vmem>>, vector<16xi32>,
        %mul3A_359 = arith.constant 16 : i32
        %mul3A_360 = arith.muli %add3A_350, %mul3A_359 : i32
        %get3A_361 = arith.index_cast %mul3A_360 : i32 to index
        %get3A_362 = tpu.vector_load %arg10[%get3A_361] {strides = array<i32>} : memref<8192xi32, #tpu.memory_space<vmem>>, vector<16xi32>,
        %gather3A_363 = tpu.vector_load_idx %arg7[%get3A_354] : memref<65536xi32, #tpu.memory_space<vmem>>[vector<16xi32>], vector<16xi32>,
        %and3A_364 = arith.constant 15 : i32
        %and3A_365 = vector.broadcast %and3A_364 : i32 to vector<16xi32>
        %and3A_366 = arith.andi %get3A_362, %and3A_365 : vector<16xi32>
        %lt3A_367 = arith.constant 0 : i32
        %lt3A_368 = vector.broadcast %lt3A_367 : i32 to vector<16xi32>
        %lt3A_369 = arith.cmpi slt, %and3A_366, %lt3A_368 : vector<16xi32>
        %add3A_370 = arith.constant 16 : i32
        %add3A_371 = vector.broadcast %add3A_370 : i32 to vector<16xi32>
        %add3A_372 = arith.addi %and3A_366, %add3A_371 : vector<16xi32>
        %select_n3A_373 = arith.select %lt3A_369, %add3A_372, %and3A_366 : vector<16xi1>, vector<16xi32>
        %broadcast_in_dim3A_374 = vector.shape_cast %select_n3A_373 : vector<16xi32> to vector<16x1xi32>
        %gather3A_375 = vector.shape_cast %broadcast_in_dim3A_374 : vector<16x1xi32> to vector<16xi32>
        %gather3A_376 = tpu.dynamic_gather %gather3A_363[%gather3A_375] in [0] : vector<16xi32>, vector<16xi32> -> vector<16xi32>
        %lt3A_377 = arith.constant 256 : i32
        %lt3A_378 = vector.broadcast %lt3A_377 : i32 to vector<16xi32>
        %lt3A_379 = arith.cmpi slt, %get3A_362, %lt3A_378 : vector<16xi32>
        tpu.vector_store_idx %arg7[%get3A_358], %gather3A_376 masked %lt3A_379 : memref<65536xi32, #tpu.memory_space<vmem>>[vector<16xi32>], vector<16xi32>, vector<16xi1>
        %scan3A_380 = arith.constant 0 : i32
        scf.yield %scan3A_380 : i32
      }
      %scan3A_94 = arith.constant 64 : i32
      %mul3A_95 = arith.constant 32768 : i32
      %mul3A_96 = arith.muli %add3A, %mul3A_95 : i32
      %add3A_97 = arith.constant 16384 : i32
      %add3A_98 = arith.addi %mul3A_96, %add3A_97 : i32
      "tpu.region"() ({
        %run_scoped3A = tpu.sem_alloc : memref<!tpu.dma_semaphore, #tpu.memory_space<semaphore_mem>>
        %dma_start3A = tpu.memref_slice %arg3[%add3A_98] : memref<131072xi32, #tpu.memory_space<hbm>> -> memref<8192xi32, #tpu.memory_space<hbm>>
        %dma_start3A_119 = tpu.memref_slice %arg3[%add3A_98] : memref<131072xi32, #tpu.memory_space<hbm>> -> memref<8192xi32, #tpu.memory_space<hbm>>
        tpu.enqueue_dma source(%dma_start3A_119 : memref<8192xi32, #tpu.memory_space<hbm>>) target(%arg8 : memref<8192xi32, #tpu.memory_space<vmem>>) target_semaphore(%run_scoped3A : memref<!tpu.dma_semaphore, #tpu.memory_space<semaphore_mem>>)
        %dma_wait3A = tpu.memref_slice %arg3[%add3A_98] : memref<131072xi32, #tpu.memory_space<hbm>> -> memref<8192xi32, #tpu.memory_space<hbm>>
        %dma_wait3A_120 = tpu.memref_slice %arg3[%add3A_98] : memref<131072xi32, #tpu.memory_space<hbm>> -> memref<8192xi32, #tpu.memory_space<hbm>>
        tpu.wait_dma2 semaphore(%run_scoped3A : memref<!tpu.dma_semaphore, #tpu.memory_space<semaphore_mem>>) src(%dma_wait3A_120 : memref<8192xi32, #tpu.memory_space<hbm>>) dst(%arg8 : memref<8192xi32, #tpu.memory_space<vmem>>)
        tpu.yield
      }) : () -> ()
      "tpu.region"() ({
        %run_scoped3A = tpu.sem_alloc : memref<!tpu.dma_semaphore, #tpu.memory_space<semaphore_mem>>
        %dma_start3A = tpu.memref_slice %arg4[%add3A_98] : memref<131072xi32, #tpu.memory_space<hbm>> -> memref<8192xi32, #tpu.memory_space<hbm>>
        %dma_start3A_119 = tpu.memref_slice %arg4[%add3A_98] : memref<131072xi32, #tpu.memory_space<hbm>> -> memref<8192xi32, #tpu.memory_space<hbm>>
        tpu.enqueue_dma source(%dma_start3A_119 : memref<8192xi32, #tpu.memory_space<hbm>>) target(%arg9 : memref<8192xi32, #tpu.memory_space<vmem>>) target_semaphore(%run_scoped3A : memref<!tpu.dma_semaphore, #tpu.memory_space<semaphore_mem>>)
        %dma_wait3A = tpu.memref_slice %arg4[%add3A_98] : memref<131072xi32, #tpu.memory_space<hbm>> -> memref<8192xi32, #tpu.memory_space<hbm>>
        %dma_wait3A_120 = tpu.memref_slice %arg4[%add3A_98] : memref<131072xi32, #tpu.memory_space<hbm>> -> memref<8192xi32, #tpu.memory_space<hbm>>
        tpu.wait_dma2 semaphore(%run_scoped3A : memref<!tpu.dma_semaphore, #tpu.memory_space<semaphore_mem>>) src(%dma_wait3A_120 : memref<8192xi32, #tpu.memory_space<hbm>>) dst(%arg9 : memref<8192xi32, #tpu.memory_space<vmem>>)
        tpu.yield
      }) : () -> ()
      "tpu.region"() ({
        %run_scoped3A = tpu.sem_alloc : memref<!tpu.dma_semaphore, #tpu.memory_space<semaphore_mem>>
        %dma_start3A = tpu.memref_slice %arg5[%add3A_98] : memref<131072xi32, #tpu.memory_space<hbm>> -> memref<8192xi32, #tpu.memory_space<hbm>>
        %dma_start3A_119 = tpu.memref_slice %arg5[%add3A_98] : memref<131072xi32, #tpu.memory_space<hbm>> -> memref<8192xi32, #tpu.memory_space<hbm>>
        tpu.enqueue_dma source(%dma_start3A_119 : memref<8192xi32, #tpu.memory_space<hbm>>) target(%arg10 : memref<8192xi32, #tpu.memory_space<vmem>>) target_semaphore(%run_scoped3A : memref<!tpu.dma_semaphore, #tpu.memory_space<semaphore_mem>>)
        %dma_wait3A = tpu.memref_slice %arg5[%add3A_98] : memref<131072xi32, #tpu.memory_space<hbm>> -> memref<8192xi32, #tpu.memory_space<hbm>>
        %dma_wait3A_120 = tpu.memref_slice %arg5[%add3A_98] : memref<131072xi32, #tpu.memory_space<hbm>> -> memref<8192xi32, #tpu.memory_space<hbm>>
        tpu.wait_dma2 semaphore(%run_scoped3A : memref<!tpu.dma_semaphore, #tpu.memory_space<semaphore_mem>>) src(%dma_wait3A_120 : memref<8192xi32, #tpu.memory_space<hbm>>) dst(%arg10 : memref<8192xi32, #tpu.memory_space<vmem>>)
        tpu.yield
      }) : () -> ()
      %scan3A_99 = arith.constant 0 : i32
      %scan3A_100 = arith.constant 0 : i32
      %scan3A_101 = arith.constant 64 : i32
      %scan3A_102 = arith.addi %scan3A_100, %scan3A_101 : i32
      %scan3A_103 = arith.constant 1 : i32
      %scan3A_104 = scf.for %scan3A_119 = %scan3A_100 to %scan3A_102 step %scan3A_103 iter_args(%scan3A_120 = %scan3A_99) -> (i32)  : i32 {
        %mul3A_121 = arith.constant 8 : i32
        %mul3A_122 = arith.muli %scan3A_119, %mul3A_121 : i32
        %add3A_123 = arith.constant 0 : i32
        %add3A_124 = arith.addi %mul3A_122, %add3A_123 : i32
        %mul3A_125 = arith.constant 16 : i32
        %mul3A_126 = arith.muli %add3A_124, %mul3A_125 : i32
        %get3A = arith.index_cast %mul3A_126 : i32 to index
        %get3A_127 = tpu.vector_load %arg8[%get3A] {strides = array<i32>} : memref<8192xi32, #tpu.memory_space<vmem>>, vector<16xi32>,
        %mul3A_128 = arith.constant 16 : i32
        %mul3A_129 = arith.muli %add3A_124, %mul3A_128 : i32
        %get3A_130 = arith.index_cast %mul3A_129 : i32 to index
        %get3A_131 = tpu.vector_load %arg9[%get3A_130] {strides = array<i32>} : memref<8192xi32, #tpu.memory_space<vmem>>, vector<16xi32>,
        %mul3A_132 = arith.constant 16 : i32
        %mul3A_133 = arith.muli %add3A_124, %mul3A_132 : i32
        %get3A_134 = arith.index_cast %mul3A_133 : i32 to index
        %get3A_135 = tpu.vector_load %arg10[%get3A_134] {strides = array<i32>} : memref<8192xi32, #tpu.memory_space<vmem>>, vector<16xi32>,
        %gather3A = tpu.vector_load_idx %arg7[%get3A_127] : memref<65536xi32, #tpu.memory_space<vmem>>[vector<16xi32>], vector<16xi32>,
        %and3A = arith.constant 15 : i32
        %and3A_136 = vector.broadcast %and3A : i32 to vector<16xi32>
        %and3A_137 = arith.andi %get3A_135, %and3A_136 : vector<16xi32>
        %lt3A_138 = arith.constant 0 : i32
        %lt3A_139 = vector.broadcast %lt3A_138 : i32 to vector<16xi32>
        %lt3A_140 = arith.cmpi slt, %and3A_137, %lt3A_139 : vector<16xi32>
        %add3A_141 = arith.constant 16 : i32
        %add3A_142 = vector.broadcast %add3A_141 : i32 to vector<16xi32>
        %add3A_143 = arith.addi %and3A_137, %add3A_142 : vector<16xi32>
        %select_n3A = arith.select %lt3A_140, %add3A_143, %and3A_137 : vector<16xi1>, vector<16xi32>
        %broadcast_in_dim3A = vector.shape_cast %select_n3A : vector<16xi32> to vector<16x1xi32>
        %gather3A_144 = vector.shape_cast %broadcast_in_dim3A : vector<16x1xi32> to vector<16xi32>
        %gather3A_145 = tpu.dynamic_gather %gather3A[%gather3A_144] in [0] : vector<16xi32>, vector<16xi32> -> vector<16xi32>
        %lt3A_146 = arith.constant 256 : i32
        %lt3A_147 = vector.broadcast %lt3A_146 : i32 to vector<16xi32>
        %lt3A_148 = arith.cmpi slt, %get3A_135, %lt3A_147 : vector<16xi32>
        tpu.vector_store_idx %arg7[%get3A_131], %gather3A_145 masked %lt3A_148 : memref<65536xi32, #tpu.memory_space<vmem>>[vector<16xi32>], vector<16xi32>, vector<16xi1>
        %mul3A_149 = arith.constant 8 : i32
        %mul3A_150 = arith.muli %scan3A_119, %mul3A_149 : i32
        %add3A_151 = arith.constant 1 : i32
        %add3A_152 = arith.addi %mul3A_150, %add3A_151 : i32
        %mul3A_153 = arith.constant 16 : i32
        %mul3A_154 = arith.muli %add3A_152, %mul3A_153 : i32
        %get3A_155 = arith.index_cast %mul3A_154 : i32 to index
        %get3A_156 = tpu.vector_load %arg8[%get3A_155] {strides = array<i32>} : memref<8192xi32, #tpu.memory_space<vmem>>, vector<16xi32>,
        %mul3A_157 = arith.constant 16 : i32
        %mul3A_158 = arith.muli %add3A_152, %mul3A_157 : i32
        %get3A_159 = arith.index_cast %mul3A_158 : i32 to index
        %get3A_160 = tpu.vector_load %arg9[%get3A_159] {strides = array<i32>} : memref<8192xi32, #tpu.memory_space<vmem>>, vector<16xi32>,
        %mul3A_161 = arith.constant 16 : i32
        %mul3A_162 = arith.muli %add3A_152, %mul3A_161 : i32
        %get3A_163 = arith.index_cast %mul3A_162 : i32 to index
        %get3A_164 = tpu.vector_load %arg10[%get3A_163] {strides = array<i32>} : memref<8192xi32, #tpu.memory_space<vmem>>, vector<16xi32>,
        %gather3A_165 = tpu.vector_load_idx %arg7[%get3A_156] : memref<65536xi32, #tpu.memory_space<vmem>>[vector<16xi32>], vector<16xi32>,
        %and3A_166 = arith.constant 15 : i32
        %and3A_167 = vector.broadcast %and3A_166 : i32 to vector<16xi32>
        %and3A_168 = arith.andi %get3A_164, %and3A_167 : vector<16xi32>
        %lt3A_169 = arith.constant 0 : i32
        %lt3A_170 = vector.broadcast %lt3A_169 : i32 to vector<16xi32>
        %lt3A_171 = arith.cmpi slt, %and3A_168, %lt3A_170 : vector<16xi32>
        %add3A_172 = arith.constant 16 : i32
        %add3A_173 = vector.broadcast %add3A_172 : i32 to vector<16xi32>
        %add3A_174 = arith.addi %and3A_168, %add3A_173 : vector<16xi32>
        %select_n3A_175 = arith.select %lt3A_171, %add3A_174, %and3A_168 : vector<16xi1>, vector<16xi32>
        %broadcast_in_dim3A_176 = vector.shape_cast %select_n3A_175 : vector<16xi32> to vector<16x1xi32>
        %gather3A_177 = vector.shape_cast %broadcast_in_dim3A_176 : vector<16x1xi32> to vector<16xi32>
        %gather3A_178 = tpu.dynamic_gather %gather3A_165[%gather3A_177] in [0] : vector<16xi32>, vector<16xi32> -> vector<16xi32>
        %lt3A_179 = arith.constant 256 : i32
        %lt3A_180 = vector.broadcast %lt3A_179 : i32 to vector<16xi32>
        %lt3A_181 = arith.cmpi slt, %get3A_164, %lt3A_180 : vector<16xi32>
        tpu.vector_store_idx %arg7[%get3A_160], %gather3A_178 masked %lt3A_181 : memref<65536xi32, #tpu.memory_space<vmem>>[vector<16xi32>], vector<16xi32>, vector<16xi1>
        %mul3A_182 = arith.constant 8 : i32
        %mul3A_183 = arith.muli %scan3A_119, %mul3A_182 : i32
        %add3A_184 = arith.constant 2 : i32
        %add3A_185 = arith.addi %mul3A_183, %add3A_184 : i32
        %mul3A_186 = arith.constant 16 : i32
        %mul3A_187 = arith.muli %add3A_185, %mul3A_186 : i32
        %get3A_188 = arith.index_cast %mul3A_187 : i32 to index
        %get3A_189 = tpu.vector_load %arg8[%get3A_188] {strides = array<i32>} : memref<8192xi32, #tpu.memory_space<vmem>>, vector<16xi32>,
        %mul3A_190 = arith.constant 16 : i32
        %mul3A_191 = arith.muli %add3A_185, %mul3A_190 : i32
        %get3A_192 = arith.index_cast %mul3A_191 : i32 to index
        %get3A_193 = tpu.vector_load %arg9[%get3A_192] {strides = array<i32>} : memref<8192xi32, #tpu.memory_space<vmem>>, vector<16xi32>,
        %mul3A_194 = arith.constant 16 : i32
        %mul3A_195 = arith.muli %add3A_185, %mul3A_194 : i32
        %get3A_196 = arith.index_cast %mul3A_195 : i32 to index
        %get3A_197 = tpu.vector_load %arg10[%get3A_196] {strides = array<i32>} : memref<8192xi32, #tpu.memory_space<vmem>>, vector<16xi32>,
        %gather3A_198 = tpu.vector_load_idx %arg7[%get3A_189] : memref<65536xi32, #tpu.memory_space<vmem>>[vector<16xi32>], vector<16xi32>,
        %and3A_199 = arith.constant 15 : i32
        %and3A_200 = vector.broadcast %and3A_199 : i32 to vector<16xi32>
        %and3A_201 = arith.andi %get3A_197, %and3A_200 : vector<16xi32>
        %lt3A_202 = arith.constant 0 : i32
        %lt3A_203 = vector.broadcast %lt3A_202 : i32 to vector<16xi32>
        %lt3A_204 = arith.cmpi slt, %and3A_201, %lt3A_203 : vector<16xi32>
        %add3A_205 = arith.constant 16 : i32
        %add3A_206 = vector.broadcast %add3A_205 : i32 to vector<16xi32>
        %add3A_207 = arith.addi %and3A_201, %add3A_206 : vector<16xi32>
        %select_n3A_208 = arith.select %lt3A_204, %add3A_207, %and3A_201 : vector<16xi1>, vector<16xi32>
        %broadcast_in_dim3A_209 = vector.shape_cast %select_n3A_208 : vector<16xi32> to vector<16x1xi32>
        %gather3A_210 = vector.shape_cast %broadcast_in_dim3A_209 : vector<16x1xi32> to vector<16xi32>
        %gather3A_211 = tpu.dynamic_gather %gather3A_198[%gather3A_210] in [0] : vector<16xi32>, vector<16xi32> -> vector<16xi32>
        %lt3A_212 = arith.constant 256 : i32
        %lt3A_213 = vector.broadcast %lt3A_212 : i32 to vector<16xi32>
        %lt3A_214 = arith.cmpi slt, %get3A_197, %lt3A_213 : vector<16xi32>
        tpu.vector_store_idx %arg7[%get3A_193], %gather3A_211 masked %lt3A_214 : memref<65536xi32, #tpu.memory_space<vmem>>[vector<16xi32>], vector<16xi32>, vector<16xi1>
        %mul3A_215 = arith.constant 8 : i32
        %mul3A_216 = arith.muli %scan3A_119, %mul3A_215 : i32
        %add3A_217 = arith.constant 3 : i32
        %add3A_218 = arith.addi %mul3A_216, %add3A_217 : i32
        %mul3A_219 = arith.constant 16 : i32
        %mul3A_220 = arith.muli %add3A_218, %mul3A_219 : i32
        %get3A_221 = arith.index_cast %mul3A_220 : i32 to index
        %get3A_222 = tpu.vector_load %arg8[%get3A_221] {strides = array<i32>} : memref<8192xi32, #tpu.memory_space<vmem>>, vector<16xi32>,
        %mul3A_223 = arith.constant 16 : i32
        %mul3A_224 = arith.muli %add3A_218, %mul3A_223 : i32
        %get3A_225 = arith.index_cast %mul3A_224 : i32 to index
        %get3A_226 = tpu.vector_load %arg9[%get3A_225] {strides = array<i32>} : memref<8192xi32, #tpu.memory_space<vmem>>, vector<16xi32>,
        %mul3A_227 = arith.constant 16 : i32
        %mul3A_228 = arith.muli %add3A_218, %mul3A_227 : i32
        %get3A_229 = arith.index_cast %mul3A_228 : i32 to index
        %get3A_230 = tpu.vector_load %arg10[%get3A_229] {strides = array<i32>} : memref<8192xi32, #tpu.memory_space<vmem>>, vector<16xi32>,
        %gather3A_231 = tpu.vector_load_idx %arg7[%get3A_222] : memref<65536xi32, #tpu.memory_space<vmem>>[vector<16xi32>], vector<16xi32>,
        %and3A_232 = arith.constant 15 : i32
        %and3A_233 = vector.broadcast %and3A_232 : i32 to vector<16xi32>
        %and3A_234 = arith.andi %get3A_230, %and3A_233 : vector<16xi32>
        %lt3A_235 = arith.constant 0 : i32
        %lt3A_236 = vector.broadcast %lt3A_235 : i32 to vector<16xi32>
        %lt3A_237 = arith.cmpi slt, %and3A_234, %lt3A_236 : vector<16xi32>
        %add3A_238 = arith.constant 16 : i32
        %add3A_239 = vector.broadcast %add3A_238 : i32 to vector<16xi32>
        %add3A_240 = arith.addi %and3A_234, %add3A_239 : vector<16xi32>
        %select_n3A_241 = arith.select %lt3A_237, %add3A_240, %and3A_234 : vector<16xi1>, vector<16xi32>
        %broadcast_in_dim3A_242 = vector.shape_cast %select_n3A_241 : vector<16xi32> to vector<16x1xi32>
        %gather3A_243 = vector.shape_cast %broadcast_in_dim3A_242 : vector<16x1xi32> to vector<16xi32>
        %gather3A_244 = tpu.dynamic_gather %gather3A_231[%gather3A_243] in [0] : vector<16xi32>, vector<16xi32> -> vector<16xi32>
        %lt3A_245 = arith.constant 256 : i32
        %lt3A_246 = vector.broadcast %lt3A_245 : i32 to vector<16xi32>
        %lt3A_247 = arith.cmpi slt, %get3A_230, %lt3A_246 : vector<16xi32>
        tpu.vector_store_idx %arg7[%get3A_226], %gather3A_244 masked %lt3A_247 : memref<65536xi32, #tpu.memory_space<vmem>>[vector<16xi32>], vector<16xi32>, vector<16xi1>
        %mul3A_248 = arith.constant 8 : i32
        %mul3A_249 = arith.muli %scan3A_119, %mul3A_248 : i32
        %add3A_250 = arith.constant 4 : i32
        %add3A_251 = arith.addi %mul3A_249, %add3A_250 : i32
        %mul3A_252 = arith.constant 16 : i32
        %mul3A_253 = arith.muli %add3A_251, %mul3A_252 : i32
        %get3A_254 = arith.index_cast %mul3A_253 : i32 to index
        %get3A_255 = tpu.vector_load %arg8[%get3A_254] {strides = array<i32>} : memref<8192xi32, #tpu.memory_space<vmem>>, vector<16xi32>,
        %mul3A_256 = arith.constant 16 : i32
        %mul3A_257 = arith.muli %add3A_251, %mul3A_256 : i32
        %get3A_258 = arith.index_cast %mul3A_257 : i32 to index
        %get3A_259 = tpu.vector_load %arg9[%get3A_258] {strides = array<i32>} : memref<8192xi32, #tpu.memory_space<vmem>>, vector<16xi32>,
        %mul3A_260 = arith.constant 16 : i32
        %mul3A_261 = arith.muli %add3A_251, %mul3A_260 : i32
        %get3A_262 = arith.index_cast %mul3A_261 : i32 to index
        %get3A_263 = tpu.vector_load %arg10[%get3A_262] {strides = array<i32>} : memref<8192xi32, #tpu.memory_space<vmem>>, vector<16xi32>,
        %gather3A_264 = tpu.vector_load_idx %arg7[%get3A_255] : memref<65536xi32, #tpu.memory_space<vmem>>[vector<16xi32>], vector<16xi32>,
        %and3A_265 = arith.constant 15 : i32
        %and3A_266 = vector.broadcast %and3A_265 : i32 to vector<16xi32>
        %and3A_267 = arith.andi %get3A_263, %and3A_266 : vector<16xi32>
        %lt3A_268 = arith.constant 0 : i32
        %lt3A_269 = vector.broadcast %lt3A_268 : i32 to vector<16xi32>
        %lt3A_270 = arith.cmpi slt, %and3A_267, %lt3A_269 : vector<16xi32>
        %add3A_271 = arith.constant 16 : i32
        %add3A_272 = vector.broadcast %add3A_271 : i32 to vector<16xi32>
        %add3A_273 = arith.addi %and3A_267, %add3A_272 : vector<16xi32>
        %select_n3A_274 = arith.select %lt3A_270, %add3A_273, %and3A_267 : vector<16xi1>, vector<16xi32>
        %broadcast_in_dim3A_275 = vector.shape_cast %select_n3A_274 : vector<16xi32> to vector<16x1xi32>
        %gather3A_276 = vector.shape_cast %broadcast_in_dim3A_275 : vector<16x1xi32> to vector<16xi32>
        %gather3A_277 = tpu.dynamic_gather %gather3A_264[%gather3A_276] in [0] : vector<16xi32>, vector<16xi32> -> vector<16xi32>
        %lt3A_278 = arith.constant 256 : i32
        %lt3A_279 = vector.broadcast %lt3A_278 : i32 to vector<16xi32>
        %lt3A_280 = arith.cmpi slt, %get3A_263, %lt3A_279 : vector<16xi32>
        tpu.vector_store_idx %arg7[%get3A_259], %gather3A_277 masked %lt3A_280 : memref<65536xi32, #tpu.memory_space<vmem>>[vector<16xi32>], vector<16xi32>, vector<16xi1>
        %mul3A_281 = arith.constant 8 : i32
        %mul3A_282 = arith.muli %scan3A_119, %mul3A_281 : i32
        %add3A_283 = arith.constant 5 : i32
        %add3A_284 = arith.addi %mul3A_282, %add3A_283 : i32
        %mul3A_285 = arith.constant 16 : i32
        %mul3A_286 = arith.muli %add3A_284, %mul3A_285 : i32
        %get3A_287 = arith.index_cast %mul3A_286 : i32 to index
        %get3A_288 = tpu.vector_load %arg8[%get3A_287] {strides = array<i32>} : memref<8192xi32, #tpu.memory_space<vmem>>, vector<16xi32>,
        %mul3A_289 = arith.constant 16 : i32
        %mul3A_290 = arith.muli %add3A_284, %mul3A_289 : i32
        %get3A_291 = arith.index_cast %mul3A_290 : i32 to index
        %get3A_292 = tpu.vector_load %arg9[%get3A_291] {strides = array<i32>} : memref<8192xi32, #tpu.memory_space<vmem>>, vector<16xi32>,
        %mul3A_293 = arith.constant 16 : i32
        %mul3A_294 = arith.muli %add3A_284, %mul3A_293 : i32
        %get3A_295 = arith.index_cast %mul3A_294 : i32 to index
        %get3A_296 = tpu.vector_load %arg10[%get3A_295] {strides = array<i32>} : memref<8192xi32, #tpu.memory_space<vmem>>, vector<16xi32>,
        %gather3A_297 = tpu.vector_load_idx %arg7[%get3A_288] : memref<65536xi32, #tpu.memory_space<vmem>>[vector<16xi32>], vector<16xi32>,
        %and3A_298 = arith.constant 15 : i32
        %and3A_299 = vector.broadcast %and3A_298 : i32 to vector<16xi32>
        %and3A_300 = arith.andi %get3A_296, %and3A_299 : vector<16xi32>
        %lt3A_301 = arith.constant 0 : i32
        %lt3A_302 = vector.broadcast %lt3A_301 : i32 to vector<16xi32>
        %lt3A_303 = arith.cmpi slt, %and3A_300, %lt3A_302 : vector<16xi32>
        %add3A_304 = arith.constant 16 : i32
        %add3A_305 = vector.broadcast %add3A_304 : i32 to vector<16xi32>
        %add3A_306 = arith.addi %and3A_300, %add3A_305 : vector<16xi32>
        %select_n3A_307 = arith.select %lt3A_303, %add3A_306, %and3A_300 : vector<16xi1>, vector<16xi32>
        %broadcast_in_dim3A_308 = vector.shape_cast %select_n3A_307 : vector<16xi32> to vector<16x1xi32>
        %gather3A_309 = vector.shape_cast %broadcast_in_dim3A_308 : vector<16x1xi32> to vector<16xi32>
        %gather3A_310 = tpu.dynamic_gather %gather3A_297[%gather3A_309] in [0] : vector<16xi32>, vector<16xi32> -> vector<16xi32>
        %lt3A_311 = arith.constant 256 : i32
        %lt3A_312 = vector.broadcast %lt3A_311 : i32 to vector<16xi32>
        %lt3A_313 = arith.cmpi slt, %get3A_296, %lt3A_312 : vector<16xi32>
        tpu.vector_store_idx %arg7[%get3A_292], %gather3A_310 masked %lt3A_313 : memref<65536xi32, #tpu.memory_space<vmem>>[vector<16xi32>], vector<16xi32>, vector<16xi1>
        %mul3A_314 = arith.constant 8 : i32
        %mul3A_315 = arith.muli %scan3A_119, %mul3A_314 : i32
        %add3A_316 = arith.constant 6 : i32
        %add3A_317 = arith.addi %mul3A_315, %add3A_316 : i32
        %mul3A_318 = arith.constant 16 : i32
        %mul3A_319 = arith.muli %add3A_317, %mul3A_318 : i32
        %get3A_320 = arith.index_cast %mul3A_319 : i32 to index
        %get3A_321 = tpu.vector_load %arg8[%get3A_320] {strides = array<i32>} : memref<8192xi32, #tpu.memory_space<vmem>>, vector<16xi32>,
        %mul3A_322 = arith.constant 16 : i32
        %mul3A_323 = arith.muli %add3A_317, %mul3A_322 : i32
        %get3A_324 = arith.index_cast %mul3A_323 : i32 to index
        %get3A_325 = tpu.vector_load %arg9[%get3A_324] {strides = array<i32>} : memref<8192xi32, #tpu.memory_space<vmem>>, vector<16xi32>,
        %mul3A_326 = arith.constant 16 : i32
        %mul3A_327 = arith.muli %add3A_317, %mul3A_326 : i32
        %get3A_328 = arith.index_cast %mul3A_327 : i32 to index
        %get3A_329 = tpu.vector_load %arg10[%get3A_328] {strides = array<i32>} : memref<8192xi32, #tpu.memory_space<vmem>>, vector<16xi32>,
        %gather3A_330 = tpu.vector_load_idx %arg7[%get3A_321] : memref<65536xi32, #tpu.memory_space<vmem>>[vector<16xi32>], vector<16xi32>,
        %and3A_331 = arith.constant 15 : i32
        %and3A_332 = vector.broadcast %and3A_331 : i32 to vector<16xi32>
        %and3A_333 = arith.andi %get3A_329, %and3A_332 : vector<16xi32>
        %lt3A_334 = arith.constant 0 : i32
        %lt3A_335 = vector.broadcast %lt3A_334 : i32 to vector<16xi32>
        %lt3A_336 = arith.cmpi slt, %and3A_333, %lt3A_335 : vector<16xi32>
        %add3A_337 = arith.constant 16 : i32
        %add3A_338 = vector.broadcast %add3A_337 : i32 to vector<16xi32>
        %add3A_339 = arith.addi %and3A_333, %add3A_338 : vector<16xi32>
        %select_n3A_340 = arith.select %lt3A_336, %add3A_339, %and3A_333 : vector<16xi1>, vector<16xi32>
        %broadcast_in_dim3A_341 = vector.shape_cast %select_n3A_340 : vector<16xi32> to vector<16x1xi32>
        %gather3A_342 = vector.shape_cast %broadcast_in_dim3A_341 : vector<16x1xi32> to vector<16xi32>
        %gather3A_343 = tpu.dynamic_gather %gather3A_330[%gather3A_342] in [0] : vector<16xi32>, vector<16xi32> -> vector<16xi32>
        %lt3A_344 = arith.constant 256 : i32
        %lt3A_345 = vector.broadcast %lt3A_344 : i32 to vector<16xi32>
        %lt3A_346 = arith.cmpi slt, %get3A_329, %lt3A_345 : vector<16xi32>
        tpu.vector_store_idx %arg7[%get3A_325], %gather3A_343 masked %lt3A_346 : memref<65536xi32, #tpu.memory_space<vmem>>[vector<16xi32>], vector<16xi32>, vector<16xi1>
        %mul3A_347 = arith.constant 8 : i32
        %mul3A_348 = arith.muli %scan3A_119, %mul3A_347 : i32
        %add3A_349 = arith.constant 7 : i32
        %add3A_350 = arith.addi %mul3A_348, %add3A_349 : i32
        %mul3A_351 = arith.constant 16 : i32
        %mul3A_352 = arith.muli %add3A_350, %mul3A_351 : i32
        %get3A_353 = arith.index_cast %mul3A_352 : i32 to index
        %get3A_354 = tpu.vector_load %arg8[%get3A_353] {strides = array<i32>} : memref<8192xi32, #tpu.memory_space<vmem>>, vector<16xi32>,
        %mul3A_355 = arith.constant 16 : i32
        %mul3A_356 = arith.muli %add3A_350, %mul3A_355 : i32
        %get3A_357 = arith.index_cast %mul3A_356 : i32 to index
        %get3A_358 = tpu.vector_load %arg9[%get3A_357] {strides = array<i32>} : memref<8192xi32, #tpu.memory_space<vmem>>, vector<16xi32>,
        %mul3A_359 = arith.constant 16 : i32
        %mul3A_360 = arith.muli %add3A_350, %mul3A_359 : i32
        %get3A_361 = arith.index_cast %mul3A_360 : i32 to index
        %get3A_362 = tpu.vector_load %arg10[%get3A_361] {strides = array<i32>} : memref<8192xi32, #tpu.memory_space<vmem>>, vector<16xi32>,
        %gather3A_363 = tpu.vector_load_idx %arg7[%get3A_354] : memref<65536xi32, #tpu.memory_space<vmem>>[vector<16xi32>], vector<16xi32>,
        %and3A_364 = arith.constant 15 : i32
        %and3A_365 = vector.broadcast %and3A_364 : i32 to vector<16xi32>
        %and3A_366 = arith.andi %get3A_362, %and3A_365 : vector<16xi32>
        %lt3A_367 = arith.constant 0 : i32
        %lt3A_368 = vector.broadcast %lt3A_367 : i32 to vector<16xi32>
        %lt3A_369 = arith.cmpi slt, %and3A_366, %lt3A_368 : vector<16xi32>
        %add3A_370 = arith.constant 16 : i32
        %add3A_371 = vector.broadcast %add3A_370 : i32 to vector<16xi32>
        %add3A_372 = arith.addi %and3A_366, %add3A_371 : vector<16xi32>
        %select_n3A_373 = arith.select %lt3A_369, %add3A_372, %and3A_366 : vector<16xi1>, vector<16xi32>
        %broadcast_in_dim3A_374 = vector.shape_cast %select_n3A_373 : vector<16xi32> to vector<16x1xi32>
        %gather3A_375 = vector.shape_cast %broadcast_in_dim3A_374 : vector<16x1xi32> to vector<16xi32>
        %gather3A_376 = tpu.dynamic_gather %gather3A_363[%gather3A_375] in [0] : vector<16xi32>, vector<16xi32> -> vector<16xi32>
        %lt3A_377 = arith.constant 256 : i32
        %lt3A_378 = vector.broadcast %lt3A_377 : i32 to vector<16xi32>
        %lt3A_379 = arith.cmpi slt, %get3A_362, %lt3A_378 : vector<16xi32>
        tpu.vector_store_idx %arg7[%get3A_358], %gather3A_376 masked %lt3A_379 : memref<65536xi32, #tpu.memory_space<vmem>>[vector<16xi32>], vector<16xi32>, vector<16xi1>
        %scan3A_380 = arith.constant 0 : i32
        scf.yield %scan3A_380 : i32
      }
      %scan3A_105 = arith.constant 64 : i32
      %mul3A_106 = arith.constant 32768 : i32
      %mul3A_107 = arith.muli %add3A, %mul3A_106 : i32
      %add3A_108 = arith.constant 24576 : i32
      %add3A_109 = arith.addi %mul3A_107, %add3A_108 : i32
      "tpu.region"() ({
        %run_scoped3A = tpu.sem_alloc : memref<!tpu.dma_semaphore, #tpu.memory_space<semaphore_mem>>
        %dma_start3A = tpu.memref_slice %arg3[%add3A_109] : memref<131072xi32, #tpu.memory_space<hbm>> -> memref<8192xi32, #tpu.memory_space<hbm>>
        %dma_start3A_119 = tpu.memref_slice %arg3[%add3A_109] : memref<131072xi32, #tpu.memory_space<hbm>> -> memref<8192xi32, #tpu.memory_space<hbm>>
        tpu.enqueue_dma source(%dma_start3A_119 : memref<8192xi32, #tpu.memory_space<hbm>>) target(%arg8 : memref<8192xi32, #tpu.memory_space<vmem>>) target_semaphore(%run_scoped3A : memref<!tpu.dma_semaphore, #tpu.memory_space<semaphore_mem>>)
        %dma_wait3A = tpu.memref_slice %arg3[%add3A_109] : memref<131072xi32, #tpu.memory_space<hbm>> -> memref<8192xi32, #tpu.memory_space<hbm>>
        %dma_wait3A_120 = tpu.memref_slice %arg3[%add3A_109] : memref<131072xi32, #tpu.memory_space<hbm>> -> memref<8192xi32, #tpu.memory_space<hbm>>
        tpu.wait_dma2 semaphore(%run_scoped3A : memref<!tpu.dma_semaphore, #tpu.memory_space<semaphore_mem>>) src(%dma_wait3A_120 : memref<8192xi32, #tpu.memory_space<hbm>>) dst(%arg8 : memref<8192xi32, #tpu.memory_space<vmem>>)
        tpu.yield
      }) : () -> ()
      "tpu.region"() ({
        %run_scoped3A = tpu.sem_alloc : memref<!tpu.dma_semaphore, #tpu.memory_space<semaphore_mem>>
        %dma_start3A = tpu.memref_slice %arg4[%add3A_109] : memref<131072xi32, #tpu.memory_space<hbm>> -> memref<8192xi32, #tpu.memory_space<hbm>>
        %dma_start3A_119 = tpu.memref_slice %arg4[%add3A_109] : memref<131072xi32, #tpu.memory_space<hbm>> -> memref<8192xi32, #tpu.memory_space<hbm>>
        tpu.enqueue_dma source(%dma_start3A_119 : memref<8192xi32, #tpu.memory_space<hbm>>) target(%arg9 : memref<8192xi32, #tpu.memory_space<vmem>>) target_semaphore(%run_scoped3A : memref<!tpu.dma_semaphore, #tpu.memory_space<semaphore_mem>>)
        %dma_wait3A = tpu.memref_slice %arg4[%add3A_109] : memref<131072xi32, #tpu.memory_space<hbm>> -> memref<8192xi32, #tpu.memory_space<hbm>>
        %dma_wait3A_120 = tpu.memref_slice %arg4[%add3A_109] : memref<131072xi32, #tpu.memory_space<hbm>> -> memref<8192xi32, #tpu.memory_space<hbm>>
        tpu.wait_dma2 semaphore(%run_scoped3A : memref<!tpu.dma_semaphore, #tpu.memory_space<semaphore_mem>>) src(%dma_wait3A_120 : memref<8192xi32, #tpu.memory_space<hbm>>) dst(%arg9 : memref<8192xi32, #tpu.memory_space<vmem>>)
        tpu.yield
      }) : () -> ()
      "tpu.region"() ({
        %run_scoped3A = tpu.sem_alloc : memref<!tpu.dma_semaphore, #tpu.memory_space<semaphore_mem>>
        %dma_start3A = tpu.memref_slice %arg5[%add3A_109] : memref<131072xi32, #tpu.memory_space<hbm>> -> memref<8192xi32, #tpu.memory_space<hbm>>
        %dma_start3A_119 = tpu.memref_slice %arg5[%add3A_109] : memref<131072xi32, #tpu.memory_space<hbm>> -> memref<8192xi32, #tpu.memory_space<hbm>>
        tpu.enqueue_dma source(%dma_start3A_119 : memref<8192xi32, #tpu.memory_space<hbm>>) target(%arg10 : memref<8192xi32, #tpu.memory_space<vmem>>) target_semaphore(%run_scoped3A : memref<!tpu.dma_semaphore, #tpu.memory_space<semaphore_mem>>)
        %dma_wait3A = tpu.memref_slice %arg5[%add3A_109] : memref<131072xi32, #tpu.memory_space<hbm>> -> memref<8192xi32, #tpu.memory_space<hbm>>
        %dma_wait3A_120 = tpu.memref_slice %arg5[%add3A_109] : memref<131072xi32, #tpu.memory_space<hbm>> -> memref<8192xi32, #tpu.memory_space<hbm>>
        tpu.wait_dma2 semaphore(%run_scoped3A : memref<!tpu.dma_semaphore, #tpu.memory_space<semaphore_mem>>) src(%dma_wait3A_120 : memref<8192xi32, #tpu.memory_space<hbm>>) dst(%arg10 : memref<8192xi32, #tpu.memory_space<vmem>>)
        tpu.yield
      }) : () -> ()
      %scan3A_110 = arith.constant 0 : i32
      %scan3A_111 = arith.constant 0 : i32
      %scan3A_112 = arith.constant 64 : i32
      %scan3A_113 = arith.addi %scan3A_111, %scan3A_112 : i32
      %scan3A_114 = arith.constant 1 : i32
      %scan3A_115 = scf.for %scan3A_119 = %scan3A_111 to %scan3A_113 step %scan3A_114 iter_args(%scan3A_120 = %scan3A_110) -> (i32)  : i32 {
        %mul3A_121 = arith.constant 8 : i32
        %mul3A_122 = arith.muli %scan3A_119, %mul3A_121 : i32
        %add3A_123 = arith.constant 0 : i32
        %add3A_124 = arith.addi %mul3A_122, %add3A_123 : i32
        %mul3A_125 = arith.constant 16 : i32
        %mul3A_126 = arith.muli %add3A_124, %mul3A_125 : i32
        %get3A = arith.index_cast %mul3A_126 : i32 to index
        %get3A_127 = tpu.vector_load %arg8[%get3A] {strides = array<i32>} : memref<8192xi32, #tpu.memory_space<vmem>>, vector<16xi32>,
        %mul3A_128 = arith.constant 16 : i32
        %mul3A_129 = arith.muli %add3A_124, %mul3A_128 : i32
        %get3A_130 = arith.index_cast %mul3A_129 : i32 to index
        %get3A_131 = tpu.vector_load %arg9[%get3A_130] {strides = array<i32>} : memref<8192xi32, #tpu.memory_space<vmem>>, vector<16xi32>,
        %mul3A_132 = arith.constant 16 : i32
        %mul3A_133 = arith.muli %add3A_124, %mul3A_132 : i32
        %get3A_134 = arith.index_cast %mul3A_133 : i32 to index
        %get3A_135 = tpu.vector_load %arg10[%get3A_134] {strides = array<i32>} : memref<8192xi32, #tpu.memory_space<vmem>>, vector<16xi32>,
        %gather3A = tpu.vector_load_idx %arg7[%get3A_127] : memref<65536xi32, #tpu.memory_space<vmem>>[vector<16xi32>], vector<16xi32>,
        %and3A = arith.constant 15 : i32
        %and3A_136 = vector.broadcast %and3A : i32 to vector<16xi32>
        %and3A_137 = arith.andi %get3A_135, %and3A_136 : vector<16xi32>
        %lt3A_138 = arith.constant 0 : i32
        %lt3A_139 = vector.broadcast %lt3A_138 : i32 to vector<16xi32>
        %lt3A_140 = arith.cmpi slt, %and3A_137, %lt3A_139 : vector<16xi32>
        %add3A_141 = arith.constant 16 : i32
        %add3A_142 = vector.broadcast %add3A_141 : i32 to vector<16xi32>
        %add3A_143 = arith.addi %and3A_137, %add3A_142 : vector<16xi32>
        %select_n3A = arith.select %lt3A_140, %add3A_143, %and3A_137 : vector<16xi1>, vector<16xi32>
        %broadcast_in_dim3A = vector.shape_cast %select_n3A : vector<16xi32> to vector<16x1xi32>
        %gather3A_144 = vector.shape_cast %broadcast_in_dim3A : vector<16x1xi32> to vector<16xi32>
        %gather3A_145 = tpu.dynamic_gather %gather3A[%gather3A_144] in [0] : vector<16xi32>, vector<16xi32> -> vector<16xi32>
        %lt3A_146 = arith.constant 256 : i32
        %lt3A_147 = vector.broadcast %lt3A_146 : i32 to vector<16xi32>
        %lt3A_148 = arith.cmpi slt, %get3A_135, %lt3A_147 : vector<16xi32>
        tpu.vector_store_idx %arg7[%get3A_131], %gather3A_145 masked %lt3A_148 : memref<65536xi32, #tpu.memory_space<vmem>>[vector<16xi32>], vector<16xi32>, vector<16xi1>
        %mul3A_149 = arith.constant 8 : i32
        %mul3A_150 = arith.muli %scan3A_119, %mul3A_149 : i32
        %add3A_151 = arith.constant 1 : i32
        %add3A_152 = arith.addi %mul3A_150, %add3A_151 : i32
        %mul3A_153 = arith.constant 16 : i32
        %mul3A_154 = arith.muli %add3A_152, %mul3A_153 : i32
        %get3A_155 = arith.index_cast %mul3A_154 : i32 to index
        %get3A_156 = tpu.vector_load %arg8[%get3A_155] {strides = array<i32>} : memref<8192xi32, #tpu.memory_space<vmem>>, vector<16xi32>,
        %mul3A_157 = arith.constant 16 : i32
        %mul3A_158 = arith.muli %add3A_152, %mul3A_157 : i32
        %get3A_159 = arith.index_cast %mul3A_158 : i32 to index
        %get3A_160 = tpu.vector_load %arg9[%get3A_159] {strides = array<i32>} : memref<8192xi32, #tpu.memory_space<vmem>>, vector<16xi32>,
        %mul3A_161 = arith.constant 16 : i32
        %mul3A_162 = arith.muli %add3A_152, %mul3A_161 : i32
        %get3A_163 = arith.index_cast %mul3A_162 : i32 to index
        %get3A_164 = tpu.vector_load %arg10[%get3A_163] {strides = array<i32>} : memref<8192xi32, #tpu.memory_space<vmem>>, vector<16xi32>,
        %gather3A_165 = tpu.vector_load_idx %arg7[%get3A_156] : memref<65536xi32, #tpu.memory_space<vmem>>[vector<16xi32>], vector<16xi32>,
        %and3A_166 = arith.constant 15 : i32
        %and3A_167 = vector.broadcast %and3A_166 : i32 to vector<16xi32>
        %and3A_168 = arith.andi %get3A_164, %and3A_167 : vector<16xi32>
        %lt3A_169 = arith.constant 0 : i32
        %lt3A_170 = vector.broadcast %lt3A_169 : i32 to vector<16xi32>
        %lt3A_171 = arith.cmpi slt, %and3A_168, %lt3A_170 : vector<16xi32>
        %add3A_172 = arith.constant 16 : i32
        %add3A_173 = vector.broadcast %add3A_172 : i32 to vector<16xi32>
        %add3A_174 = arith.addi %and3A_168, %add3A_173 : vector<16xi32>
        %select_n3A_175 = arith.select %lt3A_171, %add3A_174, %and3A_168 : vector<16xi1>, vector<16xi32>
        %broadcast_in_dim3A_176 = vector.shape_cast %select_n3A_175 : vector<16xi32> to vector<16x1xi32>
        %gather3A_177 = vector.shape_cast %broadcast_in_dim3A_176 : vector<16x1xi32> to vector<16xi32>
        %gather3A_178 = tpu.dynamic_gather %gather3A_165[%gather3A_177] in [0] : vector<16xi32>, vector<16xi32> -> vector<16xi32>
        %lt3A_179 = arith.constant 256 : i32
        %lt3A_180 = vector.broadcast %lt3A_179 : i32 to vector<16xi32>
        %lt3A_181 = arith.cmpi slt, %get3A_164, %lt3A_180 : vector<16xi32>
        tpu.vector_store_idx %arg7[%get3A_160], %gather3A_178 masked %lt3A_181 : memref<65536xi32, #tpu.memory_space<vmem>>[vector<16xi32>], vector<16xi32>, vector<16xi1>
        %mul3A_182 = arith.constant 8 : i32
        %mul3A_183 = arith.muli %scan3A_119, %mul3A_182 : i32
        %add3A_184 = arith.constant 2 : i32
        %add3A_185 = arith.addi %mul3A_183, %add3A_184 : i32
        %mul3A_186 = arith.constant 16 : i32
        %mul3A_187 = arith.muli %add3A_185, %mul3A_186 : i32
        %get3A_188 = arith.index_cast %mul3A_187 : i32 to index
        %get3A_189 = tpu.vector_load %arg8[%get3A_188] {strides = array<i32>} : memref<8192xi32, #tpu.memory_space<vmem>>, vector<16xi32>,
        %mul3A_190 = arith.constant 16 : i32
        %mul3A_191 = arith.muli %add3A_185, %mul3A_190 : i32
        %get3A_192 = arith.index_cast %mul3A_191 : i32 to index
        %get3A_193 = tpu.vector_load %arg9[%get3A_192] {strides = array<i32>} : memref<8192xi32, #tpu.memory_space<vmem>>, vector<16xi32>,
        %mul3A_194 = arith.constant 16 : i32
        %mul3A_195 = arith.muli %add3A_185, %mul3A_194 : i32
        %get3A_196 = arith.index_cast %mul3A_195 : i32 to index
        %get3A_197 = tpu.vector_load %arg10[%get3A_196] {strides = array<i32>} : memref<8192xi32, #tpu.memory_space<vmem>>, vector<16xi32>,
        %gather3A_198 = tpu.vector_load_idx %arg7[%get3A_189] : memref<65536xi32, #tpu.memory_space<vmem>>[vector<16xi32>], vector<16xi32>,
        %and3A_199 = arith.constant 15 : i32
        %and3A_200 = vector.broadcast %and3A_199 : i32 to vector<16xi32>
        %and3A_201 = arith.andi %get3A_197, %and3A_200 : vector<16xi32>
        %lt3A_202 = arith.constant 0 : i32
        %lt3A_203 = vector.broadcast %lt3A_202 : i32 to vector<16xi32>
        %lt3A_204 = arith.cmpi slt, %and3A_201, %lt3A_203 : vector<16xi32>
        %add3A_205 = arith.constant 16 : i32
        %add3A_206 = vector.broadcast %add3A_205 : i32 to vector<16xi32>
        %add3A_207 = arith.addi %and3A_201, %add3A_206 : vector<16xi32>
        %select_n3A_208 = arith.select %lt3A_204, %add3A_207, %and3A_201 : vector<16xi1>, vector<16xi32>
        %broadcast_in_dim3A_209 = vector.shape_cast %select_n3A_208 : vector<16xi32> to vector<16x1xi32>
        %gather3A_210 = vector.shape_cast %broadcast_in_dim3A_209 : vector<16x1xi32> to vector<16xi32>
        %gather3A_211 = tpu.dynamic_gather %gather3A_198[%gather3A_210] in [0] : vector<16xi32>, vector<16xi32> -> vector<16xi32>
        %lt3A_212 = arith.constant 256 : i32
        %lt3A_213 = vector.broadcast %lt3A_212 : i32 to vector<16xi32>
        %lt3A_214 = arith.cmpi slt, %get3A_197, %lt3A_213 : vector<16xi32>
        tpu.vector_store_idx %arg7[%get3A_193], %gather3A_211 masked %lt3A_214 : memref<65536xi32, #tpu.memory_space<vmem>>[vector<16xi32>], vector<16xi32>, vector<16xi1>
        %mul3A_215 = arith.constant 8 : i32
        %mul3A_216 = arith.muli %scan3A_119, %mul3A_215 : i32
        %add3A_217 = arith.constant 3 : i32
        %add3A_218 = arith.addi %mul3A_216, %add3A_217 : i32
        %mul3A_219 = arith.constant 16 : i32
        %mul3A_220 = arith.muli %add3A_218, %mul3A_219 : i32
        %get3A_221 = arith.index_cast %mul3A_220 : i32 to index
        %get3A_222 = tpu.vector_load %arg8[%get3A_221] {strides = array<i32>} : memref<8192xi32, #tpu.memory_space<vmem>>, vector<16xi32>,
        %mul3A_223 = arith.constant 16 : i32
        %mul3A_224 = arith.muli %add3A_218, %mul3A_223 : i32
        %get3A_225 = arith.index_cast %mul3A_224 : i32 to index
        %get3A_226 = tpu.vector_load %arg9[%get3A_225] {strides = array<i32>} : memref<8192xi32, #tpu.memory_space<vmem>>, vector<16xi32>,
        %mul3A_227 = arith.constant 16 : i32
        %mul3A_228 = arith.muli %add3A_218, %mul3A_227 : i32
        %get3A_229 = arith.index_cast %mul3A_228 : i32 to index
        %get3A_230 = tpu.vector_load %arg10[%get3A_229] {strides = array<i32>} : memref<8192xi32, #tpu.memory_space<vmem>>, vector<16xi32>,
        %gather3A_231 = tpu.vector_load_idx %arg7[%get3A_222] : memref<65536xi32, #tpu.memory_space<vmem>>[vector<16xi32>], vector<16xi32>,
        %and3A_232 = arith.constant 15 : i32
        %and3A_233 = vector.broadcast %and3A_232 : i32 to vector<16xi32>
        %and3A_234 = arith.andi %get3A_230, %and3A_233 : vector<16xi32>
        %lt3A_235 = arith.constant 0 : i32
        %lt3A_236 = vector.broadcast %lt3A_235 : i32 to vector<16xi32>
        %lt3A_237 = arith.cmpi slt, %and3A_234, %lt3A_236 : vector<16xi32>
        %add3A_238 = arith.constant 16 : i32
        %add3A_239 = vector.broadcast %add3A_238 : i32 to vector<16xi32>
        %add3A_240 = arith.addi %and3A_234, %add3A_239 : vector<16xi32>
        %select_n3A_241 = arith.select %lt3A_237, %add3A_240, %and3A_234 : vector<16xi1>, vector<16xi32>
        %broadcast_in_dim3A_242 = vector.shape_cast %select_n3A_241 : vector<16xi32> to vector<16x1xi32>
        %gather3A_243 = vector.shape_cast %broadcast_in_dim3A_242 : vector<16x1xi32> to vector<16xi32>
        %gather3A_244 = tpu.dynamic_gather %gather3A_231[%gather3A_243] in [0] : vector<16xi32>, vector<16xi32> -> vector<16xi32>
        %lt3A_245 = arith.constant 256 : i32
        %lt3A_246 = vector.broadcast %lt3A_245 : i32 to vector<16xi32>
        %lt3A_247 = arith.cmpi slt, %get3A_230, %lt3A_246 : vector<16xi32>
        tpu.vector_store_idx %arg7[%get3A_226], %gather3A_244 masked %lt3A_247 : memref<65536xi32, #tpu.memory_space<vmem>>[vector<16xi32>], vector<16xi32>, vector<16xi1>
        %mul3A_248 = arith.constant 8 : i32
        %mul3A_249 = arith.muli %scan3A_119, %mul3A_248 : i32
        %add3A_250 = arith.constant 4 : i32
        %add3A_251 = arith.addi %mul3A_249, %add3A_250 : i32
        %mul3A_252 = arith.constant 16 : i32
        %mul3A_253 = arith.muli %add3A_251, %mul3A_252 : i32
        %get3A_254 = arith.index_cast %mul3A_253 : i32 to index
        %get3A_255 = tpu.vector_load %arg8[%get3A_254] {strides = array<i32>} : memref<8192xi32, #tpu.memory_space<vmem>>, vector<16xi32>,
        %mul3A_256 = arith.constant 16 : i32
        %mul3A_257 = arith.muli %add3A_251, %mul3A_256 : i32
        %get3A_258 = arith.index_cast %mul3A_257 : i32 to index
        %get3A_259 = tpu.vector_load %arg9[%get3A_258] {strides = array<i32>} : memref<8192xi32, #tpu.memory_space<vmem>>, vector<16xi32>,
        %mul3A_260 = arith.constant 16 : i32
        %mul3A_261 = arith.muli %add3A_251, %mul3A_260 : i32
        %get3A_262 = arith.index_cast %mul3A_261 : i32 to index
        %get3A_263 = tpu.vector_load %arg10[%get3A_262] {strides = array<i32>} : memref<8192xi32, #tpu.memory_space<vmem>>, vector<16xi32>,
        %gather3A_264 = tpu.vector_load_idx %arg7[%get3A_255] : memref<65536xi32, #tpu.memory_space<vmem>>[vector<16xi32>], vector<16xi32>,
        %and3A_265 = arith.constant 15 : i32
        %and3A_266 = vector.broadcast %and3A_265 : i32 to vector<16xi32>
        %and3A_267 = arith.andi %get3A_263, %and3A_266 : vector<16xi32>
        %lt3A_268 = arith.constant 0 : i32
        %lt3A_269 = vector.broadcast %lt3A_268 : i32 to vector<16xi32>
        %lt3A_270 = arith.cmpi slt, %and3A_267, %lt3A_269 : vector<16xi32>
        %add3A_271 = arith.constant 16 : i32
        %add3A_272 = vector.broadcast %add3A_271 : i32 to vector<16xi32>
        %add3A_273 = arith.addi %and3A_267, %add3A_272 : vector<16xi32>
        %select_n3A_274 = arith.select %lt3A_270, %add3A_273, %and3A_267 : vector<16xi1>, vector<16xi32>
        %broadcast_in_dim3A_275 = vector.shape_cast %select_n3A_274 : vector<16xi32> to vector<16x1xi32>
        %gather3A_276 = vector.shape_cast %broadcast_in_dim3A_275 : vector<16x1xi32> to vector<16xi32>
        %gather3A_277 = tpu.dynamic_gather %gather3A_264[%gather3A_276] in [0] : vector<16xi32>, vector<16xi32> -> vector<16xi32>
        %lt3A_278 = arith.constant 256 : i32
        %lt3A_279 = vector.broadcast %lt3A_278 : i32 to vector<16xi32>
        %lt3A_280 = arith.cmpi slt, %get3A_263, %lt3A_279 : vector<16xi32>
        tpu.vector_store_idx %arg7[%get3A_259], %gather3A_277 masked %lt3A_280 : memref<65536xi32, #tpu.memory_space<vmem>>[vector<16xi32>], vector<16xi32>, vector<16xi1>
        %mul3A_281 = arith.constant 8 : i32
        %mul3A_282 = arith.muli %scan3A_119, %mul3A_281 : i32
        %add3A_283 = arith.constant 5 : i32
        %add3A_284 = arith.addi %mul3A_282, %add3A_283 : i32
        %mul3A_285 = arith.constant 16 : i32
        %mul3A_286 = arith.muli %add3A_284, %mul3A_285 : i32
        %get3A_287 = arith.index_cast %mul3A_286 : i32 to index
        %get3A_288 = tpu.vector_load %arg8[%get3A_287] {strides = array<i32>} : memref<8192xi32, #tpu.memory_space<vmem>>, vector<16xi32>,
        %mul3A_289 = arith.constant 16 : i32
        %mul3A_290 = arith.muli %add3A_284, %mul3A_289 : i32
        %get3A_291 = arith.index_cast %mul3A_290 : i32 to index
        %get3A_292 = tpu.vector_load %arg9[%get3A_291] {strides = array<i32>} : memref<8192xi32, #tpu.memory_space<vmem>>, vector<16xi32>,
        %mul3A_293 = arith.constant 16 : i32
        %mul3A_294 = arith.muli %add3A_284, %mul3A_293 : i32
        %get3A_295 = arith.index_cast %mul3A_294 : i32 to index
        %get3A_296 = tpu.vector_load %arg10[%get3A_295] {strides = array<i32>} : memref<8192xi32, #tpu.memory_space<vmem>>, vector<16xi32>,
        %gather3A_297 = tpu.vector_load_idx %arg7[%get3A_288] : memref<65536xi32, #tpu.memory_space<vmem>>[vector<16xi32>], vector<16xi32>,
        %and3A_298 = arith.constant 15 : i32
        %and3A_299 = vector.broadcast %and3A_298 : i32 to vector<16xi32>
        %and3A_300 = arith.andi %get3A_296, %and3A_299 : vector<16xi32>
        %lt3A_301 = arith.constant 0 : i32
        %lt3A_302 = vector.broadcast %lt3A_301 : i32 to vector<16xi32>
        %lt3A_303 = arith.cmpi slt, %and3A_300, %lt3A_302 : vector<16xi32>
        %add3A_304 = arith.constant 16 : i32
        %add3A_305 = vector.broadcast %add3A_304 : i32 to vector<16xi32>
        %add3A_306 = arith.addi %and3A_300, %add3A_305 : vector<16xi32>
        %select_n3A_307 = arith.select %lt3A_303, %add3A_306, %and3A_300 : vector<16xi1>, vector<16xi32>
        %broadcast_in_dim3A_308 = vector.shape_cast %select_n3A_307 : vector<16xi32> to vector<16x1xi32>
        %gather3A_309 = vector.shape_cast %broadcast_in_dim3A_308 : vector<16x1xi32> to vector<16xi32>
        %gather3A_310 = tpu.dynamic_gather %gather3A_297[%gather3A_309] in [0] : vector<16xi32>, vector<16xi32> -> vector<16xi32>
        %lt3A_311 = arith.constant 256 : i32
        %lt3A_312 = vector.broadcast %lt3A_311 : i32 to vector<16xi32>
        %lt3A_313 = arith.cmpi slt, %get3A_296, %lt3A_312 : vector<16xi32>
        tpu.vector_store_idx %arg7[%get3A_292], %gather3A_310 masked %lt3A_313 : memref<65536xi32, #tpu.memory_space<vmem>>[vector<16xi32>], vector<16xi32>, vector<16xi1>
        %mul3A_314 = arith.constant 8 : i32
        %mul3A_315 = arith.muli %scan3A_119, %mul3A_314 : i32
        %add3A_316 = arith.constant 6 : i32
        %add3A_317 = arith.addi %mul3A_315, %add3A_316 : i32
        %mul3A_318 = arith.constant 16 : i32
        %mul3A_319 = arith.muli %add3A_317, %mul3A_318 : i32
        %get3A_320 = arith.index_cast %mul3A_319 : i32 to index
        %get3A_321 = tpu.vector_load %arg8[%get3A_320] {strides = array<i32>} : memref<8192xi32, #tpu.memory_space<vmem>>, vector<16xi32>,
        %mul3A_322 = arith.constant 16 : i32
        %mul3A_323 = arith.muli %add3A_317, %mul3A_322 : i32
        %get3A_324 = arith.index_cast %mul3A_323 : i32 to index
        %get3A_325 = tpu.vector_load %arg9[%get3A_324] {strides = array<i32>} : memref<8192xi32, #tpu.memory_space<vmem>>, vector<16xi32>,
        %mul3A_326 = arith.constant 16 : i32
        %mul3A_327 = arith.muli %add3A_317, %mul3A_326 : i32
        %get3A_328 = arith.index_cast %mul3A_327 : i32 to index
        %get3A_329 = tpu.vector_load %arg10[%get3A_328] {strides = array<i32>} : memref<8192xi32, #tpu.memory_space<vmem>>, vector<16xi32>,
        %gather3A_330 = tpu.vector_load_idx %arg7[%get3A_321] : memref<65536xi32, #tpu.memory_space<vmem>>[vector<16xi32>], vector<16xi32>,
        %and3A_331 = arith.constant 15 : i32
        %and3A_332 = vector.broadcast %and3A_331 : i32 to vector<16xi32>
        %and3A_333 = arith.andi %get3A_329, %and3A_332 : vector<16xi32>
        %lt3A_334 = arith.constant 0 : i32
        %lt3A_335 = vector.broadcast %lt3A_334 : i32 to vector<16xi32>
        %lt3A_336 = arith.cmpi slt, %and3A_333, %lt3A_335 : vector<16xi32>
        %add3A_337 = arith.constant 16 : i32
        %add3A_338 = vector.broadcast %add3A_337 : i32 to vector<16xi32>
        %add3A_339 = arith.addi %and3A_333, %add3A_338 : vector<16xi32>
        %select_n3A_340 = arith.select %lt3A_336, %add3A_339, %and3A_333 : vector<16xi1>, vector<16xi32>
        %broadcast_in_dim3A_341 = vector.shape_cast %select_n3A_340 : vector<16xi32> to vector<16x1xi32>
        %gather3A_342 = vector.shape_cast %broadcast_in_dim3A_341 : vector<16x1xi32> to vector<16xi32>
        %gather3A_343 = tpu.dynamic_gather %gather3A_330[%gather3A_342] in [0] : vector<16xi32>, vector<16xi32> -> vector<16xi32>
        %lt3A_344 = arith.constant 256 : i32
        %lt3A_345 = vector.broadcast %lt3A_344 : i32 to vector<16xi32>
        %lt3A_346 = arith.cmpi slt, %get3A_329, %lt3A_345 : vector<16xi32>
        tpu.vector_store_idx %arg7[%get3A_325], %gather3A_343 masked %lt3A_346 : memref<65536xi32, #tpu.memory_space<vmem>>[vector<16xi32>], vector<16xi32>, vector<16xi1>
        %mul3A_347 = arith.constant 8 : i32
        %mul3A_348 = arith.muli %scan3A_119, %mul3A_347 : i32
        %add3A_349 = arith.constant 7 : i32
        %add3A_350 = arith.addi %mul3A_348, %add3A_349 : i32
        %mul3A_351 = arith.constant 16 : i32
        %mul3A_352 = arith.muli %add3A_350, %mul3A_351 : i32
        %get3A_353 = arith.index_cast %mul3A_352 : i32 to index
        %get3A_354 = tpu.vector_load %arg8[%get3A_353] {strides = array<i32>} : memref<8192xi32, #tpu.memory_space<vmem>>, vector<16xi32>,
        %mul3A_355 = arith.constant 16 : i32
        %mul3A_356 = arith.muli %add3A_350, %mul3A_355 : i32
        %get3A_357 = arith.index_cast %mul3A_356 : i32 to index
        %get3A_358 = tpu.vector_load %arg9[%get3A_357] {strides = array<i32>} : memref<8192xi32, #tpu.memory_space<vmem>>, vector<16xi32>,
        %mul3A_359 = arith.constant 16 : i32
        %mul3A_360 = arith.muli %add3A_350, %mul3A_359 : i32
        %get3A_361 = arith.index_cast %mul3A_360 : i32 to index
        %get3A_362 = tpu.vector_load %arg10[%get3A_361] {strides = array<i32>} : memref<8192xi32, #tpu.memory_space<vmem>>, vector<16xi32>,
        %gather3A_363 = tpu.vector_load_idx %arg7[%get3A_354] : memref<65536xi32, #tpu.memory_space<vmem>>[vector<16xi32>], vector<16xi32>,
        %and3A_364 = arith.constant 15 : i32
        %and3A_365 = vector.broadcast %and3A_364 : i32 to vector<16xi32>
        %and3A_366 = arith.andi %get3A_362, %and3A_365 : vector<16xi32>
        %lt3A_367 = arith.constant 0 : i32
        %lt3A_368 = vector.broadcast %lt3A_367 : i32 to vector<16xi32>
        %lt3A_369 = arith.cmpi slt, %and3A_366, %lt3A_368 : vector<16xi32>
        %add3A_370 = arith.constant 16 : i32
        %add3A_371 = vector.broadcast %add3A_370 : i32 to vector<16xi32>
        %add3A_372 = arith.addi %and3A_366, %add3A_371 : vector<16xi32>
        %select_n3A_373 = arith.select %lt3A_369, %add3A_372, %and3A_366 : vector<16xi1>, vector<16xi32>
        %broadcast_in_dim3A_374 = vector.shape_cast %select_n3A_373 : vector<16xi32> to vector<16x1xi32>
        %gather3A_375 = vector.shape_cast %broadcast_in_dim3A_374 : vector<16x1xi32> to vector<16xi32>
        %gather3A_376 = tpu.dynamic_gather %gather3A_363[%gather3A_375] in [0] : vector<16xi32>, vector<16xi32> -> vector<16xi32>
        %lt3A_377 = arith.constant 256 : i32
        %lt3A_378 = vector.broadcast %lt3A_377 : i32 to vector<16xi32>
        %lt3A_379 = arith.cmpi slt, %get3A_362, %lt3A_378 : vector<16xi32>
        tpu.vector_store_idx %arg7[%get3A_358], %gather3A_376 masked %lt3A_379 : memref<65536xi32, #tpu.memory_space<vmem>>[vector<16xi32>], vector<16xi32>, vector<16xi1>
        %scan3A_380 = arith.constant 0 : i32
        scf.yield %scan3A_380 : i32
      }
      %scan3A_116 = arith.constant 64 : i32
      %mul3A_117 = arith.constant 65536 : i32
      %mul3A_118 = arith.muli %add3A, %mul3A_117 : i32
      "tpu.region"() ({
        %run_scoped3A = tpu.sem_alloc : memref<!tpu.dma_semaphore, #tpu.memory_space<semaphore_mem>>
        %dma_start3A = tpu.memref_slice %arg6[%mul3A_118] : memref<262144xi32, #tpu.memory_space<hbm>> -> memref<65536xi32, #tpu.memory_space<hbm>>
        %dma_start3A_119 = tpu.memref_slice %arg6[%mul3A_118] : memref<262144xi32, #tpu.memory_space<hbm>> -> memref<65536xi32, #tpu.memory_space<hbm>>
        tpu.enqueue_dma source(%arg7 : memref<65536xi32, #tpu.memory_space<vmem>>) target(%dma_start3A_119 : memref<65536xi32, #tpu.memory_space<hbm>>) target_semaphore(%run_scoped3A : memref<!tpu.dma_semaphore, #tpu.memory_space<semaphore_mem>>)
        %dma_wait3A = tpu.memref_slice %arg6[%mul3A_118] : memref<262144xi32, #tpu.memory_space<hbm>> -> memref<65536xi32, #tpu.memory_space<hbm>>
        %dma_wait3A_120 = tpu.memref_slice %arg6[%mul3A_118] : memref<262144xi32, #tpu.memory_space<hbm>> -> memref<65536xi32, #tpu.memory_space<hbm>>
        tpu.wait_dma2 semaphore(%run_scoped3A : memref<!tpu.dma_semaphore, #tpu.memory_space<semaphore_mem>>) src(%arg7 : memref<65536xi32, #tpu.memory_space<vmem>>) dst(%dma_wait3A_120 : memref<65536xi32, #tpu.memory_space<hbm>>)
        tpu.yield
      }) : () -> ()
    } else {
    }
    return
  }
}

#map = affine_map<(d0, d1) -> (0, 0)>
module attributes {stable_mosaic.version = 14 : i64} {
  func.func @_gather_kernel(%arg0: i32, %arg1: i32, %arg2: memref<131076x128xf32, #tpu.memory_space<hbm>>, %arg3: memref<2048x128xi32, #tpu.memory_space<hbm>>, %arg4: memref<262144x128xf32, #tpu.memory_space<hbm>>, %arg5: memref<64x128xi32, #tpu.memory_space<vmem>>, %arg6: memref<4x128x128xf32, #tpu.memory_space<vmem>>, %arg7: memref<!tpu.dma_semaphore, #tpu.memory_space<semaphore_mem>>, %arg8: memref<!tpu.dma_semaphore, #tpu.memory_space<semaphore_mem>>, %arg9: memref<!tpu.dma_semaphore, #tpu.memory_space<semaphore_mem>>, %arg10: memref<!tpu.dma_semaphore, #tpu.memory_space<semaphore_mem>>, %arg11: memref<!tpu.dma_semaphore, #tpu.memory_space<semaphore_mem>>, %arg12: memref<!tpu.dma_semaphore, #tpu.memory_space<semaphore_mem>>, %arg13: memref<!tpu.dma_semaphore, #tpu.memory_space<semaphore_mem>>, %arg14: memref<!tpu.dma_semaphore, #tpu.memory_space<semaphore_mem>>) attributes {dimension_semantics = [#tpu.dimension_semantics<core_parallel>, #tpu.dimension_semantics<subcore_parallel>], iteration_bounds = array<i64: 2, 16>, scalar_prefetch = 0 : i64, scratch_operands = 10 : i64, tpu.core_type = #tpu.core_type<sc_vector_subcore>, window_params = [{transform_indices = #map}, {transform_indices = #map}, {transform_indices = #map}]} {
    %mul3A = arith.constant 2 : i32
    %mul3A_0 = arith.muli %arg1, %mul3A : i32
    %add3A = arith.addi %mul3A_0, %arg0 : i32
    %mul3A_1 = arith.constant 8192 : i32
    %mul3A_2 = arith.muli %add3A, %mul3A_1 : i32
    %mul3A_3 = arith.constant 64 : i32
    %mul3A_4 = arith.muli %add3A, %mul3A_3 : i32
    "tpu.region"() ({
      %run_scoped3A = tpu.sem_alloc : memref<!tpu.dma_semaphore, #tpu.memory_space<semaphore_mem>>
      %dma_start3A_59 = arith.constant 0 : i32
      %dma_start3A_60 = tpu.memref_slice %arg3[%mul3A_4, %dma_start3A_59] : memref<2048x128xi32, #tpu.memory_space<hbm>> -> memref<64x128xi32, #tpu.memory_space<hbm>>
      %dma_start3A_61 = arith.constant 0 : i32
      %dma_start3A_62 = tpu.memref_slice %arg3[%mul3A_4, %dma_start3A_61] : memref<2048x128xi32, #tpu.memory_space<hbm>> -> memref<64x128xi32, #tpu.memory_space<hbm>>
      tpu.enqueue_dma source(%dma_start3A_62 : memref<64x128xi32, #tpu.memory_space<hbm>>) target(%arg5 : memref<64x128xi32, #tpu.memory_space<vmem>>) target_semaphore(%run_scoped3A : memref<!tpu.dma_semaphore, #tpu.memory_space<semaphore_mem>>)
      %dma_wait3A_63 = arith.constant 0 : i32
      %dma_wait3A_64 = tpu.memref_slice %arg3[%mul3A_4, %dma_wait3A_63] : memref<2048x128xi32, #tpu.memory_space<hbm>> -> memref<64x128xi32, #tpu.memory_space<hbm>>
      %dma_wait3A_65 = arith.constant 0 : i32
      %dma_wait3A_66 = tpu.memref_slice %arg3[%mul3A_4, %dma_wait3A_65] : memref<2048x128xi32, #tpu.memory_space<hbm>> -> memref<64x128xi32, #tpu.memory_space<hbm>>
      tpu.wait_dma2 semaphore(%run_scoped3A : memref<!tpu.dma_semaphore, #tpu.memory_space<semaphore_mem>>) src(%dma_wait3A_66 : memref<64x128xi32, #tpu.memory_space<hbm>>) dst(%arg5 : memref<64x128xi32, #tpu.memory_space<vmem>>)
      tpu.yield
    }) : () -> ()
    %dma_start3A = arith.constant 0 : i32
    %dma_start3A_5 = arith.constant 0 : i32
    %dma_start3A_6 = arith.constant 0 : i32
    %dma_start3A_7 = arith.constant 0 : i32
    %dma_start3A_8 = tpu.memref_slice %arg6[%dma_start3A_5, %dma_start3A_6, %dma_start3A_7] : memref<4x128x128xf32, #tpu.memory_space<vmem>> -> memref<1x128x128xf32, #tpu.memory_space<vmem>>
    %dma_start3A_9 = tpu.memref_squeeze %dma_start3A_8 : memref<1x128x128xf32, #tpu.memory_space<vmem>> -> memref<128x128xf32, #tpu.memory_space<vmem>>
    %dma_start3A_10 = arith.constant 0 : i32
    %dma_start3A_11 = tpu.memref_slice %arg5[%dma_start3A, %dma_start3A_10] : memref<64x128xi32, #tpu.memory_space<vmem>> -> memref<1x128xi32, #tpu.memory_space<vmem>>
    %dma_start3A_12 = tpu.memref_squeeze %dma_start3A_11 : memref<1x128xi32, #tpu.memory_space<vmem>> -> memref<128xi32, #tpu.memory_space<vmem>>
    %dma_start3A_13 = arith.constant 0 : i32
    %dma_start3A_14 = arith.constant 0 : i32
    %dma_start3A_15 = tpu.memref_slice %arg2[%dma_start3A_13, %dma_start3A_14] : memref<131076x128xf32, #tpu.memory_space<hbm>> -> memref<131076x128xf32, #tpu.memory_space<hbm>>
    tpu.enqueue_indirect_dma source(%dma_start3A_15 : memref<131076x128xf32, #tpu.memory_space<hbm>>) target(%dma_start3A_9 : memref<128x128xf32, #tpu.memory_space<vmem>>) offsets(%dma_start3A_12 : memref<128xi32, #tpu.memory_space<vmem>>) semaphore(%arg7 : memref<!tpu.dma_semaphore, #tpu.memory_space<semaphore_mem>>)
    %dma_start3A_16 = arith.constant 1 : i32
    %dma_start3A_17 = arith.constant 1 : i32
    %dma_start3A_18 = arith.constant 0 : i32
    %dma_start3A_19 = arith.constant 0 : i32
    %dma_start3A_20 = tpu.memref_slice %arg6[%dma_start3A_17, %dma_start3A_18, %dma_start3A_19] : memref<4x128x128xf32, #tpu.memory_space<vmem>> -> memref<1x128x128xf32, #tpu.memory_space<vmem>>
    %dma_start3A_21 = tpu.memref_squeeze %dma_start3A_20 : memref<1x128x128xf32, #tpu.memory_space<vmem>> -> memref<128x128xf32, #tpu.memory_space<vmem>>
    %dma_start3A_22 = arith.constant 0 : i32
    %dma_start3A_23 = tpu.memref_slice %arg5[%dma_start3A_16, %dma_start3A_22] : memref<64x128xi32, #tpu.memory_space<vmem>> -> memref<1x128xi32, #tpu.memory_space<vmem>>
    %dma_start3A_24 = tpu.memref_squeeze %dma_start3A_23 : memref<1x128xi32, #tpu.memory_space<vmem>> -> memref<128xi32, #tpu.memory_space<vmem>>
    %dma_start3A_25 = arith.constant 0 : i32
    %dma_start3A_26 = arith.constant 0 : i32
    %dma_start3A_27 = tpu.memref_slice %arg2[%dma_start3A_25, %dma_start3A_26] : memref<131076x128xf32, #tpu.memory_space<hbm>> -> memref<131076x128xf32, #tpu.memory_space<hbm>>
    tpu.enqueue_indirect_dma source(%dma_start3A_27 : memref<131076x128xf32, #tpu.memory_space<hbm>>) target(%dma_start3A_21 : memref<128x128xf32, #tpu.memory_space<vmem>>) offsets(%dma_start3A_24 : memref<128xi32, #tpu.memory_space<vmem>>) semaphore(%arg8 : memref<!tpu.dma_semaphore, #tpu.memory_space<semaphore_mem>>)
    %scan3A = arith.constant 0 : i32
    %scan3A_28 = arith.constant 0 : i32
    %scan3A_29 = arith.constant 16 : i32
    %scan3A_30 = arith.addi %scan3A_28, %scan3A_29 : i32
    %scan3A_31 = arith.constant 1 : i32
    %scan3A_32 = scf.for %scan3A_59 = %scan3A_28 to %scan3A_30 step %scan3A_31 iter_args(%scan3A_60 = %scan3A) -> (i32)  : i32 {
      %mul3A_61 = arith.constant 4 : i32
      %mul3A_62 = arith.muli %scan3A_59, %mul3A_61 : i32
      %add3A_63 = arith.constant 0 : i32
      %add3A_64 = arith.addi %mul3A_62, %add3A_63 : i32
      %dma_wait3A_65 = arith.constant 0 : i32
      %dma_wait3A_66 = arith.constant 0 : i32
      %dma_wait3A_67 = arith.constant 0 : i32
      %dma_wait3A_68 = tpu.memref_slice %arg6[%dma_wait3A_65, %dma_wait3A_66, %dma_wait3A_67] : memref<4x128x128xf32, #tpu.memory_space<vmem>> -> memref<1x128x128xf32, #tpu.memory_space<vmem>>
      %dma_wait3A_69 = tpu.memref_squeeze %dma_wait3A_68 : memref<1x128x128xf32, #tpu.memory_space<vmem>> -> memref<128x128xf32, #tpu.memory_space<vmem>>
      %dma_wait3A_70 = arith.constant 0 : i32
      %dma_wait3A_71 = tpu.memref_slice %arg5[%add3A_64, %dma_wait3A_70] : memref<64x128xi32, #tpu.memory_space<vmem>> -> memref<1x128xi32, #tpu.memory_space<vmem>>
      %dma_wait3A_72 = tpu.memref_squeeze %dma_wait3A_71 : memref<1x128xi32, #tpu.memory_space<vmem>> -> memref<128xi32, #tpu.memory_space<vmem>>
      %dma_wait3A_73 = arith.constant 0 : i32
      %dma_wait3A_74 = arith.constant 0 : i32
      %dma_wait3A_75 = tpu.memref_slice %arg2[%dma_wait3A_73, %dma_wait3A_74] : memref<131076x128xf32, #tpu.memory_space<hbm>> -> memref<131076x128xf32, #tpu.memory_space<hbm>>
      tpu.wait_indirect_dma semaphore(%arg7 : memref<!tpu.dma_semaphore, #tpu.memory_space<semaphore_mem>>) src(%dma_wait3A_75 : memref<131076x128xf32, #tpu.memory_space<hbm>>) dst(%dma_wait3A_69 : memref<128x128xf32, #tpu.memory_space<vmem>>)
      %mul3A_76 = arith.constant 128 : i32
      %mul3A_77 = arith.muli %add3A_64, %mul3A_76 : i32
      %add3A_78 = arith.addi %mul3A_2, %mul3A_77 : i32
      %dma_start3A_79 = arith.constant 0 : i32
      %dma_start3A_80 = arith.constant 0 : i32
      %dma_start3A_81 = arith.constant 0 : i32
      %dma_start3A_82 = tpu.memref_slice %arg6[%dma_start3A_79, %dma_start3A_80, %dma_start3A_81] : memref<4x128x128xf32, #tpu.memory_space<vmem>> -> memref<1x128x128xf32, #tpu.memory_space<vmem>>
      %dma_start3A_83 = tpu.memref_squeeze %dma_start3A_82 : memref<1x128x128xf32, #tpu.memory_space<vmem>> -> memref<128x128xf32, #tpu.memory_space<vmem>>
      %dma_start3A_84 = arith.constant 0 : i32
      %dma_start3A_85 = tpu.memref_slice %arg4[%add3A_78, %dma_start3A_84] : memref<262144x128xf32, #tpu.memory_space<hbm>> -> memref<128x128xf32, #tpu.memory_space<hbm>>
      %dma_start3A_86 = arith.constant 0 : i32
      %dma_start3A_87 = tpu.memref_slice %arg4[%add3A_78, %dma_start3A_86] : memref<262144x128xf32, #tpu.memory_space<hbm>> -> memref<128x128xf32, #tpu.memory_space<hbm>>
      %dma_start3A_88 = arith.constant 0 : i32
      %dma_start3A_89 = arith.constant 0 : i32
      %dma_start3A_90 = tpu.memref_slice %arg6[%dma_start3A_79, %dma_start3A_88, %dma_start3A_89] : memref<4x128x128xf32, #tpu.memory_space<vmem>> -> memref<1x128x128xf32, #tpu.memory_space<vmem>>
      %dma_start3A_91 = tpu.memref_squeeze %dma_start3A_90 : memref<1x128x128xf32, #tpu.memory_space<vmem>> -> memref<128x128xf32, #tpu.memory_space<vmem>>
      tpu.enqueue_dma source(%dma_start3A_91 : memref<128x128xf32, #tpu.memory_space<vmem>>) target(%dma_start3A_87 : memref<128x128xf32, #tpu.memory_space<hbm>>) target_semaphore(%arg11 : memref<!tpu.dma_semaphore, #tpu.memory_space<semaphore_mem>>)
      %add3A_92 = arith.constant 2 : i32
      %add3A_93 = arith.addi %add3A_64, %add3A_92 : i32
      %lt3A = arith.constant 64 : i32
      %lt3A_94 = arith.cmpi slt, %add3A_93, %lt3A : i32
      %convert_element_type3A = arith.extui %lt3A_94 : i1 to i32
      %cond3A = arith.constant 0 : i32
      %cond3A_95 = arith.cmpi ne, %convert_element_type3A, %cond3A : i32
      scf.if %cond3A_95 {
        %ge3A = arith.constant 2 : i32
        %ge3A_211 = arith.cmpi sge, %add3A_64, %ge3A : i32
        %convert_element_type3A_212 = arith.extui %ge3A_211 : i1 to i32
        %cond3A_213 = arith.constant 0 : i32
        %cond3A_214 = arith.cmpi ne, %convert_element_type3A_212, %cond3A_213 : i32
        scf.if %cond3A_214 {
          %dma_wait3A_226 = arith.constant 2 : i32
          %dma_wait3A_227 = arith.constant 0 : i32
          %dma_wait3A_228 = arith.constant 0 : i32
          %dma_wait3A_229 = tpu.memref_slice %arg6[%dma_wait3A_226, %dma_wait3A_227, %dma_wait3A_228] : memref<4x128x128xf32, #tpu.memory_space<vmem>> -> memref<1x128x128xf32, #tpu.memory_space<vmem>>
          %dma_wait3A_230 = tpu.memref_squeeze %dma_wait3A_229 : memref<1x128x128xf32, #tpu.memory_space<vmem>> -> memref<128x128xf32, #tpu.memory_space<vmem>>
          %dma_wait3A_231 = arith.constant 0 : i32
          %dma_wait3A_232 = tpu.memref_slice %arg4[%mul3A_2, %dma_wait3A_231] : memref<262144x128xf32, #tpu.memory_space<hbm>> -> memref<128x128xf32, #tpu.memory_space<hbm>>
          %dma_wait3A_233 = arith.constant 0 : i32
          %dma_wait3A_234 = tpu.memref_slice %arg4[%mul3A_2, %dma_wait3A_233] : memref<262144x128xf32, #tpu.memory_space<hbm>> -> memref<128x128xf32, #tpu.memory_space<hbm>>
          %dma_wait3A_235 = arith.constant 0 : i32
          %dma_wait3A_236 = arith.constant 0 : i32
          %dma_wait3A_237 = tpu.memref_slice %arg6[%dma_wait3A_226, %dma_wait3A_235, %dma_wait3A_236] : memref<4x128x128xf32, #tpu.memory_space<vmem>> -> memref<1x128x128xf32, #tpu.memory_space<vmem>>
          %dma_wait3A_238 = tpu.memref_squeeze %dma_wait3A_237 : memref<1x128x128xf32, #tpu.memory_space<vmem>> -> memref<128x128xf32, #tpu.memory_space<vmem>>
          tpu.wait_dma2 semaphore(%arg13 : memref<!tpu.dma_semaphore, #tpu.memory_space<semaphore_mem>>) src(%dma_wait3A_238 : memref<128x128xf32, #tpu.memory_space<vmem>>) dst(%dma_wait3A_234 : memref<128x128xf32, #tpu.memory_space<hbm>>)
        } else {
        }
        %dma_start3A_215 = arith.constant 2 : i32
        %dma_start3A_216 = arith.constant 0 : i32
        %dma_start3A_217 = arith.constant 0 : i32
        %dma_start3A_218 = tpu.memref_slice %arg6[%dma_start3A_215, %dma_start3A_216, %dma_start3A_217] : memref<4x128x128xf32, #tpu.memory_space<vmem>> -> memref<1x128x128xf32, #tpu.memory_space<vmem>>
        %dma_start3A_219 = tpu.memref_squeeze %dma_start3A_218 : memref<1x128x128xf32, #tpu.memory_space<vmem>> -> memref<128x128xf32, #tpu.memory_space<vmem>>
        %dma_start3A_220 = arith.constant 0 : i32
        %dma_start3A_221 = tpu.memref_slice %arg5[%add3A_93, %dma_start3A_220] : memref<64x128xi32, #tpu.memory_space<vmem>> -> memref<1x128xi32, #tpu.memory_space<vmem>>
        %dma_start3A_222 = tpu.memref_squeeze %dma_start3A_221 : memref<1x128xi32, #tpu.memory_space<vmem>> -> memref<128xi32, #tpu.memory_space<vmem>>
        %dma_start3A_223 = arith.constant 0 : i32
        %dma_start3A_224 = arith.constant 0 : i32
        %dma_start3A_225 = tpu.memref_slice %arg2[%dma_start3A_223, %dma_start3A_224] : memref<131076x128xf32, #tpu.memory_space<hbm>> -> memref<131076x128xf32, #tpu.memory_space<hbm>>
        tpu.enqueue_indirect_dma source(%dma_start3A_225 : memref<131076x128xf32, #tpu.memory_space<hbm>>) target(%dma_start3A_219 : memref<128x128xf32, #tpu.memory_space<vmem>>) offsets(%dma_start3A_222 : memref<128xi32, #tpu.memory_space<vmem>>) semaphore(%arg9 : memref<!tpu.dma_semaphore, #tpu.memory_space<semaphore_mem>>)
      } else {
      }
      %mul3A_96 = arith.constant 4 : i32
      %mul3A_97 = arith.muli %scan3A_59, %mul3A_96 : i32
      %add3A_98 = arith.constant 1 : i32
      %add3A_99 = arith.addi %mul3A_97, %add3A_98 : i32
      %dma_wait3A_100 = arith.constant 1 : i32
      %dma_wait3A_101 = arith.constant 0 : i32
      %dma_wait3A_102 = arith.constant 0 : i32
      %dma_wait3A_103 = tpu.memref_slice %arg6[%dma_wait3A_100, %dma_wait3A_101, %dma_wait3A_102] : memref<4x128x128xf32, #tpu.memory_space<vmem>> -> memref<1x128x128xf32, #tpu.memory_space<vmem>>
      %dma_wait3A_104 = tpu.memref_squeeze %dma_wait3A_103 : memref<1x128x128xf32, #tpu.memory_space<vmem>> -> memref<128x128xf32, #tpu.memory_space<vmem>>
      %dma_wait3A_105 = arith.constant 0 : i32
      %dma_wait3A_106 = tpu.memref_slice %arg5[%add3A_99, %dma_wait3A_105] : memref<64x128xi32, #tpu.memory_space<vmem>> -> memref<1x128xi32, #tpu.memory_space<vmem>>
      %dma_wait3A_107 = tpu.memref_squeeze %dma_wait3A_106 : memref<1x128xi32, #tpu.memory_space<vmem>> -> memref<128xi32, #tpu.memory_space<vmem>>
      %dma_wait3A_108 = arith.constant 0 : i32
      %dma_wait3A_109 = arith.constant 0 : i32
      %dma_wait3A_110 = tpu.memref_slice %arg2[%dma_wait3A_108, %dma_wait3A_109] : memref<131076x128xf32, #tpu.memory_space<hbm>> -> memref<131076x128xf32, #tpu.memory_space<hbm>>
      tpu.wait_indirect_dma semaphore(%arg8 : memref<!tpu.dma_semaphore, #tpu.memory_space<semaphore_mem>>) src(%dma_wait3A_110 : memref<131076x128xf32, #tpu.memory_space<hbm>>) dst(%dma_wait3A_104 : memref<128x128xf32, #tpu.memory_space<vmem>>)
      %mul3A_111 = arith.constant 128 : i32
      %mul3A_112 = arith.muli %add3A_99, %mul3A_111 : i32
      %add3A_113 = arith.addi %mul3A_2, %mul3A_112 : i32
      %dma_start3A_114 = arith.constant 1 : i32
      %dma_start3A_115 = arith.constant 0 : i32
      %dma_start3A_116 = arith.constant 0 : i32
      %dma_start3A_117 = tpu.memref_slice %arg6[%dma_start3A_114, %dma_start3A_115, %dma_start3A_116] : memref<4x128x128xf32, #tpu.memory_space<vmem>> -> memref<1x128x128xf32, #tpu.memory_space<vmem>>
      %dma_start3A_118 = tpu.memref_squeeze %dma_start3A_117 : memref<1x128x128xf32, #tpu.memory_space<vmem>> -> memref<128x128xf32, #tpu.memory_space<vmem>>
      %dma_start3A_119 = arith.constant 0 : i32
      %dma_start3A_120 = tpu.memref_slice %arg4[%add3A_113, %dma_start3A_119] : memref<262144x128xf32, #tpu.memory_space<hbm>> -> memref<128x128xf32, #tpu.memory_space<hbm>>
      %dma_start3A_121 = arith.constant 0 : i32
      %dma_start3A_122 = tpu.memref_slice %arg4[%add3A_113, %dma_start3A_121] : memref<262144x128xf32, #tpu.memory_space<hbm>> -> memref<128x128xf32, #tpu.memory_space<hbm>>
      %dma_start3A_123 = arith.constant 0 : i32
      %dma_start3A_124 = arith.constant 0 : i32
      %dma_start3A_125 = tpu.memref_slice %arg6[%dma_start3A_114, %dma_start3A_123, %dma_start3A_124] : memref<4x128x128xf32, #tpu.memory_space<vmem>> -> memref<1x128x128xf32, #tpu.memory_space<vmem>>
      %dma_start3A_126 = tpu.memref_squeeze %dma_start3A_125 : memref<1x128x128xf32, #tpu.memory_space<vmem>> -> memref<128x128xf32, #tpu.memory_space<vmem>>
      tpu.enqueue_dma source(%dma_start3A_126 : memref<128x128xf32, #tpu.memory_space<vmem>>) target(%dma_start3A_122 : memref<128x128xf32, #tpu.memory_space<hbm>>) target_semaphore(%arg12 : memref<!tpu.dma_semaphore, #tpu.memory_space<semaphore_mem>>)
      %add3A_127 = arith.constant 2 : i32
      %add3A_128 = arith.addi %add3A_99, %add3A_127 : i32
      %lt3A_129 = arith.constant 64 : i32
      %lt3A_130 = arith.cmpi slt, %add3A_128, %lt3A_129 : i32
      %convert_element_type3A_131 = arith.extui %lt3A_130 : i1 to i32
      %cond3A_132 = arith.constant 0 : i32
      %cond3A_133 = arith.cmpi ne, %convert_element_type3A_131, %cond3A_132 : i32
      scf.if %cond3A_133 {
        %ge3A = arith.constant 2 : i32
        %ge3A_211 = arith.cmpi sge, %add3A_99, %ge3A : i32
        %convert_element_type3A_212 = arith.extui %ge3A_211 : i1 to i32
        %cond3A_213 = arith.constant 0 : i32
        %cond3A_214 = arith.cmpi ne, %convert_element_type3A_212, %cond3A_213 : i32
        scf.if %cond3A_214 {
          %dma_wait3A_226 = arith.constant 3 : i32
          %dma_wait3A_227 = arith.constant 0 : i32
          %dma_wait3A_228 = arith.constant 0 : i32
          %dma_wait3A_229 = tpu.memref_slice %arg6[%dma_wait3A_226, %dma_wait3A_227, %dma_wait3A_228] : memref<4x128x128xf32, #tpu.memory_space<vmem>> -> memref<1x128x128xf32, #tpu.memory_space<vmem>>
          %dma_wait3A_230 = tpu.memref_squeeze %dma_wait3A_229 : memref<1x128x128xf32, #tpu.memory_space<vmem>> -> memref<128x128xf32, #tpu.memory_space<vmem>>
          %dma_wait3A_231 = arith.constant 0 : i32
          %dma_wait3A_232 = tpu.memref_slice %arg4[%mul3A_2, %dma_wait3A_231] : memref<262144x128xf32, #tpu.memory_space<hbm>> -> memref<128x128xf32, #tpu.memory_space<hbm>>
          %dma_wait3A_233 = arith.constant 0 : i32
          %dma_wait3A_234 = tpu.memref_slice %arg4[%mul3A_2, %dma_wait3A_233] : memref<262144x128xf32, #tpu.memory_space<hbm>> -> memref<128x128xf32, #tpu.memory_space<hbm>>
          %dma_wait3A_235 = arith.constant 0 : i32
          %dma_wait3A_236 = arith.constant 0 : i32
          %dma_wait3A_237 = tpu.memref_slice %arg6[%dma_wait3A_226, %dma_wait3A_235, %dma_wait3A_236] : memref<4x128x128xf32, #tpu.memory_space<vmem>> -> memref<1x128x128xf32, #tpu.memory_space<vmem>>
          %dma_wait3A_238 = tpu.memref_squeeze %dma_wait3A_237 : memref<1x128x128xf32, #tpu.memory_space<vmem>> -> memref<128x128xf32, #tpu.memory_space<vmem>>
          tpu.wait_dma2 semaphore(%arg14 : memref<!tpu.dma_semaphore, #tpu.memory_space<semaphore_mem>>) src(%dma_wait3A_238 : memref<128x128xf32, #tpu.memory_space<vmem>>) dst(%dma_wait3A_234 : memref<128x128xf32, #tpu.memory_space<hbm>>)
        } else {
        }
        %dma_start3A_215 = arith.constant 3 : i32
        %dma_start3A_216 = arith.constant 0 : i32
        %dma_start3A_217 = arith.constant 0 : i32
        %dma_start3A_218 = tpu.memref_slice %arg6[%dma_start3A_215, %dma_start3A_216, %dma_start3A_217] : memref<4x128x128xf32, #tpu.memory_space<vmem>> -> memref<1x128x128xf32, #tpu.memory_space<vmem>>
        %dma_start3A_219 = tpu.memref_squeeze %dma_start3A_218 : memref<1x128x128xf32, #tpu.memory_space<vmem>> -> memref<128x128xf32, #tpu.memory_space<vmem>>
        %dma_start3A_220 = arith.constant 0 : i32
        %dma_start3A_221 = tpu.memref_slice %arg5[%add3A_128, %dma_start3A_220] : memref<64x128xi32, #tpu.memory_space<vmem>> -> memref<1x128xi32, #tpu.memory_space<vmem>>
        %dma_start3A_222 = tpu.memref_squeeze %dma_start3A_221 : memref<1x128xi32, #tpu.memory_space<vmem>> -> memref<128xi32, #tpu.memory_space<vmem>>
        %dma_start3A_223 = arith.constant 0 : i32
        %dma_start3A_224 = arith.constant 0 : i32
        %dma_start3A_225 = tpu.memref_slice %arg2[%dma_start3A_223, %dma_start3A_224] : memref<131076x128xf32, #tpu.memory_space<hbm>> -> memref<131076x128xf32, #tpu.memory_space<hbm>>
        tpu.enqueue_indirect_dma source(%dma_start3A_225 : memref<131076x128xf32, #tpu.memory_space<hbm>>) target(%dma_start3A_219 : memref<128x128xf32, #tpu.memory_space<vmem>>) offsets(%dma_start3A_222 : memref<128xi32, #tpu.memory_space<vmem>>) semaphore(%arg10 : memref<!tpu.dma_semaphore, #tpu.memory_space<semaphore_mem>>)
      } else {
      }
      %mul3A_134 = arith.constant 4 : i32
      %mul3A_135 = arith.muli %scan3A_59, %mul3A_134 : i32
      %add3A_136 = arith.constant 2 : i32
      %add3A_137 = arith.addi %mul3A_135, %add3A_136 : i32
      %dma_wait3A_138 = arith.constant 2 : i32
      %dma_wait3A_139 = arith.constant 0 : i32
      %dma_wait3A_140 = arith.constant 0 : i32
      %dma_wait3A_141 = tpu.memref_slice %arg6[%dma_wait3A_138, %dma_wait3A_139, %dma_wait3A_140] : memref<4x128x128xf32, #tpu.memory_space<vmem>> -> memref<1x128x128xf32, #tpu.memory_space<vmem>>
      %dma_wait3A_142 = tpu.memref_squeeze %dma_wait3A_141 : memref<1x128x128xf32, #tpu.memory_space<vmem>> -> memref<128x128xf32, #tpu.memory_space<vmem>>
      %dma_wait3A_143 = arith.constant 0 : i32
      %dma_wait3A_144 = tpu.memref_slice %arg5[%add3A_137, %dma_wait3A_143] : memref<64x128xi32, #tpu.memory_space<vmem>> -> memref<1x128xi32, #tpu.memory_space<vmem>>
      %dma_wait3A_145 = tpu.memref_squeeze %dma_wait3A_144 : memref<1x128xi32, #tpu.memory_space<vmem>> -> memref<128xi32, #tpu.memory_space<vmem>>
      %dma_wait3A_146 = arith.constant 0 : i32
      %dma_wait3A_147 = arith.constant 0 : i32
      %dma_wait3A_148 = tpu.memref_slice %arg2[%dma_wait3A_146, %dma_wait3A_147] : memref<131076x128xf32, #tpu.memory_space<hbm>> -> memref<131076x128xf32, #tpu.memory_space<hbm>>
      tpu.wait_indirect_dma semaphore(%arg9 : memref<!tpu.dma_semaphore, #tpu.memory_space<semaphore_mem>>) src(%dma_wait3A_148 : memref<131076x128xf32, #tpu.memory_space<hbm>>) dst(%dma_wait3A_142 : memref<128x128xf32, #tpu.memory_space<vmem>>)
      %mul3A_149 = arith.constant 128 : i32
      %mul3A_150 = arith.muli %add3A_137, %mul3A_149 : i32
      %add3A_151 = arith.addi %mul3A_2, %mul3A_150 : i32
      %dma_start3A_152 = arith.constant 2 : i32
      %dma_start3A_153 = arith.constant 0 : i32
      %dma_start3A_154 = arith.constant 0 : i32
      %dma_start3A_155 = tpu.memref_slice %arg6[%dma_start3A_152, %dma_start3A_153, %dma_start3A_154] : memref<4x128x128xf32, #tpu.memory_space<vmem>> -> memref<1x128x128xf32, #tpu.memory_space<vmem>>
      %dma_start3A_156 = tpu.memref_squeeze %dma_start3A_155 : memref<1x128x128xf32, #tpu.memory_space<vmem>> -> memref<128x128xf32, #tpu.memory_space<vmem>>
      %dma_start3A_157 = arith.constant 0 : i32
      %dma_start3A_158 = tpu.memref_slice %arg4[%add3A_151, %dma_start3A_157] : memref<262144x128xf32, #tpu.memory_space<hbm>> -> memref<128x128xf32, #tpu.memory_space<hbm>>
      %dma_start3A_159 = arith.constant 0 : i32
      %dma_start3A_160 = tpu.memref_slice %arg4[%add3A_151, %dma_start3A_159] : memref<262144x128xf32, #tpu.memory_space<hbm>> -> memref<128x128xf32, #tpu.memory_space<hbm>>
      %dma_start3A_161 = arith.constant 0 : i32
      %dma_start3A_162 = arith.constant 0 : i32
      %dma_start3A_163 = tpu.memref_slice %arg6[%dma_start3A_152, %dma_start3A_161, %dma_start3A_162] : memref<4x128x128xf32, #tpu.memory_space<vmem>> -> memref<1x128x128xf32, #tpu.memory_space<vmem>>
      %dma_start3A_164 = tpu.memref_squeeze %dma_start3A_163 : memref<1x128x128xf32, #tpu.memory_space<vmem>> -> memref<128x128xf32, #tpu.memory_space<vmem>>
      tpu.enqueue_dma source(%dma_start3A_164 : memref<128x128xf32, #tpu.memory_space<vmem>>) target(%dma_start3A_160 : memref<128x128xf32, #tpu.memory_space<hbm>>) target_semaphore(%arg13 : memref<!tpu.dma_semaphore, #tpu.memory_space<semaphore_mem>>)
      %add3A_165 = arith.constant 2 : i32
      %add3A_166 = arith.addi %add3A_137, %add3A_165 : i32
      %lt3A_167 = arith.constant 64 : i32
      %lt3A_168 = arith.cmpi slt, %add3A_166, %lt3A_167 : i32
      %convert_element_type3A_169 = arith.extui %lt3A_168 : i1 to i32
      %cond3A_170 = arith.constant 0 : i32
      %cond3A_171 = arith.cmpi ne, %convert_element_type3A_169, %cond3A_170 : i32
      scf.if %cond3A_171 {
        %ge3A = arith.constant 2 : i32
        %ge3A_211 = arith.cmpi sge, %add3A_137, %ge3A : i32
        %convert_element_type3A_212 = arith.extui %ge3A_211 : i1 to i32
        %cond3A_213 = arith.constant 0 : i32
        %cond3A_214 = arith.cmpi ne, %convert_element_type3A_212, %cond3A_213 : i32
        scf.if %cond3A_214 {
          %dma_wait3A_226 = arith.constant 0 : i32
          %dma_wait3A_227 = arith.constant 0 : i32
          %dma_wait3A_228 = arith.constant 0 : i32
          %dma_wait3A_229 = tpu.memref_slice %arg6[%dma_wait3A_226, %dma_wait3A_227, %dma_wait3A_228] : memref<4x128x128xf32, #tpu.memory_space<vmem>> -> memref<1x128x128xf32, #tpu.memory_space<vmem>>
          %dma_wait3A_230 = tpu.memref_squeeze %dma_wait3A_229 : memref<1x128x128xf32, #tpu.memory_space<vmem>> -> memref<128x128xf32, #tpu.memory_space<vmem>>
          %dma_wait3A_231 = arith.constant 0 : i32
          %dma_wait3A_232 = tpu.memref_slice %arg4[%mul3A_2, %dma_wait3A_231] : memref<262144x128xf32, #tpu.memory_space<hbm>> -> memref<128x128xf32, #tpu.memory_space<hbm>>
          %dma_wait3A_233 = arith.constant 0 : i32
          %dma_wait3A_234 = tpu.memref_slice %arg4[%mul3A_2, %dma_wait3A_233] : memref<262144x128xf32, #tpu.memory_space<hbm>> -> memref<128x128xf32, #tpu.memory_space<hbm>>
          %dma_wait3A_235 = arith.constant 0 : i32
          %dma_wait3A_236 = arith.constant 0 : i32
          %dma_wait3A_237 = tpu.memref_slice %arg6[%dma_wait3A_226, %dma_wait3A_235, %dma_wait3A_236] : memref<4x128x128xf32, #tpu.memory_space<vmem>> -> memref<1x128x128xf32, #tpu.memory_space<vmem>>
          %dma_wait3A_238 = tpu.memref_squeeze %dma_wait3A_237 : memref<1x128x128xf32, #tpu.memory_space<vmem>> -> memref<128x128xf32, #tpu.memory_space<vmem>>
          tpu.wait_dma2 semaphore(%arg11 : memref<!tpu.dma_semaphore, #tpu.memory_space<semaphore_mem>>) src(%dma_wait3A_238 : memref<128x128xf32, #tpu.memory_space<vmem>>) dst(%dma_wait3A_234 : memref<128x128xf32, #tpu.memory_space<hbm>>)
        } else {
        }
        %dma_start3A_215 = arith.constant 0 : i32
        %dma_start3A_216 = arith.constant 0 : i32
        %dma_start3A_217 = arith.constant 0 : i32
        %dma_start3A_218 = tpu.memref_slice %arg6[%dma_start3A_215, %dma_start3A_216, %dma_start3A_217] : memref<4x128x128xf32, #tpu.memory_space<vmem>> -> memref<1x128x128xf32, #tpu.memory_space<vmem>>
        %dma_start3A_219 = tpu.memref_squeeze %dma_start3A_218 : memref<1x128x128xf32, #tpu.memory_space<vmem>> -> memref<128x128xf32, #tpu.memory_space<vmem>>
        %dma_start3A_220 = arith.constant 0 : i32
        %dma_start3A_221 = tpu.memref_slice %arg5[%add3A_166, %dma_start3A_220] : memref<64x128xi32, #tpu.memory_space<vmem>> -> memref<1x128xi32, #tpu.memory_space<vmem>>
        %dma_start3A_222 = tpu.memref_squeeze %dma_start3A_221 : memref<1x128xi32, #tpu.memory_space<vmem>> -> memref<128xi32, #tpu.memory_space<vmem>>
        %dma_start3A_223 = arith.constant 0 : i32
        %dma_start3A_224 = arith.constant 0 : i32
        %dma_start3A_225 = tpu.memref_slice %arg2[%dma_start3A_223, %dma_start3A_224] : memref<131076x128xf32, #tpu.memory_space<hbm>> -> memref<131076x128xf32, #tpu.memory_space<hbm>>
        tpu.enqueue_indirect_dma source(%dma_start3A_225 : memref<131076x128xf32, #tpu.memory_space<hbm>>) target(%dma_start3A_219 : memref<128x128xf32, #tpu.memory_space<vmem>>) offsets(%dma_start3A_222 : memref<128xi32, #tpu.memory_space<vmem>>) semaphore(%arg7 : memref<!tpu.dma_semaphore, #tpu.memory_space<semaphore_mem>>)
      } else {
      }
      %mul3A_172 = arith.constant 4 : i32
      %mul3A_173 = arith.muli %scan3A_59, %mul3A_172 : i32
      %add3A_174 = arith.constant 3 : i32
      %add3A_175 = arith.addi %mul3A_173, %add3A_174 : i32
      %dma_wait3A_176 = arith.constant 3 : i32
      %dma_wait3A_177 = arith.constant 0 : i32
      %dma_wait3A_178 = arith.constant 0 : i32
      %dma_wait3A_179 = tpu.memref_slice %arg6[%dma_wait3A_176, %dma_wait3A_177, %dma_wait3A_178] : memref<4x128x128xf32, #tpu.memory_space<vmem>> -> memref<1x128x128xf32, #tpu.memory_space<vmem>>
      %dma_wait3A_180 = tpu.memref_squeeze %dma_wait3A_179 : memref<1x128x128xf32, #tpu.memory_space<vmem>> -> memref<128x128xf32, #tpu.memory_space<vmem>>
      %dma_wait3A_181 = arith.constant 0 : i32
      %dma_wait3A_182 = tpu.memref_slice %arg5[%add3A_175, %dma_wait3A_181] : memref<64x128xi32, #tpu.memory_space<vmem>> -> memref<1x128xi32, #tpu.memory_space<vmem>>
      %dma_wait3A_183 = tpu.memref_squeeze %dma_wait3A_182 : memref<1x128xi32, #tpu.memory_space<vmem>> -> memref<128xi32, #tpu.memory_space<vmem>>
      %dma_wait3A_184 = arith.constant 0 : i32
      %dma_wait3A_185 = arith.constant 0 : i32
      %dma_wait3A_186 = tpu.memref_slice %arg2[%dma_wait3A_184, %dma_wait3A_185] : memref<131076x128xf32, #tpu.memory_space<hbm>> -> memref<131076x128xf32, #tpu.memory_space<hbm>>
      tpu.wait_indirect_dma semaphore(%arg10 : memref<!tpu.dma_semaphore, #tpu.memory_space<semaphore_mem>>) src(%dma_wait3A_186 : memref<131076x128xf32, #tpu.memory_space<hbm>>) dst(%dma_wait3A_180 : memref<128x128xf32, #tpu.memory_space<vmem>>)
      %mul3A_187 = arith.constant 128 : i32
      %mul3A_188 = arith.muli %add3A_175, %mul3A_187 : i32
      %add3A_189 = arith.addi %mul3A_2, %mul3A_188 : i32
      %dma_start3A_190 = arith.constant 3 : i32
      %dma_start3A_191 = arith.constant 0 : i32
      %dma_start3A_192 = arith.constant 0 : i32
      %dma_start3A_193 = tpu.memref_slice %arg6[%dma_start3A_190, %dma_start3A_191, %dma_start3A_192] : memref<4x128x128xf32, #tpu.memory_space<vmem>> -> memref<1x128x128xf32, #tpu.memory_space<vmem>>
      %dma_start3A_194 = tpu.memref_squeeze %dma_start3A_193 : memref<1x128x128xf32, #tpu.memory_space<vmem>> -> memref<128x128xf32, #tpu.memory_space<vmem>>
      %dma_start3A_195 = arith.constant 0 : i32
      %dma_start3A_196 = tpu.memref_slice %arg4[%add3A_189, %dma_start3A_195] : memref<262144x128xf32, #tpu.memory_space<hbm>> -> memref<128x128xf32, #tpu.memory_space<hbm>>
      %dma_start3A_197 = arith.constant 0 : i32
      %dma_start3A_198 = tpu.memref_slice %arg4[%add3A_189, %dma_start3A_197] : memref<262144x128xf32, #tpu.memory_space<hbm>> -> memref<128x128xf32, #tpu.memory_space<hbm>>
      %dma_start3A_199 = arith.constant 0 : i32
      %dma_start3A_200 = arith.constant 0 : i32
      %dma_start3A_201 = tpu.memref_slice %arg6[%dma_start3A_190, %dma_start3A_199, %dma_start3A_200] : memref<4x128x128xf32, #tpu.memory_space<vmem>> -> memref<1x128x128xf32, #tpu.memory_space<vmem>>
      %dma_start3A_202 = tpu.memref_squeeze %dma_start3A_201 : memref<1x128x128xf32, #tpu.memory_space<vmem>> -> memref<128x128xf32, #tpu.memory_space<vmem>>
      tpu.enqueue_dma source(%dma_start3A_202 : memref<128x128xf32, #tpu.memory_space<vmem>>) target(%dma_start3A_198 : memref<128x128xf32, #tpu.memory_space<hbm>>) target_semaphore(%arg14 : memref<!tpu.dma_semaphore, #tpu.memory_space<semaphore_mem>>)
      %add3A_203 = arith.constant 2 : i32
      %add3A_204 = arith.addi %add3A_175, %add3A_203 : i32
      %lt3A_205 = arith.constant 64 : i32
      %lt3A_206 = arith.cmpi slt, %add3A_204, %lt3A_205 : i32
      %convert_element_type3A_207 = arith.extui %lt3A_206 : i1 to i32
      %cond3A_208 = arith.constant 0 : i32
      %cond3A_209 = arith.cmpi ne, %convert_element_type3A_207, %cond3A_208 : i32
      scf.if %cond3A_209 {
        %ge3A = arith.constant 2 : i32
        %ge3A_211 = arith.cmpi sge, %add3A_175, %ge3A : i32
        %convert_element_type3A_212 = arith.extui %ge3A_211 : i1 to i32
        %cond3A_213 = arith.constant 0 : i32
        %cond3A_214 = arith.cmpi ne, %convert_element_type3A_212, %cond3A_213 : i32
        scf.if %cond3A_214 {
          %dma_wait3A_226 = arith.constant 1 : i32
          %dma_wait3A_227 = arith.constant 0 : i32
          %dma_wait3A_228 = arith.constant 0 : i32
          %dma_wait3A_229 = tpu.memref_slice %arg6[%dma_wait3A_226, %dma_wait3A_227, %dma_wait3A_228] : memref<4x128x128xf32, #tpu.memory_space<vmem>> -> memref<1x128x128xf32, #tpu.memory_space<vmem>>
          %dma_wait3A_230 = tpu.memref_squeeze %dma_wait3A_229 : memref<1x128x128xf32, #tpu.memory_space<vmem>> -> memref<128x128xf32, #tpu.memory_space<vmem>>
          %dma_wait3A_231 = arith.constant 0 : i32
          %dma_wait3A_232 = tpu.memref_slice %arg4[%mul3A_2, %dma_wait3A_231] : memref<262144x128xf32, #tpu.memory_space<hbm>> -> memref<128x128xf32, #tpu.memory_space<hbm>>
          %dma_wait3A_233 = arith.constant 0 : i32
          %dma_wait3A_234 = tpu.memref_slice %arg4[%mul3A_2, %dma_wait3A_233] : memref<262144x128xf32, #tpu.memory_space<hbm>> -> memref<128x128xf32, #tpu.memory_space<hbm>>
          %dma_wait3A_235 = arith.constant 0 : i32
          %dma_wait3A_236 = arith.constant 0 : i32
          %dma_wait3A_237 = tpu.memref_slice %arg6[%dma_wait3A_226, %dma_wait3A_235, %dma_wait3A_236] : memref<4x128x128xf32, #tpu.memory_space<vmem>> -> memref<1x128x128xf32, #tpu.memory_space<vmem>>
          %dma_wait3A_238 = tpu.memref_squeeze %dma_wait3A_237 : memref<1x128x128xf32, #tpu.memory_space<vmem>> -> memref<128x128xf32, #tpu.memory_space<vmem>>
          tpu.wait_dma2 semaphore(%arg12 : memref<!tpu.dma_semaphore, #tpu.memory_space<semaphore_mem>>) src(%dma_wait3A_238 : memref<128x128xf32, #tpu.memory_space<vmem>>) dst(%dma_wait3A_234 : memref<128x128xf32, #tpu.memory_space<hbm>>)
        } else {
        }
        %dma_start3A_215 = arith.constant 1 : i32
        %dma_start3A_216 = arith.constant 0 : i32
        %dma_start3A_217 = arith.constant 0 : i32
        %dma_start3A_218 = tpu.memref_slice %arg6[%dma_start3A_215, %dma_start3A_216, %dma_start3A_217] : memref<4x128x128xf32, #tpu.memory_space<vmem>> -> memref<1x128x128xf32, #tpu.memory_space<vmem>>
        %dma_start3A_219 = tpu.memref_squeeze %dma_start3A_218 : memref<1x128x128xf32, #tpu.memory_space<vmem>> -> memref<128x128xf32, #tpu.memory_space<vmem>>
        %dma_start3A_220 = arith.constant 0 : i32
        %dma_start3A_221 = tpu.memref_slice %arg5[%add3A_204, %dma_start3A_220] : memref<64x128xi32, #tpu.memory_space<vmem>> -> memref<1x128xi32, #tpu.memory_space<vmem>>
        %dma_start3A_222 = tpu.memref_squeeze %dma_start3A_221 : memref<1x128xi32, #tpu.memory_space<vmem>> -> memref<128xi32, #tpu.memory_space<vmem>>
        %dma_start3A_223 = arith.constant 0 : i32
        %dma_start3A_224 = arith.constant 0 : i32
        %dma_start3A_225 = tpu.memref_slice %arg2[%dma_start3A_223, %dma_start3A_224] : memref<131076x128xf32, #tpu.memory_space<hbm>> -> memref<131076x128xf32, #tpu.memory_space<hbm>>
        tpu.enqueue_indirect_dma source(%dma_start3A_225 : memref<131076x128xf32, #tpu.memory_space<hbm>>) target(%dma_start3A_219 : memref<128x128xf32, #tpu.memory_space<vmem>>) offsets(%dma_start3A_222 : memref<128xi32, #tpu.memory_space<vmem>>) semaphore(%arg8 : memref<!tpu.dma_semaphore, #tpu.memory_space<semaphore_mem>>)
      } else {
      }
      %scan3A_210 = arith.constant 0 : i32
      scf.yield %scan3A_210 : i32
    }
    %scan3A_33 = arith.constant 16 : i32
    %dma_wait3A = arith.constant 3 : i32
    %dma_wait3A_34 = arith.constant 0 : i32
    %dma_wait3A_35 = arith.constant 0 : i32
    %dma_wait3A_36 = tpu.memref_slice %arg6[%dma_wait3A, %dma_wait3A_34, %dma_wait3A_35] : memref<4x128x128xf32, #tpu.memory_space<vmem>> -> memref<1x128x128xf32, #tpu.memory_space<vmem>>
    %dma_wait3A_37 = tpu.memref_squeeze %dma_wait3A_36 : memref<1x128x128xf32, #tpu.memory_space<vmem>> -> memref<128x128xf32, #tpu.memory_space<vmem>>
    %dma_wait3A_38 = arith.constant 0 : i32
    %dma_wait3A_39 = tpu.memref_slice %arg4[%mul3A_2, %dma_wait3A_38] : memref<262144x128xf32, #tpu.memory_space<hbm>> -> memref<128x128xf32, #tpu.memory_space<hbm>>
    %dma_wait3A_40 = arith.constant 0 : i32
    %dma_wait3A_41 = tpu.memref_slice %arg4[%mul3A_2, %dma_wait3A_40] : memref<262144x128xf32, #tpu.memory_space<hbm>> -> memref<128x128xf32, #tpu.memory_space<hbm>>
    %dma_wait3A_42 = arith.constant 0 : i32
    %dma_wait3A_43 = arith.constant 0 : i32
    %dma_wait3A_44 = tpu.memref_slice %arg6[%dma_wait3A, %dma_wait3A_42, %dma_wait3A_43] : memref<4x128x128xf32, #tpu.memory_space<vmem>> -> memref<1x128x128xf32, #tpu.memory_space<vmem>>
    %dma_wait3A_45 = tpu.memref_squeeze %dma_wait3A_44 : memref<1x128x128xf32, #tpu.memory_space<vmem>> -> memref<128x128xf32, #tpu.memory_space<vmem>>
    tpu.wait_dma2 semaphore(%arg14 : memref<!tpu.dma_semaphore, #tpu.memory_space<semaphore_mem>>) src(%dma_wait3A_45 : memref<128x128xf32, #tpu.memory_space<vmem>>) dst(%dma_wait3A_41 : memref<128x128xf32, #tpu.memory_space<hbm>>)
    %dma_wait3A_46 = arith.constant 2 : i32
    %dma_wait3A_47 = arith.constant 0 : i32
    %dma_wait3A_48 = arith.constant 0 : i32
    %dma_wait3A_49 = tpu.memref_slice %arg6[%dma_wait3A_46, %dma_wait3A_47, %dma_wait3A_48] : memref<4x128x128xf32, #tpu.memory_space<vmem>> -> memref<1x128x128xf32, #tpu.memory_space<vmem>>
    %dma_wait3A_50 = tpu.memref_squeeze %dma_wait3A_49 : memref<1x128x128xf32, #tpu.memory_space<vmem>> -> memref<128x128xf32, #tpu.memory_space<vmem>>
    %dma_wait3A_51 = arith.constant 0 : i32
    %dma_wait3A_52 = tpu.memref_slice %arg4[%mul3A_2, %dma_wait3A_51] : memref<262144x128xf32, #tpu.memory_space<hbm>> -> memref<128x128xf32, #tpu.memory_space<hbm>>
    %dma_wait3A_53 = arith.constant 0 : i32
    %dma_wait3A_54 = tpu.memref_slice %arg4[%mul3A_2, %dma_wait3A_53] : memref<262144x128xf32, #tpu.memory_space<hbm>> -> memref<128x128xf32, #tpu.memory_space<hbm>>
    %dma_wait3A_55 = arith.constant 0 : i32
    %dma_wait3A_56 = arith.constant 0 : i32
    %dma_wait3A_57 = tpu.memref_slice %arg6[%dma_wait3A_46, %dma_wait3A_55, %dma_wait3A_56] : memref<4x128x128xf32, #tpu.memory_space<vmem>> -> memref<1x128x128xf32, #tpu.memory_space<vmem>>
    %dma_wait3A_58 = tpu.memref_squeeze %dma_wait3A_57 : memref<1x128x128xf32, #tpu.memory_space<vmem>> -> memref<128x128xf32, #tpu.memory_space<vmem>>
    tpu.wait_dma2 semaphore(%arg13 : memref<!tpu.dma_semaphore, #tpu.memory_space<semaphore_mem>>) src(%dma_wait3A_58 : memref<128x128xf32, #tpu.memory_space<vmem>>) dst(%dma_wait3A_54 : memref<128x128xf32, #tpu.memory_space<hbm>>)
    return
  }
}

#map = affine_map<(d0, d1) -> (0)>
module attributes {stable_mosaic.version = 14 : i64} {
  func.func @_hazard_kernel(%arg0: i32, %arg1: i32, %arg2: memref<131072xi32, #tpu.memory_space<hbm>>, %arg3: memref<131072xi32, #tpu.memory_space<hbm>>, %arg4: memref<131072xi32, #tpu.memory_space<hbm>>, %arg5: memref<131072xi32, #tpu.memory_space<hbm>>, %arg6: memref<131072xi32, #tpu.memory_space<hbm>>, %arg7: memref<4096xi32, #tpu.memory_space<vmem>>, %arg8: memref<4096xi32, #tpu.memory_space<vmem>>, %arg9: memref<4096xi32, #tpu.memory_space<vmem>>, %arg10: memref<4096xi32, #tpu.memory_space<vmem>>, %arg11: memref<4096xi32, #tpu.memory_space<vmem>>) attributes {dimension_semantics = [#tpu.dimension_semantics<core_parallel>, #tpu.dimension_semantics<subcore_parallel>], iteration_bounds = array<i64: 2, 16>, scalar_prefetch = 0 : i64, scratch_operands = 5 : i64, tpu.core_type = #tpu.core_type<sc_vector_subcore>, window_params = [{transform_indices = #map}, {transform_indices = #map}, {transform_indices = #map}, {transform_indices = #map}, {transform_indices = #map}]} {
    %mul3A = arith.constant 2 : i32
    %mul3A_0 = arith.muli %arg1, %mul3A : i32
    %add3A = arith.addi %mul3A_0, %arg0 : i32
    %iota3A = tpu.iota {dimensions = array<i32: 0>} : vector<16xi32>
    %jit3A = arith.constant 8 : i32
    %div3A = arith.divsi %add3A, %jit3A : i32
    %sign3A = arith.constant 0 : i32
    %sign3A_1 = arith.cmpi sgt, %add3A, %sign3A : i32
    %sign3A_2 = arith.extui %sign3A_1 : i1 to i32
    %sign3A_3 = arith.constant 0 : i32
    %sign3A_4 = arith.cmpi slt, %add3A, %sign3A_3 : i32
    %sign3A_5 = arith.extui %sign3A_4 : i1 to i32
    %sign3A_6 = arith.subi %sign3A_2, %sign3A_5 : i32
    %sign3A_7 = arith.constant 0 : i32
    %sign3A_8 = arith.cmpi sgt, %jit3A, %sign3A_7 : i32
    %sign3A_9 = arith.extui %sign3A_8 : i1 to i32
    %sign3A_10 = arith.constant 0 : i32
    %sign3A_11 = arith.cmpi slt, %jit3A, %sign3A_10 : i32
    %sign3A_12 = arith.extui %sign3A_11 : i1 to i32
    %sign3A_13 = arith.subi %sign3A_9, %sign3A_12 : i32
    %ne3A = arith.cmpi ne, %sign3A_6, %sign3A_13 : i32
    %rem3A = arith.remsi %add3A, %jit3A : i32
    %ne3A_14 = arith.constant 0 : i32
    %ne3A_15 = arith.cmpi ne, %rem3A, %ne3A_14 : i32
    %and3A = arith.andi %ne3A, %ne3A_15 : i1
    %sub3A = arith.constant 1 : i32
    %sub3A_16 = arith.subi %div3A, %sub3A : i32
    %select_n3A = arith.select %and3A, %sub3A_16, %div3A : i32
    %jit3A_17 = arith.constant 8 : i32
    %eq3A = arith.constant 0 : i32
    %eq3A_18 = arith.cmpi eq, %jit3A_17, %eq3A : i32
    %jit3A_19 = arith.constant 1 : i32
    %select_n3A_20 = arith.select %eq3A_18, %jit3A_19, %jit3A_17 : i32
    %rem3A_21 = arith.remsi %add3A, %select_n3A_20 : i32
    %ne3A_22 = arith.constant 0 : i32
    %ne3A_23 = arith.cmpi ne, %rem3A_21, %ne3A_22 : i32
    %lt3A = arith.constant 0 : i32
    %lt3A_24 = arith.cmpi slt, %rem3A_21, %lt3A : i32
    %lt3A_25 = arith.constant 0 : i32
    %lt3A_26 = arith.cmpi slt, %select_n3A_20, %lt3A_25 : i32
    %ne3A_27 = arith.xori %lt3A_24, %lt3A_26 : i1
    %and3A_28 = arith.andi %ne3A_27, %ne3A_23 : i1
    %add3A_29 = arith.addi %rem3A_21, %select_n3A_20 : i32
    %select_n3A_30 = arith.select %and3A_28, %add3A_29, %rem3A_21 : i32
    %mul3A_31 = arith.constant 4096 : i32
    %mul3A_32 = arith.muli %select_n3A_30, %mul3A_31 : i32
    %mul3A_33 = arith.constant 32768 : i32
    %mul3A_34 = arith.muli %select_n3A, %mul3A_33 : i32
    %add3A_35 = arith.constant 32768 : i32
    %add3A_36 = arith.addi %mul3A_34, %add3A_35 : i32
    %sub3A_37 = arith.subi %add3A_36, %mul3A_32 : i32
    %sub3A_38 = arith.constant 4096 : i32
    %sub3A_39 = arith.subi %sub3A_37, %sub3A_38 : i32
    "tpu.region"() ({
      %run_scoped3A = tpu.sem_alloc : memref<!tpu.dma_semaphore, #tpu.memory_space<semaphore_mem>>
      %dma_start3A = tpu.memref_slice %arg2[%sub3A_39] : memref<131072xi32, #tpu.memory_space<hbm>> -> memref<4096xi32, #tpu.memory_space<hbm>>
      %dma_start3A_48 = tpu.memref_slice %arg2[%sub3A_39] : memref<131072xi32, #tpu.memory_space<hbm>> -> memref<4096xi32, #tpu.memory_space<hbm>>
      tpu.enqueue_dma source(%dma_start3A_48 : memref<4096xi32, #tpu.memory_space<hbm>>) target(%arg7 : memref<4096xi32, #tpu.memory_space<vmem>>) target_semaphore(%run_scoped3A : memref<!tpu.dma_semaphore, #tpu.memory_space<semaphore_mem>>)
      %dma_wait3A = tpu.memref_slice %arg2[%sub3A_39] : memref<131072xi32, #tpu.memory_space<hbm>> -> memref<4096xi32, #tpu.memory_space<hbm>>
      %dma_wait3A_49 = tpu.memref_slice %arg2[%sub3A_39] : memref<131072xi32, #tpu.memory_space<hbm>> -> memref<4096xi32, #tpu.memory_space<hbm>>
      tpu.wait_dma2 semaphore(%run_scoped3A : memref<!tpu.dma_semaphore, #tpu.memory_space<semaphore_mem>>) src(%dma_wait3A_49 : memref<4096xi32, #tpu.memory_space<hbm>>) dst(%arg7 : memref<4096xi32, #tpu.memory_space<vmem>>)
      tpu.yield
    }) : () -> ()
    "tpu.region"() ({
      %run_scoped3A = tpu.sem_alloc : memref<!tpu.dma_semaphore, #tpu.memory_space<semaphore_mem>>
      %dma_start3A = tpu.memref_slice %arg3[%sub3A_39] : memref<131072xi32, #tpu.memory_space<hbm>> -> memref<4096xi32, #tpu.memory_space<hbm>>
      %dma_start3A_48 = tpu.memref_slice %arg3[%sub3A_39] : memref<131072xi32, #tpu.memory_space<hbm>> -> memref<4096xi32, #tpu.memory_space<hbm>>
      tpu.enqueue_dma source(%dma_start3A_48 : memref<4096xi32, #tpu.memory_space<hbm>>) target(%arg8 : memref<4096xi32, #tpu.memory_space<vmem>>) target_semaphore(%run_scoped3A : memref<!tpu.dma_semaphore, #tpu.memory_space<semaphore_mem>>)
      %dma_wait3A = tpu.memref_slice %arg3[%sub3A_39] : memref<131072xi32, #tpu.memory_space<hbm>> -> memref<4096xi32, #tpu.memory_space<hbm>>
      %dma_wait3A_49 = tpu.memref_slice %arg3[%sub3A_39] : memref<131072xi32, #tpu.memory_space<hbm>> -> memref<4096xi32, #tpu.memory_space<hbm>>
      tpu.wait_dma2 semaphore(%run_scoped3A : memref<!tpu.dma_semaphore, #tpu.memory_space<semaphore_mem>>) src(%dma_wait3A_49 : memref<4096xi32, #tpu.memory_space<hbm>>) dst(%arg8 : memref<4096xi32, #tpu.memory_space<vmem>>)
      tpu.yield
    }) : () -> ()
    %scan3A = arith.constant 0 : i32
    %scan3A_40 = arith.constant 0 : i32
    %scan3A_41 = arith.constant 256 : i32
    %scan3A_42 = arith.addi %scan3A_40, %scan3A_41 : i32
    %scan3A_43 = arith.constant 1 : i32
    %scan3A_44 = scf.for %scan3A_48 = %scan3A_40 to %scan3A_42 step %scan3A_43 iter_args(%scan3A_49 = %scan3A) -> (i32)  : i32 {
      %sub3A_50 = arith.constant 255 : i32
      %sub3A_51 = arith.subi %sub3A_50, %scan3A_48 : i32
      %mul3A_52 = arith.constant 16 : i32
      %mul3A_53 = arith.muli %sub3A_51, %mul3A_52 : i32
      %get3A = arith.index_cast %mul3A_53 : i32 to index
      %get3A_54 = tpu.vector_load %arg7[%get3A] {strides = array<i32>} : memref<4096xi32, #tpu.memory_space<vmem>>, vector<16xi32>,
      %rev3A = arith.constant 15 : i32
      %rev3A_55 = vector.broadcast %rev3A : i32 to vector<16xi32>
      %rev3A_56 = tpu.iota {dimensions = array<i32: 0>} : vector<16xi32>
      %rev3A_57 = arith.subi %rev3A_55, %rev3A_56 : vector<16xi32>
      %rev3A_58 = tpu.dynamic_gather %get3A_54[%rev3A_57] in [0] : vector<16xi32>, vector<16xi32> -> vector<16xi32>
      %mul3A_59 = arith.constant 16 : i32
      %mul3A_60 = arith.muli %sub3A_51, %mul3A_59 : i32
      %get3A_61 = arith.index_cast %mul3A_60 : i32 to index
      %get3A_62 = tpu.vector_load %arg8[%get3A_61] {strides = array<i32>} : memref<4096xi32, #tpu.memory_space<vmem>>, vector<16xi32>,
      %rev3A_63 = arith.constant 15 : i32
      %rev3A_64 = vector.broadcast %rev3A_63 : i32 to vector<16xi32>
      %rev3A_65 = tpu.iota {dimensions = array<i32: 0>} : vector<16xi32>
      %rev3A_66 = arith.subi %rev3A_64, %rev3A_65 : vector<16xi32>
      %rev3A_67 = tpu.dynamic_gather %get3A_62[%rev3A_66] in [0] : vector<16xi32>, vector<16xi32> -> vector<16xi32>
      %lt3A_68 = arith.constant 0 : i32
      %lt3A_69 = vector.broadcast %lt3A_68 : i32 to vector<16xi32>
      %lt3A_70 = arith.cmpi slt, %iota3A, %lt3A_69 : vector<16xi32>
      %sub3A_71 = arith.constant 1 : i32
      %sub3A_72 = vector.broadcast %sub3A_71 : i32 to vector<16xi32>
      %sub3A_73 = arith.subi %iota3A, %sub3A_72 : vector<16xi32>
      %max3A = arith.constant 0 : i32
      %max3A_74 = vector.broadcast %max3A : i32 to vector<16xi32>
      %max3A_75 = arith.maxsi %sub3A_73, %max3A_74 : vector<16xi32>
      %lt3A_76 = arith.constant 0 : i32
      %lt3A_77 = vector.broadcast %lt3A_76 : i32 to vector<16xi32>
      %lt3A_78 = arith.cmpi slt, %max3A_75, %lt3A_77 : vector<16xi32>
      %add3A_79 = arith.constant 16 : i32
      %add3A_80 = vector.broadcast %add3A_79 : i32 to vector<16xi32>
      %add3A_81 = arith.addi %max3A_75, %add3A_80 : vector<16xi32>
      %select_n3A_82 = arith.select %lt3A_78, %add3A_81, %max3A_75 : vector<16xi1>, vector<16xi32>
      %broadcast_in_dim3A = vector.shape_cast %select_n3A_82 : vector<16xi32> to vector<16x1xi32>
      %gather3A = vector.shape_cast %broadcast_in_dim3A : vector<16x1xi32> to vector<16xi32>
      %gather3A_83 = tpu.dynamic_gather %rev3A_67[%gather3A] in [0] : vector<16xi32>, vector<16xi32> -> vector<16xi32>
      %eq3A_84 = arith.cmpi eq, %gather3A_83, %rev3A_58 : vector<16xi32>
      %ge3A = arith.constant 1 : i32
      %ge3A_85 = vector.broadcast %ge3A : i32 to vector<16xi32>
      %ge3A_86 = arith.cmpi sge, %iota3A, %ge3A_85 : vector<16xi32>
      %and3A_87 = arith.andi %eq3A_84, %ge3A_86 : vector<16xi1>
      %not3A = arith.constant dense<true> : vector<16xi1>
      %not3A_88 = arith.xori %lt3A_70, %not3A : vector<16xi1>
      %and3A_89 = arith.andi %and3A_87, %not3A_88 : vector<16xi1>
      %sub3A_90 = arith.constant 1 : i32
      %sub3A_91 = vector.broadcast %sub3A_90 : i32 to vector<16xi32>
      %sub3A_92 = arith.subi %iota3A, %sub3A_91 : vector<16xi32>
      %select_n3A_93 = arith.select %and3A_89, %sub3A_92, %iota3A : vector<16xi1>, vector<16xi32>
      %or3A = arith.ori %lt3A_70, %and3A_89 : vector<16xi1>
      %sub3A_94 = arith.constant 2 : i32
      %sub3A_95 = vector.broadcast %sub3A_94 : i32 to vector<16xi32>
      %sub3A_96 = arith.subi %iota3A, %sub3A_95 : vector<16xi32>
      %max3A_97 = arith.constant 0 : i32
      %max3A_98 = vector.broadcast %max3A_97 : i32 to vector<16xi32>
      %max3A_99 = arith.maxsi %sub3A_96, %max3A_98 : vector<16xi32>
      %lt3A_100 = arith.constant 0 : i32
      %lt3A_101 = vector.broadcast %lt3A_100 : i32 to vector<16xi32>
      %lt3A_102 = arith.cmpi slt, %max3A_99, %lt3A_101 : vector<16xi32>
      %add3A_103 = arith.constant 16 : i32
      %add3A_104 = vector.broadcast %add3A_103 : i32 to vector<16xi32>
      %add3A_105 = arith.addi %max3A_99, %add3A_104 : vector<16xi32>
      %select_n3A_106 = arith.select %lt3A_102, %add3A_105, %max3A_99 : vector<16xi1>, vector<16xi32>
      %broadcast_in_dim3A_107 = vector.shape_cast %select_n3A_106 : vector<16xi32> to vector<16x1xi32>
      %gather3A_108 = vector.shape_cast %broadcast_in_dim3A_107 : vector<16x1xi32> to vector<16xi32>
      %gather3A_109 = tpu.dynamic_gather %rev3A_67[%gather3A_108] in [0] : vector<16xi32>, vector<16xi32> -> vector<16xi32>
      %eq3A_110 = arith.cmpi eq, %gather3A_109, %rev3A_58 : vector<16xi32>
      %ge3A_111 = arith.constant 2 : i32
      %ge3A_112 = vector.broadcast %ge3A_111 : i32 to vector<16xi32>
      %ge3A_113 = arith.cmpi sge, %iota3A, %ge3A_112 : vector<16xi32>
      %and3A_114 = arith.andi %eq3A_110, %ge3A_113 : vector<16xi1>
      %not3A_115 = arith.constant dense<true> : vector<16xi1>
      %not3A_116 = arith.xori %or3A, %not3A_115 : vector<16xi1>
      %and3A_117 = arith.andi %and3A_114, %not3A_116 : vector<16xi1>
      %sub3A_118 = arith.constant 2 : i32
      %sub3A_119 = vector.broadcast %sub3A_118 : i32 to vector<16xi32>
      %sub3A_120 = arith.subi %iota3A, %sub3A_119 : vector<16xi32>
      %select_n3A_121 = arith.select %and3A_117, %sub3A_120, %select_n3A_93 : vector<16xi1>, vector<16xi32>
      %or3A_122 = arith.ori %or3A, %and3A_117 : vector<16xi1>
      %sub3A_123 = arith.constant 3 : i32
      %sub3A_124 = vector.broadcast %sub3A_123 : i32 to vector<16xi32>
      %sub3A_125 = arith.subi %iota3A, %sub3A_124 : vector<16xi32>
      %max3A_126 = arith.constant 0 : i32
      %max3A_127 = vector.broadcast %max3A_126 : i32 to vector<16xi32>
      %max3A_128 = arith.maxsi %sub3A_125, %max3A_127 : vector<16xi32>
      %lt3A_129 = arith.constant 0 : i32
      %lt3A_130 = vector.broadcast %lt3A_129 : i32 to vector<16xi32>
      %lt3A_131 = arith.cmpi slt, %max3A_128, %lt3A_130 : vector<16xi32>
      %add3A_132 = arith.constant 16 : i32
      %add3A_133 = vector.broadcast %add3A_132 : i32 to vector<16xi32>
      %add3A_134 = arith.addi %max3A_128, %add3A_133 : vector<16xi32>
      %select_n3A_135 = arith.select %lt3A_131, %add3A_134, %max3A_128 : vector<16xi1>, vector<16xi32>
      %broadcast_in_dim3A_136 = vector.shape_cast %select_n3A_135 : vector<16xi32> to vector<16x1xi32>
      %gather3A_137 = vector.shape_cast %broadcast_in_dim3A_136 : vector<16x1xi32> to vector<16xi32>
      %gather3A_138 = tpu.dynamic_gather %rev3A_67[%gather3A_137] in [0] : vector<16xi32>, vector<16xi32> -> vector<16xi32>
      %eq3A_139 = arith.cmpi eq, %gather3A_138, %rev3A_58 : vector<16xi32>
      %ge3A_140 = arith.constant 3 : i32
      %ge3A_141 = vector.broadcast %ge3A_140 : i32 to vector<16xi32>
      %ge3A_142 = arith.cmpi sge, %iota3A, %ge3A_141 : vector<16xi32>
      %and3A_143 = arith.andi %eq3A_139, %ge3A_142 : vector<16xi1>
      %not3A_144 = arith.constant dense<true> : vector<16xi1>
      %not3A_145 = arith.xori %or3A_122, %not3A_144 : vector<16xi1>
      %and3A_146 = arith.andi %and3A_143, %not3A_145 : vector<16xi1>
      %sub3A_147 = arith.constant 3 : i32
      %sub3A_148 = vector.broadcast %sub3A_147 : i32 to vector<16xi32>
      %sub3A_149 = arith.subi %iota3A, %sub3A_148 : vector<16xi32>
      %select_n3A_150 = arith.select %and3A_146, %sub3A_149, %select_n3A_121 : vector<16xi1>, vector<16xi32>
      %or3A_151 = arith.ori %or3A_122, %and3A_146 : vector<16xi1>
      %sub3A_152 = arith.constant 4 : i32
      %sub3A_153 = vector.broadcast %sub3A_152 : i32 to vector<16xi32>
      %sub3A_154 = arith.subi %iota3A, %sub3A_153 : vector<16xi32>
      %max3A_155 = arith.constant 0 : i32
      %max3A_156 = vector.broadcast %max3A_155 : i32 to vector<16xi32>
      %max3A_157 = arith.maxsi %sub3A_154, %max3A_156 : vector<16xi32>
      %lt3A_158 = arith.constant 0 : i32
      %lt3A_159 = vector.broadcast %lt3A_158 : i32 to vector<16xi32>
      %lt3A_160 = arith.cmpi slt, %max3A_157, %lt3A_159 : vector<16xi32>
      %add3A_161 = arith.constant 16 : i32
      %add3A_162 = vector.broadcast %add3A_161 : i32 to vector<16xi32>
      %add3A_163 = arith.addi %max3A_157, %add3A_162 : vector<16xi32>
      %select_n3A_164 = arith.select %lt3A_160, %add3A_163, %max3A_157 : vector<16xi1>, vector<16xi32>
      %broadcast_in_dim3A_165 = vector.shape_cast %select_n3A_164 : vector<16xi32> to vector<16x1xi32>
      %gather3A_166 = vector.shape_cast %broadcast_in_dim3A_165 : vector<16x1xi32> to vector<16xi32>
      %gather3A_167 = tpu.dynamic_gather %rev3A_67[%gather3A_166] in [0] : vector<16xi32>, vector<16xi32> -> vector<16xi32>
      %eq3A_168 = arith.cmpi eq, %gather3A_167, %rev3A_58 : vector<16xi32>
      %ge3A_169 = arith.constant 4 : i32
      %ge3A_170 = vector.broadcast %ge3A_169 : i32 to vector<16xi32>
      %ge3A_171 = arith.cmpi sge, %iota3A, %ge3A_170 : vector<16xi32>
      %and3A_172 = arith.andi %eq3A_168, %ge3A_171 : vector<16xi1>
      %not3A_173 = arith.constant dense<true> : vector<16xi1>
      %not3A_174 = arith.xori %or3A_151, %not3A_173 : vector<16xi1>
      %and3A_175 = arith.andi %and3A_172, %not3A_174 : vector<16xi1>
      %sub3A_176 = arith.constant 4 : i32
      %sub3A_177 = vector.broadcast %sub3A_176 : i32 to vector<16xi32>
      %sub3A_178 = arith.subi %iota3A, %sub3A_177 : vector<16xi32>
      %select_n3A_179 = arith.select %and3A_175, %sub3A_178, %select_n3A_150 : vector<16xi1>, vector<16xi32>
      %or3A_180 = arith.ori %or3A_151, %and3A_175 : vector<16xi1>
      %sub3A_181 = arith.constant 5 : i32
      %sub3A_182 = vector.broadcast %sub3A_181 : i32 to vector<16xi32>
      %sub3A_183 = arith.subi %iota3A, %sub3A_182 : vector<16xi32>
      %max3A_184 = arith.constant 0 : i32
      %max3A_185 = vector.broadcast %max3A_184 : i32 to vector<16xi32>
      %max3A_186 = arith.maxsi %sub3A_183, %max3A_185 : vector<16xi32>
      %lt3A_187 = arith.constant 0 : i32
      %lt3A_188 = vector.broadcast %lt3A_187 : i32 to vector<16xi32>
      %lt3A_189 = arith.cmpi slt, %max3A_186, %lt3A_188 : vector<16xi32>
      %add3A_190 = arith.constant 16 : i32
      %add3A_191 = vector.broadcast %add3A_190 : i32 to vector<16xi32>
      %add3A_192 = arith.addi %max3A_186, %add3A_191 : vector<16xi32>
      %select_n3A_193 = arith.select %lt3A_189, %add3A_192, %max3A_186 : vector<16xi1>, vector<16xi32>
      %broadcast_in_dim3A_194 = vector.shape_cast %select_n3A_193 : vector<16xi32> to vector<16x1xi32>
      %gather3A_195 = vector.shape_cast %broadcast_in_dim3A_194 : vector<16x1xi32> to vector<16xi32>
      %gather3A_196 = tpu.dynamic_gather %rev3A_67[%gather3A_195] in [0] : vector<16xi32>, vector<16xi32> -> vector<16xi32>
      %eq3A_197 = arith.cmpi eq, %gather3A_196, %rev3A_58 : vector<16xi32>
      %ge3A_198 = arith.constant 5 : i32
      %ge3A_199 = vector.broadcast %ge3A_198 : i32 to vector<16xi32>
      %ge3A_200 = arith.cmpi sge, %iota3A, %ge3A_199 : vector<16xi32>
      %and3A_201 = arith.andi %eq3A_197, %ge3A_200 : vector<16xi1>
      %not3A_202 = arith.constant dense<true> : vector<16xi1>
      %not3A_203 = arith.xori %or3A_180, %not3A_202 : vector<16xi1>
      %and3A_204 = arith.andi %and3A_201, %not3A_203 : vector<16xi1>
      %sub3A_205 = arith.constant 5 : i32
      %sub3A_206 = vector.broadcast %sub3A_205 : i32 to vector<16xi32>
      %sub3A_207 = arith.subi %iota3A, %sub3A_206 : vector<16xi32>
      %select_n3A_208 = arith.select %and3A_204, %sub3A_207, %select_n3A_179 : vector<16xi1>, vector<16xi32>
      %or3A_209 = arith.ori %or3A_180, %and3A_204 : vector<16xi1>
      %sub3A_210 = arith.constant 6 : i32
      %sub3A_211 = vector.broadcast %sub3A_210 : i32 to vector<16xi32>
      %sub3A_212 = arith.subi %iota3A, %sub3A_211 : vector<16xi32>
      %max3A_213 = arith.constant 0 : i32
      %max3A_214 = vector.broadcast %max3A_213 : i32 to vector<16xi32>
      %max3A_215 = arith.maxsi %sub3A_212, %max3A_214 : vector<16xi32>
      %lt3A_216 = arith.constant 0 : i32
      %lt3A_217 = vector.broadcast %lt3A_216 : i32 to vector<16xi32>
      %lt3A_218 = arith.cmpi slt, %max3A_215, %lt3A_217 : vector<16xi32>
      %add3A_219 = arith.constant 16 : i32
      %add3A_220 = vector.broadcast %add3A_219 : i32 to vector<16xi32>
      %add3A_221 = arith.addi %max3A_215, %add3A_220 : vector<16xi32>
      %select_n3A_222 = arith.select %lt3A_218, %add3A_221, %max3A_215 : vector<16xi1>, vector<16xi32>
      %broadcast_in_dim3A_223 = vector.shape_cast %select_n3A_222 : vector<16xi32> to vector<16x1xi32>
      %gather3A_224 = vector.shape_cast %broadcast_in_dim3A_223 : vector<16x1xi32> to vector<16xi32>
      %gather3A_225 = tpu.dynamic_gather %rev3A_67[%gather3A_224] in [0] : vector<16xi32>, vector<16xi32> -> vector<16xi32>
      %eq3A_226 = arith.cmpi eq, %gather3A_225, %rev3A_58 : vector<16xi32>
      %ge3A_227 = arith.constant 6 : i32
      %ge3A_228 = vector.broadcast %ge3A_227 : i32 to vector<16xi32>
      %ge3A_229 = arith.cmpi sge, %iota3A, %ge3A_228 : vector<16xi32>
      %and3A_230 = arith.andi %eq3A_226, %ge3A_229 : vector<16xi1>
      %not3A_231 = arith.constant dense<true> : vector<16xi1>
      %not3A_232 = arith.xori %or3A_209, %not3A_231 : vector<16xi1>
      %and3A_233 = arith.andi %and3A_230, %not3A_232 : vector<16xi1>
      %sub3A_234 = arith.constant 6 : i32
      %sub3A_235 = vector.broadcast %sub3A_234 : i32 to vector<16xi32>
      %sub3A_236 = arith.subi %iota3A, %sub3A_235 : vector<16xi32>
      %select_n3A_237 = arith.select %and3A_233, %sub3A_236, %select_n3A_208 : vector<16xi1>, vector<16xi32>
      %or3A_238 = arith.ori %or3A_209, %and3A_233 : vector<16xi1>
      %sub3A_239 = arith.constant 7 : i32
      %sub3A_240 = vector.broadcast %sub3A_239 : i32 to vector<16xi32>
      %sub3A_241 = arith.subi %iota3A, %sub3A_240 : vector<16xi32>
      %max3A_242 = arith.constant 0 : i32
      %max3A_243 = vector.broadcast %max3A_242 : i32 to vector<16xi32>
      %max3A_244 = arith.maxsi %sub3A_241, %max3A_243 : vector<16xi32>
      %lt3A_245 = arith.constant 0 : i32
      %lt3A_246 = vector.broadcast %lt3A_245 : i32 to vector<16xi32>
      %lt3A_247 = arith.cmpi slt, %max3A_244, %lt3A_246 : vector<16xi32>
      %add3A_248 = arith.constant 16 : i32
      %add3A_249 = vector.broadcast %add3A_248 : i32 to vector<16xi32>
      %add3A_250 = arith.addi %max3A_244, %add3A_249 : vector<16xi32>
      %select_n3A_251 = arith.select %lt3A_247, %add3A_250, %max3A_244 : vector<16xi1>, vector<16xi32>
      %broadcast_in_dim3A_252 = vector.shape_cast %select_n3A_251 : vector<16xi32> to vector<16x1xi32>
      %gather3A_253 = vector.shape_cast %broadcast_in_dim3A_252 : vector<16x1xi32> to vector<16xi32>
      %gather3A_254 = tpu.dynamic_gather %rev3A_67[%gather3A_253] in [0] : vector<16xi32>, vector<16xi32> -> vector<16xi32>
      %eq3A_255 = arith.cmpi eq, %gather3A_254, %rev3A_58 : vector<16xi32>
      %ge3A_256 = arith.constant 7 : i32
      %ge3A_257 = vector.broadcast %ge3A_256 : i32 to vector<16xi32>
      %ge3A_258 = arith.cmpi sge, %iota3A, %ge3A_257 : vector<16xi32>
      %and3A_259 = arith.andi %eq3A_255, %ge3A_258 : vector<16xi1>
      %not3A_260 = arith.constant dense<true> : vector<16xi1>
      %not3A_261 = arith.xori %or3A_238, %not3A_260 : vector<16xi1>
      %and3A_262 = arith.andi %and3A_259, %not3A_261 : vector<16xi1>
      %sub3A_263 = arith.constant 7 : i32
      %sub3A_264 = vector.broadcast %sub3A_263 : i32 to vector<16xi32>
      %sub3A_265 = arith.subi %iota3A, %sub3A_264 : vector<16xi32>
      %select_n3A_266 = arith.select %and3A_262, %sub3A_265, %select_n3A_237 : vector<16xi1>, vector<16xi32>
      %or3A_267 = arith.ori %or3A_238, %and3A_262 : vector<16xi1>
      %sub3A_268 = arith.constant 8 : i32
      %sub3A_269 = vector.broadcast %sub3A_268 : i32 to vector<16xi32>
      %sub3A_270 = arith.subi %iota3A, %sub3A_269 : vector<16xi32>
      %max3A_271 = arith.constant 0 : i32
      %max3A_272 = vector.broadcast %max3A_271 : i32 to vector<16xi32>
      %max3A_273 = arith.maxsi %sub3A_270, %max3A_272 : vector<16xi32>
      %lt3A_274 = arith.constant 0 : i32
      %lt3A_275 = vector.broadcast %lt3A_274 : i32 to vector<16xi32>
      %lt3A_276 = arith.cmpi slt, %max3A_273, %lt3A_275 : vector<16xi32>
      %add3A_277 = arith.constant 16 : i32
      %add3A_278 = vector.broadcast %add3A_277 : i32 to vector<16xi32>
      %add3A_279 = arith.addi %max3A_273, %add3A_278 : vector<16xi32>
      %select_n3A_280 = arith.select %lt3A_276, %add3A_279, %max3A_273 : vector<16xi1>, vector<16xi32>
      %broadcast_in_dim3A_281 = vector.shape_cast %select_n3A_280 : vector<16xi32> to vector<16x1xi32>
      %gather3A_282 = vector.shape_cast %broadcast_in_dim3A_281 : vector<16x1xi32> to vector<16xi32>
      %gather3A_283 = tpu.dynamic_gather %rev3A_67[%gather3A_282] in [0] : vector<16xi32>, vector<16xi32> -> vector<16xi32>
      %eq3A_284 = arith.cmpi eq, %gather3A_283, %rev3A_58 : vector<16xi32>
      %ge3A_285 = arith.constant 8 : i32
      %ge3A_286 = vector.broadcast %ge3A_285 : i32 to vector<16xi32>
      %ge3A_287 = arith.cmpi sge, %iota3A, %ge3A_286 : vector<16xi32>
      %and3A_288 = arith.andi %eq3A_284, %ge3A_287 : vector<16xi1>
      %not3A_289 = arith.constant dense<true> : vector<16xi1>
      %not3A_290 = arith.xori %or3A_267, %not3A_289 : vector<16xi1>
      %and3A_291 = arith.andi %and3A_288, %not3A_290 : vector<16xi1>
      %sub3A_292 = arith.constant 8 : i32
      %sub3A_293 = vector.broadcast %sub3A_292 : i32 to vector<16xi32>
      %sub3A_294 = arith.subi %iota3A, %sub3A_293 : vector<16xi32>
      %select_n3A_295 = arith.select %and3A_291, %sub3A_294, %select_n3A_266 : vector<16xi1>, vector<16xi32>
      %or3A_296 = arith.ori %or3A_267, %and3A_291 : vector<16xi1>
      %sub3A_297 = arith.constant 9 : i32
      %sub3A_298 = vector.broadcast %sub3A_297 : i32 to vector<16xi32>
      %sub3A_299 = arith.subi %iota3A, %sub3A_298 : vector<16xi32>
      %max3A_300 = arith.constant 0 : i32
      %max3A_301 = vector.broadcast %max3A_300 : i32 to vector<16xi32>
      %max3A_302 = arith.maxsi %sub3A_299, %max3A_301 : vector<16xi32>
      %lt3A_303 = arith.constant 0 : i32
      %lt3A_304 = vector.broadcast %lt3A_303 : i32 to vector<16xi32>
      %lt3A_305 = arith.cmpi slt, %max3A_302, %lt3A_304 : vector<16xi32>
      %add3A_306 = arith.constant 16 : i32
      %add3A_307 = vector.broadcast %add3A_306 : i32 to vector<16xi32>
      %add3A_308 = arith.addi %max3A_302, %add3A_307 : vector<16xi32>
      %select_n3A_309 = arith.select %lt3A_305, %add3A_308, %max3A_302 : vector<16xi1>, vector<16xi32>
      %broadcast_in_dim3A_310 = vector.shape_cast %select_n3A_309 : vector<16xi32> to vector<16x1xi32>
      %gather3A_311 = vector.shape_cast %broadcast_in_dim3A_310 : vector<16x1xi32> to vector<16xi32>
      %gather3A_312 = tpu.dynamic_gather %rev3A_67[%gather3A_311] in [0] : vector<16xi32>, vector<16xi32> -> vector<16xi32>
      %eq3A_313 = arith.cmpi eq, %gather3A_312, %rev3A_58 : vector<16xi32>
      %ge3A_314 = arith.constant 9 : i32
      %ge3A_315 = vector.broadcast %ge3A_314 : i32 to vector<16xi32>
      %ge3A_316 = arith.cmpi sge, %iota3A, %ge3A_315 : vector<16xi32>
      %and3A_317 = arith.andi %eq3A_313, %ge3A_316 : vector<16xi1>
      %not3A_318 = arith.constant dense<true> : vector<16xi1>
      %not3A_319 = arith.xori %or3A_296, %not3A_318 : vector<16xi1>
      %and3A_320 = arith.andi %and3A_317, %not3A_319 : vector<16xi1>
      %sub3A_321 = arith.constant 9 : i32
      %sub3A_322 = vector.broadcast %sub3A_321 : i32 to vector<16xi32>
      %sub3A_323 = arith.subi %iota3A, %sub3A_322 : vector<16xi32>
      %select_n3A_324 = arith.select %and3A_320, %sub3A_323, %select_n3A_295 : vector<16xi1>, vector<16xi32>
      %or3A_325 = arith.ori %or3A_296, %and3A_320 : vector<16xi1>
      %sub3A_326 = arith.constant 10 : i32
      %sub3A_327 = vector.broadcast %sub3A_326 : i32 to vector<16xi32>
      %sub3A_328 = arith.subi %iota3A, %sub3A_327 : vector<16xi32>
      %max3A_329 = arith.constant 0 : i32
      %max3A_330 = vector.broadcast %max3A_329 : i32 to vector<16xi32>
      %max3A_331 = arith.maxsi %sub3A_328, %max3A_330 : vector<16xi32>
      %lt3A_332 = arith.constant 0 : i32
      %lt3A_333 = vector.broadcast %lt3A_332 : i32 to vector<16xi32>
      %lt3A_334 = arith.cmpi slt, %max3A_331, %lt3A_333 : vector<16xi32>
      %add3A_335 = arith.constant 16 : i32
      %add3A_336 = vector.broadcast %add3A_335 : i32 to vector<16xi32>
      %add3A_337 = arith.addi %max3A_331, %add3A_336 : vector<16xi32>
      %select_n3A_338 = arith.select %lt3A_334, %add3A_337, %max3A_331 : vector<16xi1>, vector<16xi32>
      %broadcast_in_dim3A_339 = vector.shape_cast %select_n3A_338 : vector<16xi32> to vector<16x1xi32>
      %gather3A_340 = vector.shape_cast %broadcast_in_dim3A_339 : vector<16x1xi32> to vector<16xi32>
      %gather3A_341 = tpu.dynamic_gather %rev3A_67[%gather3A_340] in [0] : vector<16xi32>, vector<16xi32> -> vector<16xi32>
      %eq3A_342 = arith.cmpi eq, %gather3A_341, %rev3A_58 : vector<16xi32>
      %ge3A_343 = arith.constant 10 : i32
      %ge3A_344 = vector.broadcast %ge3A_343 : i32 to vector<16xi32>
      %ge3A_345 = arith.cmpi sge, %iota3A, %ge3A_344 : vector<16xi32>
      %and3A_346 = arith.andi %eq3A_342, %ge3A_345 : vector<16xi1>
      %not3A_347 = arith.constant dense<true> : vector<16xi1>
      %not3A_348 = arith.xori %or3A_325, %not3A_347 : vector<16xi1>
      %and3A_349 = arith.andi %and3A_346, %not3A_348 : vector<16xi1>
      %sub3A_350 = arith.constant 10 : i32
      %sub3A_351 = vector.broadcast %sub3A_350 : i32 to vector<16xi32>
      %sub3A_352 = arith.subi %iota3A, %sub3A_351 : vector<16xi32>
      %select_n3A_353 = arith.select %and3A_349, %sub3A_352, %select_n3A_324 : vector<16xi1>, vector<16xi32>
      %or3A_354 = arith.ori %or3A_325, %and3A_349 : vector<16xi1>
      %sub3A_355 = arith.constant 11 : i32
      %sub3A_356 = vector.broadcast %sub3A_355 : i32 to vector<16xi32>
      %sub3A_357 = arith.subi %iota3A, %sub3A_356 : vector<16xi32>
      %max3A_358 = arith.constant 0 : i32
      %max3A_359 = vector.broadcast %max3A_358 : i32 to vector<16xi32>
      %max3A_360 = arith.maxsi %sub3A_357, %max3A_359 : vector<16xi32>
      %lt3A_361 = arith.constant 0 : i32
      %lt3A_362 = vector.broadcast %lt3A_361 : i32 to vector<16xi32>
      %lt3A_363 = arith.cmpi slt, %max3A_360, %lt3A_362 : vector<16xi32>
      %add3A_364 = arith.constant 16 : i32
      %add3A_365 = vector.broadcast %add3A_364 : i32 to vector<16xi32>
      %add3A_366 = arith.addi %max3A_360, %add3A_365 : vector<16xi32>
      %select_n3A_367 = arith.select %lt3A_363, %add3A_366, %max3A_360 : vector<16xi1>, vector<16xi32>
      %broadcast_in_dim3A_368 = vector.shape_cast %select_n3A_367 : vector<16xi32> to vector<16x1xi32>
      %gather3A_369 = vector.shape_cast %broadcast_in_dim3A_368 : vector<16x1xi32> to vector<16xi32>
      %gather3A_370 = tpu.dynamic_gather %rev3A_67[%gather3A_369] in [0] : vector<16xi32>, vector<16xi32> -> vector<16xi32>
      %eq3A_371 = arith.cmpi eq, %gather3A_370, %rev3A_58 : vector<16xi32>
      %ge3A_372 = arith.constant 11 : i32
      %ge3A_373 = vector.broadcast %ge3A_372 : i32 to vector<16xi32>
      %ge3A_374 = arith.cmpi sge, %iota3A, %ge3A_373 : vector<16xi32>
      %and3A_375 = arith.andi %eq3A_371, %ge3A_374 : vector<16xi1>
      %not3A_376 = arith.constant dense<true> : vector<16xi1>
      %not3A_377 = arith.xori %or3A_354, %not3A_376 : vector<16xi1>
      %and3A_378 = arith.andi %and3A_375, %not3A_377 : vector<16xi1>
      %sub3A_379 = arith.constant 11 : i32
      %sub3A_380 = vector.broadcast %sub3A_379 : i32 to vector<16xi32>
      %sub3A_381 = arith.subi %iota3A, %sub3A_380 : vector<16xi32>
      %select_n3A_382 = arith.select %and3A_378, %sub3A_381, %select_n3A_353 : vector<16xi1>, vector<16xi32>
      %or3A_383 = arith.ori %or3A_354, %and3A_378 : vector<16xi1>
      %sub3A_384 = arith.constant 12 : i32
      %sub3A_385 = vector.broadcast %sub3A_384 : i32 to vector<16xi32>
      %sub3A_386 = arith.subi %iota3A, %sub3A_385 : vector<16xi32>
      %max3A_387 = arith.constant 0 : i32
      %max3A_388 = vector.broadcast %max3A_387 : i32 to vector<16xi32>
      %max3A_389 = arith.maxsi %sub3A_386, %max3A_388 : vector<16xi32>
      %lt3A_390 = arith.constant 0 : i32
      %lt3A_391 = vector.broadcast %lt3A_390 : i32 to vector<16xi32>
      %lt3A_392 = arith.cmpi slt, %max3A_389, %lt3A_391 : vector<16xi32>
      %add3A_393 = arith.constant 16 : i32
      %add3A_394 = vector.broadcast %add3A_393 : i32 to vector<16xi32>
      %add3A_395 = arith.addi %max3A_389, %add3A_394 : vector<16xi32>
      %select_n3A_396 = arith.select %lt3A_392, %add3A_395, %max3A_389 : vector<16xi1>, vector<16xi32>
      %broadcast_in_dim3A_397 = vector.shape_cast %select_n3A_396 : vector<16xi32> to vector<16x1xi32>
      %gather3A_398 = vector.shape_cast %broadcast_in_dim3A_397 : vector<16x1xi32> to vector<16xi32>
      %gather3A_399 = tpu.dynamic_gather %rev3A_67[%gather3A_398] in [0] : vector<16xi32>, vector<16xi32> -> vector<16xi32>
      %eq3A_400 = arith.cmpi eq, %gather3A_399, %rev3A_58 : vector<16xi32>
      %ge3A_401 = arith.constant 12 : i32
      %ge3A_402 = vector.broadcast %ge3A_401 : i32 to vector<16xi32>
      %ge3A_403 = arith.cmpi sge, %iota3A, %ge3A_402 : vector<16xi32>
      %and3A_404 = arith.andi %eq3A_400, %ge3A_403 : vector<16xi1>
      %not3A_405 = arith.constant dense<true> : vector<16xi1>
      %not3A_406 = arith.xori %or3A_383, %not3A_405 : vector<16xi1>
      %and3A_407 = arith.andi %and3A_404, %not3A_406 : vector<16xi1>
      %sub3A_408 = arith.constant 12 : i32
      %sub3A_409 = vector.broadcast %sub3A_408 : i32 to vector<16xi32>
      %sub3A_410 = arith.subi %iota3A, %sub3A_409 : vector<16xi32>
      %select_n3A_411 = arith.select %and3A_407, %sub3A_410, %select_n3A_382 : vector<16xi1>, vector<16xi32>
      %or3A_412 = arith.ori %or3A_383, %and3A_407 : vector<16xi1>
      %sub3A_413 = arith.constant 13 : i32
      %sub3A_414 = vector.broadcast %sub3A_413 : i32 to vector<16xi32>
      %sub3A_415 = arith.subi %iota3A, %sub3A_414 : vector<16xi32>
      %max3A_416 = arith.constant 0 : i32
      %max3A_417 = vector.broadcast %max3A_416 : i32 to vector<16xi32>
      %max3A_418 = arith.maxsi %sub3A_415, %max3A_417 : vector<16xi32>
      %lt3A_419 = arith.constant 0 : i32
      %lt3A_420 = vector.broadcast %lt3A_419 : i32 to vector<16xi32>
      %lt3A_421 = arith.cmpi slt, %max3A_418, %lt3A_420 : vector<16xi32>
      %add3A_422 = arith.constant 16 : i32
      %add3A_423 = vector.broadcast %add3A_422 : i32 to vector<16xi32>
      %add3A_424 = arith.addi %max3A_418, %add3A_423 : vector<16xi32>
      %select_n3A_425 = arith.select %lt3A_421, %add3A_424, %max3A_418 : vector<16xi1>, vector<16xi32>
      %broadcast_in_dim3A_426 = vector.shape_cast %select_n3A_425 : vector<16xi32> to vector<16x1xi32>
      %gather3A_427 = vector.shape_cast %broadcast_in_dim3A_426 : vector<16x1xi32> to vector<16xi32>
      %gather3A_428 = tpu.dynamic_gather %rev3A_67[%gather3A_427] in [0] : vector<16xi32>, vector<16xi32> -> vector<16xi32>
      %eq3A_429 = arith.cmpi eq, %gather3A_428, %rev3A_58 : vector<16xi32>
      %ge3A_430 = arith.constant 13 : i32
      %ge3A_431 = vector.broadcast %ge3A_430 : i32 to vector<16xi32>
      %ge3A_432 = arith.cmpi sge, %iota3A, %ge3A_431 : vector<16xi32>
      %and3A_433 = arith.andi %eq3A_429, %ge3A_432 : vector<16xi1>
      %not3A_434 = arith.constant dense<true> : vector<16xi1>
      %not3A_435 = arith.xori %or3A_412, %not3A_434 : vector<16xi1>
      %and3A_436 = arith.andi %and3A_433, %not3A_435 : vector<16xi1>
      %sub3A_437 = arith.constant 13 : i32
      %sub3A_438 = vector.broadcast %sub3A_437 : i32 to vector<16xi32>
      %sub3A_439 = arith.subi %iota3A, %sub3A_438 : vector<16xi32>
      %select_n3A_440 = arith.select %and3A_436, %sub3A_439, %select_n3A_411 : vector<16xi1>, vector<16xi32>
      %or3A_441 = arith.ori %or3A_412, %and3A_436 : vector<16xi1>
      %sub3A_442 = arith.constant 14 : i32
      %sub3A_443 = vector.broadcast %sub3A_442 : i32 to vector<16xi32>
      %sub3A_444 = arith.subi %iota3A, %sub3A_443 : vector<16xi32>
      %max3A_445 = arith.constant 0 : i32
      %max3A_446 = vector.broadcast %max3A_445 : i32 to vector<16xi32>
      %max3A_447 = arith.maxsi %sub3A_444, %max3A_446 : vector<16xi32>
      %lt3A_448 = arith.constant 0 : i32
      %lt3A_449 = vector.broadcast %lt3A_448 : i32 to vector<16xi32>
      %lt3A_450 = arith.cmpi slt, %max3A_447, %lt3A_449 : vector<16xi32>
      %add3A_451 = arith.constant 16 : i32
      %add3A_452 = vector.broadcast %add3A_451 : i32 to vector<16xi32>
      %add3A_453 = arith.addi %max3A_447, %add3A_452 : vector<16xi32>
      %select_n3A_454 = arith.select %lt3A_450, %add3A_453, %max3A_447 : vector<16xi1>, vector<16xi32>
      %broadcast_in_dim3A_455 = vector.shape_cast %select_n3A_454 : vector<16xi32> to vector<16x1xi32>
      %gather3A_456 = vector.shape_cast %broadcast_in_dim3A_455 : vector<16x1xi32> to vector<16xi32>
      %gather3A_457 = tpu.dynamic_gather %rev3A_67[%gather3A_456] in [0] : vector<16xi32>, vector<16xi32> -> vector<16xi32>
      %eq3A_458 = arith.cmpi eq, %gather3A_457, %rev3A_58 : vector<16xi32>
      %ge3A_459 = arith.constant 14 : i32
      %ge3A_460 = vector.broadcast %ge3A_459 : i32 to vector<16xi32>
      %ge3A_461 = arith.cmpi sge, %iota3A, %ge3A_460 : vector<16xi32>
      %and3A_462 = arith.andi %eq3A_458, %ge3A_461 : vector<16xi1>
      %not3A_463 = arith.constant dense<true> : vector<16xi1>
      %not3A_464 = arith.xori %or3A_441, %not3A_463 : vector<16xi1>
      %and3A_465 = arith.andi %and3A_462, %not3A_464 : vector<16xi1>
      %sub3A_466 = arith.constant 14 : i32
      %sub3A_467 = vector.broadcast %sub3A_466 : i32 to vector<16xi32>
      %sub3A_468 = arith.subi %iota3A, %sub3A_467 : vector<16xi32>
      %select_n3A_469 = arith.select %and3A_465, %sub3A_468, %select_n3A_440 : vector<16xi1>, vector<16xi32>
      %or3A_470 = arith.ori %or3A_441, %and3A_465 : vector<16xi1>
      %sub3A_471 = arith.constant 15 : i32
      %sub3A_472 = vector.broadcast %sub3A_471 : i32 to vector<16xi32>
      %sub3A_473 = arith.subi %iota3A, %sub3A_472 : vector<16xi32>
      %max3A_474 = arith.constant 0 : i32
      %max3A_475 = vector.broadcast %max3A_474 : i32 to vector<16xi32>
      %max3A_476 = arith.maxsi %sub3A_473, %max3A_475 : vector<16xi32>
      %lt3A_477 = arith.constant 0 : i32
      %lt3A_478 = vector.broadcast %lt3A_477 : i32 to vector<16xi32>
      %lt3A_479 = arith.cmpi slt, %max3A_476, %lt3A_478 : vector<16xi32>
      %add3A_480 = arith.constant 16 : i32
      %add3A_481 = vector.broadcast %add3A_480 : i32 to vector<16xi32>
      %add3A_482 = arith.addi %max3A_476, %add3A_481 : vector<16xi32>
      %select_n3A_483 = arith.select %lt3A_479, %add3A_482, %max3A_476 : vector<16xi1>, vector<16xi32>
      %broadcast_in_dim3A_484 = vector.shape_cast %select_n3A_483 : vector<16xi32> to vector<16x1xi32>
      %gather3A_485 = vector.shape_cast %broadcast_in_dim3A_484 : vector<16x1xi32> to vector<16xi32>
      %gather3A_486 = tpu.dynamic_gather %rev3A_67[%gather3A_485] in [0] : vector<16xi32>, vector<16xi32> -> vector<16xi32>
      %eq3A_487 = arith.cmpi eq, %gather3A_486, %rev3A_58 : vector<16xi32>
      %ge3A_488 = arith.constant 15 : i32
      %ge3A_489 = vector.broadcast %ge3A_488 : i32 to vector<16xi32>
      %ge3A_490 = arith.cmpi sge, %iota3A, %ge3A_489 : vector<16xi32>
      %and3A_491 = arith.andi %eq3A_487, %ge3A_490 : vector<16xi1>
      %not3A_492 = arith.constant dense<true> : vector<16xi1>
      %not3A_493 = arith.xori %or3A_470, %not3A_492 : vector<16xi1>
      %and3A_494 = arith.andi %and3A_491, %not3A_493 : vector<16xi1>
      %sub3A_495 = arith.constant 15 : i32
      %sub3A_496 = vector.broadcast %sub3A_495 : i32 to vector<16xi32>
      %sub3A_497 = arith.subi %iota3A, %sub3A_496 : vector<16xi32>
      %select_n3A_498 = arith.select %and3A_494, %sub3A_497, %select_n3A_469 : vector<16xi1>, vector<16xi32>
      %or3A_499 = arith.ori %or3A_470, %and3A_494 : vector<16xi1>
      %lt3A_500 = arith.constant 0 : i32
      %lt3A_501 = vector.broadcast %lt3A_500 : i32 to vector<16xi32>
      %lt3A_502 = arith.cmpi slt, %select_n3A_498, %lt3A_501 : vector<16xi32>
      %add3A_503 = arith.constant 16 : i32
      %add3A_504 = vector.broadcast %add3A_503 : i32 to vector<16xi32>
      %add3A_505 = arith.addi %select_n3A_498, %add3A_504 : vector<16xi32>
      %select_n3A_506 = arith.select %lt3A_502, %add3A_505, %select_n3A_498 : vector<16xi1>, vector<16xi32>
      %broadcast_in_dim3A_507 = vector.shape_cast %select_n3A_506 : vector<16xi32> to vector<16x1xi32>
      %gather3A_508 = vector.shape_cast %broadcast_in_dim3A_507 : vector<16x1xi32> to vector<16xi32>
      %gather3A_509 = tpu.dynamic_gather %select_n3A_498[%gather3A_508] in [0] : vector<16xi32>, vector<16xi32> -> vector<16xi32>
      %lt3A_510 = arith.constant 0 : i32
      %lt3A_511 = vector.broadcast %lt3A_510 : i32 to vector<16xi32>
      %lt3A_512 = arith.cmpi slt, %gather3A_509, %lt3A_511 : vector<16xi32>
      %add3A_513 = arith.constant 16 : i32
      %add3A_514 = vector.broadcast %add3A_513 : i32 to vector<16xi32>
      %add3A_515 = arith.addi %gather3A_509, %add3A_514 : vector<16xi32>
      %select_n3A_516 = arith.select %lt3A_512, %add3A_515, %gather3A_509 : vector<16xi1>, vector<16xi32>
      %broadcast_in_dim3A_517 = vector.shape_cast %select_n3A_516 : vector<16xi32> to vector<16x1xi32>
      %gather3A_518 = vector.shape_cast %broadcast_in_dim3A_517 : vector<16x1xi32> to vector<16xi32>
      %gather3A_519 = tpu.dynamic_gather %gather3A_509[%gather3A_518] in [0] : vector<16xi32>, vector<16xi32> -> vector<16xi32>
      %lt3A_520 = arith.constant 0 : i32
      %lt3A_521 = vector.broadcast %lt3A_520 : i32 to vector<16xi32>
      %lt3A_522 = arith.cmpi slt, %gather3A_519, %lt3A_521 : vector<16xi32>
      %add3A_523 = arith.constant 16 : i32
      %add3A_524 = vector.broadcast %add3A_523 : i32 to vector<16xi32>
      %add3A_525 = arith.addi %gather3A_519, %add3A_524 : vector<16xi32>
      %select_n3A_526 = arith.select %lt3A_522, %add3A_525, %gather3A_519 : vector<16xi1>, vector<16xi32>
      %broadcast_in_dim3A_527 = vector.shape_cast %select_n3A_526 : vector<16xi32> to vector<16x1xi32>
      %gather3A_528 = vector.shape_cast %broadcast_in_dim3A_527 : vector<16x1xi32> to vector<16xi32>
      %gather3A_529 = tpu.dynamic_gather %gather3A_519[%gather3A_528] in [0] : vector<16xi32>, vector<16xi32> -> vector<16xi32>
      %lt3A_530 = arith.constant 0 : i32
      %lt3A_531 = vector.broadcast %lt3A_530 : i32 to vector<16xi32>
      %lt3A_532 = arith.cmpi slt, %gather3A_529, %lt3A_531 : vector<16xi32>
      %add3A_533 = arith.constant 16 : i32
      %add3A_534 = vector.broadcast %add3A_533 : i32 to vector<16xi32>
      %add3A_535 = arith.addi %gather3A_529, %add3A_534 : vector<16xi32>
      %select_n3A_536 = arith.select %lt3A_532, %add3A_535, %gather3A_529 : vector<16xi1>, vector<16xi32>
      %broadcast_in_dim3A_537 = vector.shape_cast %select_n3A_536 : vector<16xi32> to vector<16x1xi32>
      %gather3A_538 = vector.shape_cast %broadcast_in_dim3A_537 : vector<16x1xi32> to vector<16xi32>
      %gather3A_539 = tpu.dynamic_gather %gather3A_529[%gather3A_538] in [0] : vector<16xi32>, vector<16xi32> -> vector<16xi32>
      %lt3A_540 = arith.constant 0 : i32
      %lt3A_541 = vector.broadcast %lt3A_540 : i32 to vector<16xi32>
      %lt3A_542 = arith.cmpi slt, %iota3A, %lt3A_541 : vector<16xi32>
      %add3A_543 = arith.constant 1 : i32
      %add3A_544 = vector.broadcast %add3A_543 : i32 to vector<16xi32>
      %add3A_545 = arith.addi %iota3A, %add3A_544 : vector<16xi32>
      %min3A = arith.constant 15 : i32
      %min3A_546 = vector.broadcast %min3A : i32 to vector<16xi32>
      %min3A_547 = arith.minsi %add3A_545, %min3A_546 : vector<16xi32>
      %lt3A_548 = arith.constant 0 : i32
      %lt3A_549 = vector.broadcast %lt3A_548 : i32 to vector<16xi32>
      %lt3A_550 = arith.cmpi slt, %min3A_547, %lt3A_549 : vector<16xi32>
      %add3A_551 = arith.constant 16 : i32
      %add3A_552 = vector.broadcast %add3A_551 : i32 to vector<16xi32>
      %add3A_553 = arith.addi %min3A_547, %add3A_552 : vector<16xi32>
      %select_n3A_554 = arith.select %lt3A_550, %add3A_553, %min3A_547 : vector<16xi1>, vector<16xi32>
      %broadcast_in_dim3A_555 = vector.shape_cast %select_n3A_554 : vector<16xi32> to vector<16x1xi32>
      %gather3A_556 = vector.shape_cast %broadcast_in_dim3A_555 : vector<16x1xi32> to vector<16xi32>
      %gather3A_557 = tpu.dynamic_gather %rev3A_67[%gather3A_556] in [0] : vector<16xi32>, vector<16xi32> -> vector<16xi32>
      %eq3A_558 = arith.cmpi eq, %gather3A_557, %rev3A_67 : vector<16xi32>
      %lt3A_559 = arith.constant 15 : i32
      %lt3A_560 = vector.broadcast %lt3A_559 : i32 to vector<16xi32>
      %lt3A_561 = arith.cmpi slt, %iota3A, %lt3A_560 : vector<16xi32>
      %and3A_562 = arith.andi %eq3A_558, %lt3A_561 : vector<16xi1>
      %or3A_563 = arith.ori %lt3A_542, %and3A_562 : vector<16xi1>
      %add3A_564 = arith.constant 2 : i32
      %add3A_565 = vector.broadcast %add3A_564 : i32 to vector<16xi32>
      %add3A_566 = arith.addi %iota3A, %add3A_565 : vector<16xi32>
      %min3A_567 = arith.constant 15 : i32
      %min3A_568 = vector.broadcast %min3A_567 : i32 to vector<16xi32>
      %min3A_569 = arith.minsi %add3A_566, %min3A_568 : vector<16xi32>
      %lt3A_570 = arith.constant 0 : i32
      %lt3A_571 = vector.broadcast %lt3A_570 : i32 to vector<16xi32>
      %lt3A_572 = arith.cmpi slt, %min3A_569, %lt3A_571 : vector<16xi32>
      %add3A_573 = arith.constant 16 : i32
      %add3A_574 = vector.broadcast %add3A_573 : i32 to vector<16xi32>
      %add3A_575 = arith.addi %min3A_569, %add3A_574 : vector<16xi32>
      %select_n3A_576 = arith.select %lt3A_572, %add3A_575, %min3A_569 : vector<16xi1>, vector<16xi32>
      %broadcast_in_dim3A_577 = vector.shape_cast %select_n3A_576 : vector<16xi32> to vector<16x1xi32>
      %gather3A_578 = vector.shape_cast %broadcast_in_dim3A_577 : vector<16x1xi32> to vector<16xi32>
      %gather3A_579 = tpu.dynamic_gather %rev3A_67[%gather3A_578] in [0] : vector<16xi32>, vector<16xi32> -> vector<16xi32>
      %eq3A_580 = arith.cmpi eq, %gather3A_579, %rev3A_67 : vector<16xi32>
      %lt3A_581 = arith.constant 14 : i32
      %lt3A_582 = vector.broadcast %lt3A_581 : i32 to vector<16xi32>
      %lt3A_583 = arith.cmpi slt, %iota3A, %lt3A_582 : vector<16xi32>
      %and3A_584 = arith.andi %eq3A_580, %lt3A_583 : vector<16xi1>
      %or3A_585 = arith.ori %or3A_563, %and3A_584 : vector<16xi1>
      %add3A_586 = arith.constant 3 : i32
      %add3A_587 = vector.broadcast %add3A_586 : i32 to vector<16xi32>
      %add3A_588 = arith.addi %iota3A, %add3A_587 : vector<16xi32>
      %min3A_589 = arith.constant 15 : i32
      %min3A_590 = vector.broadcast %min3A_589 : i32 to vector<16xi32>
      %min3A_591 = arith.minsi %add3A_588, %min3A_590 : vector<16xi32>
      %lt3A_592 = arith.constant 0 : i32
      %lt3A_593 = vector.broadcast %lt3A_592 : i32 to vector<16xi32>
      %lt3A_594 = arith.cmpi slt, %min3A_591, %lt3A_593 : vector<16xi32>
      %add3A_595 = arith.constant 16 : i32
      %add3A_596 = vector.broadcast %add3A_595 : i32 to vector<16xi32>
      %add3A_597 = arith.addi %min3A_591, %add3A_596 : vector<16xi32>
      %select_n3A_598 = arith.select %lt3A_594, %add3A_597, %min3A_591 : vector<16xi1>, vector<16xi32>
      %broadcast_in_dim3A_599 = vector.shape_cast %select_n3A_598 : vector<16xi32> to vector<16x1xi32>
      %gather3A_600 = vector.shape_cast %broadcast_in_dim3A_599 : vector<16x1xi32> to vector<16xi32>
      %gather3A_601 = tpu.dynamic_gather %rev3A_67[%gather3A_600] in [0] : vector<16xi32>, vector<16xi32> -> vector<16xi32>
      %eq3A_602 = arith.cmpi eq, %gather3A_601, %rev3A_67 : vector<16xi32>
      %lt3A_603 = arith.constant 13 : i32
      %lt3A_604 = vector.broadcast %lt3A_603 : i32 to vector<16xi32>
      %lt3A_605 = arith.cmpi slt, %iota3A, %lt3A_604 : vector<16xi32>
      %and3A_606 = arith.andi %eq3A_602, %lt3A_605 : vector<16xi1>
      %or3A_607 = arith.ori %or3A_585, %and3A_606 : vector<16xi1>
      %add3A_608 = arith.constant 4 : i32
      %add3A_609 = vector.broadcast %add3A_608 : i32 to vector<16xi32>
      %add3A_610 = arith.addi %iota3A, %add3A_609 : vector<16xi32>
      %min3A_611 = arith.constant 15 : i32
      %min3A_612 = vector.broadcast %min3A_611 : i32 to vector<16xi32>
      %min3A_613 = arith.minsi %add3A_610, %min3A_612 : vector<16xi32>
      %lt3A_614 = arith.constant 0 : i32
      %lt3A_615 = vector.broadcast %lt3A_614 : i32 to vector<16xi32>
      %lt3A_616 = arith.cmpi slt, %min3A_613, %lt3A_615 : vector<16xi32>
      %add3A_617 = arith.constant 16 : i32
      %add3A_618 = vector.broadcast %add3A_617 : i32 to vector<16xi32>
      %add3A_619 = arith.addi %min3A_613, %add3A_618 : vector<16xi32>
      %select_n3A_620 = arith.select %lt3A_616, %add3A_619, %min3A_613 : vector<16xi1>, vector<16xi32>
      %broadcast_in_dim3A_621 = vector.shape_cast %select_n3A_620 : vector<16xi32> to vector<16x1xi32>
      %gather3A_622 = vector.shape_cast %broadcast_in_dim3A_621 : vector<16x1xi32> to vector<16xi32>
      %gather3A_623 = tpu.dynamic_gather %rev3A_67[%gather3A_622] in [0] : vector<16xi32>, vector<16xi32> -> vector<16xi32>
      %eq3A_624 = arith.cmpi eq, %gather3A_623, %rev3A_67 : vector<16xi32>
      %lt3A_625 = arith.constant 12 : i32
      %lt3A_626 = vector.broadcast %lt3A_625 : i32 to vector<16xi32>
      %lt3A_627 = arith.cmpi slt, %iota3A, %lt3A_626 : vector<16xi32>
      %and3A_628 = arith.andi %eq3A_624, %lt3A_627 : vector<16xi1>
      %or3A_629 = arith.ori %or3A_607, %and3A_628 : vector<16xi1>
      %add3A_630 = arith.constant 5 : i32
      %add3A_631 = vector.broadcast %add3A_630 : i32 to vector<16xi32>
      %add3A_632 = arith.addi %iota3A, %add3A_631 : vector<16xi32>
      %min3A_633 = arith.constant 15 : i32
      %min3A_634 = vector.broadcast %min3A_633 : i32 to vector<16xi32>
      %min3A_635 = arith.minsi %add3A_632, %min3A_634 : vector<16xi32>
      %lt3A_636 = arith.constant 0 : i32
      %lt3A_637 = vector.broadcast %lt3A_636 : i32 to vector<16xi32>
      %lt3A_638 = arith.cmpi slt, %min3A_635, %lt3A_637 : vector<16xi32>
      %add3A_639 = arith.constant 16 : i32
      %add3A_640 = vector.broadcast %add3A_639 : i32 to vector<16xi32>
      %add3A_641 = arith.addi %min3A_635, %add3A_640 : vector<16xi32>
      %select_n3A_642 = arith.select %lt3A_638, %add3A_641, %min3A_635 : vector<16xi1>, vector<16xi32>
      %broadcast_in_dim3A_643 = vector.shape_cast %select_n3A_642 : vector<16xi32> to vector<16x1xi32>
      %gather3A_644 = vector.shape_cast %broadcast_in_dim3A_643 : vector<16x1xi32> to vector<16xi32>
      %gather3A_645 = tpu.dynamic_gather %rev3A_67[%gather3A_644] in [0] : vector<16xi32>, vector<16xi32> -> vector<16xi32>
      %eq3A_646 = arith.cmpi eq, %gather3A_645, %rev3A_67 : vector<16xi32>
      %lt3A_647 = arith.constant 11 : i32
      %lt3A_648 = vector.broadcast %lt3A_647 : i32 to vector<16xi32>
      %lt3A_649 = arith.cmpi slt, %iota3A, %lt3A_648 : vector<16xi32>
      %and3A_650 = arith.andi %eq3A_646, %lt3A_649 : vector<16xi1>
      %or3A_651 = arith.ori %or3A_629, %and3A_650 : vector<16xi1>
      %add3A_652 = arith.constant 6 : i32
      %add3A_653 = vector.broadcast %add3A_652 : i32 to vector<16xi32>
      %add3A_654 = arith.addi %iota3A, %add3A_653 : vector<16xi32>
      %min3A_655 = arith.constant 15 : i32
      %min3A_656 = vector.broadcast %min3A_655 : i32 to vector<16xi32>
      %min3A_657 = arith.minsi %add3A_654, %min3A_656 : vector<16xi32>
      %lt3A_658 = arith.constant 0 : i32
      %lt3A_659 = vector.broadcast %lt3A_658 : i32 to vector<16xi32>
      %lt3A_660 = arith.cmpi slt, %min3A_657, %lt3A_659 : vector<16xi32>
      %add3A_661 = arith.constant 16 : i32
      %add3A_662 = vector.broadcast %add3A_661 : i32 to vector<16xi32>
      %add3A_663 = arith.addi %min3A_657, %add3A_662 : vector<16xi32>
      %select_n3A_664 = arith.select %lt3A_660, %add3A_663, %min3A_657 : vector<16xi1>, vector<16xi32>
      %broadcast_in_dim3A_665 = vector.shape_cast %select_n3A_664 : vector<16xi32> to vector<16x1xi32>
      %gather3A_666 = vector.shape_cast %broadcast_in_dim3A_665 : vector<16x1xi32> to vector<16xi32>
      %gather3A_667 = tpu.dynamic_gather %rev3A_67[%gather3A_666] in [0] : vector<16xi32>, vector<16xi32> -> vector<16xi32>
      %eq3A_668 = arith.cmpi eq, %gather3A_667, %rev3A_67 : vector<16xi32>
      %lt3A_669 = arith.constant 10 : i32
      %lt3A_670 = vector.broadcast %lt3A_669 : i32 to vector<16xi32>
      %lt3A_671 = arith.cmpi slt, %iota3A, %lt3A_670 : vector<16xi32>
      %and3A_672 = arith.andi %eq3A_668, %lt3A_671 : vector<16xi1>
      %or3A_673 = arith.ori %or3A_651, %and3A_672 : vector<16xi1>
      %add3A_674 = arith.constant 7 : i32
      %add3A_675 = vector.broadcast %add3A_674 : i32 to vector<16xi32>
      %add3A_676 = arith.addi %iota3A, %add3A_675 : vector<16xi32>
      %min3A_677 = arith.constant 15 : i32
      %min3A_678 = vector.broadcast %min3A_677 : i32 to vector<16xi32>
      %min3A_679 = arith.minsi %add3A_676, %min3A_678 : vector<16xi32>
      %lt3A_680 = arith.constant 0 : i32
      %lt3A_681 = vector.broadcast %lt3A_680 : i32 to vector<16xi32>
      %lt3A_682 = arith.cmpi slt, %min3A_679, %lt3A_681 : vector<16xi32>
      %add3A_683 = arith.constant 16 : i32
      %add3A_684 = vector.broadcast %add3A_683 : i32 to vector<16xi32>
      %add3A_685 = arith.addi %min3A_679, %add3A_684 : vector<16xi32>
      %select_n3A_686 = arith.select %lt3A_682, %add3A_685, %min3A_679 : vector<16xi1>, vector<16xi32>
      %broadcast_in_dim3A_687 = vector.shape_cast %select_n3A_686 : vector<16xi32> to vector<16x1xi32>
      %gather3A_688 = vector.shape_cast %broadcast_in_dim3A_687 : vector<16x1xi32> to vector<16xi32>
      %gather3A_689 = tpu.dynamic_gather %rev3A_67[%gather3A_688] in [0] : vector<16xi32>, vector<16xi32> -> vector<16xi32>
      %eq3A_690 = arith.cmpi eq, %gather3A_689, %rev3A_67 : vector<16xi32>
      %lt3A_691 = arith.constant 9 : i32
      %lt3A_692 = vector.broadcast %lt3A_691 : i32 to vector<16xi32>
      %lt3A_693 = arith.cmpi slt, %iota3A, %lt3A_692 : vector<16xi32>
      %and3A_694 = arith.andi %eq3A_690, %lt3A_693 : vector<16xi1>
      %or3A_695 = arith.ori %or3A_673, %and3A_694 : vector<16xi1>
      %add3A_696 = arith.constant 8 : i32
      %add3A_697 = vector.broadcast %add3A_696 : i32 to vector<16xi32>
      %add3A_698 = arith.addi %iota3A, %add3A_697 : vector<16xi32>
      %min3A_699 = arith.constant 15 : i32
      %min3A_700 = vector.broadcast %min3A_699 : i32 to vector<16xi32>
      %min3A_701 = arith.minsi %add3A_698, %min3A_700 : vector<16xi32>
      %lt3A_702 = arith.constant 0 : i32
      %lt3A_703 = vector.broadcast %lt3A_702 : i32 to vector<16xi32>
      %lt3A_704 = arith.cmpi slt, %min3A_701, %lt3A_703 : vector<16xi32>
      %add3A_705 = arith.constant 16 : i32
      %add3A_706 = vector.broadcast %add3A_705 : i32 to vector<16xi32>
      %add3A_707 = arith.addi %min3A_701, %add3A_706 : vector<16xi32>
      %select_n3A_708 = arith.select %lt3A_704, %add3A_707, %min3A_701 : vector<16xi1>, vector<16xi32>
      %broadcast_in_dim3A_709 = vector.shape_cast %select_n3A_708 : vector<16xi32> to vector<16x1xi32>
      %gather3A_710 = vector.shape_cast %broadcast_in_dim3A_709 : vector<16x1xi32> to vector<16xi32>
      %gather3A_711 = tpu.dynamic_gather %rev3A_67[%gather3A_710] in [0] : vector<16xi32>, vector<16xi32> -> vector<16xi32>
      %eq3A_712 = arith.cmpi eq, %gather3A_711, %rev3A_67 : vector<16xi32>
      %lt3A_713 = arith.constant 8 : i32
      %lt3A_714 = vector.broadcast %lt3A_713 : i32 to vector<16xi32>
      %lt3A_715 = arith.cmpi slt, %iota3A, %lt3A_714 : vector<16xi32>
      %and3A_716 = arith.andi %eq3A_712, %lt3A_715 : vector<16xi1>
      %or3A_717 = arith.ori %or3A_695, %and3A_716 : vector<16xi1>
      %add3A_718 = arith.constant 9 : i32
      %add3A_719 = vector.broadcast %add3A_718 : i32 to vector<16xi32>
      %add3A_720 = arith.addi %iota3A, %add3A_719 : vector<16xi32>
      %min3A_721 = arith.constant 15 : i32
      %min3A_722 = vector.broadcast %min3A_721 : i32 to vector<16xi32>
      %min3A_723 = arith.minsi %add3A_720, %min3A_722 : vector<16xi32>
      %lt3A_724 = arith.constant 0 : i32
      %lt3A_725 = vector.broadcast %lt3A_724 : i32 to vector<16xi32>
      %lt3A_726 = arith.cmpi slt, %min3A_723, %lt3A_725 : vector<16xi32>
      %add3A_727 = arith.constant 16 : i32
      %add3A_728 = vector.broadcast %add3A_727 : i32 to vector<16xi32>
      %add3A_729 = arith.addi %min3A_723, %add3A_728 : vector<16xi32>
      %select_n3A_730 = arith.select %lt3A_726, %add3A_729, %min3A_723 : vector<16xi1>, vector<16xi32>
      %broadcast_in_dim3A_731 = vector.shape_cast %select_n3A_730 : vector<16xi32> to vector<16x1xi32>
      %gather3A_732 = vector.shape_cast %broadcast_in_dim3A_731 : vector<16x1xi32> to vector<16xi32>
      %gather3A_733 = tpu.dynamic_gather %rev3A_67[%gather3A_732] in [0] : vector<16xi32>, vector<16xi32> -> vector<16xi32>
      %eq3A_734 = arith.cmpi eq, %gather3A_733, %rev3A_67 : vector<16xi32>
      %lt3A_735 = arith.constant 7 : i32
      %lt3A_736 = vector.broadcast %lt3A_735 : i32 to vector<16xi32>
      %lt3A_737 = arith.cmpi slt, %iota3A, %lt3A_736 : vector<16xi32>
      %and3A_738 = arith.andi %eq3A_734, %lt3A_737 : vector<16xi1>
      %or3A_739 = arith.ori %or3A_717, %and3A_738 : vector<16xi1>
      %add3A_740 = arith.constant 10 : i32
      %add3A_741 = vector.broadcast %add3A_740 : i32 to vector<16xi32>
      %add3A_742 = arith.addi %iota3A, %add3A_741 : vector<16xi32>
      %min3A_743 = arith.constant 15 : i32
      %min3A_744 = vector.broadcast %min3A_743 : i32 to vector<16xi32>
      %min3A_745 = arith.minsi %add3A_742, %min3A_744 : vector<16xi32>
      %lt3A_746 = arith.constant 0 : i32
      %lt3A_747 = vector.broadcast %lt3A_746 : i32 to vector<16xi32>
      %lt3A_748 = arith.cmpi slt, %min3A_745, %lt3A_747 : vector<16xi32>
      %add3A_749 = arith.constant 16 : i32
      %add3A_750 = vector.broadcast %add3A_749 : i32 to vector<16xi32>
      %add3A_751 = arith.addi %min3A_745, %add3A_750 : vector<16xi32>
      %select_n3A_752 = arith.select %lt3A_748, %add3A_751, %min3A_745 : vector<16xi1>, vector<16xi32>
      %broadcast_in_dim3A_753 = vector.shape_cast %select_n3A_752 : vector<16xi32> to vector<16x1xi32>
      %gather3A_754 = vector.shape_cast %broadcast_in_dim3A_753 : vector<16x1xi32> to vector<16xi32>
      %gather3A_755 = tpu.dynamic_gather %rev3A_67[%gather3A_754] in [0] : vector<16xi32>, vector<16xi32> -> vector<16xi32>
      %eq3A_756 = arith.cmpi eq, %gather3A_755, %rev3A_67 : vector<16xi32>
      %lt3A_757 = arith.constant 6 : i32
      %lt3A_758 = vector.broadcast %lt3A_757 : i32 to vector<16xi32>
      %lt3A_759 = arith.cmpi slt, %iota3A, %lt3A_758 : vector<16xi32>
      %and3A_760 = arith.andi %eq3A_756, %lt3A_759 : vector<16xi1>
      %or3A_761 = arith.ori %or3A_739, %and3A_760 : vector<16xi1>
      %add3A_762 = arith.constant 11 : i32
      %add3A_763 = vector.broadcast %add3A_762 : i32 to vector<16xi32>
      %add3A_764 = arith.addi %iota3A, %add3A_763 : vector<16xi32>
      %min3A_765 = arith.constant 15 : i32
      %min3A_766 = vector.broadcast %min3A_765 : i32 to vector<16xi32>
      %min3A_767 = arith.minsi %add3A_764, %min3A_766 : vector<16xi32>
      %lt3A_768 = arith.constant 0 : i32
      %lt3A_769 = vector.broadcast %lt3A_768 : i32 to vector<16xi32>
      %lt3A_770 = arith.cmpi slt, %min3A_767, %lt3A_769 : vector<16xi32>
      %add3A_771 = arith.constant 16 : i32
      %add3A_772 = vector.broadcast %add3A_771 : i32 to vector<16xi32>
      %add3A_773 = arith.addi %min3A_767, %add3A_772 : vector<16xi32>
      %select_n3A_774 = arith.select %lt3A_770, %add3A_773, %min3A_767 : vector<16xi1>, vector<16xi32>
      %broadcast_in_dim3A_775 = vector.shape_cast %select_n3A_774 : vector<16xi32> to vector<16x1xi32>
      %gather3A_776 = vector.shape_cast %broadcast_in_dim3A_775 : vector<16x1xi32> to vector<16xi32>
      %gather3A_777 = tpu.dynamic_gather %rev3A_67[%gather3A_776] in [0] : vector<16xi32>, vector<16xi32> -> vector<16xi32>
      %eq3A_778 = arith.cmpi eq, %gather3A_777, %rev3A_67 : vector<16xi32>
      %lt3A_779 = arith.constant 5 : i32
      %lt3A_780 = vector.broadcast %lt3A_779 : i32 to vector<16xi32>
      %lt3A_781 = arith.cmpi slt, %iota3A, %lt3A_780 : vector<16xi32>
      %and3A_782 = arith.andi %eq3A_778, %lt3A_781 : vector<16xi1>
      %or3A_783 = arith.ori %or3A_761, %and3A_782 : vector<16xi1>
      %add3A_784 = arith.constant 12 : i32
      %add3A_785 = vector.broadcast %add3A_784 : i32 to vector<16xi32>
      %add3A_786 = arith.addi %iota3A, %add3A_785 : vector<16xi32>
      %min3A_787 = arith.constant 15 : i32
      %min3A_788 = vector.broadcast %min3A_787 : i32 to vector<16xi32>
      %min3A_789 = arith.minsi %add3A_786, %min3A_788 : vector<16xi32>
      %lt3A_790 = arith.constant 0 : i32
      %lt3A_791 = vector.broadcast %lt3A_790 : i32 to vector<16xi32>
      %lt3A_792 = arith.cmpi slt, %min3A_789, %lt3A_791 : vector<16xi32>
      %add3A_793 = arith.constant 16 : i32
      %add3A_794 = vector.broadcast %add3A_793 : i32 to vector<16xi32>
      %add3A_795 = arith.addi %min3A_789, %add3A_794 : vector<16xi32>
      %select_n3A_796 = arith.select %lt3A_792, %add3A_795, %min3A_789 : vector<16xi1>, vector<16xi32>
      %broadcast_in_dim3A_797 = vector.shape_cast %select_n3A_796 : vector<16xi32> to vector<16x1xi32>
      %gather3A_798 = vector.shape_cast %broadcast_in_dim3A_797 : vector<16x1xi32> to vector<16xi32>
      %gather3A_799 = tpu.dynamic_gather %rev3A_67[%gather3A_798] in [0] : vector<16xi32>, vector<16xi32> -> vector<16xi32>
      %eq3A_800 = arith.cmpi eq, %gather3A_799, %rev3A_67 : vector<16xi32>
      %lt3A_801 = arith.constant 4 : i32
      %lt3A_802 = vector.broadcast %lt3A_801 : i32 to vector<16xi32>
      %lt3A_803 = arith.cmpi slt, %iota3A, %lt3A_802 : vector<16xi32>
      %and3A_804 = arith.andi %eq3A_800, %lt3A_803 : vector<16xi1>
      %or3A_805 = arith.ori %or3A_783, %and3A_804 : vector<16xi1>
      %add3A_806 = arith.constant 13 : i32
      %add3A_807 = vector.broadcast %add3A_806 : i32 to vector<16xi32>
      %add3A_808 = arith.addi %iota3A, %add3A_807 : vector<16xi32>
      %min3A_809 = arith.constant 15 : i32
      %min3A_810 = vector.broadcast %min3A_809 : i32 to vector<16xi32>
      %min3A_811 = arith.minsi %add3A_808, %min3A_810 : vector<16xi32>
      %lt3A_812 = arith.constant 0 : i32
      %lt3A_813 = vector.broadcast %lt3A_812 : i32 to vector<16xi32>
      %lt3A_814 = arith.cmpi slt, %min3A_811, %lt3A_813 : vector<16xi32>
      %add3A_815 = arith.constant 16 : i32
      %add3A_816 = vector.broadcast %add3A_815 : i32 to vector<16xi32>
      %add3A_817 = arith.addi %min3A_811, %add3A_816 : vector<16xi32>
      %select_n3A_818 = arith.select %lt3A_814, %add3A_817, %min3A_811 : vector<16xi1>, vector<16xi32>
      %broadcast_in_dim3A_819 = vector.shape_cast %select_n3A_818 : vector<16xi32> to vector<16x1xi32>
      %gather3A_820 = vector.shape_cast %broadcast_in_dim3A_819 : vector<16x1xi32> to vector<16xi32>
      %gather3A_821 = tpu.dynamic_gather %rev3A_67[%gather3A_820] in [0] : vector<16xi32>, vector<16xi32> -> vector<16xi32>
      %eq3A_822 = arith.cmpi eq, %gather3A_821, %rev3A_67 : vector<16xi32>
      %lt3A_823 = arith.constant 3 : i32
      %lt3A_824 = vector.broadcast %lt3A_823 : i32 to vector<16xi32>
      %lt3A_825 = arith.cmpi slt, %iota3A, %lt3A_824 : vector<16xi32>
      %and3A_826 = arith.andi %eq3A_822, %lt3A_825 : vector<16xi1>
      %or3A_827 = arith.ori %or3A_805, %and3A_826 : vector<16xi1>
      %add3A_828 = arith.constant 14 : i32
      %add3A_829 = vector.broadcast %add3A_828 : i32 to vector<16xi32>
      %add3A_830 = arith.addi %iota3A, %add3A_829 : vector<16xi32>
      %min3A_831 = arith.constant 15 : i32
      %min3A_832 = vector.broadcast %min3A_831 : i32 to vector<16xi32>
      %min3A_833 = arith.minsi %add3A_830, %min3A_832 : vector<16xi32>
      %lt3A_834 = arith.constant 0 : i32
      %lt3A_835 = vector.broadcast %lt3A_834 : i32 to vector<16xi32>
      %lt3A_836 = arith.cmpi slt, %min3A_833, %lt3A_835 : vector<16xi32>
      %add3A_837 = arith.constant 16 : i32
      %add3A_838 = vector.broadcast %add3A_837 : i32 to vector<16xi32>
      %add3A_839 = arith.addi %min3A_833, %add3A_838 : vector<16xi32>
      %select_n3A_840 = arith.select %lt3A_836, %add3A_839, %min3A_833 : vector<16xi1>, vector<16xi32>
      %broadcast_in_dim3A_841 = vector.shape_cast %select_n3A_840 : vector<16xi32> to vector<16x1xi32>
      %gather3A_842 = vector.shape_cast %broadcast_in_dim3A_841 : vector<16x1xi32> to vector<16xi32>
      %gather3A_843 = tpu.dynamic_gather %rev3A_67[%gather3A_842] in [0] : vector<16xi32>, vector<16xi32> -> vector<16xi32>
      %eq3A_844 = arith.cmpi eq, %gather3A_843, %rev3A_67 : vector<16xi32>
      %lt3A_845 = arith.constant 2 : i32
      %lt3A_846 = vector.broadcast %lt3A_845 : i32 to vector<16xi32>
      %lt3A_847 = arith.cmpi slt, %iota3A, %lt3A_846 : vector<16xi32>
      %and3A_848 = arith.andi %eq3A_844, %lt3A_847 : vector<16xi1>
      %or3A_849 = arith.ori %or3A_827, %and3A_848 : vector<16xi1>
      %add3A_850 = arith.constant 15 : i32
      %add3A_851 = vector.broadcast %add3A_850 : i32 to vector<16xi32>
      %add3A_852 = arith.addi %iota3A, %add3A_851 : vector<16xi32>
      %min3A_853 = arith.constant 15 : i32
      %min3A_854 = vector.broadcast %min3A_853 : i32 to vector<16xi32>
      %min3A_855 = arith.minsi %add3A_852, %min3A_854 : vector<16xi32>
      %lt3A_856 = arith.constant 0 : i32
      %lt3A_857 = vector.broadcast %lt3A_856 : i32 to vector<16xi32>
      %lt3A_858 = arith.cmpi slt, %min3A_855, %lt3A_857 : vector<16xi32>
      %add3A_859 = arith.constant 16 : i32
      %add3A_860 = vector.broadcast %add3A_859 : i32 to vector<16xi32>
      %add3A_861 = arith.addi %min3A_855, %add3A_860 : vector<16xi32>
      %select_n3A_862 = arith.select %lt3A_858, %add3A_861, %min3A_855 : vector<16xi1>, vector<16xi32>
      %broadcast_in_dim3A_863 = vector.shape_cast %select_n3A_862 : vector<16xi32> to vector<16x1xi32>
      %gather3A_864 = vector.shape_cast %broadcast_in_dim3A_863 : vector<16x1xi32> to vector<16xi32>
      %gather3A_865 = tpu.dynamic_gather %rev3A_67[%gather3A_864] in [0] : vector<16xi32>, vector<16xi32> -> vector<16xi32>
      %eq3A_866 = arith.cmpi eq, %gather3A_865, %rev3A_67 : vector<16xi32>
      %lt3A_867 = arith.constant 1 : i32
      %lt3A_868 = vector.broadcast %lt3A_867 : i32 to vector<16xi32>
      %lt3A_869 = arith.cmpi slt, %iota3A, %lt3A_868 : vector<16xi32>
      %and3A_870 = arith.andi %eq3A_866, %lt3A_869 : vector<16xi1>
      %or3A_871 = arith.ori %or3A_849, %and3A_870 : vector<16xi1>
      %mul3A_872 = arith.constant 16 : i32
      %mul3A_873 = arith.muli %scan3A_48, %mul3A_872 : i32
      %swap3A = arith.index_cast %mul3A_873 : i32 to index
      %swap3A_874 = tpu.vector_load %arg9[%swap3A] {strides = array<i32>} : memref<4096xi32, #tpu.memory_space<vmem>>, vector<16xi32>,
      tpu.vector_store %arg9[%swap3A], %rev3A_58 {strides = array<i32>} : memref<4096xi32, #tpu.memory_space<vmem>>, vector<16xi32>,
      %mul3A_875 = arith.constant 16 : i32
      %mul3A_876 = arith.muli %scan3A_48, %mul3A_875 : i32
      %swap3A_877 = arith.index_cast %mul3A_876 : i32 to index
      %swap3A_878 = tpu.vector_load %arg10[%swap3A_877] {strides = array<i32>} : memref<4096xi32, #tpu.memory_space<vmem>>, vector<16xi32>,
      tpu.vector_store %arg10[%swap3A_877], %rev3A_67 {strides = array<i32>} : memref<4096xi32, #tpu.memory_space<vmem>>, vector<16xi32>,
      %convert_element_type3A = arith.extui %or3A_871 : vector<16xi1> to vector<16xi32>
      %shift_left3A = arith.constant 8 : i32
      %shift_left3A_879 = vector.broadcast %shift_left3A : i32 to vector<16xi32>
      %shift_left3A_880 = arith.shli %convert_element_type3A, %shift_left3A_879 : vector<16xi32>
      %add3A_881 = arith.addi %gather3A_539, %shift_left3A_880 : vector<16xi32>
      %mul3A_882 = arith.constant 16 : i32
      %mul3A_883 = arith.muli %scan3A_48, %mul3A_882 : i32
      %swap3A_884 = arith.index_cast %mul3A_883 : i32 to index
      %swap3A_885 = tpu.vector_load %arg11[%swap3A_884] {strides = array<i32>} : memref<4096xi32, #tpu.memory_space<vmem>>, vector<16xi32>,
      tpu.vector_store %arg11[%swap3A_884], %add3A_881 {strides = array<i32>} : memref<4096xi32, #tpu.memory_space<vmem>>, vector<16xi32>,
      %scan3A_886 = arith.constant 0 : i32
      scf.yield %scan3A_886 : i32
    }
    %scan3A_45 = arith.constant 256 : i32
    %mul3A_46 = arith.constant 4096 : i32
    %mul3A_47 = arith.muli %add3A, %mul3A_46 : i32
    "tpu.region"() ({
      %run_scoped3A = tpu.sem_alloc : memref<!tpu.dma_semaphore, #tpu.memory_space<semaphore_mem>>
      %dma_start3A = tpu.memref_slice %arg4[%mul3A_47] : memref<131072xi32, #tpu.memory_space<hbm>> -> memref<4096xi32, #tpu.memory_space<hbm>>
      %dma_start3A_48 = tpu.memref_slice %arg4[%mul3A_47] : memref<131072xi32, #tpu.memory_space<hbm>> -> memref<4096xi32, #tpu.memory_space<hbm>>
      tpu.enqueue_dma source(%arg9 : memref<4096xi32, #tpu.memory_space<vmem>>) target(%dma_start3A_48 : memref<4096xi32, #tpu.memory_space<hbm>>) target_semaphore(%run_scoped3A : memref<!tpu.dma_semaphore, #tpu.memory_space<semaphore_mem>>)
      %dma_wait3A = tpu.memref_slice %arg4[%mul3A_47] : memref<131072xi32, #tpu.memory_space<hbm>> -> memref<4096xi32, #tpu.memory_space<hbm>>
      %dma_wait3A_49 = tpu.memref_slice %arg4[%mul3A_47] : memref<131072xi32, #tpu.memory_space<hbm>> -> memref<4096xi32, #tpu.memory_space<hbm>>
      tpu.wait_dma2 semaphore(%run_scoped3A : memref<!tpu.dma_semaphore, #tpu.memory_space<semaphore_mem>>) src(%arg9 : memref<4096xi32, #tpu.memory_space<vmem>>) dst(%dma_wait3A_49 : memref<4096xi32, #tpu.memory_space<hbm>>)
      tpu.yield
    }) : () -> ()
    "tpu.region"() ({
      %run_scoped3A = tpu.sem_alloc : memref<!tpu.dma_semaphore, #tpu.memory_space<semaphore_mem>>
      %dma_start3A = tpu.memref_slice %arg5[%mul3A_47] : memref<131072xi32, #tpu.memory_space<hbm>> -> memref<4096xi32, #tpu.memory_space<hbm>>
      %dma_start3A_48 = tpu.memref_slice %arg5[%mul3A_47] : memref<131072xi32, #tpu.memory_space<hbm>> -> memref<4096xi32, #tpu.memory_space<hbm>>
      tpu.enqueue_dma source(%arg10 : memref<4096xi32, #tpu.memory_space<vmem>>) target(%dma_start3A_48 : memref<4096xi32, #tpu.memory_space<hbm>>) target_semaphore(%run_scoped3A : memref<!tpu.dma_semaphore, #tpu.memory_space<semaphore_mem>>)
      %dma_wait3A = tpu.memref_slice %arg5[%mul3A_47] : memref<131072xi32, #tpu.memory_space<hbm>> -> memref<4096xi32, #tpu.memory_space<hbm>>
      %dma_wait3A_49 = tpu.memref_slice %arg5[%mul3A_47] : memref<131072xi32, #tpu.memory_space<hbm>> -> memref<4096xi32, #tpu.memory_space<hbm>>
      tpu.wait_dma2 semaphore(%run_scoped3A : memref<!tpu.dma_semaphore, #tpu.memory_space<semaphore_mem>>) src(%arg10 : memref<4096xi32, #tpu.memory_space<vmem>>) dst(%dma_wait3A_49 : memref<4096xi32, #tpu.memory_space<hbm>>)
      tpu.yield
    }) : () -> ()
    "tpu.region"() ({
      %run_scoped3A = tpu.sem_alloc : memref<!tpu.dma_semaphore, #tpu.memory_space<semaphore_mem>>
      %dma_start3A = tpu.memref_slice %arg6[%mul3A_47] : memref<131072xi32, #tpu.memory_space<hbm>> -> memref<4096xi32, #tpu.memory_space<hbm>>
      %dma_start3A_48 = tpu.memref_slice %arg6[%mul3A_47] : memref<131072xi32, #tpu.memory_space<hbm>> -> memref<4096xi32, #tpu.memory_space<hbm>>
      tpu.enqueue_dma source(%arg11 : memref<4096xi32, #tpu.memory_space<vmem>>) target(%dma_start3A_48 : memref<4096xi32, #tpu.memory_space<hbm>>) target_semaphore(%run_scoped3A : memref<!tpu.dma_semaphore, #tpu.memory_space<semaphore_mem>>)
      %dma_wait3A = tpu.memref_slice %arg6[%mul3A_47] : memref<131072xi32, #tpu.memory_space<hbm>> -> memref<4096xi32, #tpu.memory_space<hbm>>
      %dma_wait3A_49 = tpu.memref_slice %arg6[%mul3A_47] : memref<131072xi32, #tpu.memory_space<hbm>> -> memref<4096xi32, #tpu.memory_space<hbm>>
      tpu.wait_dma2 semaphore(%run_scoped3A : memref<!tpu.dma_semaphore, #tpu.memory_space<semaphore_mem>>) src(%arg11 : memref<4096xi32, #tpu.memory_space<vmem>>) dst(%dma_wait3A_49 : memref<4096xi32, #tpu.memory_space<hbm>>)
      tpu.yield
    }) : () -> ()
    return
  }
}

</mosaic_0001>

<sc_bundles>
// kernel: kernel.11.cloned.1.call-start
scs
__scs_entry_jumppad:
0x0: {  	(pc) =	sbr.rel $0x88, $3  }
0x1: {  	(tag) =	ssettag $0x0;
	lr =	simm.s32 $0x1  }
0x2: {  	[smem:$0x3F9E] =	sst lr;
	_ =	strace $0xD0000000  }
0x3: {  	_ = 	snop  }
0x4: {  	_ = 	snop  }
0x5: {  	_ = 	snop  }
0x6: {  	_ = 	snop  }
0x7: {  	_ = 	snop  }
__scs_overlays_trampoline_lowered:
0x8: {  	[smem:$0x3FAD] =	sst s0  }
0x9: {  	[smem:$0x3FAE] =	sst s1  }
0xa: {  	[smem:$0x3FAF] =	sst s2  }
0xb: {  	[smem:$0x3FB0] =	sst s3  }
0xc: {  	[smem:$0x3FB1] =	sst s4  }
0xd: {  	[smem:$0x3FB2] =	sst s5  }
0xe: {  	[smem:$0x3FB3] =	sst s6  }
0xf: {  	[smem:$0x3FB4] =	sst s7  }
0x10: {  	[smem:$0x3FB5] =	sst s8  }
0x11: {  	[smem:$0x3FB6] =	sst s9;
	s0 =	simm.s32 @!p0 $0x0  }
0x12: {  	s1 =	sld [smem:$0x3F9C];
	s0 =	simm.s32 @p0 $0x1  }
0x13: {  	[smem:$0x3FB7] =	sst s0;
	s0 =	simm.s32 @!p1 $0x0  }
0x14: {  	s2 =	sld [smem:$0x3F9B];
	s0 =	simm.s32 @p1 $0x1  }
0x15: {  	[smem:$0x3FB8] =	sst s0;
	s0 =	simm.s32 @!p2 $0x0  }
0x16: {  	s3 =	sld [smem:$0x3FDB];
	s0 =	simm.s32 @p2 $0x1  }
0x17: {  	s4 =	simm.s32 $0x1BF5;
	[smem:$0x3FBA] =	sst s0  }
0x18: {  	s0 =	sld [smem:$0x3F9D];
	_ =	swait.ge [sflag:s4], $0x0  }
0x19: {  	s7 =	sld [smem:$0x3F9E]  }
0x1a: {  	s8 =	sadd.s32 $0xFFFFE003, lr  }
0x1b: {  	s9 =	sadd.s32 $0xFFFFFEF7, lr;
	s5 =	simm.s32 $0xFFFFFFFF;
	p2 =	slt.u32 s8, $0xFFFFF086  }
0x1c: {  	p1 =	slt.u32 s9, $0xF7A;
	s5 =	simm.s32 @!p2 $0x0  }
0x1d: {  	s5 =	simm.s32 @p1 $0x1;
	p0 =	seq.s32 s7, s2  }
0x1e: {  	s7 =	smul.u32 @!p0 $0xF7A, s2;
	p2 =	seq.s32 @!p0 s5, $0x0  }
0x1f: {  	s9 =	smul.u32 $0xF7A, s1;
	s8 =	simm.s32 @!p0 $0x1BF5;
	p2 =	por !p2, p0  }
0x20: {  	[sflag:s8] =	ssyncset.s32 @!p0 $0xFFFFF086;
	s6 =	sadd.s32 @!p0 s3, s7;
	s7 =	simm.s32 @!p0 $0x108  }
0x21: {  	s3 =	sadd.s32 s3, s9;
	s6 =	sadd.s32 @!p0 $0x88, s6;
	s7 =	simm.s32 @p2 $0x1082  }
0x22: {  	[simem:s7], [sflag:s8] =	dma.local @!p0 [hbm:s6], $0xF7A  }
0x23: {  	s9 =	sor.u32 $0xD0000000, s2;
	s6 =	simm.s32 $0x108;
	_ =	swait.ge @!p0 [sflag:s8], $0x0  }
0x24: {  	s3 =	sadd.s32 $0x88, s3;
	s6 =	simm.s32 @!p1 $0x1082;
	[sflag:s4] =	ssyncset.s32 $0xFFFFF086  }
0x25: {  	[simem:s6], [sflag:s4] =	dma.local [hbm:s3], $0xF7A  }
0x26: {  	[smem:$0x3F9E] =	sst s1;
	(tag) =	ssettag s2;
	_ =	strace s9  }
0x27: {  	s1 =	sld [smem:$0x3FAE]  }
0x28: {  	s2 =	sld [smem:$0x3FAF]  }
0x29: {  	s4 =	sld [smem:$0x3FB1]  }
0x2a: {  	p0 =	seq.s32 s5, $0x0;
	s5 =	sld [smem:$0x3FB2]  }
0x2b: {  	s6 =	sld [smem:$0x3FB3]  }
0x2c: {  	s7 =	sld [smem:$0x3FB4]  }
0x2d: {  	s3 =	simm.s32 $0x108;
	s8 =	sld [smem:$0x3FB5]  }
0x2e: {  	s3 =	simm.s32 @!p0 $0x1082;
	s9 =	sld [smem:$0x3FB6]  }
0x2f: {  	lr =	sadd.s32 s0, s3;
	s0 =	sld [smem:$0x3FAD]  }
0x30: {  	s3 =	sld [smem:$0x3FB0]  }
0x31: {  	[smem:$0x3FB9] =	sst s10  }
0x32: {  	s10 =	sld [smem:$0x3FB7];
	_ =	sdelay $0x3  }
0x33: {  	p0 =	seq.s32 s10, $0x1;
	s10 =	sld [smem:$0x3FB9];
	_ =	sdelay $0x3  }
0x34: {  	[smem:$0x3FB9] =	sst s10  }
0x35: {  	s10 =	sld [smem:$0x3FB8];
	_ =	sdelay $0x3  }
0x36: {  	p1 =	seq.s32 s10, $0x1;
	s10 =	sld [smem:$0x3FB9];
	_ =	sdelay $0x3  }
0x37: {  	[smem:$0x3FB9] =	sst s10  }
0x38: {  	s10 =	sld [smem:$0x3FBA]  }
0x39: {  	_ = 	snop;
	(pc) =	sbr.ind lr, $3  }
0x3a: {  	_ = 	snop  }
0x3b: {  	_ = 	snop  }
0x3c: {  	p2 =	seq.s32 s10, $0x1;
	s10 =	sld [smem:$0x3FB9]  }
0x3d: {  	_ =	shalt  }
0x3e: {  	_ =	shalt  }
0x3f: {  	_ =	shalt  }
0x40: {  	_ =	shalt  }
0x41: {  	_ =	shalt  }
0x42: {  	_ =	shalt  }
0x43: {  	_ =	shalt  }
0x44: {  	_ =	shalt  }
0x45: {  	_ =	shalt  }
0x46: {  	_ =	shalt  }
0x47: {  	_ =	shalt  }
0x48: {  	_ =	shalt  }
0x49: {  	_ =	shalt  }
0x4a: {  	_ =	shalt  }
0x4b: {  	_ =	shalt  }
0x4c: {  	_ =	shalt  }
0x4d: {  	_ =	shalt  }
0x4e: {  	_ =	shalt  }
0x4f: {  	_ =	shalt  }
0x50: {  	_ =	shalt  }
0x51: {  	_ =	shalt  }
0x52: {  	_ =	shalt  }
0x53: {  	_ =	shalt  }
0x54: {  	_ =	shalt  }
0x55: {  	_ =	shalt  }
0x56: {  	_ =	shalt  }
0x57: {  	_ =	shalt  }
0x58: {  	_ =	shalt  }
0x59: {  	_ =	shalt  }
0x5a: {  	_ =	shalt  }
0x5b: {  	_ =	shalt  }
0x5c: {  	_ =	shalt  }
0x5d: {  	_ =	shalt  }
0x5e: {  	_ =	shalt  }
0x5f: {  	_ =	shalt  }
0x60: {  	_ =	shalt  }
0x61: {  	_ =	shalt  }
0x62: {  	_ =	shalt  }
0x63: {  	_ =	shalt  }
0x64: {  	_ =	shalt  }
0x65: {  	_ =	shalt  }
0x66: {  	_ =	shalt  }
0x67: {  	_ =	shalt  }
0x68: {  	_ =	shalt  }
0x69: {  	_ =	shalt  }
0x6a: {  	_ =	shalt  }
0x6b: {  	_ =	shalt  }
0x6c: {  	_ =	shalt  }
0x6d: {  	_ =	shalt  }
0x6e: {  	_ =	shalt  }
0x6f: {  	_ =	shalt  }
0x70: {  	_ =	shalt  }
0x71: {  	_ =	shalt  }
0x72: {  	_ =	shalt  }
0x73: {  	_ =	shalt  }
0x74: {  	_ =	shalt  }
0x75: {  	_ =	shalt  }
0x76: {  	_ =	shalt  }
0x77: {  	_ =	shalt  }
0x78: {  	_ =	shalt  }
0x79: {  	_ =	shalt  }
0x7a: {  	_ =	shalt  }
0x7b: {  	_ =	shalt  }
0x7c: {  	_ =	shalt  }
0x7d: {  	_ =	shalt  }
0x7e: {  	_ =	shalt  }
0x7f: {  	_ =	shalt  }
0x80: {  	_ =	shalt  }
0x81: {  	_ =	shalt  }
0x82: {  	_ =	shalt  }
0x83: {  	_ =	shalt  }
0x84: {  	_ =	shalt  }
0x85: {  	_ =	shalt  }
0x86: {  	_ =	shalt  }
0x87: {  	_ =	shalt  }
.Lfunc_end0:
.L_simem_size_0:
called_computation.2_lowered:
.L_overlay_start_0:
0x88: {  	s2 =	sld [smem:$0x3FD9]  }
0x89: {  	s3 =	sld [smem:$0x3FFE];
	_ =	sdelay $0x1  }
0x8a: {  	s1 =	srdreg.scid  }
0x8b: {  	s0 =	sand.u32 $0x1, s1  }
0x8c: {  	s17 =	sshll.u32 s0, $0xA;
	s2 =	sadd.s32 s3, s2  }
0x8d: {  	s2 =	sadd.s32 s2, s17  }
0x8e: {  	[smem:$0x3FC5] =	sst s2  }
0x8f: {  	_ = 	snop  }
0x90: {  	s2 =	sld [smem:$0x3FD0];
	(tm) =	ssettm $0x1  }
0x91: {  	s18 =	sld [smem:$0x3FFB];
	_ =	sdelay $0x3  }
0x92: {  	_ =	strace s18  }
0x93: {  	s3 =	sld [smem:$0x3FFC];
	_ =	sdelay $0x3  }
0x94: {  	_ =	strace s3  }
0x95: {  	s3 =	sld [smem:$0x3FFD];
	_ =	sdelay $0x3  }
0x96: {  	_ =	strace s3  }
0x97: {  	_ =	strace $0x8FFFFFFF  }
0x98: {  	s19 =	sld [smem:$0x3FDB];
	_ =	sdelay $0x1  }
0x99: {  	s4 =	simm.s32 $_scs_section_size  }
0x9a: {  	s5 =	simm.s32 $_size__tile_overlayer_lowered;
	s6 =	simm.s32 $_tile_overlayer_lowered  }
0x9b: {  	s22 =	simm.s32 $0x1BFF;
	s21 =	sshll.u32 s6, $0x1;
	s3 =	sadd.s32 s4, s19  }
0x9c: {  	s7 =	simm.s32 $0x0;
	s20 =	sshll.u32 s5, $0x1;
	s5 =	sadd.s32 s21, s3  }
0x9d: {  	[timem:s7], [sflag:s22] =	dma.local [hbm:s5], s20  }
0x9e: {  	_ =	swait.ge [sflag:s22], s20  }
0x9f: {  	s4 =	ssub.s32 $0x0, s20;
	[sflag:s22] =	ssyncset.done $0x0  }
0xa0: {  	[sflag:s22] =	ssyncadd.s32 s4;
	_ =	sdelay $0x1  }
0xa1: {  	s23 =	simm.s32 $0x1B8B  }
0xa2: {  	_ =	swait.ge [sflag:s23], $0x1  }
0xa3: {  	[sflag:s23] =	ssyncset.done $0x0  }
0xa4: {  	s25 =	simm.s32 $0x1B8E;
	s24 =	sld [smem:$0x3FFE];
	[sflag:s23] =	ssyncadd.s32 $0xFFFFFFFF  }
0xa5: {  	s26 =	simm.s32 $execute0_lowered;
	[smem:$0x3FD2] =	sst s25  }
0xa6: {  	s5 =	sshll.u32 s26, $0x1;
	_ =	strace $0x8000004C;
	[dreg:$0x1] =	wrdreg $0xFFFFFFFF  }
0xa7: {  	s28 =	simm.s32 $_size_execute0_lowered;
	s3 =	sadd.s32 s3, s5;
	[dreg:$0x0] =	wrdreg $0x0  }
0xa8: {  	s5 =	sshll.u32 s28, $0x1;
	[dreg:$0x2] =	wrdreg s3  }
0xa9: {  	[dreg:$0x3] =	wrdreg s5  }
0xaa: {  	[dreg:$0x4] =	wrdreg $0xC0  }
0xab: {  	_ =	task [dreg:s7], $0x5FFFF  }
0xac: {  	[dreg:$0x1] =	wrdreg $0xFFFFFFFF  }
0xad: {  	[dreg:$0x0] =	wrdreg $0x60  }
0xae: {  	[dreg:$0x2] =	wrdreg s24  }
0xaf: {  	[dreg:$0x3] =	wrdreg s2  }
0xb0: {  	[dreg:$0x4] =	wrdreg $0x9  }
0xb1: {  	_ =	task.clear_ibuf [dreg:s7], $0x5FFFF;
	_ =	strace $0x9000004C  }
0xb2: {  	s29 =	simm.s32 $0x9;
	_ =	strace $0x8000004E  }
0xb3: {  	_ =	swait.ge [sflag:s29], $0x1  }
0xb4: {  	[sflag:s29] =	ssyncadd.s32 $0xFFFFFFFF  }
0xb5: {  	_ =	strace $0x9000004E  }
0xb6: {  	_ =	sfence  }
0xb7: {  	s30 =	sld [smem:$0x0];
	_ =	sdelay $0x2  }
0xb8: {  	s31 =	sshll.u32 s1, $0xD;
	s1 =	sshrl.u32 s1, $0x2  }
0xb9: {  	s3 =	sand.u32 $0x4000, s31;
	s1 =	sadd.s32 s1, s30  }
0xba: {  	s0 =	sor.u32 s3, s0;
	s1 =	sshll.u32 s1, $0x11  }
0xbb: {  	s0 =	sor.u32 s1, s0  }
0xbc: {  	s0 =	sadd.s32 $0x8F2B, s0  }
0xbd: {  	[sflag:s0] =	ssyncadd.remote.s32 $0x1  }
0xbe: {  	_ =	sfence.sel $0xFFFF  }
0xbf: {  	[dreg:$0x0] =	wrdreg $0xFFFFFFFF;
	(pc) =	sbr.abs _section_cstart, $3  }
0xc0: {  	[dreg:$0x1] =	wrdreg $0xFFFFFFFF  }
0xc1: {  	_ =	task.clear_ibuf [dreg:s7], $0x2FFFF;
	_ =	strace $0x9FFFFFFF  }
0xc2: {  	(tm) =	ssettm $0x7FFFFFFF  }
0xc3: {  	_ =	shalt  }
tec
execute0_lowered:
.L_overlay_start_1:
0x0: {  	(tag) =	ssettag $0x1  }
0x1: {  	s0 =	rddreg [dreg:$0x0]  }
0x2: {  	s1 =	rddreg [dreg:$0x1]  }
0x3: {  	s2 =	simm.s32 $0x0;
	s3 =	srdreg.scid;
	s9 =	stileid.u32  }
0x4: {  	s12 =	simm.s32 $0x9;
	s13 =	simm.s32 $0x80;
	s14 =	simm.s32 $0x2000  }
0x5: {  	s15 =	simm.s32 $0x6000;
	s16 =	simm.s32 $0x1;
	s18 =	simm.s32 $0xA000  }
0x6: {  	s19 =	simm.s32 $0x2;
	s21 =	simm.s32 $0xE000;
	s22 =	simm.s32 $0x3  }
0x7: {  	s23 =	simm.s32 $0x5;
	s24 =	simm.s32 $0x200;
	s28 =	simm.s32 $0x280  }
0x8: {  	s29 =	simm.s32 $0x7;
	s30 =	simm.s32 $0x8;
	s31 =	simm.s32 $0x0  }
0x9: {  	[smem:$0x7FF] =	sst s2;
	s8 =	sand.u32 $0x1, s3;
	s4 =	sshll.u32 s9, $0x1  }
0xa: {  	s3 =	sadd.s32 $0x1D200, s0;
	s25 =	sshll.u32 s9, $0x12;
	_ =	strace $0x8000004D  }
0xb: {  	s4 =	sor.u32 s8, s4;
	s5 =	ssub.s32 $0x2, s8;
	s26 =	sshll.u32 s8, $0x11  }
0xc: {  	s6 =	sshll.u32 s4, $0xA;
	s7 =	sshrl.u32 s5, $0x1;
	s4 =	sshll.u32 s4, $0x11  }
.Ltmp0:
0xd: {  	s0 =	sadd.s32 s6, s0;
	s4 =	sadd.s32 s1, s4;
	(pc) =	sbr.rel .LBB2_1-.Ltmp0, $4  }
0xe: {  	s7 =	ssub.s32 s5, s7;
	s5 =	sadd.s32 $0x15200, s0;
	s6 =	sadd.s32 $0x1F800, s4  }
0xf: {  	s7 =	smax.u32 s7, $0x1;
	s0 =	sadd.s32 s25, s1;
	s8 =	sadd.s32 $0x800, s4  }
0x10: {  	s9 =	sadd.s32 $0x1000, s4;
	s10 =	sadd.s32 $0x1800, s4;
	s0 =	sadd.s32 s26, s0  }
0x11: {  	s25 =	simm.s32 $0x4;
	s26 =	simm.s32 $0x6;
	s0 =	sadd.s32 $0x2000, s0  }
.LBB2_4:
0x12: {  	_ =	swait.ge [sflag:s25], $0x4000  }
0x13: {  	[sflag:s25] =	ssyncset.done $0x0  }
0x14: {  	s31 =	sadd.s32 $0x1, s31;
	[sflag:s25] =	ssyncadd.s32 $0xFFFFC000  }
0x15: {  	[hbm4b:s6+s2] =	stream.linear.scatter [tilespmem:s21], [sflag:$0x8], $0x4000, $0x38;
	[tilespmem:$0x12000] =	vst v63  }
0x16: {  	p0 =	sne.s32 s31, s7;
	_ =	swait.ge [sflag:s30], $0x4000  }
.Ltmp1:
0x17: {  	[sflag:s30] =	ssyncset.done $0x0;
	(pc) =	sbr.rel @!p0 .LBB2_5-.Ltmp1, $4  }
0x18: {  	[sflag:s30] =	ssyncadd.s32 $0xFFFFC000  }
0x19: {  	_ =	swait.ge [sflag:s29], $0x4000  }
0x1a: {  	[sflag:s29] =	ssyncset.done $0x0  }
0x1b: {  	[sflag:s29] =	ssyncadd.s32 $0xFFFFC000  }
.LBB2_1:
0x1c: {  	[tilespmem:s2], [sflag:$0x9] =	stream.linear.gather [hbm4b:s5+s2], $0x2000, $0x38;
	[tilespmem:$0x12000] =	vst v63  }
0x1d: {  	_ =	swait.ge [sflag:s12], $0x2000  }
0x1e: {  	[sflag:s12] =	ssyncset.done $0x0  }
0x1f: {  	[sflag:s12] =	ssyncadd.s32 $0xFFFFE000  }
0x20: {  	[tilespmem:s14], [sflag:$0x1] =	stream.indirect.gather [hbm4b:s3+s13], $0x80, s2, s13, $0xb8;
	[tilespmem:$0x12000] =	vst v63  }
0x21: {  	_ = 	snop  }
0x22: {  	[tilespmem:s15], [sflag:$0x2] =	stream.indirect.gather [hbm4b:s3+s13], $0x80, s13, s13, $0xb8;
	[tilespmem:$0x12000] =	vst v63  }
0x23: {  	_ =	swait.ge [sflag:s16], $0x4000  }
0x24: {  	[sflag:s16] =	ssyncset.done $0x0  }
0x25: {  	[sflag:s16] =	ssyncadd.s32 $0xFFFFC000  }
0x26: {  	[hbm4b:s4+s2] =	stream.linear.scatter [tilespmem:s14], [sflag:$0x5], $0x4000, $0x38;
	[tilespmem:$0x12000] =	vst v63  }
0x27: {  	s1 =	simm.s32 $0x100  }
0x28: {  	[tilespmem:s18], [sflag:$0x3] =	stream.indirect.gather [hbm4b:s3+s13], $0x80, s1, s13, $0xb8;
	[tilespmem:$0x12000] =	vst v63  }
0x29: {  	_ =	swait.ge [sflag:s19], $0x4000  }
0x2a: {  	[sflag:s19] =	ssyncset.done $0x0  }
0x2b: {  	[sflag:s19] =	ssyncadd.s32 $0xFFFFC000  }
0x2c: {  	[hbm4b:s8+s2] =	stream.linear.scatter [tilespmem:s15], [sflag:$0x6], $0x4000, $0x38;
	[tilespmem:$0x12000] =	vst v63  }
0x2d: {  	s20 =	simm.s32 $0x180  }
0x2e: {  	[tilespmem:s21], [sflag:$0x4] =	stream.indirect.gather [hbm4b:s3+s13], $0x80, s20, s13, $0xb8;
	[tilespmem:$0x12000] =	vst v63  }
0x2f: {  	_ =	swait.ge [sflag:s22], $0x4000  }
0x30: {  	[sflag:s22] =	ssyncset.done $0x0  }
0x31: {  	[sflag:s22] =	ssyncadd.s32 $0xFFFFC000  }
0x32: {  	[hbm4b:s9+s2] =	stream.linear.scatter [tilespmem:s18], [sflag:$0x7], $0x4000, $0x38;
	[tilespmem:$0x12000] =	vst v63  }
0x33: {  	_ =	swait.ge [sflag:s23], $0x4000  }
0x34: {  	[sflag:s23] =	ssyncset.done $0x0  }
0x35: {  	[sflag:s23] =	ssyncadd.s32 $0xFFFFC000  }
0x36: {  	[tilespmem:s14], [sflag:$0x1] =	stream.indirect.gather [hbm4b:s3+s13], $0x80, s24, s13, $0xb8;
	[tilespmem:$0x12000] =	vst v63  }
0x37: {  	_ =	swait.ge [sflag:s25], $0x4000  }
0x38: {  	[sflag:s25] =	ssyncset.done $0x0  }
0x39: {  	[sflag:s25] =	ssyncadd.s32 $0xFFFFC000  }
0x3a: {  	[hbm4b:s10+s2] =	stream.linear.scatter [tilespmem:s21], [sflag:$0x8], $0x4000, $0x38;
	[tilespmem:$0x12000] =	vst v63  }
0x3b: {  	_ =	swait.ge [sflag:s26], $0x4000  }
0x3c: {  	[sflag:s26] =	ssyncset.done $0x0  }
0x3d: {  	s11 =	smov.u32 s0;
	s1 =	simm.s32 $0x0;
	[sflag:s26] =	ssyncadd.s32 $0xFFFFC000  }
0x3e: {  	[tilespmem:s15], [sflag:$0x2] =	stream.indirect.gather [hbm4b:s3+s13], $0x80, s28, s13, $0xb8;
	[tilespmem:$0x12000] =	vst v63  }
.LBB2_2:
0x3f: {  	_ =	swait.ge [sflag:s16], $0x4000  }
0x40: {  	[sflag:s16] =	ssyncset.done $0x0  }
0x41: {  	[sflag:s16] =	ssyncadd.s32 $0xFFFFC000  }
0x42: {  	[hbm4b:s11+s2] =	stream.linear.scatter [tilespmem:s14], [sflag:$0x5], $0x4000, $0x38;
	[tilespmem:$0x12000] =	vst v63  }
0x43: {  	_ =	swait.ge [sflag:s29], $0x4000  }
0x44: {  	s17 =	sshra.s32 s1, $0x2;
	[sflag:s29] =	ssyncset.done $0x0  }
0x45: {  	s20 =	sadd.s32 $0x300, s17;
	[sflag:s29] =	ssyncadd.s32 $0xFFFFC000  }
0x46: {  	[tilespmem:s18], [sflag:$0x3] =	stream.indirect.gather [hbm4b:s3+s13], $0x80, s20, s13, $0xb8;
	[tilespmem:$0x12000] =	vst v63  }
0x47: {  	_ =	swait.ge [sflag:s19], $0x4000  }
0x48: {  	[sflag:s19] =	ssyncset.done $0x0  }
0x49: {  	s20 =	sadd.s32 $0x800, s11;
	[sflag:s19] =	ssyncadd.s32 $0xFFFFC000  }
0x4a: {  	[hbm4b:s20+s2] =	stream.linear.scatter [tilespmem:s15], [sflag:$0x6], $0x4000, $0x38;
	[tilespmem:$0x12000] =	vst v63  }
0x4b: {  	_ =	swait.ge [sflag:s30], $0x4000  }
0x4c: {  	[sflag:s30] =	ssyncset.done $0x0  }
0x4d: {  	p0 =	seq.s32 s1, $0x7000;
	s20 =	sadd.s32 $0x380, s17;
	[sflag:s30] =	ssyncadd.s32 $0xFFFFC000  }
0x4e: {  	[tilespmem:s21], [sflag:$0x4] =	stream.indirect.gather [hbm4b:s3+s13], $0x80, s20, s13, $0xb8;
	[tilespmem:$0x12000] =	vst v63  }
.Ltmp2:
0x4f: {  	_ = 	snop;
	(pc) =	sbr.rel @p0 .LBB2_4-.Ltmp2, $4  }
0x50: {  	_ =	swait.ge [sflag:s22], $0x4000  }
0x51: {  	[sflag:s22] =	ssyncset.done $0x0  }
0x52: {  	s20 =	sadd.s32 $0x1000, s11;
	[sflag:s22] =	ssyncadd.s32 $0xFFFFC000  }
0x53: {  	[hbm4b:s20+s2] =	stream.linear.scatter [tilespmem:s18], [sflag:$0x7], $0x4000, $0x38;
	[tilespmem:$0x12000] =	vst v63  }
0x54: {  	_ =	swait.ge [sflag:s23], $0x4000  }
0x55: {  	[sflag:s23] =	ssyncset.done $0x0  }
0x56: {  	s20 =	sadd.s32 $0x400, s17;
	[sflag:s23] =	ssyncadd.s32 $0xFFFFC000  }
0x57: {  	[tilespmem:s14], [sflag:$0x1] =	stream.indirect.gather [hbm4b:s3+s13], $0x80, s20, s13, $0xb8;
	[tilespmem:$0x12000] =	vst v63  }
0x58: {  	_ =	swait.ge [sflag:s25], $0x4000  }
0x59: {  	[sflag:s25] =	ssyncset.done $0x0  }
0x5a: {  	s20 =	sadd.s32 $0x1800, s11;
	[sflag:s25] =	ssyncadd.s32 $0xFFFFC000  }
0x5b: {  	[hbm4b:s20+s2] =	stream.linear.scatter [tilespmem:s21], [sflag:$0x8], $0x4000, $0x38;
	[tilespmem:$0x12000] =	vst v63  }
.Ltmp3:
0x5c: {  	_ = 	snop;
	(pc) =	sbr.rel .LBB2_2-.Ltmp3, $4  }
0x5d: {  	_ =	swait.ge [sflag:s26], $0x4000  }
0x5e: {  	s1 =	sadd.s32 $0x800, s1;
	[sflag:s26] =	ssyncset.done $0x0  }
0x5f: {  	s11 =	sadd.s32 $0x2000, s11;
	s20 =	sadd.s32 $0x480, s17;
	[sflag:s26] =	ssyncadd.s32 $0xFFFFC000  }
0x60: {  	[tilespmem:s15], [sflag:$0x2] =	stream.indirect.gather [hbm4b:s3+s13], $0x80, s20, s13, $0xb8;
	[tilespmem:$0x12000] =	vst v63  }
.LBB2_5:
0x61: {  	_ =	sfence.sel $0x180000  }
0x62: {  	[bflag:$0x0] =	sbarrier.arrive $0xFFFF  }
0x63: {  	_ =	strace $0x9000004D  }
0x64: {  	s0 =	stileid.u32;
	[bflag:$0x2] =	sbarrier.arrive $0xFFFF  }
0x65: {  	p0 =	sne.s32 s0, $0x0;
	s0 =	rddreg [dreg:$0x2]  }
0x66: {  	s0 =	sadd.s32 @!p0 $0x100000, s0  }
0x67: {  	[sflag:s0] =	ssyncadd.tile.s32 @!p0 $0x1;
	_ =	shalt  }
.Lfunc_end2:
_tile_overlayer_lowered:
.L_overlay_start_2:
0x68: {  	(tag) =	ssettag $0x2  }
0x69: {  	s0 =	rddreg [dreg:$0x0];
	s2 =	stileid.u32  }
0x6a: {  	s1 =	rddreg [dreg:$0x1];
	p0 =	sne.s32 s2, $0x0  }
0x6b: {  	s3 =	rddreg [dreg:$0x2];
	[bflag:$0x3] =	sbarrier.arrive $0xFFFF;
	s2 =	simm.s32 @!p0 $0x1C09  }
0x6c: {  	[timem:s3], [sflag:s2] =	dma.local @!p0 [hbm:s0], s1  }
0x6d: {  	s0 =	simm.s32 @!p0 $0x9  }
0x6e: {  	_ =	swait.ge @!p0 [sflag:s0], s1  }
0x6f: {  	s1 =	ssub.s32 @!p0 $0x0, s1;
	[sflag:s0] =	ssyncset.done @!p0 $0x0  }
0x70: {  	[sflag:s0] =	ssyncadd.s32 @!p0 s1  }
0x71: {  	[bflag:$0x3] =	sbarrier.arrive $0xFFFF  }
0x72: {  	_ =	shalt  }

// kernel: kernel.5.cloned.1.call-start
scs
__scs_entry_jumppad:
0x0: {  	(pc) =	sbr.rel $0x88, $3  }
0x1: {  	(tag) =	ssettag $0x0;
	lr =	simm.s32 $0x1  }
0x2: {  	[smem:$0x3F9E] =	sst lr;
	_ =	strace $0xD0000000  }
0x3: {  	_ = 	snop  }
0x4: {  	_ = 	snop  }
0x5: {  	_ = 	snop  }
0x6: {  	_ = 	snop  }
0x7: {  	_ = 	snop  }
__scs_overlays_trampoline_lowered:
0x8: {  	[smem:$0x3FAD] =	sst s0  }
0x9: {  	[smem:$0x3FAE] =	sst s1  }
0xa: {  	[smem:$0x3FAF] =	sst s2  }
0xb: {  	[smem:$0x3FB0] =	sst s3  }
0xc: {  	[smem:$0x3FB1] =	sst s4  }
0xd: {  	[smem:$0x3FB2] =	sst s5  }
0xe: {  	[smem:$0x3FB3] =	sst s6  }
0xf: {  	[smem:$0x3FB4] =	sst s7  }
0x10: {  	[smem:$0x3FB5] =	sst s8  }
0x11: {  	[smem:$0x3FB6] =	sst s9;
	s0 =	simm.s32 @!p0 $0x0  }
0x12: {  	s1 =	sld [smem:$0x3F9C];
	s0 =	simm.s32 @p0 $0x1  }
0x13: {  	[smem:$0x3FB7] =	sst s0;
	s0 =	simm.s32 @!p1 $0x0  }
0x14: {  	s2 =	sld [smem:$0x3F9B];
	s0 =	simm.s32 @p1 $0x1  }
0x15: {  	[smem:$0x3FB8] =	sst s0;
	s0 =	simm.s32 @!p2 $0x0  }
0x16: {  	s3 =	sld [smem:$0x3FDB];
	s0 =	simm.s32 @p2 $0x1  }
0x17: {  	s4 =	simm.s32 $0x1BF5;
	[smem:$0x3FBA] =	sst s0  }
0x18: {  	s0 =	sld [smem:$0x3F9D];
	_ =	swait.ge [sflag:s4], $0x0  }
0x19: {  	s7 =	sld [smem:$0x3F9E]  }
0x1a: {  	s8 =	sadd.s32 $0xFFFFE003, lr  }
0x1b: {  	s9 =	sadd.s32 $0xFFFFFEF7, lr;
	s5 =	simm.s32 $0xFFFFFFFF;
	p2 =	slt.u32 s8, $0xFFFFF086  }
0x1c: {  	p1 =	slt.u32 s9, $0xF7A;
	s5 =	simm.s32 @!p2 $0x0  }
0x1d: {  	s5 =	simm.s32 @p1 $0x1;
	p0 =	seq.s32 s7, s2  }
0x1e: {  	s7 =	smul.u32 @!p0 $0xF7A, s2;
	p2 =	seq.s32 @!p0 s5, $0x0  }
0x1f: {  	s9 =	smul.u32 $0xF7A, s1;
	s8 =	simm.s32 @!p0 $0x1BF5;
	p2 =	por !p2, p0  }
0x20: {  	[sflag:s8] =	ssyncset.s32 @!p0 $0xFFFFF086;
	s6 =	sadd.s32 @!p0 s3, s7;
	s7 =	simm.s32 @!p0 $0x108  }
0x21: {  	s3 =	sadd.s32 s3, s9;
	s6 =	sadd.s32 @!p0 $0x88, s6;
	s7 =	simm.s32 @p2 $0x1082  }
0x22: {  	[simem:s7], [sflag:s8] =	dma.local @!p0 [hbm:s6], $0xF7A  }
0x23: {  	s9 =	sor.u32 $0xD0000000, s2;
	s6 =	simm.s32 $0x108;
	_ =	swait.ge @!p0 [sflag:s8], $0x0  }
0x24: {  	s3 =	sadd.s32 $0x88, s3;
	s6 =	simm.s32 @!p1 $0x1082;
	[sflag:s4] =	ssyncset.s32 $0xFFFFF086  }
0x25: {  	[simem:s6], [sflag:s4] =	dma.local [hbm:s3], $0xF7A  }
0x26: {  	[smem:$0x3F9E] =	sst s1;
	(tag) =	ssettag s2;
	_ =	strace s9  }
0x27: {  	s1 =	sld [smem:$0x3FAE]  }
0x28: {  	s2 =	sld [smem:$0x3FAF]  }
0x29: {  	s4 =	sld [smem:$0x3FB1]  }
0x2a: {  	p0 =	seq.s32 s5, $0x0;
	s5 =	sld [smem:$0x3FB2]  }
0x2b: {  	s6 =	sld [smem:$0x3FB3]  }
0x2c: {  	s7 =	sld [smem:$0x3FB4]  }
0x2d: {  	s3 =	simm.s32 $0x108;
	s8 =	sld [smem:$0x3FB5]  }
0x2e: {  	s3 =	simm.s32 @!p0 $0x1082;
	s9 =	sld [smem:$0x3FB6]  }
0x2f: {  	lr =	sadd.s32 s0, s3;
	s0 =	sld [smem:$0x3FAD]  }
0x30: {  	s3 =	sld [smem:$0x3FB0]  }
0x31: {  	[smem:$0x3FB9] =	sst s10  }
0x32: {  	s10 =	sld [smem:$0x3FB7];
	_ =	sdelay $0x3  }
0x33: {  	p0 =	seq.s32 s10, $0x1;
	s10 =	sld [smem:$0x3FB9];
	_ =	sdelay $0x3  }
0x34: {  	[smem:$0x3FB9] =	sst s10  }
0x35: {  	s10 =	sld [smem:$0x3FB8];
	_ =	sdelay $0x3  }
0x36: {  	p1 =	seq.s32 s10, $0x1;
	s10 =	sld [smem:$0x3FB9];
	_ =	sdelay $0x3  }
0x37: {  	[smem:$0x3FB9] =	sst s10  }
0x38: {  	s10 =	sld [smem:$0x3FBA]  }
0x39: {  	_ = 	snop;
	(pc) =	sbr.ind lr, $3  }
0x3a: {  	_ = 	snop  }
0x3b: {  	_ = 	snop  }
0x3c: {  	p2 =	seq.s32 s10, $0x1;
	s10 =	sld [smem:$0x3FB9]  }
0x3d: {  	_ =	shalt  }
0x3e: {  	_ =	shalt  }
0x3f: {  	_ =	shalt  }
0x40: {  	_ =	shalt  }
0x41: {  	_ =	shalt  }
0x42: {  	_ =	shalt  }
0x43: {  	_ =	shalt  }
0x44: {  	_ =	shalt  }
0x45: {  	_ =	shalt  }
0x46: {  	_ =	shalt  }
0x47: {  	_ =	shalt  }
0x48: {  	_ =	shalt  }
0x49: {  	_ =	shalt  }
0x4a: {  	_ =	shalt  }
0x4b: {  	_ =	shalt  }
0x4c: {  	_ =	shalt  }
0x4d: {  	_ =	shalt  }
0x4e: {  	_ =	shalt  }
0x4f: {  	_ =	shalt  }
0x50: {  	_ =	shalt  }
0x51: {  	_ =	shalt  }
0x52: {  	_ =	shalt  }
0x53: {  	_ =	shalt  }
0x54: {  	_ =	shalt  }
0x55: {  	_ =	shalt  }
0x56: {  	_ =	shalt  }
0x57: {  	_ =	shalt  }
0x58: {  	_ =	shalt  }
0x59: {  	_ =	shalt  }
0x5a: {  	_ =	shalt  }
0x5b: {  	_ =	shalt  }
0x5c: {  	_ =	shalt  }
0x5d: {  	_ =	shalt  }
0x5e: {  	_ =	shalt  }
0x5f: {  	_ =	shalt  }
0x60: {  	_ =	shalt  }
0x61: {  	_ =	shalt  }
0x62: {  	_ =	shalt  }
0x63: {  	_ =	shalt  }
0x64: {  	_ =	shalt  }
0x65: {  	_ =	shalt  }
0x66: {  	_ =	shalt  }
0x67: {  	_ =	shalt  }
0x68: {  	_ =	shalt  }
0x69: {  	_ =	shalt  }
0x6a: {  	_ =	shalt  }
0x6b: {  	_ =	shalt  }
0x6c: {  	_ =	shalt  }
0x6d: {  	_ =	shalt  }
0x6e: {  	_ =	shalt  }
0x6f: {  	_ =	shalt  }
0x70: {  	_ =	shalt  }
0x71: {  	_ =	shalt  }
0x72: {  	_ =	shalt  }
0x73: {  	_ =	shalt  }
0x74: {  	_ =	shalt  }
0x75: {  	_ =	shalt  }
0x76: {  	_ =	shalt  }
0x77: {  	_ =	shalt  }
0x78: {  	_ =	shalt  }
0x79: {  	_ =	shalt  }
0x7a: {  	_ =	shalt  }
0x7b: {  	_ =	shalt  }
0x7c: {  	_ =	shalt  }
0x7d: {  	_ =	shalt  }
0x7e: {  	_ =	shalt  }
0x7f: {  	_ =	shalt  }
0x80: {  	_ =	shalt  }
0x81: {  	_ =	shalt  }
0x82: {  	_ =	shalt  }
0x83: {  	_ =	shalt  }
0x84: {  	_ =	shalt  }
0x85: {  	_ =	shalt  }
0x86: {  	_ =	shalt  }
0x87: {  	_ =	shalt  }
.Lfunc_end0:
.L_simem_size_0:
called_computation_lowered:
.L_overlay_start_0:
0x88: {  	s2 =	sld [smem:$0x3FD9]  }
0x89: {  	s3 =	sld [smem:$0x3FFE];
	_ =	sdelay $0x1  }
0x8a: {  	s1 =	srdreg.scid  }
0x8b: {  	s0 =	sand.u32 $0x1, s1  }
0x8c: {  	s17 =	sshll.u32 s0, $0xA;
	s2 =	sadd.s32 s3, s2  }
0x8d: {  	s2 =	sadd.s32 s2, s17  }
0x8e: {  	[smem:$0x3FC5] =	sst s2  }
0x8f: {  	_ = 	snop  }
0x90: {  	s2 =	sld [smem:$0x3FD0];
	(tm) =	ssettm $0x1  }
0x91: {  	s18 =	sld [smem:$0x3FFB];
	_ =	sdelay $0x3  }
0x92: {  	_ =	strace s18  }
0x93: {  	s3 =	sld [smem:$0x3FFC];
	_ =	sdelay $0x3  }
0x94: {  	_ =	strace s3  }
0x95: {  	s3 =	sld [smem:$0x3FFD];
	_ =	sdelay $0x3  }
0x96: {  	_ =	strace s3  }
0x97: {  	_ =	strace $0x8FFFFFFF  }
0x98: {  	s19 =	sld [smem:$0x3FDB];
	_ =	sdelay $0x1  }
0x99: {  	s4 =	simm.s32 $_scs_section_size  }
0x9a: {  	s5 =	simm.s32 $_size__tile_overlayer_lowered;
	s6 =	simm.s32 $_tile_overlayer_lowered  }
0x9b: {  	s22 =	simm.s32 $0x1BFF;
	s21 =	sshll.u32 s6, $0x1;
	s3 =	sadd.s32 s4, s19  }
0x9c: {  	s7 =	simm.s32 $0x0;
	s20 =	sshll.u32 s5, $0x1;
	s5 =	sadd.s32 s21, s3  }
0x9d: {  	[timem:s7], [sflag:s22] =	dma.local [hbm:s5], s20  }
0x9e: {  	_ =	swait.ge [sflag:s22], s20  }
0x9f: {  	s4 =	ssub.s32 $0x0, s20;
	[sflag:s22] =	ssyncset.done $0x0  }
0xa0: {  	[sflag:s22] =	ssyncadd.s32 s4;
	_ =	sdelay $0x1  }
0xa1: {  	s23 =	simm.s32 $0x1B8B  }
0xa2: {  	_ =	swait.ge [sflag:s23], $0x1  }
0xa3: {  	[sflag:s23] =	ssyncset.done $0x0  }
0xa4: {  	s25 =	simm.s32 $0x1B8E;
	s24 =	sld [smem:$0x3FFE];
	[sflag:s23] =	ssyncadd.s32 $0xFFFFFFFF  }
0xa5: {  	s26 =	simm.s32 $execute0_lowered;
	[smem:$0x3FD2] =	sst s25  }
0xa6: {  	s5 =	sshll.u32 s26, $0x1;
	_ =	strace $0x80000046;
	[dreg:$0x1] =	wrdreg $0xFFFFFFFF  }
0xa7: {  	s28 =	simm.s32 $_size_execute0_lowered;
	s3 =	sadd.s32 s3, s5;
	[dreg:$0x0] =	wrdreg $0x0  }
0xa8: {  	s5 =	sshll.u32 s28, $0x1;
	[dreg:$0x2] =	wrdreg s3  }
0xa9: {  	[dreg:$0x3] =	wrdreg s5  }
0xaa: {  	[dreg:$0x4] =	wrdreg $0xC0  }
0xab: {  	_ =	task [dreg:s7], $0x5FFFF  }
0xac: {  	[dreg:$0x1] =	wrdreg $0xFFFFFFFF  }
0xad: {  	[dreg:$0x0] =	wrdreg $0x60  }
0xae: {  	[dreg:$0x2] =	wrdreg s24  }
0xaf: {  	[dreg:$0x3] =	wrdreg s2  }
0xb0: {  	[dreg:$0x4] =	wrdreg $0x9  }
0xb1: {  	_ =	task.clear_ibuf [dreg:s7], $0x5FFFF;
	_ =	strace $0x90000046  }
0xb2: {  	s29 =	simm.s32 $0x9;
	_ =	strace $0x80000048  }
0xb3: {  	_ =	swait.ge [sflag:s29], $0x1  }
0xb4: {  	[sflag:s29] =	ssyncadd.s32 $0xFFFFFFFF  }
0xb5: {  	_ =	strace $0x90000048  }
0xb6: {  	_ =	sfence  }
0xb7: {  	s30 =	sld [smem:$0x0];
	_ =	sdelay $0x2  }
0xb8: {  	s31 =	sshll.u32 s1, $0xD;
	s1 =	sshrl.u32 s1, $0x2  }
0xb9: {  	s3 =	sand.u32 $0x4000, s31;
	s1 =	sadd.s32 s1, s30  }
0xba: {  	s0 =	sor.u32 s3, s0;
	s1 =	sshll.u32 s1, $0x11  }
0xbb: {  	s0 =	sor.u32 s1, s0  }
0xbc: {  	s0 =	sadd.s32 $0x8F2B, s0  }
0xbd: {  	[sflag:s0] =	ssyncadd.remote.s32 $0x1  }
0xbe: {  	_ =	sfence.sel $0xFFFF  }
0xbf: {  	[dreg:$0x0] =	wrdreg $0xFFFFFFFF;
	(pc) =	sbr.abs _section_cstart, $3  }
0xc0: {  	[dreg:$0x1] =	wrdreg $0xFFFFFFFF  }
0xc1: {  	_ =	task.clear_ibuf [dreg:s7], $0x2FFFF;
	_ =	strace $0x9FFFFFFF  }
0xc2: {  	(tm) =	ssettm $0x7FFFFFFF  }
0xc3: {  	_ =	shalt  }
tec
execute0_lowered:
.L_overlay_start_1:
0x0: {  	(tag) =	ssettag $0x1  }
0x1: {  	v0 =	vimm.s32 $0xEDCBA987;
	v1 =	vimm.s32 $0x65432100  }
0x2: {  	v3 =	vimm.s32 $0x54321000;
	vm14 =	vcmask $0x3F04;
	v7 =	vimm.s32 $0x32100000  }
0x3: {  	vm6 =	vcmask $0x3F08;
	v8 =	vimm.s32 $0x39000;
	vm11 =	vcmask $0x3F0C  }
0x4: {  	v10 =	vimm.s32 $0xE4000;
	v11 =	vimm.s32 $0xA9876540;
	v12 =	vimm.s32 $0x390000  }
0x5: {  	v13 =	vimm.s32 $0x98765400;
	vm0 =	vcmask $0x3F24;
	v14 =	vimm.s32 $0xE40000  }
0x6: {  	v16 =	vimm.s32 $0xE400000;
	v17 =	vimm.s32 $0x7060504;
	vm1 =	vcmask $0x3F34  }
0x7: {  	vm2 =	vcmask $0x3B00;
	v24 =	vimm.s32 $0x2;
	v27 =	vimm.s32 $0x1  }
0x8: {  	v28 =	vimm.s32 $0xA9876543;
	v29 =	vimm.s32 $0x87654321;
	v30 =	vimm.s32 $0xFFEDCBA9  }
0x9: {  	v37 =	vimm.s32 $0xFFFEDCBA;
	v48 =	vimm.s32 $0xE0D0C0B;
	v49 =	vimm.s32 $0xF0E0D0C  }
0xa: {  	v39 =	vimm.s32 $0xF0F0E0D;
	v51 =	vimm.s32 $0xFEDCBA98;
	v52 =	vimm.s32 $0x98765432  }
0xb: {  	v40 =	vimm.s32 $0x0;
	vm4 =	vmmov $0x3fff;
	v46 =	vimm.s32 $0x0  }
0xc: {  	vm10 =	vmmov $0xfff;
	v54 =	vimm.s32 $0x0;
	vm5 =	vmmov $0x3ff  }
0xd: {  	vm7 =	vmmov $0xff;
	vm8 =	vmmov $0x7f;
	vm3 =	vmmov $0xf  }
0xe: {  	v55 =	vimm.s32 $0x0;
	v56 =	vimm.s32 $0x0;
	v57 =	vimm.s32 $0x0  }
0xf: {  	v58 =	vimm.s32 $0x0;
	v59 =	vimm.s32 $0x0;
	v60 =	vimm.s32 $0x0  }
0x10: {  	v61 =	vimm.s32 $0x0;
	v62 =	vimm.s32 $0x0;
	v63 =	vimm.s32 $0x0  }
0x11: {  	v2 =	vunpack.c.l.s4.s8 v0;
	v0 =	vimm.s32 $0xDCBA9876;
	v1 =	vunpack.c.l.s4.s8 v1  }
0x12: {  	v7 =	vunpack.c.l.s4.s8 v7;
	v8 =	vunpack.c.l.s2.s4 v8;
	v10 =	vunpack.c.l.s2.s4 v10  }
0x13: {  	v11 =	vunpack.c.l.s4.s8 v11;
	v12 =	vunpack.c.l.s2.s4 v12;
	v13 =	vunpack.c.l.s4.s8 v13  }
0x14: {  	v14 =	vunpack.c.l.s2.s4 v14;
	v16 =	vunpack.c.l.s2.s4 v16;
	v4 =	vunpack.c.l.s4.s8 v0  }
0x15: {  	v0 =	vlaneseq.u32;
	v36 =	vunpack.c.0.s8.s32 v2;
	v2 =	vunpack.c.l.s4.s8 v3  }
0x16: {  	v17 =	vunpack.c.0.s8.s32 v17;
	v3 =	vmul.u32 $0xFFFFFFFF, v0;
	v33 =	vunpack.c.0.s8.s32 v4  }
0x17: {  	v27 =	vsel vm2, $0x0, v27;
	v34 =	vunpack.c.l.s4.s8 v28;
	v6 =	vunpack.c.0.s8.s32 v2  }
0x18: {  	v5 =	vunpack.c.0.s8.s32 v1;
	v1 =	vadd.s32 $0xF, v3;
	v3 =	vand.u32 $0xF, v33  }
0x19: {  	v35 =	vunpack.c.l.s4.s8 v29;
	v3 =	vcombine.low v6, v3;
	v6 =	vimm.s32 $0xBA987654  }
0x1a: {  	v30 =	vunpack.c.l.s4.s8 v30;
	v29 =	vimm.s32 $0x0;
	v6 =	vunpack.c.l.s4.s8 v6  }
0x1b: {  	v41 =	vunpack.c.0.s8.s32 v48;
	v42 =	vunpack.c.0.s8.s32 v49;
	v43 =	vunpack.c.0.s8.s32 v39  }
0x1c: {  	v37 =	vunpack.c.l.s4.s8 v37;
	v39 =	vunpack.c.l.s4.s8 v52;
	v32 =	vunpack.c.0.s8.s32 v6  }
0x1d: {  	v7 =	vunpack.c.0.s8.s32 v7;
	v10 =	vunpack.c.l.s4.s8 v10;
	v11 =	vunpack.c.0.s8.s32 v11  }
0x1e: {  	v12 =	vunpack.c.l.s4.s8 v12;
	v14 =	vunpack.c.l.s4.s8 v14;
	v9 =	vand.u32 $0xF, v32  }
0x1f: {  	v16 =	vunpack.c.l.s4.s8 v16;
	v7 =	vcombine.low v7, v9;
	v9 =	vunpack.c.l.s4.s8 v8  }
0x20: {  	v34 =	vunpack.c.0.s8.s32 v34;
	v35 =	vunpack.c.0.s8.s32 v35;
	v38 =	vunpack.c.0.s8.s32 v30  }
0x21: {  	v44 =	vunpack.c.0.s8.s32 v37;
	v45 =	vunpack.c.0.s8.s32 v39;
	v9 =	vunpack.c.0.s8.s32 v9  }
0x22: {  	v4 =	vand.u32 $0xF, v36;
	v10 =	vunpack.c.0.s8.s32 v10;
	v12 =	vunpack.c.0.s8.s32 v12  }
0x23: {  	v16 =	vunpack.c.0.s8.s32 v16;
	v2 =	vcombine.low v5, v4;
	v9 =	vand.u32 $0x3, v9  }
0x24: {  	v4 =	vimm.s32 $0xCBA98765;
	v9 =	vsel vm0, v11, v9;
	v11 =	vunpack.c.0.s8.s32 v13  }
0x25: {  	v4 =	vunpack.c.l.s4.s8 v4;
	v13 =	vand.u32 $0x3, v10;
	vm0 =	vcmask $0x3F28  }
0x26: {  	v11 =	vsel vm0, v11, v13;
	v13 =	vand.u32 $0x3, v12;
	v12 =	vimm.s32 $0x4070605  }
0x27: {  	v20 =	vand.u32 $0x3, v16;
	vm0 =	vcmask $0x2B00;
	v15 =	vunpack.c.0.s8.s32 v12  }
0x28: {  	v16 =	vimm.s32 $0xE4000000;
	v13 =	vnsel vm0, $0x8, v13;
	vm0 =	vcmask $0x3B2C  }
0x29: {  	v21 =	vunpack.c.l.s2.s4 v16;
	v13 =	vsel vm0, v15, v13;
	v15 =	vimm.s32 $0x3900000  }
0x2a: {  	v18 =	vunpack.c.0.s8.s32 v14;
	v35 =	vcombine.low v35, v38;
	v15 =	vunpack.c.l.s2.s4 v15  }
0x2b: {  	v31 =	vunpack.c.0.s8.s32 v4;
	v21 =	vunpack.c.l.s4.s8 v21;
	vm0 =	vcmask $0x3F30  }
0x2c: {  	v19 =	vunpack.c.l.s4.s8 v15;
	v15 =	vand.u32 $0x3, v18;
	v18 =	vimm.s32 $0x6050400  }
0x2d: {  	v6 =	vand.u32 $0xF, v31;
	v15 =	vsel vm0, v17, v15;
	v18 =	vunpack.c.0.s8.s32 v18  }
0x2e: {  	vm0 =	vcmask $0x3700;
	v17 =	vunpack.c.0.s8.s32 v19;
	v19 =	vimm.s32 $0x39000000  }
0x2f: {  	v20 =	vnsel vm0, $0x5, v20;
	v25 =	vsel vm0, $0x0, v24;
	vm0 =	vcmask $0x1F00  }
0x30: {  	v19 =	vunpack.c.l.s2.s4 v19;
	v30 =	vnsel vm0, $0xF, v34;
	v32 =	vnsel vm0, $0xF, v32  }
0x31: {  	v50 =	vnsel vm0, $0xF, v31;
	v33 =	vnsel vm0, $0xF, v33;
	v34 =	vunpack.c.l.s4.s8 v51  }
0x32: {  	v36 =	vnsel vm0, $0xF, v36;
	v38 =	vnsel vm0, $0xF, v38;
	v17 =	vand.u32 $0x3, v17  }
0x33: {  	v19 =	vunpack.c.l.s4.s8 v19;
	v17 =	vsel vm1, v18, v17;
	vm1 =	vcmask $0x3B38  }
0x34: {  	v39 =	vnsel vm0, $0xF, v44;
	v53 =	vunpack.c.0.s8.s32 v34;
	v25 =	vsel vm1, $0x1, v25  }
0x35: {  	v22 =	vunpack.c.0.s8.s32 v19;
	v19 =	vsel vm1, $0x4, v20;
	vm1 =	vcmask $0x2F20  }
0x36: {  	v37 =	vnsel vm0, $0xF, v53;
	vm0 =	vcmask $0xF00;
	v30 =	vsel vm1, v41, v30  }
0x37: {  	v31 =	vsel vm1, v42, v32;
	v32 =	vsel vm1, v43, v50;
	vm1 =	vcmask $0x2320  }
0x38: {  	v41 =	vnsel vm0, $0xF, v41;
	v33 =	vsel vm1, $0xE, v33;
	vm1 =	vmmov $0x7fff  }
0x39: {  	s1 =	srdreg.scid;
	s0 =	stileid.u32;
	v42 =	vnsel vm0, $0xF, v42;
	v43 =	vnsel vm0, $0xF, v43;
	v40 =	vsel vm1, $0xFFFFFFFF, v40  }
0x3a: {  	s3 =	rddreg [dreg:$0x0];
	s5 =	sand.u32 $0x1, s1;
	s2 =	sshll.u32 s0, $0x1;
	vm0 =	vcmask $0x300;
	[tilespmem:$0x1FF40] =	vst v40;
	v40 =	vcombine.low v45, v44;
	v44 =	vimm.s32 $0xF  }
0x3b: {  	s4 =	rddreg [dreg:$0x1];
	s6 =	sor.u32 s5, s2;
	s2 =	simm.s32 $0x0;
	v23 =	vunpack.c.0.s8.s32 v21;
	v45 =	vsel vm0, $0xE, v44;
	vm0 =	vmmov $0x1fff  }
0x3c: {  	[smem:$0x7FF] =	sst s2;
	v22 =	vand.u32 $0x3, v22;
	v46 =	vsel vm0, $0xFFFFFFFF, v46;
	vm0 =	vmmov $0x7ff  }
0x3d: {  	s1 =	rddreg [dreg:$0x2];
	v21 =	vnsel vm2, $0x4, v22;
	vm2 =	vmmov $0x3f;
	_ =	strace $0x80000047;
	[tilespmem:$0x1FF50] =	vst v46;
	v46 =	vsel vm0, $0xFFFFFFFF, v54  }
0x3e: {  	v26 =	vadd.s32 $0xFFFFFFF3, v0;
	v5 =	vimm.s32 $0x43210000;
	[tilespmem:$0x1FF60] =	vst v46;
	v46 =	vsel vm2, $0xFFFFFFFF, v55  }
0x3f: {  	v28 =	vadd.s32 $0xFFFFFFF2, v0;
	v5 =	vunpack.c.l.s4.s8 v5;
	[tilespmem:$0x1FF70] =	vst v46;
	v46 =	vsel vm4, $0xFFFFFFFF, v56  }
0x40: {  	s11 =	simm.s32 $0x2000;
	s12 =	simm.s32 $0x3000;
	s7 =	sshll.u32 s0, $0xD;
	v14 =	vadd.s32 $0xFFFFFFF9, v0;
	vm0 =	vmmov $0x1f;
	[tilespmem:$0x1FF80] =	vst v46;
	v46 =	vsel vm5, $0xFFFFFFFF, v57  }
0x41: {  	s13 =	simm.s32 $0x4000;
	s14 =	simm.s32 $0x0;
	s7 =	sor.u32 $0x7000, s7;
	v5 =	vunpack.c.0.s8.s32 v5;
	vm1 =	vmmov $0x1ff;
	[tilespmem:$0x1FF90] =	vst v46;
	v46 =	vsel vm0, $0xFFFFFFFF, v58  }
0x42: {  	s5 =	ssub.s32 $0x2, s5;
	s8 =	sshll.u32 s6, $0xC;
	s6 =	sshll.u32 s6, $0x9;
	v16 =	vadd.s32 $0xFFFFFFF8, v0;
	v4 =	vadd.s32 $0xFFFFFFFE, v0;
	[tilespmem:$0x1FFA0] =	vst v46;
	v46 =	vsel vm1, $0xFFFFFFFF, v59  }
0x43: {  	s31 =	sshrl.u32 s5, $0x1;
	s8 =	sand.u32 $0x7000, s8;
	s10 =	sadd.s32 s6, s3;
	v5 =	vcombine.low v5, v6;
	v6 =	vadd.s32 $0xFFFFFFFD, v0;
	[tilespmem:$0x1FFB0] =	vst v46;
	v46 =	vsel vm3, $0xFFFFFFFF, v60  }
0x44: {  	s7 =	ssub.s32 s7, s8;
	s8 =	ssub.s32 s5, s31;
	s5 =	sadd.s32 $0x5200, s10;
	v8 =	vadd.s32 $0xFFFFFFFC, v0;
	v23 =	vand.u32 $0x3, v23;
	[tilespmem:$0x1FFC0] =	vst v46;
	v46 =	vsel vm7, $0xFFFFFFFF, v61  }
0x45: {  	s6 =	sadd.s32 $0x9200, s10;
	s7 =	sshrl.u32 s7, $0x3;
	s8 =	smax.u32 s8, $0x1;
	v10 =	vadd.s32 $0xFFFFFFFB, v0;
	v12 =	vadd.s32 $0xFFFFFFFA, v0;
	[tilespmem:$0x1FFD0] =	vst v46;
	v46 =	vsel vm8, $0xFFFFFFFF, v62  }
0x46: {  	s9 =	sadd.s32 s7, s3;
	s4 =	sadd.s32 s4, s7;
	s7 =	sadd.s32 $0xD200, s10;
	v24 =	vadd.s32 $0xFFFFFFF4, v0;
	v18 =	vadd.s32 $0xFFFFFFF7, v0;
	[tilespmem:$0x1FFE0] =	vst v46;
	v46 =	vsel vm10, $0xFFFFFFFF, v63  }
0x47: {  	s10 =	simm.s32 $0x1000;
	s3 =	sadd.s32 $0x1200, s9;
	s9 =	simm.s32 $0x1;
	v34 =	vadd.s32 $0xFFFFFFF1, v0;
	v20 =	vadd.s32 $0xFFFFFFF6, v0;
	v22 =	vadd.s32 $0xFFFFFFF5, v0;
	[tilespmem:$0x1FFF0] =	vst v46  }
.LBB2_1:
0x48: {  	[tilespmem:s2], [sflag:$0x1] =	stream.linear.gather [hbm4b:s3+s2], $0x1000, $0x38;
	[tilespmem:$0x5000] =	vst v63  }
0x49: {  	_ =	swait.ge [sflag:s9], $0x1000  }
0x4a: {  	[sflag:s9] =	ssyncset.done $0x0  }
0x4b: {  	[sflag:s9] =	ssyncadd.s32 $0xFFFFF000  }
0x4c: {  	[tilespmem:s10], [sflag:$0x1] =	stream.linear.gather [hbm4b:s4+s2], $0x1000, $0x38;
	[tilespmem:$0x5000] =	vst v63  }
0x4d: {  	_ =	swait.ge [sflag:s9], $0x1000  }
0x4e: {  	[sflag:s9] =	ssyncset.done $0x0  }
0x4f: {  	s15 =	simm.s32 $0x1FF0;
	[sflag:s9] =	ssyncadd.s32 $0xFFFFF000  }
0x50: {  	v46 =	vld [tilespmem:s15+$0x0];
	_ =	sdelay $0x4  }
0x51: {  	v46 =	vperm.xlane v46, v1;
	_ =	sdelay $0x1  }
0x52: {  	v48 =	vperm.xlane v46, v2  }
0x53: {  	v50 =	vperm.xlane v46, v41;
	v49 =	vperm.xlane v46, v5  }
0x54: {  	v47 =	vperm.xlane v46, v39;
	v51 =	vperm.xlane v46, v9  }
0x55: {  	v52 =	vperm.xlane v46, v37;
	v53 =	vperm.xlane v46, v15  }
0x56: {  	v62 =	vimm.s32 $0x0;
	v54 =	vperm.xlane v46, v36;
	v55 =	vperm.xlane v46, v17  }
0x57: {  	vm0 =	veq.s32 v47, v46;
	v47 =	vperm.xlane v46, v35;
	vm1 =	veq.s32 v52, v46  }
0x58: {  	s16 =	simm.s32 $0xFF0;
	v56 =	vperm.xlane v46, v33;
	v61 =	vperm.xlane v46, v40;
	vm1 =	vmand vm1, vm7  }
0x59: {  	v57 =	vld [tilespmem:s16+$0x0];
	vm0 =	vmand vm0, vm2;
	vm2 =	veq.s32 v47, v46;
	v47 =	vsel vm1, $0xFFFFFFFF, v62  }
0x5a: {  	v60 =	vimm.s32 $0x0;
	v58 =	vperm.xlane v46, v7;
	v59 =	vperm.xlane v46, v30;
	[tilespmem:$0x1FED0] =	vst v47;
	v47 =	vld [tilespmem:$0x1FF40]  }
0x5b: {  	v63 =	vperm.xlane v46, v25;
	v52 =	vperm.xlane v46, v3;
	vm3 =	veq.s32 v61, v46  }
0x5c: {  	v61 =	vimm.s32 $0x0;
	v60 =	vsel vm0, $0xFFFFFFFF, v60;
	vm0 =	veq.s32 v56, v46  }
0x5d: {  	vm3 =	vmand vm3, vm4;
	v56 =	vperm.xlane v46, v27;
	vm0 =	vmand vm0, vm5  }
0x5e: {  	v62 =	vperm.xlane v46, v21;
	[tilespmem:$0x1FEC0] =	vst v60;
	v60 =	vperm.xlane v46, v13;
	v61 =	vsel vm0, $0xFFFFFFFF, v61  }
0x5f: {  	[tilespmem:$0x1FEE0] =	vst v61;
	v61 =	vperm.xlane v46, v19;
	vm1 =	vnez.u8 v47;
	v47 =	vperm.xlane v57, v1  }
0x60: {  	v57 =	vperm.xlane v46, v11;
	vm2 =	vmand vm2, vm1;
	vm1 =	veq.s32 v59, v46  }
0x61: {  	v59 =	vperm.xlane v46, v23;
	vm4 =	veq.s32 v48, v47;
	vm2 =	vmor vm2, vm3  }
0x62: {  	vm3 =	veq.s32 v52, v47;
	vm0 =	veq.s32 v63, v47;
	v52 =	vperm.xlane v46, v31  }
0x63: {  	vm9 =	veq.s32 v49, v47;
	vm5 =	vmand vm4, vm14;
	vm8 =	vmand vm3, vm6  }
0x64: {  	vm3 =	veq.s32 v62, v47;
	v63 =	vsel vm4, v2, v0;
	vm4 =	veq.s32 v58, v47  }
0x65: {  	vm6 =	vmand vm9, vm11;
	vm9 =	veq.s32 v51, v47;
	v62 =	vimm.s32 $0x0  }
0x66: {  	vm13 =	vmneg vm5;
	vm7 =	veq.s32 v52, v46;
	vm15 =	vmor vm5, vm8  }
0x67: {  	vm5 =	vcmask $0x3F10;
	vm12 =	vmand vm7, vm10;
	vm10 =	veq.s32 v57, v47  }
0x68: {  	vm11 =	vmor vm15, vm6;
	vm4 =	vmand vm4, vm5;
	vm7 =	vcmask $0x3F14;
	v57 =	vld [tilespmem:$0x1FF50]  }
0x69: {  	vm5 =	vmand vm8, vm13;
	vm8 =	vmor vm11, vm4;
	vm9 =	vmand vm9, vm7  }
0x6a: {  	v49 =	vsel vm5, v4, v63;
	vm5 =	vmneg vm11;
	vm7 =	vcmask $0x3F18  }
0x6b: {  	v58 =	vld [tilespmem:$0x1FF60];
	vm11 =	vmor vm8, vm9;
	vm13 =	vmand vm10, vm7;
	vm10 =	vmand vm4, vm5  }
0x6c: {  	vm5 =	veq.s32 v60, v47;
	vm7 =	vcmask $0x3F1C;
	vm4 =	vmneg vm11  }
0x6d: {  	vm5 =	vmand vm5, vm7;
	vm4 =	vmand vm13, vm4;
	vm7 =	vnez.u8 v57  }
0x6e: {  	v51 =	vsel vm4, $0xFFFFFFFF, v62;
	vm4 =	vmor vm11, vm13;
	vm1 =	vmand vm1, vm7  }
0x6f: {  	v63 =	vperm.xlane v46, v32;
	vm1 =	vmor vm2, vm1;
	vm2 =	vmneg vm4  }
0x70: {  	vm7 =	vnez.u8 v58;
	vm4 =	vmor vm4, vm5;
	vm11 =	vmand vm5, vm2  }
0x71: {  	vm2 =	veq.s32 v53, v47;
	vm5 =	vmor vm1, vm12;
	vm1 =	vcmask $0x3F20  }
0x72: {  	vm13 =	vmand vm2, vm1;
	vm1 =	vmneg vm8;
	vm8 =	vmneg vm4  }
0x73: {  	vm12 =	veq.s32 v63, v46;
	vm2 =	vmor vm4, vm13;
	vm13 =	vmand vm13, vm8  }
0x74: {  	vm4 =	veq.s32 v55, v47;
	vm8 =	vmand vm12, vm7;
	vm7 =	vcmask $0x3F24  }
0x75: {  	vm1 =	vmand vm9, vm1;
	vm9 =	vmand vm4, vm7;
	vm4 =	vcmask $0x3F2C  }
0x76: {  	s17 =	simm.s32 $0x0;
	vm5 =	vmor vm5, vm8;
	vm8 =	vmand vm3, vm4;
	vm3 =	vcmask $0x3F34  }
0x77: {  	[tilespmem:s17+$0x3000] =	vst v46;
	vm12 =	veq.s32 v61, v47;
	vm4 =	vmand vm0, vm3;
	vm0 =	vcmask $0x3F28  }
0x78: {  	[tilespmem:s17+$0x2000] =	vst v47;
	v60 =	vimm.s32 $0x0;
	vm12 =	vmand vm12, vm0;
	vm0 =	veq.s32 v50, v46  }
0x79: {  	[tilespmem:$0x1FEF0] =	vst v51;
	v61 =	vimm.s32 $0x0;
	v50 =	vsel vm0, $0xFFFFFFFF, v60;
	vm0 =	veq.s32 v54, v46  }
0x7a: {  	v62 =	vimm.s32 $0x0;
	[tilespmem:$0x1FF00] =	vst v50;
	v50 =	vsel vm0, $0xFFFFFFFF, v61;
	vm0 =	veq.s32 v56, v47  }
0x7b: {  	v63 =	vimm.s32 $0x0;
	[tilespmem:$0x1FF10] =	vst v50;
	v50 =	vsel vm0, $0xFFFFFFFF, v62;
	vm0 =	veq.s32 v59, v47  }
0x7c: {  	[tilespmem:$0x1FF20] =	vst v50;
	v50 =	vsel vm0, $0xFFFFFFFF, v63  }
0x7d: {  	s18 =	simm.s32 $0x40;
	v48 =	vperm.xlane v46, v38;
	vm15 =	vmneg vm15;
	vm0 =	vmneg vm2;
	[tilespmem:$0x1FF30] =	vst v50  }
.LBB2_2:
0x7e: {  	v50 =	vld [tilespmem:$0x1FFE0]  }
0x7f: {  	vm7 =	vmand vm6, vm15;
	v59 =	vperm.xlane v46, v42;
	v60 =	vperm.xlane v46, v43;
	v61 =	vld [tilespmem:$0x1FEF0]  }
0x80: {  	vm0 =	vmand vm9, vm0;
	v62 =	vperm.xlane v46, v45;
	v63 =	vperm.xlane v46, v44  }
0x81: {  	v54 =	vperm.xlane v46, v29;
	vm15 =	veq.s32 v48, v46;
	v49 =	vsel vm7, v6, v49  }
0x82: {  	v51 =	vld [tilespmem:$0x1FF30];
	vm7 =	vmor vm2, vm9;
	v49 =	vsel vm10, v8, v49;
	vm2 =	veq.s32 v59, v46  }
0x83: {  	vm9 =	vmneg vm7;
	v49 =	vsel vm1, v10, v49;
	vm3 =	vnez.u8 v50  }
0x84: {  	vm1 =	vmor vm7, vm12;
	vm15 =	vmand vm15, vm3;
	vm3 =	vnez.u8 v61  }
0x85: {  	vm10 =	vmor vm1, vm8;
	vm1 =	vmneg vm1;
	v48 =	vsel vm3, v12, v49  }
0x86: {  	vm7 =	veq.s32 v60, v46;
	vm1 =	vmand vm8, vm1;
	v48 =	vsel vm11, v14, v48  }
0x87: {  	v55 =	vld [tilespmem:$0x1FF20];
	vm3 =	vnez.u8 v51;
	vm11 =	vmand vm12, vm9;
	v48 =	vsel vm13, v16, v48  }
0x88: {  	vm9 =	veq.s32 v62, v46;
	v48 =	vsel vm0, v18, v48;
	vm0 =	vcmask $0x3F30  }
0x89: {  	v57 =	vld [tilespmem:$0x1FF40];
	vm13 =	veq.s32 v63, v46;
	vm0 =	vmand vm3, vm0;
	v48 =	vsel vm11, v20, v48  }
0x8a: {  	v59 =	vld [tilespmem:$0x1FEE0];
	vm3 =	vcmask $0x3F38;
	vm12 =	vmor vm10, vm0;
	v56 =	vsel vm1, v22, v48  }
0x8b: {  	v61 =	vld [tilespmem:$0x1FF10];
	vm1 =	vmneg vm10;
	vm8 =	vmneg vm12;
	vm6 =	vmor vm12, vm4  }
0x8c: {  	v60 =	vld [tilespmem:$0x1FFB0];
	vm0 =	vmand vm0, vm1;
	vm8 =	vmand vm4, vm8;
	vm4 =	vnez.u8 v55  }
0x8d: {  	vm12 =	vne.s32 v54, v47;
	v46 =	vsel vm0, v24, v56;
	vm3 =	vmand vm4, vm3  }
0x8e: {  	v63 =	vld [tilespmem:$0x1FED0];
	vm0 =	vmneg vm6;
	vm4 =	vnez.u8 v57;
	vm11 =	vmor vm6, vm3  }
0x8f: {  	v49 =	vld [tilespmem:$0x1FEC0];
	v46 =	vsel vm8, v26, v46;
	vm0 =	vmand vm3, vm0;
	vm10 =	vmor vm12, vm11  }
0x90: {  	v51 =	vld [tilespmem:$0x1FF00];
	vm3 =	vnez.u8 v61;
	v46 =	vsel vm0, v28, v46;
	vm1 =	vmor vm10, vm4  }
0x91: {  	v50 =	vld [tilespmem:$0x1FFA0];
	vm0 =	vnez.u8 v59;
	v46 =	vsel vm1, v46, v34;
	vm1 =	vnez.u8 v60  }
0x92: {  	vm0 =	vmor vm5, vm0;
	vm1 =	vmand vm3, vm1  }
0x93: {  	v53 =	vld [tilespmem:$0x1FFC0];
	v58 =	vadd.s32 $0x10, v46;
	vm0 =	vmor vm0, vm1;
	vm1 =	vnez.u8 v63  }
0x94: {  	v46 =	vperm.xlane v46, v58;
	vm0 =	vmor vm0, vm1  }
0x95: {  	vm3 =	vnez.u8 v51;
	vm1 =	vnez.u8 v49;
	vm0 =	vmor vm0, vm15  }
0x96: {  	v62 =	vadd.s32 $0x10, v46;
	vm0 =	vmor vm0, vm1;
	vm1 =	vnez.u8 v50  }
0x97: {  	v46 =	vperm.xlane v46, v62;
	vm1 =	vmand vm3, vm1  }
0x98: {  	vm5 =	vmmov $0x3;
	vm0 =	vmor vm0, vm1;
	vm1 =	vnez.u8 v53  }
0x99: {  	vm3 =	vmmov $0x7;
	v52 =	vadd.s32 $0x10, v46;
	vm1 =	vmand vm2, vm1  }
0x9a: {  	v46 =	vperm.xlane v46, v52;
	vm0 =	vmor vm0, vm1;
	vm1 =	vmand vm7, vm3  }
0x9b: {  	vm2 =	vmmov $0x1;
	vm0 =	vmor vm0, vm1;
	vm1 =	vmand vm9, vm5  }
0x9c: {  	v56 =	vadd.s32 $0x10, v46;
	vm0 =	vmor vm0, vm1;
	vm1 =	vmand vm13, vm2  }
0x9d: {  	v46 =	vperm.xlane v46, v56;
	vm0 =	vmor vm0, vm1  }
0x9e: {  	v58 =	vsel vm0, $0x100, v29  }
0x9f: {  	v46 =	vadd.s32 v46, v58  }
0xa0: {  	s15 =	sadd.s32 $0xFFFFFFF0, s15;
	[tilespmem:s17+$0x4000] =	vst v46  }
0xa1: {  	v46 =	vld [tilespmem:s15+$0x0];
	_ =	sdelay $0x2  }
0xa2: {  	v54 =	vimm.s32 $0x0  }
0xa3: {  	v55 =	vimm.s32 $0x0;
	v57 =	vimm.s32 $0x0;
	v47 =	vsel vm3, $0xFFFFFFFF, v54  }
0xa4: {  	s16 =	sadd.s32 $0xFFFFFFF0, s16;
	[tilespmem:$0x1FE60] =	vst v47;
	v47 =	vsel vm5, $0xFFFFFFFF, v55;
	v48 =	vsel vm2, $0xFFFFFFFF, v57;
	v57 =	vld [tilespmem:$0x1FF70];
	v46 =	vperm.xlane v46, v1  }
0xa5: {  	[tilespmem:$0x1FE70] =	vst v47;
	v47 =	vld [tilespmem:s16+$0x0]  }
0xa6: {  	v59 =	vperm.xlane v46, v41;
	_ =	sdelay $0x1  }
0xa7: {  	v61 =	vimm.s32 $0x0;
	v60 =	vperm.xlane v46, v39;
	vm0 =	veq.s32 v59, v46  }
0xa8: {  	v63 =	vimm.s32 $0x0;
	[tilespmem:$0x1FE80] =	vst v48;
	v48 =	vsel vm0, $0xFFFFFFFF, v61;
	v61 =	vld [tilespmem:$0x1FFD0]  }
0xa9: {  	vm2 =	vnez.u8 v57;
	v47 =	vperm.xlane v47, v1;
	vm0 =	veq.s32 v60, v46  }
0xaa: {  	v49 =	vperm.xlane v46, v2;
	v62 =	vperm.xlane v46, v36;
	vm0 =	vmand vm0, vm2  }
0xab: {  	v50 =	vperm.xlane v46, v5;
	v53 =	vperm.xlane v46, v37;
	v57 =	vsel vm0, $0xFFFFFFFF, v63;
	v63 =	vld [tilespmem:$0x1FF80]  }
0xac: {  	v56 =	vperm.xlane v46, v35;
	v60 =	vimm.s32 $0x0;
	vm0 =	veq.s32 v62, v46  }
0xad: {  	vm1 =	veq.s32 v53, v46;
	[tilespmem:$0x1FF00] =	vst v48;
	v48 =	vsel vm0, $0xFFFFFFFF, v60;
	vm3 =	vnez.u8 v61  }
0xae: {  	v62 =	vimm.s32 $0x0;
	[tilespmem:$0x1FF10] =	vst v48;
	v48 =	vperm.xlane v46, v40;
	vm1 =	vmand vm1, vm3  }
0xaf: {  	v52 =	vperm.xlane v46, v9;
	vm2 =	veq.s32 v56, v46;
	v56 =	vsel vm1, $0xFFFFFFFF, v62  }
0xb0: {  	vm1 =	vmand vm2, vm4;
	vm2 =	veq.s32 v48, v46;
	vm3 =	vnez.u8 v63  }
0xb1: {  	v54 =	vperm.xlane v46, v15;
	v51 =	vperm.xlane v46, v17;
	vm2 =	vmand vm2, vm3  }
0xb2: {  	v58 =	vperm.xlane v46, v30;
	v63 =	vimm.s32 $0x0;
	vm1 =	vmor vm1, vm2  }
0xb3: {  	v55 =	vperm.xlane v46, v33;
	v53 =	vperm.xlane v46, v7;
	v63 =	vsel vm1, $0xFFFFFFFF, v63  }
0xb4: {  	v59 =	vperm.xlane v46, v13;
	vm1 =	veq.s32 v58, v46;
	[tilespmem:$0x1FEA0] =	vst v63;
	v63 =	vimm.s32 $0x0  }
0xb5: {  	vm9 =	veq.s32 v51, v47;
	v60 =	vperm.xlane v46, v25;
	v58 =	vsel vm1, $0xFFFFFFFF, v63;
	v63 =	vld [tilespmem:$0x1FF90]  }
0xb6: {  	vm5 =	veq.s32 v52, v47;
	[tilespmem:$0x1FEC0] =	vst v57;
	v57 =	vperm.xlane v46, v3;
	vm0 =	veq.s32 v55, v46  }
0xb7: {  	v55 =	vperm.xlane v46, v27;
	v61 =	vperm.xlane v46, v11;
	vm11 =	veq.s32 v60, v47  }
0xb8: {  	v60 =	vimm.s32 $0x0;
	v62 =	vperm.xlane v46, v23;
	vm4 =	vcmask $0x3F0C  }
0xb9: {  	vm3 =	vcmask $0x3F24;
	vm2 =	veq.s32 v55, v47;
	v55 =	vperm.xlane v46, v19  }
0xba: {  	[tilespmem:$0x1FED0] =	vst v56;
	v56 =	vperm.xlane v46, v21;
	vm9 =	vmand vm9, vm3;
	vm1 =	vnez.u8 v63  }
0xbb: {  	vm12 =	veq.s32 v55, v47;
	v63 =	vimm.s32 $0x0;
	vm0 =	vmand vm0, vm1  }
0xbc: {  	[tilespmem:$0x1FE90] =	vst v58;
	vm1 =	veq.s32 v57, v47;
	v58 =	vsel vm0, $0xFFFFFFFF, v63;
	vm0 =	veq.s32 v49, v47  }
0xbd: {  	v63 =	vperm.xlane v46, v31;
	[tilespmem:$0x1FEE0] =	vst v58;
	v58 =	vimm.s32 $0x0;
	vm7 =	vmand vm0, vm14  }
0xbe: {  	vm14 =	veq.s32 v61, v47;
	v49 =	vsel vm2, $0xFFFFFFFF, v58;
	vm2 =	veq.s32 v62, v47  }
0xbf: {  	vm8 =	vmneg vm7;
	v57 =	vsel vm2, $0xFFFFFFFF, v60;
	vm2 =	vcmask $0x3F08  }
0xc0: {  	v62 =	vsel vm0, v2, v0;
	vm0 =	veq.s32 v53, v47;
	vm10 =	vmand vm1, vm2  }
0xc1: {  	vm2 =	veq.s32 v56, v47;
	vm1 =	veq.s32 v63, v46;
	v56 =	vimm.s32 $0x0  }
0xc2: {  	[tilespmem:$0x1FF30] =	vst v57;
	v63 =	vld [tilespmem:$0x1FFF0];
	v57 =	vperm.xlane v46, v32;
	vm13 =	vmor vm7, vm10;
	vm7 =	veq.s32 v50, v47  }
0xc3: {  	vm8 =	vmand vm10, vm8;
	vm6 =	vmand vm7, vm4;
	vm4 =	vcmask $0x3F18  }
0xc4: {  	v61 =	vld [tilespmem:$0x1FE90];
	[tilespmem:$0x1FF20] =	vst v49;
	vm15 =	vmneg vm13;
	vm7 =	vcmask $0x3F10;
	v49 =	vsel vm8, v4, v62  }
0xc5: {  	v58 =	vld [tilespmem:$0x1FF60];
	vm8 =	veq.s32 v57, v46;
	vm10 =	vmor vm13, vm6;
	vm0 =	vmand vm0, vm7  }
0xc6: {  	vm4 =	vmand vm14, vm4;
	vm7 =	vcmask $0x3F14;
	vm13 =	vmor vm10, vm0  }
0xc7: {  	vm5 =	vmand vm5, vm7;
	vm10 =	vmneg vm10;
	vm3 =	vnez.u8 v63  }
0xc8: {  	vm7 =	vcmask $0x3F1C;
	vm10 =	vmand vm0, vm10;
	vm1 =	vmand vm1, vm3  }
0xc9: {  	vm3 =	veq.s32 v59, v47;
	v59 =	vimm.s32 $0x0;
	v51 =	vsel vm1, $0xFFFFFFFF, v56  }
0xca: {  	v60 =	vld [tilespmem:$0x1FF50];
	vm3 =	vmand vm3, vm7;
	vm7 =	vnez.u8 v58;
	vm1 =	vnez.u8 v61  }
0xcb: {  	v62 =	vld [tilespmem:$0x1FEA0];
	vm14 =	vmand vm8, vm7;
	vm7 =	vmor vm13, vm5;
	vm8 =	vcmask $0x3F2C  }
0xcc: {  	[tilespmem:$0x1FEB0] =	vst v51;
	vm13 =	vmneg vm13;
	vm8 =	vmand vm2, vm8;
	vm0 =	vmneg vm7  }
0xcd: {  	vm2 =	veq.s32 v54, v47;
	vm7 =	vmor vm7, vm4;
	v63 =	vld [tilespmem:$0x1FEB0];
	vm0 =	vmand vm4, vm0  }
0xce: {  	vm4 =	vcmask $0x3F34;
	v50 =	vsel vm0, $0xFFFFFFFF, v59;
	vm0 =	vcmask $0x3F20  }
0xcf: {  	vm4 =	vmand vm11, vm4;
	vm0 =	vmand vm2, vm0;
	vm2 =	vnez.u8 v60  }
0xd0: {  	p0 =	sne.s32 s18, $0x3FC0;
	vm11 =	vmneg vm7;
	vm2 =	vmand vm1, vm2;
	vm1 =	vnez.u8 v62  }
.Ltmp0:
0xd1: {  	s19 =	smov.u32 s18;
	vm7 =	vmor vm7, vm3;
	vm2 =	vmor vm1, vm2;
	vm1 =	vcmask $0x3F28;
	(pc) =	sbr.rel @p0 .LBB2_2-.Ltmp0, $4  }
0xd2: {  	s17 =	sshra.s32 s19, $0x2;
	vm11 =	vmand vm3, vm11;
	vm12 =	vmand vm12, vm1;
	vm1 =	vnez.u8 v63  }
0xd3: {  	[tilespmem:s17+$0x3000] =	vst v46;
	vm3 =	vmor vm2, vm1;
	vm1 =	vmand vm5, vm13;
	vm5 =	vmneg vm7  }
0xd4: {  	[tilespmem:s17+$0x2000] =	vst v47;
	v48 =	vperm.xlane v46, v38;
	vm2 =	vmor vm7, vm0;
	vm13 =	vmand vm0, vm5  }
0xd5: {  	s18 =	sadd.s32 $0x40, s18;
	[tilespmem:$0x1FEF0] =	vst v50;
	vm0 =	vmneg vm2;
	vm5 =	vmor vm3, vm14;
	vm14 =	vcmask $0x3F04  }
0xd6: {  	v50 =	vld [tilespmem:$0x1FEF0]  }
0xd7: {  	v56 =	vld [tilespmem:$0x1FF30]  }
0xd8: {  	vm3 =	vmand vm6, vm15;
	v52 =	vld [tilespmem:$0x1FFE0]  }
0xd9: {  	v49 =	vsel vm3, v6, v49  }
0xda: {  	vm0 =	vmand vm9, vm0;
	v49 =	vsel vm10, v8, v49  }
0xdb: {  	v57 =	vperm.xlane v46, v29;
	v49 =	vsel vm1, v10, v49;
	vm1 =	vnez.u8 v50  }
0xdc: {  	v61 =	vld [tilespmem:$0x1FFB0];
	vm3 =	vcmask $0x3F30;
	vm6 =	vnez.u8 v56;
	v49 =	vsel vm1, v12, v49  }
0xdd: {  	vm1 =	vmor vm2, vm9;
	vm3 =	vmand vm6, vm3;
	vm9 =	vnez.u8 v52  }
0xde: {  	v49 =	vsel vm11, v14, v49;
	vm2 =	vmneg vm1;
	vm1 =	vmor vm1, vm12  }
0xdf: {  	v51 =	vld [tilespmem:$0x1FF20];
	v49 =	vsel vm13, v16, v49;
	vm6 =	vmor vm1, vm8;
	vm1 =	vmneg vm1  }
0xe0: {  	vm2 =	vmand vm12, vm2;
	v49 =	vsel vm0, v18, v49;
	vm0 =	vmand vm8, vm1  }
0xe1: {  	v59 =	vld [tilespmem:$0x1FEE0];
	vm1 =	vmor vm6, vm3;
	vm6 =	vmneg vm6;
	vm8 =	vnez.u8 v61  }
0xe2: {  	v60 =	vld [tilespmem:$0x1FF40];
	v49 =	vsel vm2, v20, v49;
	vm2 =	vmneg vm1;
	vm1 =	vmor vm1, vm4  }
0xe3: {  	v62 =	vld [tilespmem:$0x1FF10];
	v49 =	vsel vm0, v22, v49;
	vm0 =	vmand vm3, vm6;
	vm2 =	vmand vm4, vm2  }
0xe4: {  	vm3 =	vnez.u8 v51;
	v49 =	vsel vm0, v24, v49;
	vm0 =	vcmask $0x3F38  }
0xe5: {  	v63 =	vld [tilespmem:$0x1FED0];
	vm0 =	vmand vm3, vm0;
	v49 =	vsel vm2, v26, v49;
	vm2 =	vmneg vm1  }
0xe6: {  	v55 =	vld [tilespmem:$0x1FEC0];
	vm1 =	vmor vm1, vm0;
	vm0 =	vmand vm0, vm2;
	vm2 =	vne.s32 v57, v47  }
0xe7: {  	v56 =	vld [tilespmem:$0x1FFA0];
	vm1 =	vmor vm2, vm1;
	v58 =	vsel vm0, v28, v49;
	vm2 =	vnez.u8 v60  }
0xe8: {  	v57 =	vld [tilespmem:$0x1FF00];
	vm0 =	vnez.u8 v59;
	vm1 =	vmor vm1, vm2;
	vm2 =	vnez.u8 v62  }
0xe9: {  	vm0 =	vmor vm5, vm0;
	vm2 =	vmand vm2, vm8;
	v47 =	vsel vm1, v58, v34  }
0xea: {  	vm1 =	veq.s32 v48, v46;
	vm0 =	vmor vm0, vm2;
	vm2 =	vnez.u8 v63  }
0xeb: {  	vm1 =	vmand vm1, vm9;
	vm0 =	vmor vm0, vm2  }
0xec: {  	v54 =	vperm.xlane v46, v42;
	vm0 =	vmor vm0, vm1;
	vm1 =	vnez.u8 v55  }
0xed: {  	vm3 =	vnez.u8 v56;
	v60 =	vld [tilespmem:$0x1FFC0];
	vm0 =	vmor vm0, vm1;
	vm1 =	vnez.u8 v57  }
0xee: {  	vm1 =	vmand vm1, vm3  }
0xef: {  	v53 =	vadd.s32 $0x10, v47;
	vm0 =	vmor vm0, vm1;
	vm1 =	veq.s32 v54, v46;
	v54 =	vld [tilespmem:$0x1FE60]  }
0xf0: {  	v47 =	vperm.xlane v47, v53  }
0xf1: {  	v55 =	vld [tilespmem:$0x1FE70]  }
0xf2: {  	v59 =	vperm.xlane v46, v43;
	vm13 =	vnez.u8 v60;
	v58 =	vadd.s32 $0x10, v47  }
0xf3: {  	v61 =	vperm.xlane v46, v45;
	v56 =	vld [tilespmem:$0x1FE80];
	v47 =	vperm.xlane v47, v58;
	vm1 =	vmand vm1, vm13  }
0xf4: {  	vm0 =	vmor vm0, vm1;
	vm1 =	veq.s32 v59, v46;
	vm2 =	vnez.u8 v54  }
0xf5: {  	v62 =	vperm.xlane v46, v44;
	v63 =	vadd.s32 $0x10, v47;
	vm1 =	vmand vm1, vm2  }
0xf6: {  	vm2 =	veq.s32 v61, v46;
	vm0 =	vmor vm0, vm1;
	vm1 =	vnez.u8 v55  }
0xf7: {  	v47 =	vperm.xlane v47, v63;
	vm1 =	vmand vm2, vm1  }
0xf8: {  	vm2 =	veq.s32 v62, v46;
	vm0 =	vmor vm0, vm1;
	vm1 =	vnez.u8 v56  }
0xf9: {  	v57 =	vadd.s32 $0x10, v47;
	vm1 =	vmand vm2, vm1  }
0xfa: {  	v46 =	vperm.xlane v47, v57;
	vm0 =	vmor vm0, vm1  }
0xfb: {  	v58 =	vsel vm0, $0x100, v29  }
0xfc: {  	v46 =	vadd.s32 v46, v58  }
0xfd: {  	[tilespmem:s17+$0x4000] =	vst v46  }
0xfe: {  	[hbm4b:s5+s2] =	stream.linear.scatter [tilespmem:s11], [sflag:$0x1], $0x1000, $0x38;
	[tilespmem:$0x5000] =	vst v63  }
0xff: {  	_ =	swait.ge [sflag:s9], $0x1000  }
0x100: {  	[sflag:s9] =	ssyncset.done $0x0  }
0x101: {  	[sflag:s9] =	ssyncadd.s32 $0xFFFFF000  }
0x102: {  	[hbm4b:s6+s2] =	stream.linear.scatter [tilespmem:s12], [sflag:$0x1], $0x1000, $0x38;
	[tilespmem:$0x5000] =	vst v63  }
0x103: {  	_ =	swait.ge [sflag:s9], $0x1000  }
0x104: {  	[sflag:s9] =	ssyncset.done $0x0  }
0x105: {  	[sflag:s9] =	ssyncadd.s32 $0xFFFFF000  }
0x106: {  	[hbm4b:s7+s2] =	stream.linear.scatter [tilespmem:s13], [sflag:$0x1], $0x1000, $0x38;
	[tilespmem:$0x5000] =	vst v63  }
0x107: {  	_ =	swait.ge [sflag:s9], $0x1000  }
0x108: {  	v59 =	vld [tilespmem:$0x1FF80]  }
0x109: {  	v60 =	vld [tilespmem:$0x1FFF0]  }
0x10a: {  	v61 =	vld [tilespmem:$0x1FF90]  }
0x10b: {  	s14 =	sadd.s32 $0x1, s14;
	v62 =	vld [tilespmem:$0x1FFD0]  }
0x10c: {  	p0 =	sne.s32 s14, s8;
	v63 =	vld [tilespmem:$0x1FF70]  }
.Ltmp1:
0x10d: {  	_ = 	snop;
	(pc) =	sbr.rel @p0 .LBB2_1-.Ltmp1, $4  }
0x10e: {  	_ = 	snop  }
0x10f: {  	vm11 =	vcmask $0x3F0C  }
0x110: {  	vm6 =	vcmask $0x3F08;
	[sflag:s9] =	ssyncset.done $0x0;
	vm4 =	vnez.u8 v59;
	vm10 =	vnez.u8 v60  }
0x111: {  	[sflag:s9] =	ssyncadd.s32 $0xFFFFF000;
	vm5 =	vnez.u8 v61;
	vm7 =	vnez.u8 v62;
	vm2 =	vnez.u8 v63  }
0x112: {  	_ =	sfence.sel $0x180000  }
0x113: {  	[bflag:$0x0] =	sbarrier.arrive $0xFFFF  }
0x114: {  	p0 =	sne.s32 s0, $0x0;
	_ =	strace $0x90000047  }
0x115: {  	s0 =	sadd.s32 @!p0 $0x100000, s1;
	[bflag:$0x2] =	sbarrier.arrive $0xFFFF  }
0x116: {  	[sflag:s0] =	ssyncadd.tile.s32 @!p0 $0x1;
	_ =	shalt  }
.Lfunc_end2:
_tile_overlayer_lowered:
.L_overlay_start_2:
0x117: {  	(tag) =	ssettag $0x2  }
0x118: {  	s0 =	rddreg [dreg:$0x0];
	s2 =	stileid.u32  }
0x119: {  	s1 =	rddreg [dreg:$0x1];
	p0 =	sne.s32 s2, $0x0  }
0x11a: {  	s3 =	rddreg [dreg:$0x2];
	[bflag:$0x3] =	sbarrier.arrive $0xFFFF;
	s2 =	simm.s32 @!p0 $0x1C01  }
0x11b: {  	[timem:s3], [sflag:s2] =	dma.local @!p0 [hbm:s0], s1  }
0x11c: {  	s0 =	simm.s32 @!p0 $0x1  }
0x11d: {  	_ =	swait.ge @!p0 [sflag:s0], s1  }
0x11e: {  	s1 =	ssub.s32 @!p0 $0x0, s1;
	[sflag:s0] =	ssyncset.done @!p0 $0x0  }
0x11f: {  	[sflag:s0] =	ssyncadd.s32 @!p0 s1  }
0x120: {  	[bflag:$0x3] =	sbarrier.arrive $0xFFFF  }
0x121: {  	_ =	shalt  }

// kernel: kernel.8.cloned.1.call-start
scs
__scs_entry_jumppad:
0x0: {  	(pc) =	sbr.rel $0x88, $3  }
0x1: {  	(tag) =	ssettag $0x0;
	lr =	simm.s32 $0x1  }
0x2: {  	[smem:$0x3F9E] =	sst lr;
	_ =	strace $0xD0000000  }
0x3: {  	_ = 	snop  }
0x4: {  	_ = 	snop  }
0x5: {  	_ = 	snop  }
0x6: {  	_ = 	snop  }
0x7: {  	_ = 	snop  }
__scs_overlays_trampoline_lowered:
0x8: {  	[smem:$0x3FAD] =	sst s0  }
0x9: {  	[smem:$0x3FAE] =	sst s1  }
0xa: {  	[smem:$0x3FAF] =	sst s2  }
0xb: {  	[smem:$0x3FB0] =	sst s3  }
0xc: {  	[smem:$0x3FB1] =	sst s4  }
0xd: {  	[smem:$0x3FB2] =	sst s5  }
0xe: {  	[smem:$0x3FB3] =	sst s6  }
0xf: {  	[smem:$0x3FB4] =	sst s7  }
0x10: {  	[smem:$0x3FB5] =	sst s8  }
0x11: {  	[smem:$0x3FB6] =	sst s9;
	s0 =	simm.s32 @!p0 $0x0  }
0x12: {  	s1 =	sld [smem:$0x3F9C];
	s0 =	simm.s32 @p0 $0x1  }
0x13: {  	[smem:$0x3FB7] =	sst s0;
	s0 =	simm.s32 @!p1 $0x0  }
0x14: {  	s2 =	sld [smem:$0x3F9B];
	s0 =	simm.s32 @p1 $0x1  }
0x15: {  	[smem:$0x3FB8] =	sst s0;
	s0 =	simm.s32 @!p2 $0x0  }
0x16: {  	s3 =	sld [smem:$0x3FDB];
	s0 =	simm.s32 @p2 $0x1  }
0x17: {  	s4 =	simm.s32 $0x1BF5;
	[smem:$0x3FBA] =	sst s0  }
0x18: {  	s0 =	sld [smem:$0x3F9D];
	_ =	swait.ge [sflag:s4], $0x0  }
0x19: {  	s7 =	sld [smem:$0x3F9E]  }
0x1a: {  	s8 =	sadd.s32 $0xFFFFE003, lr  }
0x1b: {  	s9 =	sadd.s32 $0xFFFFFEF7, lr;
	s5 =	simm.s32 $0xFFFFFFFF;
	p2 =	slt.u32 s8, $0xFFFFF086  }
0x1c: {  	p1 =	slt.u32 s9, $0xF7A;
	s5 =	simm.s32 @!p2 $0x0  }
0x1d: {  	s5 =	simm.s32 @p1 $0x1;
	p0 =	seq.s32 s7, s2  }
0x1e: {  	s7 =	smul.u32 @!p0 $0xF7A, s2;
	p2 =	seq.s32 @!p0 s5, $0x0  }
0x1f: {  	s9 =	smul.u32 $0xF7A, s1;
	s8 =	simm.s32 @!p0 $0x1BF5;
	p2 =	por !p2, p0  }
0x20: {  	[sflag:s8] =	ssyncset.s32 @!p0 $0xFFFFF086;
	s6 =	sadd.s32 @!p0 s3, s7;
	s7 =	simm.s32 @!p0 $0x108  }
0x21: {  	s3 =	sadd.s32 s3, s9;
	s6 =	sadd.s32 @!p0 $0x88, s6;
	s7 =	simm.s32 @p2 $0x1082  }
0x22: {  	[simem:s7], [sflag:s8] =	dma.local @!p0 [hbm:s6], $0xF7A  }
0x23: {  	s9 =	sor.u32 $0xD0000000, s2;
	s6 =	simm.s32 $0x108;
	_ =	swait.ge @!p0 [sflag:s8], $0x0  }
0x24: {  	s3 =	sadd.s32 $0x88, s3;
	s6 =	simm.s32 @!p1 $0x1082;
	[sflag:s4] =	ssyncset.s32 $0xFFFFF086  }
0x25: {  	[simem:s6], [sflag:s4] =	dma.local [hbm:s3], $0xF7A  }
0x26: {  	[smem:$0x3F9E] =	sst s1;
	(tag) =	ssettag s2;
	_ =	strace s9  }
0x27: {  	s1 =	sld [smem:$0x3FAE]  }
0x28: {  	s2 =	sld [smem:$0x3FAF]  }
0x29: {  	s4 =	sld [smem:$0x3FB1]  }
0x2a: {  	p0 =	seq.s32 s5, $0x0;
	s5 =	sld [smem:$0x3FB2]  }
0x2b: {  	s6 =	sld [smem:$0x3FB3]  }
0x2c: {  	s7 =	sld [smem:$0x3FB4]  }
0x2d: {  	s3 =	simm.s32 $0x108;
	s8 =	sld [smem:$0x3FB5]  }
0x2e: {  	s3 =	simm.s32 @!p0 $0x1082;
	s9 =	sld [smem:$0x3FB6]  }
0x2f: {  	lr =	sadd.s32 s0, s3;
	s0 =	sld [smem:$0x3FAD]  }
0x30: {  	s3 =	sld [smem:$0x3FB0]  }
0x31: {  	[smem:$0x3FB9] =	sst s10  }
0x32: {  	s10 =	sld [smem:$0x3FB7];
	_ =	sdelay $0x3  }
0x33: {  	p0 =	seq.s32 s10, $0x1;
	s10 =	sld [smem:$0x3FB9];
	_ =	sdelay $0x3  }
0x34: {  	[smem:$0x3FB9] =	sst s10  }
0x35: {  	s10 =	sld [smem:$0x3FB8];
	_ =	sdelay $0x3  }
0x36: {  	p1 =	seq.s32 s10, $0x1;
	s10 =	sld [smem:$0x3FB9];
	_ =	sdelay $0x3  }
0x37: {  	[smem:$0x3FB9] =	sst s10  }
0x38: {  	s10 =	sld [smem:$0x3FBA]  }
0x39: {  	_ = 	snop;
	(pc) =	sbr.ind lr, $3  }
0x3a: {  	_ = 	snop  }
0x3b: {  	_ = 	snop  }
0x3c: {  	p2 =	seq.s32 s10, $0x1;
	s10 =	sld [smem:$0x3FB9]  }
0x3d: {  	_ =	shalt  }
0x3e: {  	_ =	shalt  }
0x3f: {  	_ =	shalt  }
0x40: {  	_ =	shalt  }
0x41: {  	_ =	shalt  }
0x42: {  	_ =	shalt  }
0x43: {  	_ =	shalt  }
0x44: {  	_ =	shalt  }
0x45: {  	_ =	shalt  }
0x46: {  	_ =	shalt  }
0x47: {  	_ =	shalt  }
0x48: {  	_ =	shalt  }
0x49: {  	_ =	shalt  }
0x4a: {  	_ =	shalt  }
0x4b: {  	_ =	shalt  }
0x4c: {  	_ =	shalt  }
0x4d: {  	_ =	shalt  }
0x4e: {  	_ =	shalt  }
0x4f: {  	_ =	shalt  }
0x50: {  	_ =	shalt  }
0x51: {  	_ =	shalt  }
0x52: {  	_ =	shalt  }
0x53: {  	_ =	shalt  }
0x54: {  	_ =	shalt  }
0x55: {  	_ =	shalt  }
0x56: {  	_ =	shalt  }
0x57: {  	_ =	shalt  }
0x58: {  	_ =	shalt  }
0x59: {  	_ =	shalt  }
0x5a: {  	_ =	shalt  }
0x5b: {  	_ =	shalt  }
0x5c: {  	_ =	shalt  }
0x5d: {  	_ =	shalt  }
0x5e: {  	_ =	shalt  }
0x5f: {  	_ =	shalt  }
0x60: {  	_ =	shalt  }
0x61: {  	_ =	shalt  }
0x62: {  	_ =	shalt  }
0x63: {  	_ =	shalt  }
0x64: {  	_ =	shalt  }
0x65: {  	_ =	shalt  }
0x66: {  	_ =	shalt  }
0x67: {  	_ =	shalt  }
0x68: {  	_ =	shalt  }
0x69: {  	_ =	shalt  }
0x6a: {  	_ =	shalt  }
0x6b: {  	_ =	shalt  }
0x6c: {  	_ =	shalt  }
0x6d: {  	_ =	shalt  }
0x6e: {  	_ =	shalt  }
0x6f: {  	_ =	shalt  }
0x70: {  	_ =	shalt  }
0x71: {  	_ =	shalt  }
0x72: {  	_ =	shalt  }
0x73: {  	_ =	shalt  }
0x74: {  	_ =	shalt  }
0x75: {  	_ =	shalt  }
0x76: {  	_ =	shalt  }
0x77: {  	_ =	shalt  }
0x78: {  	_ =	shalt  }
0x79: {  	_ =	shalt  }
0x7a: {  	_ =	shalt  }
0x7b: {  	_ =	shalt  }
0x7c: {  	_ =	shalt  }
0x7d: {  	_ =	shalt  }
0x7e: {  	_ =	shalt  }
0x7f: {  	_ =	shalt  }
0x80: {  	_ =	shalt  }
0x81: {  	_ =	shalt  }
0x82: {  	_ =	shalt  }
0x83: {  	_ =	shalt  }
0x84: {  	_ =	shalt  }
0x85: {  	_ =	shalt  }
0x86: {  	_ =	shalt  }
0x87: {  	_ =	shalt  }
.Lfunc_end0:
.L_simem_size_0:
called_computation.1_lowered:
.L_overlay_start_0:
0x88: {  	s2 =	sld [smem:$0x3FD9]  }
0x89: {  	s3 =	sld [smem:$0x3FFE];
	_ =	sdelay $0x1  }
0x8a: {  	s1 =	srdreg.scid  }
0x8b: {  	s0 =	sand.u32 $0x1, s1  }
0x8c: {  	s16 =	sshll.u32 s0, $0xA;
	s2 =	sadd.s32 s3, s2  }
0x8d: {  	s2 =	sadd.s32 s2, s16  }
0x8e: {  	[smem:$0x3FC5] =	sst s2  }
0x8f: {  	_ = 	snop  }
0x90: {  	(tm) =	ssettm $0x1  }
0x91: {  	s17 =	sld [smem:$0x3FFB];
	_ =	sdelay $0x3  }
0x92: {  	_ =	strace s17  }
0x93: {  	s2 =	sld [smem:$0x3FFC];
	_ =	sdelay $0x3  }
0x94: {  	_ =	strace s2  }
0x95: {  	s2 =	sld [smem:$0x3FFD];
	_ =	sdelay $0x3  }
0x96: {  	_ =	strace s2  }
0x97: {  	_ =	strace $0x8FFFFFFF  }
0x98: {  	s18 =	sld [smem:$0x3FDB];
	_ =	sdelay $0x1  }
0x99: {  	s19 =	simm.s32 $_scs_section_size  }
0x9a: {  	s4 =	simm.s32 $_size__tile_overlayer_lowered;
	s5 =	simm.s32 $_tile_overlayer_lowered  }
0x9b: {  	s22 =	simm.s32 $0x1BFF;
	s21 =	sshll.u32 s5, $0x1;
	s2 =	sadd.s32 s19, s18  }
0x9c: {  	s6 =	simm.s32 $0x0;
	s20 =	sshll.u32 s4, $0x1;
	s4 =	sadd.s32 s21, s2  }
0x9d: {  	[timem:s6], [sflag:s22] =	dma.local [hbm:s4], s20  }
0x9e: {  	_ =	swait.ge [sflag:s22], s20  }
0x9f: {  	s3 =	ssub.s32 $0x0, s20;
	[sflag:s22] =	ssyncset.done $0x0  }
0xa0: {  	[sflag:s22] =	ssyncadd.s32 s3;
	_ =	sdelay $0x1  }
0xa1: {  	s23 =	simm.s32 $0x1B8B  }
0xa2: {  	_ =	swait.ge [sflag:s23], $0x1  }
0xa3: {  	[sflag:s23] =	ssyncset.done $0x0  }
0xa4: {  	s25 =	simm.s32 $0x1B8E;
	s24 =	sld [smem:$0x3FFE];
	[sflag:s23] =	ssyncadd.s32 $0xFFFFFFFF  }
0xa5: {  	s26 =	simm.s32 $execute0_lowered;
	[smem:$0x3FD2] =	sst s25  }
0xa6: {  	s4 =	sshll.u32 s26, $0x1;
	_ =	strace $0x80000049;
	[dreg:$0x1] =	wrdreg $0xFFFFFFFF  }
0xa7: {  	s28 =	simm.s32 $_size_execute0_lowered;
	s2 =	sadd.s32 s2, s4;
	[dreg:$0x0] =	wrdreg $0x0  }
0xa8: {  	s4 =	sshll.u32 s28, $0x1;
	[dreg:$0x2] =	wrdreg s2  }
0xa9: {  	[dreg:$0x3] =	wrdreg s4  }
0xaa: {  	[dreg:$0x4] =	wrdreg $0xC0  }
0xab: {  	_ =	task [dreg:s6], $0x5FFFF  }
0xac: {  	[dreg:$0x1] =	wrdreg $0xFFFFFFFF  }
0xad: {  	[dreg:$0x0] =	wrdreg $0x60  }
0xae: {  	[dreg:$0x2] =	wrdreg s24  }
0xaf: {  	[dreg:$0x3] =	wrdreg $0x9  }
0xb0: {  	_ =	task.clear_ibuf [dreg:s6], $0x4FFFF;
	_ =	strace $0x90000049  }
0xb1: {  	s29 =	simm.s32 $0x9;
	_ =	strace $0x8000004B  }
0xb2: {  	_ =	swait.ge [sflag:s29], $0x1  }
0xb3: {  	[sflag:s29] =	ssyncadd.s32 $0xFFFFFFFF  }
0xb4: {  	_ =	strace $0x9000004B  }
0xb5: {  	_ =	sfence  }
0xb6: {  	s30 =	sld [smem:$0x0];
	_ =	sdelay $0x2  }
0xb7: {  	s31 =	sshll.u32 s1, $0xD;
	s1 =	sshrl.u32 s1, $0x2  }
0xb8: {  	s3 =	sand.u32 $0x4000, s31;
	s1 =	sadd.s32 s1, s30  }
0xb9: {  	s0 =	sor.u32 s3, s0;
	s1 =	sshll.u32 s1, $0x11  }
0xba: {  	s0 =	sor.u32 s1, s0  }
0xbb: {  	s0 =	sadd.s32 $0x8F2B, s0  }
0xbc: {  	[sflag:s0] =	ssyncadd.remote.s32 $0x1  }
0xbd: {  	_ =	sfence.sel $0xFFFF  }
0xbe: {  	[dreg:$0x0] =	wrdreg $0xFFFFFFFF;
	(pc) =	sbr.abs _section_cstart, $3  }
0xbf: {  	[dreg:$0x1] =	wrdreg $0xFFFFFFFF  }
0xc0: {  	_ =	task.clear_ibuf [dreg:s6], $0x2FFFF;
	_ =	strace $0x9FFFFFFF  }
0xc1: {  	(tm) =	ssettm $0x7FFFFFFF  }
tec
execute0_lowered:
.L_overlay_start_1:
0x0: {  	(tag) =	ssettag $0x1  }
0x1: {  	s1 =	stileid.u32  }
0x2: {  	p0 =	sgt.u32 s1, $0x1  }
.Ltmp0:
0x3: {  	_ = 	snop;
	(pc) =	sbr.rel @p0 .LBB2_21-.Ltmp0, $4  }
0x4: {  	_ = 	snop  }
0x5: {  	s2 =	simm.s32 $0x0  }
0x6: {  	[smem:$0x7FF] =	sst s2  }
0x7: {  	s3 =	rddreg [dreg:$0x0];
	_ =	strace $0x8000004A  }
0x8: {  	s4 =	srdreg.scid  }
0x9: {  	s30 =	sshll.u32 s1, $0x1;
	s19 =	sadd.s32 $0x11200, s3;
	s15 =	sadd.s32 $0x5200, s3  }
0xa: {  	s16 =	sadd.s32 $0x9200, s3;
	s24 =	smul.u32 $0x10002, s1;
	s17 =	sand.u32 $0x1, s4  }
0xb: {  	s18 =	sadd.s32 $0xD200, s3;
	s4 =	sor.u32 s17, s30;
	s28 =	smul.u32 $0x8001, s17  }
0xc: {  	s23 =	ssub.s32 $0x2, s17;
	s5 =	smul.u32 $0x8001, s4;
	s6 =	sshll.u32 s4, $0xD  }
0xd: {  	s21 =	sshll.u32 s4, $0xC;
	s26 =	sshrl.u32 s23, $0x1;
	s20 =	sadd.s32 s6, s3  }
0xe: {  	s11 =	sor.u32 $0x400, s21;
	s14 =	sor.u32 $0x800, s21;
	s22 =	sor.u32 $0xC00, s21  }
0xf: {  	s6 =	sadd.s32 s15, s21;
	s7 =	sadd.s32 s16, s21;
	s8 =	sadd.s32 s18, s21  }
0x10: {  	s31 =	ssub.s32 s23, s26;
	s23 =	simm.s32 $0x1;
	s26 =	simm.s32 $0x14000  }
0x11: {  	s25 =	sadd.s32 $0x8000, s5;
	s3 =	sadd.s32 s19, s11;
	s4 =	sadd.s32 s19, s14  }
0x12: {  	s5 =	sadd.s32 s19, s22;
	s9 =	sadd.s32 s15, s11;
	s10 =	sadd.s32 s16, s11  }
0x13: {  	s11 =	sadd.s32 s18, s11;
	s12 =	sadd.s32 s15, s14;
	s13 =	sadd.s32 s16, s14  }
0x14: {  	s14 =	sadd.s32 s18, s14;
	s15 =	sadd.s32 s15, s22;
	s16 =	sadd.s32 s16, s22  }
0x15: {  	s17 =	sadd.s32 s18, s22;
	s18 =	sadd.s32 $0x15200, s20;
	s19 =	sadd.s32 s19, s21  }
0x16: {  	s20 =	smax.u32 s31, $0x1;
	s21 =	sadd.s32 s28, s24;
	s22 =	simm.s32 $0x16000  }
0x17: {  	v1 =	vlaneseq.u32;
	s24 =	simm.s32 $0x10000;
	s28 =	simm.s32 $0x0;
	v0 =	vmov s25;
	s25 =	simm.s32 $0x12000  }
.LBB2_2:
0x18: {  	s29 =	simm.s32 $0x0;
	s30 =	simm.s32 $0x200  }
.LBB2_3:
0x19: {  	p0 =	sne.s32 s30, $0x3FE00;
	[tilespmem:s29+$0x70] =	vst v0  }
0x1a: {  	[tilespmem:s29+$0x0] =	vst v0  }
0x1b: {  	[tilespmem:s29+$0x10] =	vst v0  }
.Ltmp1:
0x1c: {  	[tilespmem:s29+$0x20] =	vst v0;
	(pc) =	sbr.rel @p0 .LBB2_3-.Ltmp1, $4  }
0x1d: {  	[tilespmem:s29+$0x30] =	vst v0  }
0x1e: {  	[tilespmem:s29+$0x40] =	vst v0  }
0x1f: {  	[tilespmem:s29+$0x50] =	vst v0  }
0x20: {  	[tilespmem:s29+$0x60] =	vst v0;
	s29 =	sshra.s32 s30, $0x2;
	s30 =	sadd.s32 $0x200, s30  }
0x21: {  	[tilespmem:s29+$0x70] =	vst v0  }
0x22: {  	[tilespmem:s29+$0x0] =	vst v0  }
0x23: {  	[tilespmem:s29+$0x10] =	vst v0  }
0x24: {  	[tilespmem:s29+$0x20] =	vst v0  }
0x25: {  	[tilespmem:s29+$0x30] =	vst v0  }
0x26: {  	[tilespmem:s29+$0x40] =	vst v0  }
0x27: {  	[tilespmem:s29+$0x50] =	vst v0  }
0x28: {  	[tilespmem:s29+$0x60] =	vst v0;
	s29 =	simm.s32 $0x0  }
0x29: {  	[tilespmem:s22], [sflag:$0x1] =	stream.linear.gather [hbm4b:s19+s29], $0x2000, $0x38;
	[tilespmem:$0x18000] =	vst v63  }
0x2a: {  	_ =	swait.ge [sflag:s23], $0x2000  }
0x2b: {  	[sflag:s23] =	ssyncset.done $0x0  }
0x2c: {  	s30 =	simm.s32 $0x16040;
	[sflag:s23] =	ssyncadd.s32 $0xFFFFE000  }
.LBB2_5:
0x2d: {  	v2 =	vld [tilespmem:s30+$0xFFFFFFC0];
	_ =	sdelay $0x5  }
0x2e: {  	s31 =	sadd.s32 s29, s21  }
0x2f: {  	v3 =	vadd.s32 s31, v1  }
0x30: {  	[tilespmem:v2+s2+$0x0] =	vst.idx.msk $0xffff, v3  }
0x31: {  	v2 =	vld [tilespmem:s30+$0xFFFFFFD0];
	_ =	sdelay $0x5  }
0x32: {  	s0 =	sadd.s32 $0x10, s31  }
0x33: {  	v3 =	vadd.s32 s0, v1  }
0x34: {  	[tilespmem:v2+s2+$0x0] =	vst.idx.msk $0xffff, v3  }
0x35: {  	v2 =	vld [tilespmem:s30+$0xFFFFFFE0];
	_ =	sdelay $0x5  }
0x36: {  	s0 =	sadd.s32 $0x20, s31  }
0x37: {  	v3 =	vadd.s32 s0, v1  }
0x38: {  	[tilespmem:v2+s2+$0x0] =	vst.idx.msk $0xffff, v3  }
0x39: {  	v2 =	vld [tilespmem:s30+$0xFFFFFFF0];
	_ =	sdelay $0x5  }
0x3a: {  	s0 =	sadd.s32 $0x30, s31  }
0x3b: {  	v3 =	vadd.s32 s0, v1  }
0x3c: {  	[tilespmem:v2+s2+$0x0] =	vst.idx.msk $0xffff, v3  }
0x3d: {  	v2 =	vld [tilespmem:s30+$0x0];
	_ =	sdelay $0x5  }
0x3e: {  	s0 =	sadd.s32 $0x40, s31  }
0x3f: {  	v3 =	vadd.s32 s0, v1  }
0x40: {  	[tilespmem:v2+s2+$0x0] =	vst.idx.msk $0xffff, v3  }
0x41: {  	v2 =	vld [tilespmem:s30+$0x10];
	_ =	sdelay $0x5  }
0x42: {  	s0 =	sadd.s32 $0x50, s31  }
0x43: {  	v3 =	vadd.s32 s0, v1  }
0x44: {  	[tilespmem:v2+s2+$0x0] =	vst.idx.msk $0xffff, v3  }
0x45: {  	v2 =	vld [tilespmem:s30+$0x20];
	_ =	sdelay $0x5  }
0x46: {  	s0 =	sadd.s32 $0x60, s31  }
0x47: {  	v3 =	vadd.s32 s0, v1  }
0x48: {  	[tilespmem:v2+s2+$0x0] =	vst.idx.msk $0xffff, v3  }
0x49: {  	v2 =	vld [tilespmem:s30+$0x30];
	_ =	sdelay $0x2  }
0x4a: {  	p0 =	sne.s32 s29, $0x1F80  }
.Ltmp2:
0x4b: {  	_ = 	snop;
	(pc) =	sbr.rel @p0 .LBB2_5-.Ltmp2, $4  }
0x4c: {  	_ = 	snop  }
0x4d: {  	s31 =	sadd.s32 $0x70, s31  }
0x4e: {  	v3 =	vadd.s32 s31, v1  }
0x4f: {  	s29 =	sadd.s32 $0x80, s29;
	s30 =	sadd.s32 $0x80, s30;
	[tilespmem:v2+s2+$0x0] =	vst.idx.msk $0xffff, v3  }
0x50: {  	s29 =	simm.s32 $0x0  }
0x51: {  	[tilespmem:s22], [sflag:$0x1] =	stream.linear.gather [hbm4b:s3+s29], $0x2000, $0x38;
	[tilespmem:$0x18000] =	vst v63  }
0x52: {  	_ =	swait.ge [sflag:s23], $0x2000  }
0x53: {  	[sflag:s23] =	ssyncset.done $0x0  }
0x54: {  	s30 =	simm.s32 $0x16040;
	[sflag:s23] =	ssyncadd.s32 $0xFFFFE000  }
.LBB2_7:
0x55: {  	v2 =	vld [tilespmem:s30+$0xFFFFFFC0];
	_ =	sdelay $0x4  }
0x56: {  	s0 =	sadd.s32 s29, s21  }
0x57: {  	s31 =	sadd.s32 $0x2000, s0  }
0x58: {  	v3 =	vadd.s32 s31, v1  }
0x59: {  	[tilespmem:v2+s2+$0x0] =	vst.idx.msk $0xffff, v3  }
0x5a: {  	v2 =	vld [tilespmem:s30+$0xFFFFFFD0];
	_ =	sdelay $0x5  }
0x5b: {  	s31 =	sadd.s32 $0x2010, s0  }
0x5c: {  	v3 =	vadd.s32 s31, v1  }
0x5d: {  	[tilespmem:v2+s2+$0x0] =	vst.idx.msk $0xffff, v3  }
0x5e: {  	v2 =	vld [tilespmem:s30+$0xFFFFFFE0];
	_ =	sdelay $0x5  }
0x5f: {  	s31 =	sadd.s32 $0x2020, s0  }
0x60: {  	v3 =	vadd.s32 s31, v1  }
0x61: {  	[tilespmem:v2+s2+$0x0] =	vst.idx.msk $0xffff, v3  }
0x62: {  	v2 =	vld [tilespmem:s30+$0xFFFFFFF0];
	_ =	sdelay $0x5  }
0x63: {  	s31 =	sadd.s32 $0x2030, s0  }
0x64: {  	v3 =	vadd.s32 s31, v1  }
0x65: {  	[tilespmem:v2+s2+$0x0] =	vst.idx.msk $0xffff, v3  }
0x66: {  	v2 =	vld [tilespmem:s30+$0x0];
	_ =	sdelay $0x5  }
0x67: {  	s31 =	sadd.s32 $0x2040, s0  }
0x68: {  	v3 =	vadd.s32 s31, v1  }
0x69: {  	[tilespmem:v2+s2+$0x0] =	vst.idx.msk $0xffff, v3  }
0x6a: {  	v2 =	vld [tilespmem:s30+$0x10];
	_ =	sdelay $0x5  }
0x6b: {  	s31 =	sadd.s32 $0x2050, s0  }
0x6c: {  	v3 =	vadd.s32 s31, v1  }
0x6d: {  	[tilespmem:v2+s2+$0x0] =	vst.idx.msk $0xffff, v3  }
0x6e: {  	v2 =	vld [tilespmem:s30+$0x20];
	_ =	sdelay $0x5  }
0x6f: {  	s31 =	sadd.s32 $0x2060, s0  }
0x70: {  	v3 =	vadd.s32 s31, v1  }
0x71: {  	[tilespmem:v2+s2+$0x0] =	vst.idx.msk $0xffff, v3  }
0x72: {  	v2 =	vld [tilespmem:s30+$0x30];
	_ =	sdelay $0x2  }
0x73: {  	p0 =	sne.s32 s29, $0x1F80  }
.Ltmp3:
0x74: {  	_ = 	snop;
	(pc) =	sbr.rel @p0 .LBB2_7-.Ltmp3, $4  }
0x75: {  	_ = 	snop  }
0x76: {  	s0 =	sadd.s32 $0x2070, s0  }
0x77: {  	v3 =	vadd.s32 s0, v1  }
0x78: {  	s29 =	sadd.s32 $0x80, s29;
	s30 =	sadd.s32 $0x80, s30;
	[tilespmem:v2+s2+$0x0] =	vst.idx.msk $0xffff, v3  }
0x79: {  	s29 =	simm.s32 $0x0  }
0x7a: {  	[tilespmem:s22], [sflag:$0x1] =	stream.linear.gather [hbm4b:s4+s29], $0x2000, $0x38;
	[tilespmem:$0x18000] =	vst v63  }
0x7b: {  	_ =	swait.ge [sflag:s23], $0x2000  }
0x7c: {  	[sflag:s23] =	ssyncset.done $0x0  }
0x7d: {  	s30 =	simm.s32 $0x16040;
	[sflag:s23] =	ssyncadd.s32 $0xFFFFE000  }
.LBB2_9:
0x7e: {  	v2 =	vld [tilespmem:s30+$0xFFFFFFC0];
	_ =	sdelay $0x4  }
0x7f: {  	s0 =	sadd.s32 s29, s21  }
0x80: {  	s31 =	sadd.s32 $0x4000, s0  }
0x81: {  	v3 =	vadd.s32 s31, v1  }
0x82: {  	[tilespmem:v2+s2+$0x0] =	vst.idx.msk $0xffff, v3  }
0x83: {  	v2 =	vld [tilespmem:s30+$0xFFFFFFD0];
	_ =	sdelay $0x5  }
0x84: {  	s31 =	sadd.s32 $0x4010, s0  }
0x85: {  	v3 =	vadd.s32 s31, v1  }
0x86: {  	[tilespmem:v2+s2+$0x0] =	vst.idx.msk $0xffff, v3  }
0x87: {  	v2 =	vld [tilespmem:s30+$0xFFFFFFE0];
	_ =	sdelay $0x5  }
0x88: {  	s31 =	sadd.s32 $0x4020, s0  }
0x89: {  	v3 =	vadd.s32 s31, v1  }
0x8a: {  	[tilespmem:v2+s2+$0x0] =	vst.idx.msk $0xffff, v3  }
0x8b: {  	v2 =	vld [tilespmem:s30+$0xFFFFFFF0];
	_ =	sdelay $0x5  }
0x8c: {  	s31 =	sadd.s32 $0x4030, s0  }
0x8d: {  	v3 =	vadd.s32 s31, v1  }
0x8e: {  	[tilespmem:v2+s2+$0x0] =	vst.idx.msk $0xffff, v3  }
0x8f: {  	v2 =	vld [tilespmem:s30+$0x0];
	_ =	sdelay $0x5  }
0x90: {  	s31 =	sadd.s32 $0x4040, s0  }
0x91: {  	v3 =	vadd.s32 s31, v1  }
0x92: {  	[tilespmem:v2+s2+$0x0] =	vst.idx.msk $0xffff, v3  }
0x93: {  	v2 =	vld [tilespmem:s30+$0x10];
	_ =	sdelay $0x5  }
0x94: {  	s31 =	sadd.s32 $0x4050, s0  }
0x95: {  	v3 =	vadd.s32 s31, v1  }
0x96: {  	[tilespmem:v2+s2+$0x0] =	vst.idx.msk $0xffff, v3  }
0x97: {  	v2 =	vld [tilespmem:s30+$0x20];
	_ =	sdelay $0x5  }
0x98: {  	s31 =	sadd.s32 $0x4060, s0  }
0x99: {  	v3 =	vadd.s32 s31, v1  }
0x9a: {  	[tilespmem:v2+s2+$0x0] =	vst.idx.msk $0xffff, v3  }
0x9b: {  	v2 =	vld [tilespmem:s30+$0x30];
	_ =	sdelay $0x2  }
0x9c: {  	p0 =	sne.s32 s29, $0x1F80  }
.Ltmp4:
0x9d: {  	_ = 	snop;
	(pc) =	sbr.rel @p0 .LBB2_9-.Ltmp4, $4  }
0x9e: {  	_ = 	snop  }
0x9f: {  	s0 =	sadd.s32 $0x4070, s0  }
0xa0: {  	v3 =	vadd.s32 s0, v1  }
0xa1: {  	s29 =	sadd.s32 $0x80, s29;
	s30 =	sadd.s32 $0x80, s30;
	[tilespmem:v2+s2+$0x0] =	vst.idx.msk $0xffff, v3  }
0xa2: {  	s29 =	simm.s32 $0x0  }
0xa3: {  	[tilespmem:s22], [sflag:$0x1] =	stream.linear.gather [hbm4b:s5+s29], $0x2000, $0x38;
	[tilespmem:$0x18000] =	vst v63  }
0xa4: {  	_ =	swait.ge [sflag:s23], $0x2000  }
0xa5: {  	[sflag:s23] =	ssyncset.done $0x0  }
0xa6: {  	s30 =	simm.s32 $0x16040;
	[sflag:s23] =	ssyncadd.s32 $0xFFFFE000  }
.LBB2_11:
0xa7: {  	v2 =	vld [tilespmem:s30+$0xFFFFFFC0];
	_ =	sdelay $0x4  }
0xa8: {  	s0 =	sadd.s32 s29, s21  }
0xa9: {  	s31 =	sadd.s32 $0x6000, s0  }
0xaa: {  	v3 =	vadd.s32 s31, v1  }
0xab: {  	[tilespmem:v2+s2+$0x0] =	vst.idx.msk $0xffff, v3  }
0xac: {  	v2 =	vld [tilespmem:s30+$0xFFFFFFD0];
	_ =	sdelay $0x5  }
0xad: {  	s31 =	sadd.s32 $0x6010, s0  }
0xae: {  	v3 =	vadd.s32 s31, v1  }
0xaf: {  	[tilespmem:v2+s2+$0x0] =	vst.idx.msk $0xffff, v3  }
0xb0: {  	v2 =	vld [tilespmem:s30+$0xFFFFFFE0];
	_ =	sdelay $0x5  }
0xb1: {  	s31 =	sadd.s32 $0x6020, s0  }
0xb2: {  	v3 =	vadd.s32 s31, v1  }
0xb3: {  	[tilespmem:v2+s2+$0x0] =	vst.idx.msk $0xffff, v3  }
0xb4: {  	v2 =	vld [tilespmem:s30+$0xFFFFFFF0];
	_ =	sdelay $0x5  }
0xb5: {  	s31 =	sadd.s32 $0x6030, s0  }
0xb6: {  	v3 =	vadd.s32 s31, v1  }
0xb7: {  	[tilespmem:v2+s2+$0x0] =	vst.idx.msk $0xffff, v3  }
0xb8: {  	v2 =	vld [tilespmem:s30+$0x0];
	_ =	sdelay $0x5  }
0xb9: {  	s31 =	sadd.s32 $0x6040, s0  }
0xba: {  	v3 =	vadd.s32 s31, v1  }
0xbb: {  	[tilespmem:v2+s2+$0x0] =	vst.idx.msk $0xffff, v3  }
0xbc: {  	v2 =	vld [tilespmem:s30+$0x10];
	_ =	sdelay $0x5  }
0xbd: {  	s31 =	sadd.s32 $0x6050, s0  }
0xbe: {  	v3 =	vadd.s32 s31, v1  }
0xbf: {  	[tilespmem:v2+s2+$0x0] =	vst.idx.msk $0xffff, v3  }
0xc0: {  	v2 =	vld [tilespmem:s30+$0x20];
	_ =	sdelay $0x5  }
0xc1: {  	s31 =	sadd.s32 $0x6060, s0  }
0xc2: {  	v3 =	vadd.s32 s31, v1  }
0xc3: {  	[tilespmem:v2+s2+$0x0] =	vst.idx.msk $0xffff, v3  }
0xc4: {  	v2 =	vld [tilespmem:s30+$0x30];
	_ =	sdelay $0x2  }
0xc5: {  	p0 =	sne.s32 s29, $0x1F80  }
.Ltmp5:
0xc6: {  	_ = 	snop;
	(pc) =	sbr.rel @p0 .LBB2_11-.Ltmp5, $4  }
0xc7: {  	_ = 	snop  }
0xc8: {  	s0 =	sadd.s32 $0x6070, s0  }
0xc9: {  	v3 =	vadd.s32 s0, v1  }
0xca: {  	s29 =	sadd.s32 $0x80, s29;
	s30 =	sadd.s32 $0x80, s30;
	[tilespmem:v2+s2+$0x0] =	vst.idx.msk $0xffff, v3  }
0xcb: {  	s29 =	simm.s32 $0x0  }
0xcc: {  	[tilespmem:s24], [sflag:$0x1] =	stream.linear.gather [hbm4b:s6+s29], $0x2000, $0x38;
	[tilespmem:$0x18000] =	vst v63  }
0xcd: {  	_ =	swait.ge [sflag:s23], $0x2000  }
0xce: {  	[sflag:s23] =	ssyncset.done $0x0  }
0xcf: {  	[sflag:s23] =	ssyncadd.s32 $0xFFFFE000  }
0xd0: {  	[tilespmem:s25], [sflag:$0x1] =	stream.linear.gather [hbm4b:s7+s29], $0x2000, $0x38;
	[tilespmem:$0x18000] =	vst v63  }
0xd1: {  	_ =	swait.ge [sflag:s23], $0x2000  }
0xd2: {  	[sflag:s23] =	ssyncset.done $0x0  }
0xd3: {  	[sflag:s23] =	ssyncadd.s32 $0xFFFFE000  }
0xd4: {  	[tilespmem:s26], [sflag:$0x1] =	stream.linear.gather [hbm4b:s8+s29], $0x2000, $0x38;
	[tilespmem:$0x18000] =	vst v63  }
0xd5: {  	_ =	swait.ge [sflag:s23], $0x2000  }
0xd6: {  	[sflag:s23] =	ssyncset.done $0x0  }
0xd7: {  	[sflag:s23] =	ssyncadd.s32 $0xFFFFE000  }
.LBB2_13:
0xd8: {  	s0 =	sshra.s32 s29, $0x2  }
0xd9: {  	v2 =	vld [tilespmem:s0+$0x10000];
	_ =	sdelay $0x3  }
0xda: {  	v3 =	vld [tilespmem:s0+$0x14000];
	_ =	sdelay $0x2  }
0xdb: {  	v4 =	vld [tilespmem:s0+$0x12000]  }
0xdc: {  	v2 =	vld.idx.msk [tilespmem:v2+s2+$0x0], $0xffff  }
0xdd: {  	vm0 =	vlt.s32 v3, $0x100;
	_ =	sdelay $0x3  }
0xde: {  	v2 =	vperm.xlane v2, v3;
	_ =	sdelay $0x1  }
0xdf: {  	[tilespmem:v4+s2+$0x0] =	vst.idx.msk vm0, v2  }
0xe0: {  	v2 =	vld [tilespmem:s0+$0x10010];
	_ =	sdelay $0x3  }
0xe1: {  	v3 =	vld [tilespmem:s0+$0x14010];
	_ =	sdelay $0x2  }
0xe2: {  	v4 =	vld [tilespmem:s0+$0x12010]  }
0xe3: {  	v2 =	vld.idx.msk [tilespmem:v2+s2+$0x0], $0xffff  }
0xe4: {  	vm9 =	vlt.s32 v3, $0x100;
	_ =	sdelay $0x3  }
0xe5: {  	v2 =	vperm.xlane v2, v3;
	_ =	sdelay $0x1  }
0xe6: {  	[tilespmem:v4+s2+$0x0] =	vst.idx.msk vm9, v2  }
0xe7: {  	v2 =	vld [tilespmem:s0+$0x10020];
	_ =	sdelay $0x3  }
0xe8: {  	v3 =	vld [tilespmem:s0+$0x14020];
	_ =	sdelay $0x2  }
0xe9: {  	v4 =	vld [tilespmem:s0+$0x12020]  }
0xea: {  	v2 =	vld.idx.msk [tilespmem:v2+s2+$0x0], $0xffff  }
0xeb: {  	vm10 =	vlt.s32 v3, $0x100;
	_ =	sdelay $0x3  }
0xec: {  	v2 =	vperm.xlane v2, v3;
	_ =	sdelay $0x1  }
0xed: {  	[tilespmem:v4+s2+$0x0] =	vst.idx.msk vm10, v2  }
0xee: {  	v2 =	vld [tilespmem:s0+$0x10030];
	_ =	sdelay $0x3  }
0xef: {  	v3 =	vld [tilespmem:s0+$0x14030];
	_ =	sdelay $0x2  }
0xf0: {  	v4 =	vld [tilespmem:s0+$0x12030]  }
0xf1: {  	v2 =	vld.idx.msk [tilespmem:v2+s2+$0x0], $0xffff  }
0xf2: {  	vm11 =	vlt.s32 v3, $0x100;
	_ =	sdelay $0x3  }
0xf3: {  	v2 =	vperm.xlane v2, v3;
	_ =	sdelay $0x1  }
0xf4: {  	[tilespmem:v4+s2+$0x0] =	vst.idx.msk vm11, v2  }
0xf5: {  	v2 =	vld [tilespmem:s0+$0x10040];
	_ =	sdelay $0x3  }
0xf6: {  	v3 =	vld [tilespmem:s0+$0x14040];
	_ =	sdelay $0x2  }
0xf7: {  	v4 =	vld [tilespmem:s0+$0x12040]  }
0xf8: {  	v2 =	vld.idx.msk [tilespmem:v2+s2+$0x0], $0xffff  }
0xf9: {  	vm12 =	vlt.s32 v3, $0x100;
	_ =	sdelay $0x3  }
0xfa: {  	v2 =	vperm.xlane v2, v3;
	_ =	sdelay $0x1  }
0xfb: {  	[tilespmem:v4+s2+$0x0] =	vst.idx.msk vm12, v2  }
0xfc: {  	v2 =	vld [tilespmem:s0+$0x10050];
	_ =	sdelay $0x3  }
0xfd: {  	v3 =	vld [tilespmem:s0+$0x14050];
	_ =	sdelay $0x2  }
0xfe: {  	v4 =	vld [tilespmem:s0+$0x12050]  }
0xff: {  	v2 =	vld.idx.msk [tilespmem:v2+s2+$0x0], $0xffff  }
0x100: {  	vm13 =	vlt.s32 v3, $0x100;
	_ =	sdelay $0x3  }
0x101: {  	v2 =	vperm.xlane v2, v3;
	_ =	sdelay $0x1  }
0x102: {  	[tilespmem:v4+s2+$0x0] =	vst.idx.msk vm13, v2  }
0x103: {  	v2 =	vld [tilespmem:s0+$0x10060];
	_ =	sdelay $0x3  }
0x104: {  	v3 =	vld [tilespmem:s0+$0x14060];
	_ =	sdelay $0x2  }
0x105: {  	v4 =	vld [tilespmem:s0+$0x12060]  }
0x106: {  	v2 =	vld.idx.msk [tilespmem:v2+s2+$0x0], $0xffff  }
0x107: {  	vm14 =	vlt.s32 v3, $0x100;
	_ =	sdelay $0x3  }
0x108: {  	v2 =	vperm.xlane v2, v3;
	_ =	sdelay $0x1  }
0x109: {  	[tilespmem:v4+s2+$0x0] =	vst.idx.msk vm14, v2  }
0x10a: {  	v2 =	vld [tilespmem:s0+$0x10070];
	_ =	sdelay $0x3  }
0x10b: {  	v3 =	vld [tilespmem:s0+$0x14070];
	_ =	sdelay $0x2  }
0x10c: {  	v4 =	vld [tilespmem:s0+$0x12070]  }
0x10d: {  	v2 =	vld.idx.msk [tilespmem:v2+s2+$0x0], $0xffff  }
0x10e: {  	vm15 =	vlt.s32 v3, $0x100  }
0x10f: {  	p0 =	sne.s32 s29, $0x7E00  }
.Ltmp6:
0x110: {  	_ = 	snop;
	(pc) =	sbr.rel @p0 .LBB2_13-.Ltmp6, $3  }
0x111: {  	_ = 	snop  }
0x112: {  	v2 =	vperm.xlane v2, v3;
	_ =	sdelay $0x1  }
0x113: {  	s29 =	sadd.s32 $0x200, s29;
	[tilespmem:v4+s2+$0x0] =	vst.idx.msk vm15, v2  }
0x114: {  	s29 =	simm.s32 $0x0  }
0x115: {  	[tilespmem:s24], [sflag:$0x1] =	stream.linear.gather [hbm4b:s9+s29], $0x2000, $0x38;
	[tilespmem:$0x18000] =	vst v63  }
0x116: {  	_ =	swait.ge [sflag:s23], $0x2000  }
0x117: {  	[sflag:s23] =	ssyncset.done $0x0  }
0x118: {  	[sflag:s23] =	ssyncadd.s32 $0xFFFFE000  }
0x119: {  	[tilespmem:s25], [sflag:$0x1] =	stream.linear.gather [hbm4b:s10+s29], $0x2000, $0x38;
	[tilespmem:$0x18000] =	vst v63  }
0x11a: {  	_ =	swait.ge [sflag:s23], $0x2000  }
0x11b: {  	[sflag:s23] =	ssyncset.done $0x0  }
0x11c: {  	[sflag:s23] =	ssyncadd.s32 $0xFFFFE000  }
0x11d: {  	[tilespmem:s26], [sflag:$0x1] =	stream.linear.gather [hbm4b:s11+s29], $0x2000, $0x38;
	[tilespmem:$0x18000] =	vst v63  }
0x11e: {  	_ =	swait.ge [sflag:s23], $0x2000  }
0x11f: {  	[sflag:s23] =	ssyncset.done $0x0  }
0x120: {  	[sflag:s23] =	ssyncadd.s32 $0xFFFFE000  }
.LBB2_15:
0x121: {  	s0 =	sshra.s32 s29, $0x2  }
0x122: {  	v2 =	vld [tilespmem:s0+$0x10000];
	_ =	sdelay $0x3  }
0x123: {  	v3 =	vld [tilespmem:s0+$0x14000];
	_ =	sdelay $0x2  }
0x124: {  	v4 =	vld [tilespmem:s0+$0x12000]  }
0x125: {  	v2 =	vld.idx.msk [tilespmem:v2+s2+$0x0], $0xffff  }
0x126: {  	vm0 =	vlt.s32 v3, $0x100;
	_ =	sdelay $0x3  }
0x127: {  	v2 =	vperm.xlane v2, v3;
	_ =	sdelay $0x1  }
0x128: {  	[tilespmem:v4+s2+$0x0] =	vst.idx.msk vm0, v2  }
0x129: {  	v2 =	vld [tilespmem:s0+$0x10010];
	_ =	sdelay $0x3  }
0x12a: {  	v3 =	vld [tilespmem:s0+$0x14010];
	_ =	sdelay $0x2  }
0x12b: {  	v4 =	vld [tilespmem:s0+$0x12010]  }
0x12c: {  	v2 =	vld.idx.msk [tilespmem:v2+s2+$0x0], $0xffff  }
0x12d: {  	vm9 =	vlt.s32 v3, $0x100;
	_ =	sdelay $0x3  }
0x12e: {  	v2 =	vperm.xlane v2, v3;
	_ =	sdelay $0x1  }
0x12f: {  	[tilespmem:v4+s2+$0x0] =	vst.idx.msk vm9, v2  }
0x130: {  	v2 =	vld [tilespmem:s0+$0x10020];
	_ =	sdelay $0x3  }
0x131: {  	v3 =	vld [tilespmem:s0+$0x14020];
	_ =	sdelay $0x2  }
0x132: {  	v4 =	vld [tilespmem:s0+$0x12020]  }
0x133: {  	v2 =	vld.idx.msk [tilespmem:v2+s2+$0x0], $0xffff  }
0x134: {  	vm10 =	vlt.s32 v3, $0x100;
	_ =	sdelay $0x3  }
0x135: {  	v2 =	vperm.xlane v2, v3;
	_ =	sdelay $0x1  }
0x136: {  	[tilespmem:v4+s2+$0x0] =	vst.idx.msk vm10, v2  }
0x137: {  	v2 =	vld [tilespmem:s0+$0x10030];
	_ =	sdelay $0x3  }
0x138: {  	v3 =	vld [tilespmem:s0+$0x14030];
	_ =	sdelay $0x2  }
0x139: {  	v4 =	vld [tilespmem:s0+$0x12030]  }
0x13a: {  	v2 =	vld.idx.msk [tilespmem:v2+s2+$0x0], $0xffff  }
0x13b: {  	vm11 =	vlt.s32 v3, $0x100;
	_ =	sdelay $0x3  }
0x13c: {  	v2 =	vperm.xlane v2, v3;
	_ =	sdelay $0x1  }
0x13d: {  	[tilespmem:v4+s2+$0x0] =	vst.idx.msk vm11, v2  }
0x13e: {  	v2 =	vld [tilespmem:s0+$0x10040];
	_ =	sdelay $0x3  }
0x13f: {  	v3 =	vld [tilespmem:s0+$0x14040];
	_ =	sdelay $0x2  }
0x140: {  	v4 =	vld [tilespmem:s0+$0x12040]  }
0x141: {  	v2 =	vld.idx.msk [tilespmem:v2+s2+$0x0], $0xffff  }
0x142: {  	vm12 =	vlt.s32 v3, $0x100;
	_ =	sdelay $0x3  }
0x143: {  	v2 =	vperm.xlane v2, v3;
	_ =	sdelay $0x1  }
0x144: {  	[tilespmem:v4+s2+$0x0] =	vst.idx.msk vm12, v2  }
0x145: {  	v2 =	vld [tilespmem:s0+$0x10050];
	_ =	sdelay $0x3  }
0x146: {  	v3 =	vld [tilespmem:s0+$0x14050];
	_ =	sdelay $0x2  }
0x147: {  	v4 =	vld [tilespmem:s0+$0x12050]  }
0x148: {  	v2 =	vld.idx.msk [tilespmem:v2+s2+$0x0], $0xffff  }
0x149: {  	vm13 =	vlt.s32 v3, $0x100;
	_ =	sdelay $0x3  }
0x14a: {  	v2 =	vperm.xlane v2, v3;
	_ =	sdelay $0x1  }
0x14b: {  	[tilespmem:v4+s2+$0x0] =	vst.idx.msk vm13, v2  }
0x14c: {  	v2 =	vld [tilespmem:s0+$0x10060];
	_ =	sdelay $0x3  }
0x14d: {  	v3 =	vld [tilespmem:s0+$0x14060];
	_ =	sdelay $0x2  }
0x14e: {  	v4 =	vld [tilespmem:s0+$0x12060]  }
0x14f: {  	v2 =	vld.idx.msk [tilespmem:v2+s2+$0x0], $0xffff  }
0x150: {  	vm14 =	vlt.s32 v3, $0x100;
	_ =	sdelay $0x3  }
0x151: {  	v2 =	vperm.xlane v2, v3;
	_ =	sdelay $0x1  }
0x152: {  	[tilespmem:v4+s2+$0x0] =	vst.idx.msk vm14, v2  }
0x153: {  	v2 =	vld [tilespmem:s0+$0x10070];
	_ =	sdelay $0x3  }
0x154: {  	v3 =	vld [tilespmem:s0+$0x14070];
	_ =	sdelay $0x2  }
0x155: {  	v4 =	vld [tilespmem:s0+$0x12070]  }
0x156: {  	v2 =	vld.idx.msk [tilespmem:v2+s2+$0x0], $0xffff  }
0x157: {  	vm15 =	vlt.s32 v3, $0x100  }
0x158: {  	p0 =	sne.s32 s29, $0x7E00  }
.Ltmp7:
0x159: {  	_ = 	snop;
	(pc) =	sbr.rel @p0 .LBB2_15-.Ltmp7, $3  }
0x15a: {  	_ = 	snop  }
0x15b: {  	v2 =	vperm.xlane v2, v3;
	_ =	sdelay $0x1  }
0x15c: {  	s29 =	sadd.s32 $0x200, s29;
	[tilespmem:v4+s2+$0x0] =	vst.idx.msk vm15, v2  }
0x15d: {  	s29 =	simm.s32 $0x0  }
0x15e: {  	[tilespmem:s24], [sflag:$0x1] =	stream.linear.gather [hbm4b:s12+s29], $0x2000, $0x38;
	[tilespmem:$0x18000] =	vst v63  }
0x15f: {  	_ =	swait.ge [sflag:s23], $0x2000  }
0x160: {  	[sflag:s23] =	ssyncset.done $0x0  }
0x161: {  	[sflag:s23] =	ssyncadd.s32 $0xFFFFE000  }
0x162: {  	[tilespmem:s25], [sflag:$0x1] =	stream.linear.gather [hbm4b:s13+s29], $0x2000, $0x38;
	[tilespmem:$0x18000] =	vst v63  }
0x163: {  	_ =	swait.ge [sflag:s23], $0x2000  }
0x164: {  	[sflag:s23] =	ssyncset.done $0x0  }
0x165: {  	[sflag:s23] =	ssyncadd.s32 $0xFFFFE000  }
0x166: {  	[tilespmem:s26], [sflag:$0x1] =	stream.linear.gather [hbm4b:s14+s29], $0x2000, $0x38;
	[tilespmem:$0x18000] =	vst v63  }
0x167: {  	_ =	swait.ge [sflag:s23], $0x2000  }
0x168: {  	[sflag:s23] =	ssyncset.done $0x0  }
0x169: {  	[sflag:s23] =	ssyncadd.s32 $0xFFFFE000  }
.LBB2_17:
0x16a: {  	s0 =	sshra.s32 s29, $0x2  }
0x16b: {  	v2 =	vld [tilespmem:s0+$0x10000];
	_ =	sdelay $0x3  }
0x16c: {  	v3 =	vld [tilespmem:s0+$0x14000];
	_ =	sdelay $0x2  }
0x16d: {  	v4 =	vld [tilespmem:s0+$0x12000]  }
0x16e: {  	v2 =	vld.idx.msk [tilespmem:v2+s2+$0x0], $0xffff  }
0x16f: {  	vm0 =	vlt.s32 v3, $0x100;
	_ =	sdelay $0x3  }
0x170: {  	v2 =	vperm.xlane v2, v3;
	_ =	sdelay $0x1  }
0x171: {  	[tilespmem:v4+s2+$0x0] =	vst.idx.msk vm0, v2  }
0x172: {  	v2 =	vld [tilespmem:s0+$0x10010];
	_ =	sdelay $0x3  }
0x173: {  	v3 =	vld [tilespmem:s0+$0x14010];
	_ =	sdelay $0x2  }
0x174: {  	v4 =	vld [tilespmem:s0+$0x12010]  }
0x175: {  	v2 =	vld.idx.msk [tilespmem:v2+s2+$0x0], $0xffff  }
0x176: {  	vm9 =	vlt.s32 v3, $0x100;
	_ =	sdelay $0x3  }
0x177: {  	v2 =	vperm.xlane v2, v3;
	_ =	sdelay $0x1  }
0x178: {  	[tilespmem:v4+s2+$0x0] =	vst.idx.msk vm9, v2  }
0x179: {  	v2 =	vld [tilespmem:s0+$0x10020];
	_ =	sdelay $0x3  }
0x17a: {  	v3 =	vld [tilespmem:s0+$0x14020];
	_ =	sdelay $0x2  }
0x17b: {  	v4 =	vld [tilespmem:s0+$0x12020]  }
0x17c: {  	v2 =	vld.idx.msk [tilespmem:v2+s2+$0x0], $0xffff  }
0x17d: {  	vm10 =	vlt.s32 v3, $0x100;
	_ =	sdelay $0x3  }
0x17e: {  	v2 =	vperm.xlane v2, v3;
	_ =	sdelay $0x1  }
0x17f: {  	[tilespmem:v4+s2+$0x0] =	vst.idx.msk vm10, v2  }
0x180: {  	v2 =	vld [tilespmem:s0+$0x10030];
	_ =	sdelay $0x3  }
0x181: {  	v3 =	vld [tilespmem:s0+$0x14030];
	_ =	sdelay $0x2  }
0x182: {  	v4 =	vld [tilespmem:s0+$0x12030]  }
0x183: {  	v2 =	vld.idx.msk [tilespmem:v2+s2+$0x0], $0xffff  }
0x184: {  	vm11 =	vlt.s32 v3, $0x100;
	_ =	sdelay $0x3  }
0x185: {  	v2 =	vperm.xlane v2, v3;
	_ =	sdelay $0x1  }
0x186: {  	[tilespmem:v4+s2+$0x0] =	vst.idx.msk vm11, v2  }
0x187: {  	v2 =	vld [tilespmem:s0+$0x10040];
	_ =	sdelay $0x3  }
0x188: {  	v3 =	vld [tilespmem:s0+$0x14040];
	_ =	sdelay $0x2  }
0x189: {  	v4 =	vld [tilespmem:s0+$0x12040]  }
0x18a: {  	v2 =	vld.idx.msk [tilespmem:v2+s2+$0x0], $0xffff  }
0x18b: {  	vm12 =	vlt.s32 v3, $0x100;
	_ =	sdelay $0x3  }
0x18c: {  	v2 =	vperm.xlane v2, v3;
	_ =	sdelay $0x1  }
0x18d: {  	[tilespmem:v4+s2+$0x0] =	vst.idx.msk vm12, v2  }
0x18e: {  	v2 =	vld [tilespmem:s0+$0x10050];
	_ =	sdelay $0x3  }
0x18f: {  	v3 =	vld [tilespmem:s0+$0x14050];
	_ =	sdelay $0x2  }
0x190: {  	v4 =	vld [tilespmem:s0+$0x12050]  }
0x191: {  	v2 =	vld.idx.msk [tilespmem:v2+s2+$0x0], $0xffff  }
0x192: {  	vm13 =	vlt.s32 v3, $0x100;
	_ =	sdelay $0x3  }
0x193: {  	v2 =	vperm.xlane v2, v3;
	_ =	sdelay $0x1  }
0x194: {  	[tilespmem:v4+s2+$0x0] =	vst.idx.msk vm13, v2  }
0x195: {  	v2 =	vld [tilespmem:s0+$0x10060];
	_ =	sdelay $0x3  }
0x196: {  	v3 =	vld [tilespmem:s0+$0x14060];
	_ =	sdelay $0x2  }
0x197: {  	v4 =	vld [tilespmem:s0+$0x12060]  }
0x198: {  	v2 =	vld.idx.msk [tilespmem:v2+s2+$0x0], $0xffff  }
0x199: {  	vm14 =	vlt.s32 v3, $0x100;
	_ =	sdelay $0x3  }
0x19a: {  	v2 =	vperm.xlane v2, v3;
	_ =	sdelay $0x1  }
0x19b: {  	[tilespmem:v4+s2+$0x0] =	vst.idx.msk vm14, v2  }
0x19c: {  	v2 =	vld [tilespmem:s0+$0x10070];
	_ =	sdelay $0x3  }
0x19d: {  	v3 =	vld [tilespmem:s0+$0x14070];
	_ =	sdelay $0x2  }
0x19e: {  	v4 =	vld [tilespmem:s0+$0x12070]  }
0x19f: {  	v2 =	vld.idx.msk [tilespmem:v2+s2+$0x0], $0xffff  }
0x1a0: {  	vm15 =	vlt.s32 v3, $0x100  }
0x1a1: {  	p0 =	sne.s32 s29, $0x7E00  }
.Ltmp8:
0x1a2: {  	_ = 	snop;
	(pc) =	sbr.rel @p0 .LBB2_17-.Ltmp8, $3  }
0x1a3: {  	_ = 	snop  }
0x1a4: {  	v2 =	vperm.xlane v2, v3;
	_ =	sdelay $0x1  }
0x1a5: {  	s29 =	sadd.s32 $0x200, s29;
	[tilespmem:v4+s2+$0x0] =	vst.idx.msk vm15, v2  }
0x1a6: {  	s29 =	simm.s32 $0x0  }
0x1a7: {  	[tilespmem:s24], [sflag:$0x1] =	stream.linear.gather [hbm4b:s15+s29], $0x2000, $0x38;
	[tilespmem:$0x18000] =	vst v63  }
0x1a8: {  	_ =	swait.ge [sflag:s23], $0x2000  }
0x1a9: {  	[sflag:s23] =	ssyncset.done $0x0  }
0x1aa: {  	[sflag:s23] =	ssyncadd.s32 $0xFFFFE000  }
0x1ab: {  	[tilespmem:s25], [sflag:$0x1] =	stream.linear.gather [hbm4b:s16+s29], $0x2000, $0x38;
	[tilespmem:$0x18000] =	vst v63  }
0x1ac: {  	_ =	swait.ge [sflag:s23], $0x2000  }
0x1ad: {  	[sflag:s23] =	ssyncset.done $0x0  }
0x1ae: {  	[sflag:s23] =	ssyncadd.s32 $0xFFFFE000  }
0x1af: {  	[tilespmem:s26], [sflag:$0x1] =	stream.linear.gather [hbm4b:s17+s29], $0x2000, $0x38;
	[tilespmem:$0x18000] =	vst v63  }
0x1b0: {  	_ =	swait.ge [sflag:s23], $0x2000  }
0x1b1: {  	[sflag:s23] =	ssyncset.done $0x0  }
0x1b2: {  	[sflag:s23] =	ssyncadd.s32 $0xFFFFE000  }
.LBB2_19:
0x1b3: {  	s0 =	sshra.s32 s29, $0x2  }
0x1b4: {  	v2 =	vld [tilespmem:s0+$0x10000];
	_ =	sdelay $0x3  }
0x1b5: {  	v3 =	vld [tilespmem:s0+$0x14000];
	_ =	sdelay $0x2  }
0x1b6: {  	v4 =	vld [tilespmem:s0+$0x12000]  }
0x1b7: {  	v2 =	vld.idx.msk [tilespmem:v2+s2+$0x0], $0xffff  }
0x1b8: {  	vm0 =	vlt.s32 v3, $0x100;
	_ =	sdelay $0x3  }
0x1b9: {  	v2 =	vperm.xlane v2, v3;
	_ =	sdelay $0x1  }
0x1ba: {  	[tilespmem:v4+s2+$0x0] =	vst.idx.msk vm0, v2  }
0x1bb: {  	v2 =	vld [tilespmem:s0+$0x10010];
	_ =	sdelay $0x3  }
0x1bc: {  	v3 =	vld [tilespmem:s0+$0x14010];
	_ =	sdelay $0x2  }
0x1bd: {  	v4 =	vld [tilespmem:s0+$0x12010]  }
0x1be: {  	v2 =	vld.idx.msk [tilespmem:v2+s2+$0x0], $0xffff  }
0x1bf: {  	vm9 =	vlt.s32 v3, $0x100;
	_ =	sdelay $0x3  }
0x1c0: {  	v2 =	vperm.xlane v2, v3;
	_ =	sdelay $0x1  }
0x1c1: {  	[tilespmem:v4+s2+$0x0] =	vst.idx.msk vm9, v2  }
0x1c2: {  	v2 =	vld [tilespmem:s0+$0x10020];
	_ =	sdelay $0x3  }
0x1c3: {  	v3 =	vld [tilespmem:s0+$0x14020];
	_ =	sdelay $0x2  }
0x1c4: {  	v4 =	vld [tilespmem:s0+$0x12020]  }
0x1c5: {  	v2 =	vld.idx.msk [tilespmem:v2+s2+$0x0], $0xffff  }
0x1c6: {  	vm10 =	vlt.s32 v3, $0x100;
	_ =	sdelay $0x3  }
0x1c7: {  	v2 =	vperm.xlane v2, v3;
	_ =	sdelay $0x1  }
0x1c8: {  	[tilespmem:v4+s2+$0x0] =	vst.idx.msk vm10, v2  }
0x1c9: {  	v2 =	vld [tilespmem:s0+$0x10030];
	_ =	sdelay $0x3  }
0x1ca: {  	v3 =	vld [tilespmem:s0+$0x14030];
	_ =	sdelay $0x2  }
0x1cb: {  	v4 =	vld [tilespmem:s0+$0x12030]  }
0x1cc: {  	v2 =	vld.idx.msk [tilespmem:v2+s2+$0x0], $0xffff  }
0x1cd: {  	vm11 =	vlt.s32 v3, $0x100;
	_ =	sdelay $0x3  }
0x1ce: {  	v2 =	vperm.xlane v2, v3;
	_ =	sdelay $0x1  }
0x1cf: {  	[tilespmem:v4+s2+$0x0] =	vst.idx.msk vm11, v2  }
0x1d0: {  	v2 =	vld [tilespmem:s0+$0x10040];
	_ =	sdelay $0x3  }
0x1d1: {  	v3 =	vld [tilespmem:s0+$0x14040];
	_ =	sdelay $0x2  }
0x1d2: {  	v4 =	vld [tilespmem:s0+$0x12040]  }
0x1d3: {  	v2 =	vld.idx.msk [tilespmem:v2+s2+$0x0], $0xffff  }
0x1d4: {  	vm12 =	vlt.s32 v3, $0x100;
	_ =	sdelay $0x3  }
0x1d5: {  	v2 =	vperm.xlane v2, v3;
	_ =	sdelay $0x1  }
0x1d6: {  	[tilespmem:v4+s2+$0x0] =	vst.idx.msk vm12, v2  }
0x1d7: {  	v2 =	vld [tilespmem:s0+$0x10050];
	_ =	sdelay $0x3  }
0x1d8: {  	v3 =	vld [tilespmem:s0+$0x14050];
	_ =	sdelay $0x2  }
0x1d9: {  	v4 =	vld [tilespmem:s0+$0x12050]  }
0x1da: {  	v2 =	vld.idx.msk [tilespmem:v2+s2+$0x0], $0xffff  }
0x1db: {  	vm13 =	vlt.s32 v3, $0x100;
	_ =	sdelay $0x3  }
0x1dc: {  	v2 =	vperm.xlane v2, v3;
	_ =	sdelay $0x1  }
0x1dd: {  	[tilespmem:v4+s2+$0x0] =	vst.idx.msk vm13, v2  }
0x1de: {  	v2 =	vld [tilespmem:s0+$0x10060];
	_ =	sdelay $0x3  }
0x1df: {  	v3 =	vld [tilespmem:s0+$0x14060];
	_ =	sdelay $0x2  }
0x1e0: {  	v4 =	vld [tilespmem:s0+$0x12060]  }
0x1e1: {  	v2 =	vld.idx.msk [tilespmem:v2+s2+$0x0], $0xffff  }
0x1e2: {  	vm14 =	vlt.s32 v3, $0x100;
	_ =	sdelay $0x3  }
0x1e3: {  	v2 =	vperm.xlane v2, v3;
	_ =	sdelay $0x1  }
0x1e4: {  	[tilespmem:v4+s2+$0x0] =	vst.idx.msk vm14, v2  }
0x1e5: {  	v2 =	vld [tilespmem:s0+$0x10070];
	_ =	sdelay $0x3  }
0x1e6: {  	v3 =	vld [tilespmem:s0+$0x14070];
	_ =	sdelay $0x2  }
0x1e7: {  	v4 =	vld [tilespmem:s0+$0x12070]  }
0x1e8: {  	v2 =	vld.idx.msk [tilespmem:v2+s2+$0x0], $0xffff  }
0x1e9: {  	vm15 =	vlt.s32 v3, $0x100  }
0x1ea: {  	p0 =	sne.s32 s29, $0x7E00  }
.Ltmp9:
0x1eb: {  	_ = 	snop;
	(pc) =	sbr.rel @p0 .LBB2_19-.Ltmp9, $3  }
0x1ec: {  	_ = 	snop  }
0x1ed: {  	v2 =	vperm.xlane v2, v3;
	_ =	sdelay $0x1  }
0x1ee: {  	s29 =	sadd.s32 $0x200, s29;
	[tilespmem:v4+s2+$0x0] =	vst.idx.msk vm15, v2  }
0x1ef: {  	s28 =	sadd.s32 $0x1, s28  }
0x1f0: {  	p0 =	sne.s32 s28, s20  }
.Ltmp10:
0x1f1: {  	_ = 	snop;
	(pc) =	sbr.rel @p0 .LBB2_2-.Ltmp10, $4  }
0x1f2: {  	[hbm4b:s18+s2] =	stream.linear.scatter [tilespmem:s2], [sflag:$0x1], $0x10000, $0x38;
	[tilespmem:$0x18000] =	vst v63  }
0x1f3: {  	_ =	swait.ge [sflag:s23], $0x10000  }
0x1f4: {  	[sflag:s23] =	ssyncset.done $0x0  }
0x1f5: {  	[sflag:s23] =	ssyncadd.s32 $0xFFFF0000  }
.LBB2_21:
0x1f6: {  	_ =	sfence.sel $0x180000  }
0x1f7: {  	[bflag:$0x0] =	sbarrier.arrive $0xFFFF  }
0x1f8: {  	_ =	strace $0x9000004A  }
0x1f9: {  	[bflag:$0x2] =	sbarrier.arrive $0xFFFF  }
0x1fa: {  	p0 =	sne.s32 s1, $0x0;
	s0 =	rddreg [dreg:$0x1]  }
0x1fb: {  	s0 =	sadd.s32 @!p0 $0x100000, s0  }
0x1fc: {  	[sflag:s0] =	ssyncadd.tile.s32 @!p0 $0x1;
	_ =	shalt  }
.Lfunc_end2:
_tile_overlayer_lowered:
.L_overlay_start_2:
0x1fd: {  	(tag) =	ssettag $0x2  }
0x1fe: {  	s0 =	rddreg [dreg:$0x0];
	s2 =	stileid.u32  }
0x1ff: {  	s1 =	rddreg [dreg:$0x1];
	p0 =	sne.s32 s2, $0x0  }
0x200: {  	s3 =	rddreg [dreg:$0x2];
	[bflag:$0x3] =	sbarrier.arrive $0xFFFF;
	s2 =	simm.s32 @!p0 $0x1C01  }
0x201: {  	[timem:s3], [sflag:s2] =	dma.local @!p0 [hbm:s0], s1  }
0x202: {  	s0 =	simm.s32 @!p0 $0x1  }
0x203: {  	_ =	swait.ge @!p0 [sflag:s0], s1  }
0x204: {  	s1 =	ssub.s32 @!p0 $0x0, s1;
	[sflag:s0] =	ssyncset.done @!p0 $0x0  }
0x205: {  	[sflag:s0] =	ssyncadd.s32 @!p0 s1  }
0x206: {  	[bflag:$0x3] =	sbarrier.arrive $0xFFFF  }
0x207: {  	_ =	shalt  }

</sc_bundles>
